<compile_context>
chip_gen: v7x
topology: tpu7x:2x2x1
jax: 0.10.2.dev20260603
libtpu: 0.0.44.dev20260713+nightly
codegen_flags: <defaults>
</compile_context>

<pallas_src>
import jax
import jax.numpy as jnp
from jax import lax
from jax.experimental import pallas as pl
from jax.experimental.pallas import tpu as pltpu
from jax.experimental.pallas import tpu_sc as plsc

_N = 10000
_E = 320000
_D = 128
_H2 = 256

_BLK = 1000
_NBLK = _N // _BLK

_NT = 16
_CH = 128
_EPT = 10240
_NCH = _EPT // _CH
_EPC = _NT * _EPT
_ACC = 10240
_DUMMY = _N
_NB = 2



def _agg_kernel(r_hbm, pk_hbm, out_hbm,
                pk_l, src0, dst0, src1, dst1, rows0, rows1,
                acc_sh, sem0, sem1):
    c = lax.axis_index("c")
    s = lax.axis_index("s")
    w = c * _NT + s

    z16 = jnp.zeros((16,), jnp.float32)

    def _zrow(i, carry):
        for q in range(_D // 16):
            rows0[i, pl.ds(q * 16, 16)] = z16
        return carry

    lax.fori_loop(0, _CH, _zrow, 0)
    for j in range(640 // _CH):
        pltpu.sync_copy(rows0, acc_sh.at[pl.ds(s * 640 + j * _CH, _CH)])

    pltpu.sync_copy(pk_hbm.at[pl.ds(w * _NCH, _NCH)], pk_l)
    plsc.subcore_barrier()

    def _unpack(j, src_v, dst_v):
        for q in range(_CH // 16):
            v = pk_l[j, pl.ds(q * 16, 16)]
            src_v[pl.ds(q * 16, 16)] = v >> 14
            dst_v[pl.ds(q * 16, 16)] = v & 16383

    _unpack(0, src0, dst0)
    pltpu.async_copy(r_hbm.at[src0], rows0, sem0)

    def _pair(p, carry):
        j = p * 2
        _unpack(j + 1, src1, dst1)
        pltpu.async_copy(r_hbm.at[src1], rows1, sem1)
        pltpu.make_async_copy(r_hbm.at[src0], rows0, sem0).wait()
        pltpu.sync_copy(rows0, acc_sh.at[dst0], add=True)

        @pl.when(j + 2 < _NCH)
        def _():
            _unpack(j + 2, src0, dst0)
            pltpu.async_copy(r_hbm.at[src0], rows0, sem0)

        pltpu.make_async_copy(r_hbm.at[src1], rows1, sem1).wait()
        pltpu.sync_copy(rows1, acc_sh.at[dst1], add=True)
        return carry

    lax.fori_loop(0, _NCH // 2, _pair, 0)
    plsc.subcore_barrier()

    pltpu.sync_copy(acc_sh.at[pl.ds(s * 640, 640)],
                    out_hbm.at[pl.ds(c * _ACC + s * 640, 640)])


def _aggregate(r, packed):
    mesh = plsc.VectorSubcoreMesh(core_axis_name="c", subcore_axis_name="s")
    return pl.kernel(
        _agg_kernel,
        out_type=jax.ShapeDtypeStruct((2 * _ACC, _D), jnp.float32),
        mesh=mesh,
        scratch_types=[
            pltpu.VMEM((_NCH, _CH), jnp.int32),
            pltpu.VMEM((_CH,), jnp.int32),
            pltpu.VMEM((_CH,), jnp.int32),
            pltpu.VMEM((_CH,), jnp.int32),
            pltpu.VMEM((_CH,), jnp.int32),
            pltpu.VMEM((_CH, _D), jnp.float32),
            pltpu.VMEM((_CH, _D), jnp.float32),
            pltpu.VMEM_SHARED((_ACC, _D), jnp.float32),
            pltpu.SemaphoreType.DMA,
            pltpu.SemaphoreType.DMA,
        ],
    )(r, packed)



def _lin_in_body(x_ref, w_ref, b_ref, h_ref, r_ref):
    h = jnp.dot(x_ref[...].astype(jnp.bfloat16), w_ref[...].astype(jnp.bfloat16),
                preferred_element_type=jnp.float32) + b_ref[...]
    h_ref[...] = h
    r_ref[...] = jnp.maximum(h, 0.0)


def _lin_in(x, w_in, b_in):
    return pl.pallas_call(
        _lin_in_body,
        grid=(_NBLK,),
        in_specs=[
            pl.BlockSpec((_BLK, _D), lambda i: (i, 0)),
            pl.BlockSpec((_D, _D), lambda i: (0, 0)),
            pl.BlockSpec((1, _D), lambda i: (0, 0)),
        ],
        out_specs=[
            pl.BlockSpec((_BLK, _D), lambda i: (i, 0)),
            pl.BlockSpec((_BLK, _D), lambda i: (i, 0)),
        ],
        out_shape=[
            jax.ShapeDtypeStruct((_N, _D), jnp.float32),
            jax.ShapeDtypeStruct((_N, _D), jnp.float32),
        ],
    )(x, w_in, b_in)


def _mlp1_body(eps_ref, h_ref, a_ref, w1_ref, b1_ref, z1_ref, sums_ref):
    i = pl.program_id(0)
    aggr = a_ref[0] + a_ref[1]
    z = (1.0 + eps_ref[0, 0]) * h_ref[...] + aggr
    z1 = jnp.dot(z.astype(jnp.bfloat16), w1_ref[...].astype(jnp.bfloat16),
                 preferred_element_type=jnp.float32) + b1_ref[...]
    z1_ref[...] = z1
    ps = jnp.sum(z1, axis=0, keepdims=True)

    @pl.when(i == 0)
    def _():
        sums_ref[...] = ps

    @pl.when(i > 0)
    def _():
        sums_ref[...] += ps


def _bnvar_body(sums_ref, z1_ref, sq_ref):
    i = pl.program_id(0)
    mean = sums_ref[...] * (1.0 / _N)
    d = z1_ref[...] - mean
    ps = jnp.sum(d * d, axis=0, keepdims=True)

    @pl.when(i == 0)
    def _():
        sq_ref[...] = ps

    @pl.when(i > 0)
    def _():
        sq_ref[...] += ps


def _bnvar(sums, z1):
    return pl.pallas_call(
        _bnvar_body,
        grid=(_NBLK,),
        in_specs=[
            pl.BlockSpec((1, _H2), lambda i: (0, 0)),
            pl.BlockSpec((_BLK, _H2), lambda i: (i, 0)),
        ],
        out_specs=pl.BlockSpec((1, _H2), lambda i: (0, 0)),
        out_shape=jax.ShapeDtypeStruct((1, _H2), jnp.float32),
    )(sums, z1)


def _mlp1(eps, h, aggr3, w1, b1):
    return pl.pallas_call(
        _mlp1_body,
        grid=(_NBLK,),
        in_specs=[
            pl.BlockSpec(memory_space=pltpu.SMEM),
            pl.BlockSpec((_BLK, _D), lambda i: (i, 0)),
            pl.BlockSpec((2, _BLK, _D), lambda i: (0, i, 0)),
            pl.BlockSpec((_D, _H2), lambda i: (0, 0)),
            pl.BlockSpec((1, _H2), lambda i: (0, 0)),
        ],
        out_specs=[
            pl.BlockSpec((_BLK, _H2), lambda i: (i, 0)),
            pl.BlockSpec((1, _H2), lambda i: (0, 0)),
        ],
        out_shape=[
            jax.ShapeDtypeStruct((_N, _H2), jnp.float32),
            jax.ShapeDtypeStruct((1, _H2), jnp.float32),
        ],
    )(eps, h, aggr3, w1, b1)


def _mlp2_body(sums_ref, sq_ref, z1_ref, h_ref, g1_ref, be1_ref, w2_ref,
               b2_ref, hn_ref, r_ref):
    mean = sums_ref[...] * (1.0 / _N)
    var = sq_ref[...] * (1.0 / _N)
    scale = g1_ref[...] * lax.rsqrt(var + 1e-5)
    zn = (z1_ref[...] - mean) * scale + be1_ref[...]
    act = jnp.maximum(zn, 0.0)
    z2 = jnp.dot(act.astype(jnp.bfloat16), w2_ref[...].astype(jnp.bfloat16),
                 preferred_element_type=jnp.float32) + b2_ref[...]
    hn = h_ref[...] + z2
    hn_ref[...] = hn
    r_ref[...] = jnp.maximum(hn, 0.0)


def _mlp2(sums, sq, z1, h, g1, be1, w2, b2):
    return pl.pallas_call(
        _mlp2_body,
        grid=(_NBLK,),
        in_specs=[
            pl.BlockSpec((1, _H2), lambda i: (0, 0)),
            pl.BlockSpec((1, _H2), lambda i: (0, 0)),
            pl.BlockSpec((_BLK, _H2), lambda i: (i, 0)),
            pl.BlockSpec((_BLK, _D), lambda i: (i, 0)),
            pl.BlockSpec((1, _H2), lambda i: (0, 0)),
            pl.BlockSpec((1, _H2), lambda i: (0, 0)),
            pl.BlockSpec((_H2, _D), lambda i: (0, 0)),
            pl.BlockSpec((1, _D), lambda i: (0, 0)),
        ],
        out_specs=[
            pl.BlockSpec((_BLK, _D), lambda i: (i, 0)),
            pl.BlockSpec((_BLK, _D), lambda i: (i, 0)),
        ],
        out_shape=[
            jax.ShapeDtypeStruct((_N, _D), jnp.float32),
            jax.ShapeDtypeStruct((_N, _D), jnp.float32),
        ],
    )(sums, sq, z1, h, g1, be1, w2, b2)


def _pool_body(h_ref, wo_ref, bo_ref, out_ref, acc_ref):
    i = pl.program_id(0)

    @pl.when(i == 0)
    def _():
        acc_ref[...] = jnp.zeros_like(acc_ref)

    acc_ref[...] += jnp.sum(h_ref[...], axis=0, keepdims=True)

    @pl.when(i == pl.num_programs(0) - 1)
    def _():
        out_ref[...] = (jnp.sum(acc_ref[...] * wo_ref[...], axis=1,
                                keepdims=True) + bo_ref[...])


def _pool(h, w_out, b_out):
    return pl.pallas_call(
        _pool_body,
        grid=(_NBLK,),
        in_specs=[
            pl.BlockSpec((_BLK, _D), lambda i: (i, 0)),
            pl.BlockSpec((1, _D), lambda i: (0, 0)),
            pl.BlockSpec((1, 1), lambda i: (0, 0)),
        ],
        out_specs=pl.BlockSpec((1, 1), lambda i: (0, 0)),
        out_shape=jax.ShapeDtypeStruct((1, 1), jnp.float32),
        scratch_shapes=[pltpu.VMEM((1, _D), jnp.float32)],
    )(h, w_out, b_out)



def kernel(x, edge_index, batch, params):
    src = edge_index[0]
    dst = edge_index[1]
    half = _E // 2
    tpad = _EPT - half // _NT
    zpad = jnp.zeros((_NT, tpad), jnp.int32)
    dpad = jnp.broadcast_to(
        _DUMMY + (jnp.arange(tpad, dtype=jnp.int32) % (_ACC - _N)),
        (_NT, tpad))

    def _lay(a, p):
        return jnp.concatenate(
            [a.reshape(_NT, half // _NT), p], axis=1).reshape(-1)

    src_p = jnp.concatenate([_lay(src[:half], zpad), _lay(src[half:], zpad)])
    dst_p = jnp.concatenate([_lay(dst[:half], dpad), _lay(dst[half:], dpad)])
    packed = ((src_p << 14) | dst_p).reshape(-1, _CH)

    h, r = _lin_in(x, params["W_in"], params["b_in"].reshape(1, _D))

    for lp in params["layers"]:
        aggr = _aggregate(r, packed)
        eps = lp["eps"].reshape(1, 1)
        z1, sums = _mlp1(eps, h, aggr.reshape(2, _ACC, _D),
                         lp["W1"], lp["b1"].reshape(1, _H2))
        sq = _bnvar(sums, z1)
        h, r = _mlp2(sums, sq, z1, h,
                     lp["g1"].reshape(1, _H2), lp["be1"].reshape(1, _H2),
                     lp["W2"], lp["b2"].reshape(1, _D))

    out = _pool(h, params["W_out"].reshape(1, _D),
                params["b_out"].reshape(1, 1))
    return out.reshape(-1)

# --- scband reference (transcript-rebuilt; emitter-appended) ---
"""Pipeline reference for scband-ginmodel-67748814127260 (READ-ONLY COPY).

The authoritative reference and input builder live on the scoring server;
editing this copy changes nothing except your own understanding.
"""

import jax, jax.numpy as jnp
import numpy as np

N = 10000
E = 320000
D_IN = 128
H = 128
OUT = 1
NUM_LAYERS = 3


def setup_inputs(seed: int = 0) -> dict:
    key = jax.random.key(seed)
    ks = jax.random.split(key, 4 + 4 * NUM_LAYERS)
    x = jax.random.normal(ks[0], (N, D_IN), dtype=jnp.float32)
    edge_index = jax.random.randint(ks[1], (2, E), 0, N, dtype=jnp.int32)
    batch = jnp.zeros((N,), dtype=jnp.int32)
    params = {
        "W_in": jax.random.normal(ks[2], (D_IN, H), dtype=jnp.float32) * 0.05,
        "b_in": jnp.zeros((H,), dtype=jnp.float32),
        "W_out": jax.random.normal(ks[3], (H, OUT), dtype=jnp.float32) * 0.05,
        "b_out": jnp.zeros((OUT,), dtype=jnp.float32),
        "layers": [],
    }
    for l in range(NUM_LAYERS):
        k1 = ks[4 + 4 * l]
        k2 = ks[4 + 4 * l + 1]
        params["layers"].append({
            "eps": jnp.zeros((), dtype=jnp.float32),
            "W1": jax.random.normal(k1, (H, 2 * H), dtype=jnp.float32) * 0.05,
            "b1": jnp.zeros((2 * H,), dtype=jnp.float32),
            "g1": jnp.ones((2 * H,), dtype=jnp.float32),
            "be1": jnp.zeros((2 * H,), dtype=jnp.float32),
            "W2": jax.random.normal(k2, (2 * H, H), dtype=jnp.float32) * 0.05,
            "b2": jnp.zeros((H,), dtype=jnp.float32),
        })
    return {"x": x, "edge_index": edge_index, "batch": batch, "params": params}


def _forward(x, params, edge_index, batch):
    # lin_in
    h = x @ params["W_in"] + params["b_in"]
    src = edge_index[0]
    dst = edge_index[1]
    for lp in params["layers"]:
        # MyGINConv: propagate = scatter-add of relu(x_j) to dst nodes
        msg = jax.nn.relu(jnp.take(h, src, axis=0))
        aggr = jax.ops.segment_sum(msg, dst, num_segments=N)
        z = (1.0 + lp["eps"]) * h + aggr
        # MLP: Linear -> BatchNorm1d (training-mode batch stats) -> ReLU -> Linear
        z1 = z @ lp["W1"] + lp["b1"]
        mean = jnp.mean(z1, axis=0)
        var = jnp.var(z1, axis=0)
        z1 = lp["g1"] * (z1 - mean) * jax.lax.rsqrt(var + 1e-5) + lp["be1"]
        z1 = jax.nn.relu(z1)
        z2 = z1 @ lp["W2"] + lp["b2"]
        # residual; dropout p=0.0 is identity
        h = h + z2
    # global_add_pool over batch assignment (single graph here)
    pooled = jax.ops.segment_sum(h, batch, num_segments=1)
    out = pooled @ params["W_out"] + params["b_out"]
    return out.reshape(-1)


def reference(x, edge_index, batch, params):
    return _forward(x, params, edge_index, batch)

if __name__ == "__main__":
    import jax
    _d = setup_inputs()
    print(jax.jit(kernel)(*tuple(_d.values())))

</pallas_src>

<mosaic_0001>
#map = affine_map<(d0, d1) -> (0, 0)>
module attributes {stable_mosaic.version = 14 : i64} {
  func.func @_agg_kernel(%arg0: i32, %arg1: i32, %arg2: memref<10000x128xf32, #tpu.memory_space<hbm>>, %arg3: memref<2560x128xi32, #tpu.memory_space<hbm>>, %arg4: memref<20480x128xf32, #tpu.memory_space<hbm>>, %arg5: memref<80x128xi32, #tpu.memory_space<vmem>>, %arg6: memref<128xi32, #tpu.memory_space<vmem>>, %arg7: memref<128xi32, #tpu.memory_space<vmem>>, %arg8: memref<128xi32, #tpu.memory_space<vmem>>, %arg9: memref<128xi32, #tpu.memory_space<vmem>>, %arg10: memref<128x128xf32, #tpu.memory_space<vmem>>, %arg11: memref<128x128xf32, #tpu.memory_space<vmem>>, %arg12: memref<10240x128xf32, #tpu.memory_space<vmem_shared>>, %arg13: memref<!tpu.dma_semaphore, #tpu.memory_space<semaphore_mem>>, %arg14: memref<!tpu.dma_semaphore, #tpu.memory_space<semaphore_mem>>) attributes {dimension_semantics = [#tpu.dimension_semantics<core_parallel>, #tpu.dimension_semantics<subcore_parallel>], iteration_bounds = array<i64: 2, 16>, scalar_prefetch = 0 : i64, scratch_operands = 10 : i64, tpu.core_type = #tpu.core_type<sc_vector_subcore>, window_params = [{transform_indices = #map}, {transform_indices = #map}, {transform_indices = #map}]} {
    %mul3A = arith.constant 16 : i32
    %mul3A_0 = arith.muli %arg0, %mul3A : i32
    %add3A = arith.addi %mul3A_0, %arg1 : i32
    %broadcast_in_dim3A = arith.constant 0.000000e+00 : f32
    %broadcast_in_dim3A_1 = vector.broadcast %broadcast_in_dim3A : f32 to vector<16xf32>
    %scan3A = arith.constant 0 : i32
    %scan3A_2 = arith.constant 0 : i32
    %scan3A_3 = arith.constant 128 : i32
    %scan3A_4 = arith.addi %scan3A_2, %scan3A_3 : i32
    %scan3A_5 = arith.constant 1 : i32
    scf.for %scan3A_193 = %scan3A_2 to %scan3A_4 step %scan3A_5  : i32 {
      %swap3A_194 = arith.index_cast %scan3A_193 : i32 to index
      %swap3A_195 = arith.constant 0 : index
      %swap3A_196 = tpu.vector_load %arg10[%swap3A_194, %swap3A_195] {strides = array<i32>} : memref<128x128xf32, #tpu.memory_space<vmem>>, vector<1x16xf32>,
      %swap3A_197 = vector.shape_cast %swap3A_196 : vector<1x16xf32> to vector<16xf32>
      %swap3A_198 = vector.shape_cast %broadcast_in_dim3A_1 : vector<16xf32> to vector<1x16xf32>
      tpu.vector_store %arg10[%swap3A_194, %swap3A_195], %swap3A_198 {strides = array<i32>} : memref<128x128xf32, #tpu.memory_space<vmem>>, vector<1x16xf32>,
      %swap3A_199 = arith.index_cast %scan3A_193 : i32 to index
      %swap3A_200 = arith.constant 16 : index
      %swap3A_201 = tpu.vector_load %arg10[%swap3A_199, %swap3A_200] {strides = array<i32>} : memref<128x128xf32, #tpu.memory_space<vmem>>, vector<1x16xf32>,
      %swap3A_202 = vector.shape_cast %swap3A_201 : vector<1x16xf32> to vector<16xf32>
      %swap3A_203 = vector.shape_cast %broadcast_in_dim3A_1 : vector<16xf32> to vector<1x16xf32>
      tpu.vector_store %arg10[%swap3A_199, %swap3A_200], %swap3A_203 {strides = array<i32>} : memref<128x128xf32, #tpu.memory_space<vmem>>, vector<1x16xf32>,
      %swap3A_204 = arith.index_cast %scan3A_193 : i32 to index
      %swap3A_205 = arith.constant 32 : index
      %swap3A_206 = tpu.vector_load %arg10[%swap3A_204, %swap3A_205] {strides = array<i32>} : memref<128x128xf32, #tpu.memory_space<vmem>>, vector<1x16xf32>,
      %swap3A_207 = vector.shape_cast %swap3A_206 : vector<1x16xf32> to vector<16xf32>
      %swap3A_208 = vector.shape_cast %broadcast_in_dim3A_1 : vector<16xf32> to vector<1x16xf32>
      tpu.vector_store %arg10[%swap3A_204, %swap3A_205], %swap3A_208 {strides = array<i32>} : memref<128x128xf32, #tpu.memory_space<vmem>>, vector<1x16xf32>,
      %swap3A_209 = arith.index_cast %scan3A_193 : i32 to index
      %swap3A_210 = arith.constant 48 : index
      %swap3A_211 = tpu.vector_load %arg10[%swap3A_209, %swap3A_210] {strides = array<i32>} : memref<128x128xf32, #tpu.memory_space<vmem>>, vector<1x16xf32>,
      %swap3A_212 = vector.shape_cast %swap3A_211 : vector<1x16xf32> to vector<16xf32>
      %swap3A_213 = vector.shape_cast %broadcast_in_dim3A_1 : vector<16xf32> to vector<1x16xf32>
      tpu.vector_store %arg10[%swap3A_209, %swap3A_210], %swap3A_213 {strides = array<i32>} : memref<128x128xf32, #tpu.memory_space<vmem>>, vector<1x16xf32>,
      %swap3A_214 = arith.index_cast %scan3A_193 : i32 to index
      %swap3A_215 = arith.constant 64 : index
      %swap3A_216 = tpu.vector_load %arg10[%swap3A_214, %swap3A_215] {strides = array<i32>} : memref<128x128xf32, #tpu.memory_space<vmem>>, vector<1x16xf32>,
      %swap3A_217 = vector.shape_cast %swap3A_216 : vector<1x16xf32> to vector<16xf32>
      %swap3A_218 = vector.shape_cast %broadcast_in_dim3A_1 : vector<16xf32> to vector<1x16xf32>
      tpu.vector_store %arg10[%swap3A_214, %swap3A_215], %swap3A_218 {strides = array<i32>} : memref<128x128xf32, #tpu.memory_space<vmem>>, vector<1x16xf32>,
      %swap3A_219 = arith.index_cast %scan3A_193 : i32 to index
      %swap3A_220 = arith.constant 80 : index
      %swap3A_221 = tpu.vector_load %arg10[%swap3A_219, %swap3A_220] {strides = array<i32>} : memref<128x128xf32, #tpu.memory_space<vmem>>, vector<1x16xf32>,
      %swap3A_222 = vector.shape_cast %swap3A_221 : vector<1x16xf32> to vector<16xf32>
      %swap3A_223 = vector.shape_cast %broadcast_in_dim3A_1 : vector<16xf32> to vector<1x16xf32>
      tpu.vector_store %arg10[%swap3A_219, %swap3A_220], %swap3A_223 {strides = array<i32>} : memref<128x128xf32, #tpu.memory_space<vmem>>, vector<1x16xf32>,
      %swap3A_224 = arith.index_cast %scan3A_193 : i32 to index
      %swap3A_225 = arith.constant 96 : index
      %swap3A_226 = tpu.vector_load %arg10[%swap3A_224, %swap3A_225] {strides = array<i32>} : memref<128x128xf32, #tpu.memory_space<vmem>>, vector<1x16xf32>,
      %swap3A_227 = vector.shape_cast %swap3A_226 : vector<1x16xf32> to vector<16xf32>
      %swap3A_228 = vector.shape_cast %broadcast_in_dim3A_1 : vector<16xf32> to vector<1x16xf32>
      tpu.vector_store %arg10[%swap3A_224, %swap3A_225], %swap3A_228 {strides = array<i32>} : memref<128x128xf32, #tpu.memory_space<vmem>>, vector<1x16xf32>,
      %swap3A_229 = arith.index_cast %scan3A_193 : i32 to index
      %swap3A_230 = arith.constant 112 : index
      %swap3A_231 = tpu.vector_load %arg10[%swap3A_229, %swap3A_230] {strides = array<i32>} : memref<128x128xf32, #tpu.memory_space<vmem>>, vector<1x16xf32>,
      %swap3A_232 = vector.shape_cast %swap3A_231 : vector<1x16xf32> to vector<16xf32>
      %swap3A_233 = vector.shape_cast %broadcast_in_dim3A_1 : vector<16xf32> to vector<1x16xf32>
      tpu.vector_store %arg10[%swap3A_229, %swap3A_230], %swap3A_233 {strides = array<i32>} : memref<128x128xf32, #tpu.memory_space<vmem>>, vector<1x16xf32>,
    }
    %scan3A_6 = arith.constant 128 : i32
    %mul3A_7 = arith.constant 640 : i32
    %mul3A_8 = arith.muli %arg1, %mul3A_7 : i32
    %add3A_9 = arith.constant 0 : i32
    %add3A_10 = arith.addi %mul3A_8, %add3A_9 : i32
    "tpu.region"() ({
      %run_scoped3A = tpu.sem_alloc : memref<!tpu.dma_semaphore, #tpu.memory_space<semaphore_mem>>
      %dma_start3A_193 = arith.constant 0 : i32
      %dma_start3A_194 = tpu.memref_slice %arg12[%add3A_10, %dma_start3A_193] : memref<10240x128xf32, #tpu.memory_space<vmem_shared>> -> memref<128x128xf32, #tpu.memory_space<vmem_shared>>
      %dma_start3A_195 = arith.constant 0 : i32
      %dma_start3A_196 = tpu.memref_slice %arg12[%add3A_10, %dma_start3A_195] : memref<10240x128xf32, #tpu.memory_space<vmem_shared>> -> memref<128x128xf32, #tpu.memory_space<vmem_shared>>
      tpu.enqueue_dma source(%arg10 : memref<128x128xf32, #tpu.memory_space<vmem>>) target(%dma_start3A_196 : memref<128x128xf32, #tpu.memory_space<vmem_shared>>) target_semaphore(%run_scoped3A : memref<!tpu.dma_semaphore, #tpu.memory_space<semaphore_mem>>)
      %dma_wait3A = arith.constant 0 : i32
      %dma_wait3A_197 = tpu.memref_slice %arg12[%add3A_10, %dma_wait3A] : memref<10240x128xf32, #tpu.memory_space<vmem_shared>> -> memref<128x128xf32, #tpu.memory_space<vmem_shared>>
      %dma_wait3A_198 = arith.constant 0 : i32
      %dma_wait3A_199 = tpu.memref_slice %arg12[%add3A_10, %dma_wait3A_198] : memref<10240x128xf32, #tpu.memory_space<vmem_shared>> -> memref<128x128xf32, #tpu.memory_space<vmem_shared>>
      tpu.wait_dma2 semaphore(%run_scoped3A : memref<!tpu.dma_semaphore, #tpu.memory_space<semaphore_mem>>) src(%arg10 : memref<128x128xf32, #tpu.memory_space<vmem>>) dst(%dma_wait3A_199 : memref<128x128xf32, #tpu.memory_space<vmem_shared>>)
      tpu.yield
    }) : () -> ()
    %mul3A_11 = arith.constant 640 : i32
    %mul3A_12 = arith.muli %arg1, %mul3A_11 : i32
    %add3A_13 = arith.constant 128 : i32
    %add3A_14 = arith.addi %mul3A_12, %add3A_13 : i32
    "tpu.region"() ({
      %run_scoped3A = tpu.sem_alloc : memref<!tpu.dma_semaphore, #tpu.memory_space<semaphore_mem>>
      %dma_start3A_193 = arith.constant 0 : i32
      %dma_start3A_194 = tpu.memref_slice %arg12[%add3A_14, %dma_start3A_193] : memref<10240x128xf32, #tpu.memory_space<vmem_shared>> -> memref<128x128xf32, #tpu.memory_space<vmem_shared>>
      %dma_start3A_195 = arith.constant 0 : i32
      %dma_start3A_196 = tpu.memref_slice %arg12[%add3A_14, %dma_start3A_195] : memref<10240x128xf32, #tpu.memory_space<vmem_shared>> -> memref<128x128xf32, #tpu.memory_space<vmem_shared>>
      tpu.enqueue_dma source(%arg10 : memref<128x128xf32, #tpu.memory_space<vmem>>) target(%dma_start3A_196 : memref<128x128xf32, #tpu.memory_space<vmem_shared>>) target_semaphore(%run_scoped3A : memref<!tpu.dma_semaphore, #tpu.memory_space<semaphore_mem>>)
      %dma_wait3A = arith.constant 0 : i32
      %dma_wait3A_197 = tpu.memref_slice %arg12[%add3A_14, %dma_wait3A] : memref<10240x128xf32, #tpu.memory_space<vmem_shared>> -> memref<128x128xf32, #tpu.memory_space<vmem_shared>>
      %dma_wait3A_198 = arith.constant 0 : i32
      %dma_wait3A_199 = tpu.memref_slice %arg12[%add3A_14, %dma_wait3A_198] : memref<10240x128xf32, #tpu.memory_space<vmem_shared>> -> memref<128x128xf32, #tpu.memory_space<vmem_shared>>
      tpu.wait_dma2 semaphore(%run_scoped3A : memref<!tpu.dma_semaphore, #tpu.memory_space<semaphore_mem>>) src(%arg10 : memref<128x128xf32, #tpu.memory_space<vmem>>) dst(%dma_wait3A_199 : memref<128x128xf32, #tpu.memory_space<vmem_shared>>)
      tpu.yield
    }) : () -> ()
    %mul3A_15 = arith.constant 640 : i32
    %mul3A_16 = arith.muli %arg1, %mul3A_15 : i32
    %add3A_17 = arith.constant 256 : i32
    %add3A_18 = arith.addi %mul3A_16, %add3A_17 : i32
    "tpu.region"() ({
      %run_scoped3A = tpu.sem_alloc : memref<!tpu.dma_semaphore, #tpu.memory_space<semaphore_mem>>
      %dma_start3A_193 = arith.constant 0 : i32
      %dma_start3A_194 = tpu.memref_slice %arg12[%add3A_18, %dma_start3A_193] : memref<10240x128xf32, #tpu.memory_space<vmem_shared>> -> memref<128x128xf32, #tpu.memory_space<vmem_shared>>
      %dma_start3A_195 = arith.constant 0 : i32
      %dma_start3A_196 = tpu.memref_slice %arg12[%add3A_18, %dma_start3A_195] : memref<10240x128xf32, #tpu.memory_space<vmem_shared>> -> memref<128x128xf32, #tpu.memory_space<vmem_shared>>
      tpu.enqueue_dma source(%arg10 : memref<128x128xf32, #tpu.memory_space<vmem>>) target(%dma_start3A_196 : memref<128x128xf32, #tpu.memory_space<vmem_shared>>) target_semaphore(%run_scoped3A : memref<!tpu.dma_semaphore, #tpu.memory_space<semaphore_mem>>)
      %dma_wait3A = arith.constant 0 : i32
      %dma_wait3A_197 = tpu.memref_slice %arg12[%add3A_18, %dma_wait3A] : memref<10240x128xf32, #tpu.memory_space<vmem_shared>> -> memref<128x128xf32, #tpu.memory_space<vmem_shared>>
      %dma_wait3A_198 = arith.constant 0 : i32
      %dma_wait3A_199 = tpu.memref_slice %arg12[%add3A_18, %dma_wait3A_198] : memref<10240x128xf32, #tpu.memory_space<vmem_shared>> -> memref<128x128xf32, #tpu.memory_space<vmem_shared>>
      tpu.wait_dma2 semaphore(%run_scoped3A : memref<!tpu.dma_semaphore, #tpu.memory_space<semaphore_mem>>) src(%arg10 : memref<128x128xf32, #tpu.memory_space<vmem>>) dst(%dma_wait3A_199 : memref<128x128xf32, #tpu.memory_space<vmem_shared>>)
      tpu.yield
    }) : () -> ()
    %mul3A_19 = arith.constant 640 : i32
    %mul3A_20 = arith.muli %arg1, %mul3A_19 : i32
    %add3A_21 = arith.constant 384 : i32
    %add3A_22 = arith.addi %mul3A_20, %add3A_21 : i32
    "tpu.region"() ({
      %run_scoped3A = tpu.sem_alloc : memref<!tpu.dma_semaphore, #tpu.memory_space<semaphore_mem>>
      %dma_start3A_193 = arith.constant 0 : i32
      %dma_start3A_194 = tpu.memref_slice %arg12[%add3A_22, %dma_start3A_193] : memref<10240x128xf32, #tpu.memory_space<vmem_shared>> -> memref<128x128xf32, #tpu.memory_space<vmem_shared>>
      %dma_start3A_195 = arith.constant 0 : i32
      %dma_start3A_196 = tpu.memref_slice %arg12[%add3A_22, %dma_start3A_195] : memref<10240x128xf32, #tpu.memory_space<vmem_shared>> -> memref<128x128xf32, #tpu.memory_space<vmem_shared>>
      tpu.enqueue_dma source(%arg10 : memref<128x128xf32, #tpu.memory_space<vmem>>) target(%dma_start3A_196 : memref<128x128xf32, #tpu.memory_space<vmem_shared>>) target_semaphore(%run_scoped3A : memref<!tpu.dma_semaphore, #tpu.memory_space<semaphore_mem>>)
      %dma_wait3A = arith.constant 0 : i32
      %dma_wait3A_197 = tpu.memref_slice %arg12[%add3A_22, %dma_wait3A] : memref<10240x128xf32, #tpu.memory_space<vmem_shared>> -> memref<128x128xf32, #tpu.memory_space<vmem_shared>>
      %dma_wait3A_198 = arith.constant 0 : i32
      %dma_wait3A_199 = tpu.memref_slice %arg12[%add3A_22, %dma_wait3A_198] : memref<10240x128xf32, #tpu.memory_space<vmem_shared>> -> memref<128x128xf32, #tpu.memory_space<vmem_shared>>
      tpu.wait_dma2 semaphore(%run_scoped3A : memref<!tpu.dma_semaphore, #tpu.memory_space<semaphore_mem>>) src(%arg10 : memref<128x128xf32, #tpu.memory_space<vmem>>) dst(%dma_wait3A_199 : memref<128x128xf32, #tpu.memory_space<vmem_shared>>)
      tpu.yield
    }) : () -> ()
    %mul3A_23 = arith.constant 640 : i32
    %mul3A_24 = arith.muli %arg1, %mul3A_23 : i32
    %add3A_25 = arith.constant 512 : i32
    %add3A_26 = arith.addi %mul3A_24, %add3A_25 : i32
    "tpu.region"() ({
      %run_scoped3A = tpu.sem_alloc : memref<!tpu.dma_semaphore, #tpu.memory_space<semaphore_mem>>
      %dma_start3A_193 = arith.constant 0 : i32
      %dma_start3A_194 = tpu.memref_slice %arg12[%add3A_26, %dma_start3A_193] : memref<10240x128xf32, #tpu.memory_space<vmem_shared>> -> memref<128x128xf32, #tpu.memory_space<vmem_shared>>
      %dma_start3A_195 = arith.constant 0 : i32
      %dma_start3A_196 = tpu.memref_slice %arg12[%add3A_26, %dma_start3A_195] : memref<10240x128xf32, #tpu.memory_space<vmem_shared>> -> memref<128x128xf32, #tpu.memory_space<vmem_shared>>
      tpu.enqueue_dma source(%arg10 : memref<128x128xf32, #tpu.memory_space<vmem>>) target(%dma_start3A_196 : memref<128x128xf32, #tpu.memory_space<vmem_shared>>) target_semaphore(%run_scoped3A : memref<!tpu.dma_semaphore, #tpu.memory_space<semaphore_mem>>)
      %dma_wait3A = arith.constant 0 : i32
      %dma_wait3A_197 = tpu.memref_slice %arg12[%add3A_26, %dma_wait3A] : memref<10240x128xf32, #tpu.memory_space<vmem_shared>> -> memref<128x128xf32, #tpu.memory_space<vmem_shared>>
      %dma_wait3A_198 = arith.constant 0 : i32
      %dma_wait3A_199 = tpu.memref_slice %arg12[%add3A_26, %dma_wait3A_198] : memref<10240x128xf32, #tpu.memory_space<vmem_shared>> -> memref<128x128xf32, #tpu.memory_space<vmem_shared>>
      tpu.wait_dma2 semaphore(%run_scoped3A : memref<!tpu.dma_semaphore, #tpu.memory_space<semaphore_mem>>) src(%arg10 : memref<128x128xf32, #tpu.memory_space<vmem>>) dst(%dma_wait3A_199 : memref<128x128xf32, #tpu.memory_space<vmem_shared>>)
      tpu.yield
    }) : () -> ()
    %mul3A_27 = arith.constant 80 : i32
    %mul3A_28 = arith.muli %add3A, %mul3A_27 : i32
    "tpu.region"() ({
      %run_scoped3A = tpu.sem_alloc : memref<!tpu.dma_semaphore, #tpu.memory_space<semaphore_mem>>
      %dma_start3A_193 = arith.constant 0 : i32
      %dma_start3A_194 = tpu.memref_slice %arg3[%mul3A_28, %dma_start3A_193] : memref<2560x128xi32, #tpu.memory_space<hbm>> -> memref<80x128xi32, #tpu.memory_space<hbm>>
      %dma_start3A_195 = arith.constant 0 : i32
      %dma_start3A_196 = tpu.memref_slice %arg3[%mul3A_28, %dma_start3A_195] : memref<2560x128xi32, #tpu.memory_space<hbm>> -> memref<80x128xi32, #tpu.memory_space<hbm>>
      tpu.enqueue_dma source(%dma_start3A_196 : memref<80x128xi32, #tpu.memory_space<hbm>>) target(%arg5 : memref<80x128xi32, #tpu.memory_space<vmem>>) target_semaphore(%run_scoped3A : memref<!tpu.dma_semaphore, #tpu.memory_space<semaphore_mem>>)
      %dma_wait3A = arith.constant 0 : i32
      %dma_wait3A_197 = tpu.memref_slice %arg3[%mul3A_28, %dma_wait3A] : memref<2560x128xi32, #tpu.memory_space<hbm>> -> memref<80x128xi32, #tpu.memory_space<hbm>>
      %dma_wait3A_198 = arith.constant 0 : i32
      %dma_wait3A_199 = tpu.memref_slice %arg3[%mul3A_28, %dma_wait3A_198] : memref<2560x128xi32, #tpu.memory_space<hbm>> -> memref<80x128xi32, #tpu.memory_space<hbm>>
      tpu.wait_dma2 semaphore(%run_scoped3A : memref<!tpu.dma_semaphore, #tpu.memory_space<semaphore_mem>>) src(%dma_wait3A_199 : memref<80x128xi32, #tpu.memory_space<hbm>>) dst(%arg5 : memref<80x128xi32, #tpu.memory_space<vmem>>)
      tpu.yield
    }) : () -> ()
    %barrier3A = arith.constant 0 : index
    tpu.barrier barrier_id(%barrier3A)
    %get3A = arith.constant 0 : i32
    %get3A_29 = arith.index_cast %get3A : i32 to index
    %get3A_30 = arith.constant 0 : index
    %get3A_31 = tpu.vector_load %arg5[%get3A_29, %get3A_30] {strides = array<i32>} : memref<80x128xi32, #tpu.memory_space<vmem>>, vector<1x16xi32>,
    %get3A_32 = vector.shape_cast %get3A_31 : vector<1x16xi32> to vector<16xi32>
    %shift_right_arithmetic3A = arith.constant 14 : i32
    %shift_right_arithmetic3A_33 = vector.broadcast %shift_right_arithmetic3A : i32 to vector<16xi32>
    %shift_right_arithmetic3A_34 = arith.shrsi %get3A_32, %shift_right_arithmetic3A_33 : vector<16xi32>
    %swap3A = arith.constant 0 : index
    %swap3A_35 = tpu.vector_load %arg6[%swap3A] {strides = array<i32>} : memref<128xi32, #tpu.memory_space<vmem>>, vector<16xi32>,
    %swap3A_36 = vector.shape_cast %swap3A_35 : vector<16xi32> to vector<16xi32>
    %swap3A_37 = vector.shape_cast %shift_right_arithmetic3A_34 : vector<16xi32> to vector<16xi32>
    tpu.vector_store %arg6[%swap3A], %swap3A_37 {strides = array<i32>} : memref<128xi32, #tpu.memory_space<vmem>>, vector<16xi32>,
    %and3A = arith.constant 16383 : i32
    %and3A_38 = vector.broadcast %and3A : i32 to vector<16xi32>
    %and3A_39 = arith.andi %get3A_32, %and3A_38 : vector<16xi32>
    %swap3A_40 = arith.constant 0 : index
    %swap3A_41 = tpu.vector_load %arg7[%swap3A_40] {strides = array<i32>} : memref<128xi32, #tpu.memory_space<vmem>>, vector<16xi32>,
    %swap3A_42 = vector.shape_cast %swap3A_41 : vector<16xi32> to vector<16xi32>
    %swap3A_43 = vector.shape_cast %and3A_39 : vector<16xi32> to vector<16xi32>
    tpu.vector_store %arg7[%swap3A_40], %swap3A_43 {strides = array<i32>} : memref<128xi32, #tpu.memory_space<vmem>>, vector<16xi32>,
    %get3A_44 = arith.constant 0 : i32
    %get3A_45 = arith.index_cast %get3A_44 : i32 to index
    %get3A_46 = arith.constant 16 : index
    %get3A_47 = tpu.vector_load %arg5[%get3A_45, %get3A_46] {strides = array<i32>} : memref<80x128xi32, #tpu.memory_space<vmem>>, vector<1x16xi32>,
    %get3A_48 = vector.shape_cast %get3A_47 : vector<1x16xi32> to vector<16xi32>
    %shift_right_arithmetic3A_49 = arith.constant 14 : i32
    %shift_right_arithmetic3A_50 = vector.broadcast %shift_right_arithmetic3A_49 : i32 to vector<16xi32>
    %shift_right_arithmetic3A_51 = arith.shrsi %get3A_48, %shift_right_arithmetic3A_50 : vector<16xi32>
    %swap3A_52 = arith.constant 16 : index
    %swap3A_53 = tpu.vector_load %arg6[%swap3A_52] {strides = array<i32>} : memref<128xi32, #tpu.memory_space<vmem>>, vector<16xi32>,
    %swap3A_54 = vector.shape_cast %swap3A_53 : vector<16xi32> to vector<16xi32>
    %swap3A_55 = vector.shape_cast %shift_right_arithmetic3A_51 : vector<16xi32> to vector<16xi32>
    tpu.vector_store %arg6[%swap3A_52], %swap3A_55 {strides = array<i32>} : memref<128xi32, #tpu.memory_space<vmem>>, vector<16xi32>,
    %and3A_56 = arith.constant 16383 : i32
    %and3A_57 = vector.broadcast %and3A_56 : i32 to vector<16xi32>
    %and3A_58 = arith.andi %get3A_48, %and3A_57 : vector<16xi32>
    %swap3A_59 = arith.constant 16 : index
    %swap3A_60 = tpu.vector_load %arg7[%swap3A_59] {strides = array<i32>} : memref<128xi32, #tpu.memory_space<vmem>>, vector<16xi32>,
    %swap3A_61 = vector.shape_cast %swap3A_60 : vector<16xi32> to vector<16xi32>
    %swap3A_62 = vector.shape_cast %and3A_58 : vector<16xi32> to vector<16xi32>
    tpu.vector_store %arg7[%swap3A_59], %swap3A_62 {strides = array<i32>} : memref<128xi32, #tpu.memory_space<vmem>>, vector<16xi32>,
    %get3A_63 = arith.constant 0 : i32
    %get3A_64 = arith.index_cast %get3A_63 : i32 to index
    %get3A_65 = arith.constant 32 : index
    %get3A_66 = tpu.vector_load %arg5[%get3A_64, %get3A_65] {strides = array<i32>} : memref<80x128xi32, #tpu.memory_space<vmem>>, vector<1x16xi32>,
    %get3A_67 = vector.shape_cast %get3A_66 : vector<1x16xi32> to vector<16xi32>
    %shift_right_arithmetic3A_68 = arith.constant 14 : i32
    %shift_right_arithmetic3A_69 = vector.broadcast %shift_right_arithmetic3A_68 : i32 to vector<16xi32>
    %shift_right_arithmetic3A_70 = arith.shrsi %get3A_67, %shift_right_arithmetic3A_69 : vector<16xi32>
    %swap3A_71 = arith.constant 32 : index
    %swap3A_72 = tpu.vector_load %arg6[%swap3A_71] {strides = array<i32>} : memref<128xi32, #tpu.memory_space<vmem>>, vector<16xi32>,
    %swap3A_73 = vector.shape_cast %swap3A_72 : vector<16xi32> to vector<16xi32>
    %swap3A_74 = vector.shape_cast %shift_right_arithmetic3A_70 : vector<16xi32> to vector<16xi32>
    tpu.vector_store %arg6[%swap3A_71], %swap3A_74 {strides = array<i32>} : memref<128xi32, #tpu.memory_space<vmem>>, vector<16xi32>,
    %and3A_75 = arith.constant 16383 : i32
    %and3A_76 = vector.broadcast %and3A_75 : i32 to vector<16xi32>
    %and3A_77 = arith.andi %get3A_67, %and3A_76 : vector<16xi32>
    %swap3A_78 = arith.constant 32 : index
    %swap3A_79 = tpu.vector_load %arg7[%swap3A_78] {strides = array<i32>} : memref<128xi32, #tpu.memory_space<vmem>>, vector<16xi32>,
    %swap3A_80 = vector.shape_cast %swap3A_79 : vector<16xi32> to vector<16xi32>
    %swap3A_81 = vector.shape_cast %and3A_77 : vector<16xi32> to vector<16xi32>
    tpu.vector_store %arg7[%swap3A_78], %swap3A_81 {strides = array<i32>} : memref<128xi32, #tpu.memory_space<vmem>>, vector<16xi32>,
    %get3A_82 = arith.constant 0 : i32
    %get3A_83 = arith.index_cast %get3A_82 : i32 to index
    %get3A_84 = arith.constant 48 : index
    %get3A_85 = tpu.vector_load %arg5[%get3A_83, %get3A_84] {strides = array<i32>} : memref<80x128xi32, #tpu.memory_space<vmem>>, vector<1x16xi32>,
    %get3A_86 = vector.shape_cast %get3A_85 : vector<1x16xi32> to vector<16xi32>
    %shift_right_arithmetic3A_87 = arith.constant 14 : i32
    %shift_right_arithmetic3A_88 = vector.broadcast %shift_right_arithmetic3A_87 : i32 to vector<16xi32>
    %shift_right_arithmetic3A_89 = arith.shrsi %get3A_86, %shift_right_arithmetic3A_88 : vector<16xi32>
    %swap3A_90 = arith.constant 48 : index
    %swap3A_91 = tpu.vector_load %arg6[%swap3A_90] {strides = array<i32>} : memref<128xi32, #tpu.memory_space<vmem>>, vector<16xi32>,
    %swap3A_92 = vector.shape_cast %swap3A_91 : vector<16xi32> to vector<16xi32>
    %swap3A_93 = vector.shape_cast %shift_right_arithmetic3A_89 : vector<16xi32> to vector<16xi32>
    tpu.vector_store %arg6[%swap3A_90], %swap3A_93 {strides = array<i32>} : memref<128xi32, #tpu.memory_space<vmem>>, vector<16xi32>,
    %and3A_94 = arith.constant 16383 : i32
    %and3A_95 = vector.broadcast %and3A_94 : i32 to vector<16xi32>
    %and3A_96 = arith.andi %get3A_86, %and3A_95 : vector<16xi32>
    %swap3A_97 = arith.constant 48 : index
    %swap3A_98 = tpu.vector_load %arg7[%swap3A_97] {strides = array<i32>} : memref<128xi32, #tpu.memory_space<vmem>>, vector<16xi32>,
    %swap3A_99 = vector.shape_cast %swap3A_98 : vector<16xi32> to vector<16xi32>
    %swap3A_100 = vector.shape_cast %and3A_96 : vector<16xi32> to vector<16xi32>
    tpu.vector_store %arg7[%swap3A_97], %swap3A_100 {strides = array<i32>} : memref<128xi32, #tpu.memory_space<vmem>>, vector<16xi32>,
    %get3A_101 = arith.constant 0 : i32
    %get3A_102 = arith.index_cast %get3A_101 : i32 to index
    %get3A_103 = arith.constant 64 : index
    %get3A_104 = tpu.vector_load %arg5[%get3A_102, %get3A_103] {strides = array<i32>} : memref<80x128xi32, #tpu.memory_space<vmem>>, vector<1x16xi32>,
    %get3A_105 = vector.shape_cast %get3A_104 : vector<1x16xi32> to vector<16xi32>
    %shift_right_arithmetic3A_106 = arith.constant 14 : i32
    %shift_right_arithmetic3A_107 = vector.broadcast %shift_right_arithmetic3A_106 : i32 to vector<16xi32>
    %shift_right_arithmetic3A_108 = arith.shrsi %get3A_105, %shift_right_arithmetic3A_107 : vector<16xi32>
    %swap3A_109 = arith.constant 64 : index
    %swap3A_110 = tpu.vector_load %arg6[%swap3A_109] {strides = array<i32>} : memref<128xi32, #tpu.memory_space<vmem>>, vector<16xi32>,
    %swap3A_111 = vector.shape_cast %swap3A_110 : vector<16xi32> to vector<16xi32>
    %swap3A_112 = vector.shape_cast %shift_right_arithmetic3A_108 : vector<16xi32> to vector<16xi32>
    tpu.vector_store %arg6[%swap3A_109], %swap3A_112 {strides = array<i32>} : memref<128xi32, #tpu.memory_space<vmem>>, vector<16xi32>,
    %and3A_113 = arith.constant 16383 : i32
    %and3A_114 = vector.broadcast %and3A_113 : i32 to vector<16xi32>
    %and3A_115 = arith.andi %get3A_105, %and3A_114 : vector<16xi32>
    %swap3A_116 = arith.constant 64 : index
    %swap3A_117 = tpu.vector_load %arg7[%swap3A_116] {strides = array<i32>} : memref<128xi32, #tpu.memory_space<vmem>>, vector<16xi32>,
    %swap3A_118 = vector.shape_cast %swap3A_117 : vector<16xi32> to vector<16xi32>
    %swap3A_119 = vector.shape_cast %and3A_115 : vector<16xi32> to vector<16xi32>
    tpu.vector_store %arg7[%swap3A_116], %swap3A_119 {strides = array<i32>} : memref<128xi32, #tpu.memory_space<vmem>>, vector<16xi32>,
    %get3A_120 = arith.constant 0 : i32
    %get3A_121 = arith.index_cast %get3A_120 : i32 to index
    %get3A_122 = arith.constant 80 : index
    %get3A_123 = tpu.vector_load %arg5[%get3A_121, %get3A_122] {strides = array<i32>} : memref<80x128xi32, #tpu.memory_space<vmem>>, vector<1x16xi32>,
    %get3A_124 = vector.shape_cast %get3A_123 : vector<1x16xi32> to vector<16xi32>
    %shift_right_arithmetic3A_125 = arith.constant 14 : i32
    %shift_right_arithmetic3A_126 = vector.broadcast %shift_right_arithmetic3A_125 : i32 to vector<16xi32>
    %shift_right_arithmetic3A_127 = arith.shrsi %get3A_124, %shift_right_arithmetic3A_126 : vector<16xi32>
    %swap3A_128 = arith.constant 80 : index
    %swap3A_129 = tpu.vector_load %arg6[%swap3A_128] {strides = array<i32>} : memref<128xi32, #tpu.memory_space<vmem>>, vector<16xi32>,
    %swap3A_130 = vector.shape_cast %swap3A_129 : vector<16xi32> to vector<16xi32>
    %swap3A_131 = vector.shape_cast %shift_right_arithmetic3A_127 : vector<16xi32> to vector<16xi32>
    tpu.vector_store %arg6[%swap3A_128], %swap3A_131 {strides = array<i32>} : memref<128xi32, #tpu.memory_space<vmem>>, vector<16xi32>,
    %and3A_132 = arith.constant 16383 : i32
    %and3A_133 = vector.broadcast %and3A_132 : i32 to vector<16xi32>
    %and3A_134 = arith.andi %get3A_124, %and3A_133 : vector<16xi32>
    %swap3A_135 = arith.constant 80 : index
    %swap3A_136 = tpu.vector_load %arg7[%swap3A_135] {strides = array<i32>} : memref<128xi32, #tpu.memory_space<vmem>>, vector<16xi32>,
    %swap3A_137 = vector.shape_cast %swap3A_136 : vector<16xi32> to vector<16xi32>
    %swap3A_138 = vector.shape_cast %and3A_134 : vector<16xi32> to vector<16xi32>
    tpu.vector_store %arg7[%swap3A_135], %swap3A_138 {strides = array<i32>} : memref<128xi32, #tpu.memory_space<vmem>>, vector<16xi32>,
    %get3A_139 = arith.constant 0 : i32
    %get3A_140 = arith.index_cast %get3A_139 : i32 to index
    %get3A_141 = arith.constant 96 : index
    %get3A_142 = tpu.vector_load %arg5[%get3A_140, %get3A_141] {strides = array<i32>} : memref<80x128xi32, #tpu.memory_space<vmem>>, vector<1x16xi32>,
    %get3A_143 = vector.shape_cast %get3A_142 : vector<1x16xi32> to vector<16xi32>
    %shift_right_arithmetic3A_144 = arith.constant 14 : i32
    %shift_right_arithmetic3A_145 = vector.broadcast %shift_right_arithmetic3A_144 : i32 to vector<16xi32>
    %shift_right_arithmetic3A_146 = arith.shrsi %get3A_143, %shift_right_arithmetic3A_145 : vector<16xi32>
    %swap3A_147 = arith.constant 96 : index
    %swap3A_148 = tpu.vector_load %arg6[%swap3A_147] {strides = array<i32>} : memref<128xi32, #tpu.memory_space<vmem>>, vector<16xi32>,
    %swap3A_149 = vector.shape_cast %swap3A_148 : vector<16xi32> to vector<16xi32>
    %swap3A_150 = vector.shape_cast %shift_right_arithmetic3A_146 : vector<16xi32> to vector<16xi32>
    tpu.vector_store %arg6[%swap3A_147], %swap3A_150 {strides = array<i32>} : memref<128xi32, #tpu.memory_space<vmem>>, vector<16xi32>,
    %and3A_151 = arith.constant 16383 : i32
    %and3A_152 = vector.broadcast %and3A_151 : i32 to vector<16xi32>
    %and3A_153 = arith.andi %get3A_143, %and3A_152 : vector<16xi32>
    %swap3A_154 = arith.constant 96 : index
    %swap3A_155 = tpu.vector_load %arg7[%swap3A_154] {strides = array<i32>} : memref<128xi32, #tpu.memory_space<vmem>>, vector<16xi32>,
    %swap3A_156 = vector.shape_cast %swap3A_155 : vector<16xi32> to vector<16xi32>
    %swap3A_157 = vector.shape_cast %and3A_153 : vector<16xi32> to vector<16xi32>
    tpu.vector_store %arg7[%swap3A_154], %swap3A_157 {strides = array<i32>} : memref<128xi32, #tpu.memory_space<vmem>>, vector<16xi32>,
    %get3A_158 = arith.constant 0 : i32
    %get3A_159 = arith.index_cast %get3A_158 : i32 to index
    %get3A_160 = arith.constant 112 : index
    %get3A_161 = tpu.vector_load %arg5[%get3A_159, %get3A_160] {strides = array<i32>} : memref<80x128xi32, #tpu.memory_space<vmem>>, vector<1x16xi32>,
    %get3A_162 = vector.shape_cast %get3A_161 : vector<1x16xi32> to vector<16xi32>
    %shift_right_arithmetic3A_163 = arith.constant 14 : i32
    %shift_right_arithmetic3A_164 = vector.broadcast %shift_right_arithmetic3A_163 : i32 to vector<16xi32>
    %shift_right_arithmetic3A_165 = arith.shrsi %get3A_162, %shift_right_arithmetic3A_164 : vector<16xi32>
    %swap3A_166 = arith.constant 112 : index
    %swap3A_167 = tpu.vector_load %arg6[%swap3A_166] {strides = array<i32>} : memref<128xi32, #tpu.memory_space<vmem>>, vector<16xi32>,
    %swap3A_168 = vector.shape_cast %swap3A_167 : vector<16xi32> to vector<16xi32>
    %swap3A_169 = vector.shape_cast %shift_right_arithmetic3A_165 : vector<16xi32> to vector<16xi32>
    tpu.vector_store %arg6[%swap3A_166], %swap3A_169 {strides = array<i32>} : memref<128xi32, #tpu.memory_space<vmem>>, vector<16xi32>,
    %and3A_170 = arith.constant 16383 : i32
    %and3A_171 = vector.broadcast %and3A_170 : i32 to vector<16xi32>
    %and3A_172 = arith.andi %get3A_162, %and3A_171 : vector<16xi32>
    %swap3A_173 = arith.constant 112 : index
    %swap3A_174 = tpu.vector_load %arg7[%swap3A_173] {strides = array<i32>} : memref<128xi32, #tpu.memory_space<vmem>>, vector<16xi32>,
    %swap3A_175 = vector.shape_cast %swap3A_174 : vector<16xi32> to vector<16xi32>
    %swap3A_176 = vector.shape_cast %and3A_172 : vector<16xi32> to vector<16xi32>
    tpu.vector_store %arg7[%swap3A_173], %swap3A_176 {strides = array<i32>} : memref<128xi32, #tpu.memory_space<vmem>>, vector<16xi32>,
    %dma_start3A = arith.constant 0 : i32
    %dma_start3A_177 = arith.constant 0 : i32
    %dma_start3A_178 = tpu.memref_slice %arg2[%dma_start3A, %dma_start3A_177] : memref<10000x128xf32, #tpu.memory_space<hbm>> -> memref<10000x128xf32, #tpu.memory_space<hbm>>
    tpu.enqueue_indirect_dma source(%dma_start3A_178 : memref<10000x128xf32, #tpu.memory_space<hbm>>) target(%arg10 : memref<128x128xf32, #tpu.memory_space<vmem>>) offsets(%arg6 : memref<128xi32, #tpu.memory_space<vmem>>) semaphore(%arg13 : memref<!tpu.dma_semaphore, #tpu.memory_space<semaphore_mem>>)
    %scan3A_179 = arith.constant 0 : i32
    %scan3A_180 = arith.constant 0 : i32
    %scan3A_181 = arith.constant 40 : i32
    %scan3A_182 = arith.addi %scan3A_180, %scan3A_181 : i32
    %scan3A_183 = arith.constant 1 : i32
    scf.for %scan3A_193 = %scan3A_180 to %scan3A_182 step %scan3A_183  : i32 {
      %mul3A_194 = arith.constant 2 : i32
      %mul3A_195 = arith.muli %scan3A_193, %mul3A_194 : i32
      %add3A_196 = arith.constant 1 : i32
      %add3A_197 = arith.addi %mul3A_195, %add3A_196 : i32
      %get3A_198 = arith.index_cast %add3A_197 : i32 to index
      %get3A_199 = arith.constant 0 : index
      %get3A_200 = tpu.vector_load %arg5[%get3A_198, %get3A_199] {strides = array<i32>} : memref<80x128xi32, #tpu.memory_space<vmem>>, vector<1x16xi32>,
      %get3A_201 = vector.shape_cast %get3A_200 : vector<1x16xi32> to vector<16xi32>
      %shift_right_arithmetic3A_202 = arith.constant 14 : i32
      %shift_right_arithmetic3A_203 = vector.broadcast %shift_right_arithmetic3A_202 : i32 to vector<16xi32>
      %shift_right_arithmetic3A_204 = arith.shrsi %get3A_201, %shift_right_arithmetic3A_203 : vector<16xi32>
      %swap3A_205 = arith.constant 0 : index
      %swap3A_206 = tpu.vector_load %arg8[%swap3A_205] {strides = array<i32>} : memref<128xi32, #tpu.memory_space<vmem>>, vector<16xi32>,
      %swap3A_207 = vector.shape_cast %swap3A_206 : vector<16xi32> to vector<16xi32>
      %swap3A_208 = vector.shape_cast %shift_right_arithmetic3A_204 : vector<16xi32> to vector<16xi32>
      tpu.vector_store %arg8[%swap3A_205], %swap3A_208 {strides = array<i32>} : memref<128xi32, #tpu.memory_space<vmem>>, vector<16xi32>,
      %and3A_209 = arith.constant 16383 : i32
      %and3A_210 = vector.broadcast %and3A_209 : i32 to vector<16xi32>
      %and3A_211 = arith.andi %get3A_201, %and3A_210 : vector<16xi32>
      %swap3A_212 = arith.constant 0 : index
      %swap3A_213 = tpu.vector_load %arg9[%swap3A_212] {strides = array<i32>} : memref<128xi32, #tpu.memory_space<vmem>>, vector<16xi32>,
      %swap3A_214 = vector.shape_cast %swap3A_213 : vector<16xi32> to vector<16xi32>
      %swap3A_215 = vector.shape_cast %and3A_211 : vector<16xi32> to vector<16xi32>
      tpu.vector_store %arg9[%swap3A_212], %swap3A_215 {strides = array<i32>} : memref<128xi32, #tpu.memory_space<vmem>>, vector<16xi32>,
      %get3A_216 = arith.index_cast %add3A_197 : i32 to index
      %get3A_217 = arith.constant 16 : index
      %get3A_218 = tpu.vector_load %arg5[%get3A_216, %get3A_217] {strides = array<i32>} : memref<80x128xi32, #tpu.memory_space<vmem>>, vector<1x16xi32>,
      %get3A_219 = vector.shape_cast %get3A_218 : vector<1x16xi32> to vector<16xi32>
      %shift_right_arithmetic3A_220 = arith.constant 14 : i32
      %shift_right_arithmetic3A_221 = vector.broadcast %shift_right_arithmetic3A_220 : i32 to vector<16xi32>
      %shift_right_arithmetic3A_222 = arith.shrsi %get3A_219, %shift_right_arithmetic3A_221 : vector<16xi32>
      %swap3A_223 = arith.constant 16 : index
      %swap3A_224 = tpu.vector_load %arg8[%swap3A_223] {strides = array<i32>} : memref<128xi32, #tpu.memory_space<vmem>>, vector<16xi32>,
      %swap3A_225 = vector.shape_cast %swap3A_224 : vector<16xi32> to vector<16xi32>
      %swap3A_226 = vector.shape_cast %shift_right_arithmetic3A_222 : vector<16xi32> to vector<16xi32>
      tpu.vector_store %arg8[%swap3A_223], %swap3A_226 {strides = array<i32>} : memref<128xi32, #tpu.memory_space<vmem>>, vector<16xi32>,
      %and3A_227 = arith.constant 16383 : i32
      %and3A_228 = vector.broadcast %and3A_227 : i32 to vector<16xi32>
      %and3A_229 = arith.andi %get3A_219, %and3A_228 : vector<16xi32>
      %swap3A_230 = arith.constant 16 : index
      %swap3A_231 = tpu.vector_load %arg9[%swap3A_230] {strides = array<i32>} : memref<128xi32, #tpu.memory_space<vmem>>, vector<16xi32>,
      %swap3A_232 = vector.shape_cast %swap3A_231 : vector<16xi32> to vector<16xi32>
      %swap3A_233 = vector.shape_cast %and3A_229 : vector<16xi32> to vector<16xi32>
      tpu.vector_store %arg9[%swap3A_230], %swap3A_233 {strides = array<i32>} : memref<128xi32, #tpu.memory_space<vmem>>, vector<16xi32>,
      %get3A_234 = arith.index_cast %add3A_197 : i32 to index
      %get3A_235 = arith.constant 32 : index
      %get3A_236 = tpu.vector_load %arg5[%get3A_234, %get3A_235] {strides = array<i32>} : memref<80x128xi32, #tpu.memory_space<vmem>>, vector<1x16xi32>,
      %get3A_237 = vector.shape_cast %get3A_236 : vector<1x16xi32> to vector<16xi32>
      %shift_right_arithmetic3A_238 = arith.constant 14 : i32
      %shift_right_arithmetic3A_239 = vector.broadcast %shift_right_arithmetic3A_238 : i32 to vector<16xi32>
      %shift_right_arithmetic3A_240 = arith.shrsi %get3A_237, %shift_right_arithmetic3A_239 : vector<16xi32>
      %swap3A_241 = arith.constant 32 : index
      %swap3A_242 = tpu.vector_load %arg8[%swap3A_241] {strides = array<i32>} : memref<128xi32, #tpu.memory_space<vmem>>, vector<16xi32>,
      %swap3A_243 = vector.shape_cast %swap3A_242 : vector<16xi32> to vector<16xi32>
      %swap3A_244 = vector.shape_cast %shift_right_arithmetic3A_240 : vector<16xi32> to vector<16xi32>
      tpu.vector_store %arg8[%swap3A_241], %swap3A_244 {strides = array<i32>} : memref<128xi32, #tpu.memory_space<vmem>>, vector<16xi32>,
      %and3A_245 = arith.constant 16383 : i32
      %and3A_246 = vector.broadcast %and3A_245 : i32 to vector<16xi32>
      %and3A_247 = arith.andi %get3A_237, %and3A_246 : vector<16xi32>
      %swap3A_248 = arith.constant 32 : index
      %swap3A_249 = tpu.vector_load %arg9[%swap3A_248] {strides = array<i32>} : memref<128xi32, #tpu.memory_space<vmem>>, vector<16xi32>,
      %swap3A_250 = vector.shape_cast %swap3A_249 : vector<16xi32> to vector<16xi32>
      %swap3A_251 = vector.shape_cast %and3A_247 : vector<16xi32> to vector<16xi32>
      tpu.vector_store %arg9[%swap3A_248], %swap3A_251 {strides = array<i32>} : memref<128xi32, #tpu.memory_space<vmem>>, vector<16xi32>,
      %get3A_252 = arith.index_cast %add3A_197 : i32 to index
      %get3A_253 = arith.constant 48 : index
      %get3A_254 = tpu.vector_load %arg5[%get3A_252, %get3A_253] {strides = array<i32>} : memref<80x128xi32, #tpu.memory_space<vmem>>, vector<1x16xi32>,
      %get3A_255 = vector.shape_cast %get3A_254 : vector<1x16xi32> to vector<16xi32>
      %shift_right_arithmetic3A_256 = arith.constant 14 : i32
      %shift_right_arithmetic3A_257 = vector.broadcast %shift_right_arithmetic3A_256 : i32 to vector<16xi32>
      %shift_right_arithmetic3A_258 = arith.shrsi %get3A_255, %shift_right_arithmetic3A_257 : vector<16xi32>
      %swap3A_259 = arith.constant 48 : index
      %swap3A_260 = tpu.vector_load %arg8[%swap3A_259] {strides = array<i32>} : memref<128xi32, #tpu.memory_space<vmem>>, vector<16xi32>,
      %swap3A_261 = vector.shape_cast %swap3A_260 : vector<16xi32> to vector<16xi32>
      %swap3A_262 = vector.shape_cast %shift_right_arithmetic3A_258 : vector<16xi32> to vector<16xi32>
      tpu.vector_store %arg8[%swap3A_259], %swap3A_262 {strides = array<i32>} : memref<128xi32, #tpu.memory_space<vmem>>, vector<16xi32>,
      %and3A_263 = arith.constant 16383 : i32
      %and3A_264 = vector.broadcast %and3A_263 : i32 to vector<16xi32>
      %and3A_265 = arith.andi %get3A_255, %and3A_264 : vector<16xi32>
      %swap3A_266 = arith.constant 48 : index
      %swap3A_267 = tpu.vector_load %arg9[%swap3A_266] {strides = array<i32>} : memref<128xi32, #tpu.memory_space<vmem>>, vector<16xi32>,
      %swap3A_268 = vector.shape_cast %swap3A_267 : vector<16xi32> to vector<16xi32>
      %swap3A_269 = vector.shape_cast %and3A_265 : vector<16xi32> to vector<16xi32>
      tpu.vector_store %arg9[%swap3A_266], %swap3A_269 {strides = array<i32>} : memref<128xi32, #tpu.memory_space<vmem>>, vector<16xi32>,
      %get3A_270 = arith.index_cast %add3A_197 : i32 to index
      %get3A_271 = arith.constant 64 : index
      %get3A_272 = tpu.vector_load %arg5[%get3A_270, %get3A_271] {strides = array<i32>} : memref<80x128xi32, #tpu.memory_space<vmem>>, vector<1x16xi32>,
      %get3A_273 = vector.shape_cast %get3A_272 : vector<1x16xi32> to vector<16xi32>
      %shift_right_arithmetic3A_274 = arith.constant 14 : i32
      %shift_right_arithmetic3A_275 = vector.broadcast %shift_right_arithmetic3A_274 : i32 to vector<16xi32>
      %shift_right_arithmetic3A_276 = arith.shrsi %get3A_273, %shift_right_arithmetic3A_275 : vector<16xi32>
      %swap3A_277 = arith.constant 64 : index
      %swap3A_278 = tpu.vector_load %arg8[%swap3A_277] {strides = array<i32>} : memref<128xi32, #tpu.memory_space<vmem>>, vector<16xi32>,
      %swap3A_279 = vector.shape_cast %swap3A_278 : vector<16xi32> to vector<16xi32>
      %swap3A_280 = vector.shape_cast %shift_right_arithmetic3A_276 : vector<16xi32> to vector<16xi32>
      tpu.vector_store %arg8[%swap3A_277], %swap3A_280 {strides = array<i32>} : memref<128xi32, #tpu.memory_space<vmem>>, vector<16xi32>,
      %and3A_281 = arith.constant 16383 : i32
      %and3A_282 = vector.broadcast %and3A_281 : i32 to vector<16xi32>
      %and3A_283 = arith.andi %get3A_273, %and3A_282 : vector<16xi32>
      %swap3A_284 = arith.constant 64 : index
      %swap3A_285 = tpu.vector_load %arg9[%swap3A_284] {strides = array<i32>} : memref<128xi32, #tpu.memory_space<vmem>>, vector<16xi32>,
      %swap3A_286 = vector.shape_cast %swap3A_285 : vector<16xi32> to vector<16xi32>
      %swap3A_287 = vector.shape_cast %and3A_283 : vector<16xi32> to vector<16xi32>
      tpu.vector_store %arg9[%swap3A_284], %swap3A_287 {strides = array<i32>} : memref<128xi32, #tpu.memory_space<vmem>>, vector<16xi32>,
      %get3A_288 = arith.index_cast %add3A_197 : i32 to index
      %get3A_289 = arith.constant 80 : index
      %get3A_290 = tpu.vector_load %arg5[%get3A_288, %get3A_289] {strides = array<i32>} : memref<80x128xi32, #tpu.memory_space<vmem>>, vector<1x16xi32>,
      %get3A_291 = vector.shape_cast %get3A_290 : vector<1x16xi32> to vector<16xi32>
      %shift_right_arithmetic3A_292 = arith.constant 14 : i32
      %shift_right_arithmetic3A_293 = vector.broadcast %shift_right_arithmetic3A_292 : i32 to vector<16xi32>
      %shift_right_arithmetic3A_294 = arith.shrsi %get3A_291, %shift_right_arithmetic3A_293 : vector<16xi32>
      %swap3A_295 = arith.constant 80 : index
      %swap3A_296 = tpu.vector_load %arg8[%swap3A_295] {strides = array<i32>} : memref<128xi32, #tpu.memory_space<vmem>>, vector<16xi32>,
      %swap3A_297 = vector.shape_cast %swap3A_296 : vector<16xi32> to vector<16xi32>
      %swap3A_298 = vector.shape_cast %shift_right_arithmetic3A_294 : vector<16xi32> to vector<16xi32>
      tpu.vector_store %arg8[%swap3A_295], %swap3A_298 {strides = array<i32>} : memref<128xi32, #tpu.memory_space<vmem>>, vector<16xi32>,
      %and3A_299 = arith.constant 16383 : i32
      %and3A_300 = vector.broadcast %and3A_299 : i32 to vector<16xi32>
      %and3A_301 = arith.andi %get3A_291, %and3A_300 : vector<16xi32>
      %swap3A_302 = arith.constant 80 : index
      %swap3A_303 = tpu.vector_load %arg9[%swap3A_302] {strides = array<i32>} : memref<128xi32, #tpu.memory_space<vmem>>, vector<16xi32>,
      %swap3A_304 = vector.shape_cast %swap3A_303 : vector<16xi32> to vector<16xi32>
      %swap3A_305 = vector.shape_cast %and3A_301 : vector<16xi32> to vector<16xi32>
      tpu.vector_store %arg9[%swap3A_302], %swap3A_305 {strides = array<i32>} : memref<128xi32, #tpu.memory_space<vmem>>, vector<16xi32>,
      %get3A_306 = arith.index_cast %add3A_197 : i32 to index
      %get3A_307 = arith.constant 96 : index
      %get3A_308 = tpu.vector_load %arg5[%get3A_306, %get3A_307] {strides = array<i32>} : memref<80x128xi32, #tpu.memory_space<vmem>>, vector<1x16xi32>,
      %get3A_309 = vector.shape_cast %get3A_308 : vector<1x16xi32> to vector<16xi32>
      %shift_right_arithmetic3A_310 = arith.constant 14 : i32
      %shift_right_arithmetic3A_311 = vector.broadcast %shift_right_arithmetic3A_310 : i32 to vector<16xi32>
      %shift_right_arithmetic3A_312 = arith.shrsi %get3A_309, %shift_right_arithmetic3A_311 : vector<16xi32>
      %swap3A_313 = arith.constant 96 : index
      %swap3A_314 = tpu.vector_load %arg8[%swap3A_313] {strides = array<i32>} : memref<128xi32, #tpu.memory_space<vmem>>, vector<16xi32>,
      %swap3A_315 = vector.shape_cast %swap3A_314 : vector<16xi32> to vector<16xi32>
      %swap3A_316 = vector.shape_cast %shift_right_arithmetic3A_312 : vector<16xi32> to vector<16xi32>
      tpu.vector_store %arg8[%swap3A_313], %swap3A_316 {strides = array<i32>} : memref<128xi32, #tpu.memory_space<vmem>>, vector<16xi32>,
      %and3A_317 = arith.constant 16383 : i32
      %and3A_318 = vector.broadcast %and3A_317 : i32 to vector<16xi32>
      %and3A_319 = arith.andi %get3A_309, %and3A_318 : vector<16xi32>
      %swap3A_320 = arith.constant 96 : index
      %swap3A_321 = tpu.vector_load %arg9[%swap3A_320] {strides = array<i32>} : memref<128xi32, #tpu.memory_space<vmem>>, vector<16xi32>,
      %swap3A_322 = vector.shape_cast %swap3A_321 : vector<16xi32> to vector<16xi32>
      %swap3A_323 = vector.shape_cast %and3A_319 : vector<16xi32> to vector<16xi32>
      tpu.vector_store %arg9[%swap3A_320], %swap3A_323 {strides = array<i32>} : memref<128xi32, #tpu.memory_space<vmem>>, vector<16xi32>,
      %get3A_324 = arith.index_cast %add3A_197 : i32 to index
      %get3A_325 = arith.constant 112 : index
      %get3A_326 = tpu.vector_load %arg5[%get3A_324, %get3A_325] {strides = array<i32>} : memref<80x128xi32, #tpu.memory_space<vmem>>, vector<1x16xi32>,
      %get3A_327 = vector.shape_cast %get3A_326 : vector<1x16xi32> to vector<16xi32>
      %shift_right_arithmetic3A_328 = arith.constant 14 : i32
      %shift_right_arithmetic3A_329 = vector.broadcast %shift_right_arithmetic3A_328 : i32 to vector<16xi32>
      %shift_right_arithmetic3A_330 = arith.shrsi %get3A_327, %shift_right_arithmetic3A_329 : vector<16xi32>
      %swap3A_331 = arith.constant 112 : index
      %swap3A_332 = tpu.vector_load %arg8[%swap3A_331] {strides = array<i32>} : memref<128xi32, #tpu.memory_space<vmem>>, vector<16xi32>,
      %swap3A_333 = vector.shape_cast %swap3A_332 : vector<16xi32> to vector<16xi32>
      %swap3A_334 = vector.shape_cast %shift_right_arithmetic3A_330 : vector<16xi32> to vector<16xi32>
      tpu.vector_store %arg8[%swap3A_331], %swap3A_334 {strides = array<i32>} : memref<128xi32, #tpu.memory_space<vmem>>, vector<16xi32>,
      %and3A_335 = arith.constant 16383 : i32
      %and3A_336 = vector.broadcast %and3A_335 : i32 to vector<16xi32>
      %and3A_337 = arith.andi %get3A_327, %and3A_336 : vector<16xi32>
      %swap3A_338 = arith.constant 112 : index
      %swap3A_339 = tpu.vector_load %arg9[%swap3A_338] {strides = array<i32>} : memref<128xi32, #tpu.memory_space<vmem>>, vector<16xi32>,
      %swap3A_340 = vector.shape_cast %swap3A_339 : vector<16xi32> to vector<16xi32>
      %swap3A_341 = vector.shape_cast %and3A_337 : vector<16xi32> to vector<16xi32>
      tpu.vector_store %arg9[%swap3A_338], %swap3A_341 {strides = array<i32>} : memref<128xi32, #tpu.memory_space<vmem>>, vector<16xi32>,
      %dma_start3A_342 = arith.constant 0 : i32
      %dma_start3A_343 = arith.constant 0 : i32
      %dma_start3A_344 = tpu.memref_slice %arg2[%dma_start3A_342, %dma_start3A_343] : memref<10000x128xf32, #tpu.memory_space<hbm>> -> memref<10000x128xf32, #tpu.memory_space<hbm>>
      tpu.enqueue_indirect_dma source(%dma_start3A_344 : memref<10000x128xf32, #tpu.memory_space<hbm>>) target(%arg11 : memref<128x128xf32, #tpu.memory_space<vmem>>) offsets(%arg8 : memref<128xi32, #tpu.memory_space<vmem>>) semaphore(%arg14 : memref<!tpu.dma_semaphore, #tpu.memory_space<semaphore_mem>>)
      %dma_wait3A = arith.constant 0 : i32
      %dma_wait3A_345 = arith.constant 0 : i32
      %dma_wait3A_346 = tpu.memref_slice %arg2[%dma_wait3A, %dma_wait3A_345] : memref<10000x128xf32, #tpu.memory_space<hbm>> -> memref<10000x128xf32, #tpu.memory_space<hbm>>
      tpu.wait_indirect_dma semaphore(%arg13 : memref<!tpu.dma_semaphore, #tpu.memory_space<semaphore_mem>>) src(%dma_wait3A_346 : memref<10000x128xf32, #tpu.memory_space<hbm>>) dst(%arg10 : memref<128x128xf32, #tpu.memory_space<vmem>>)
      "tpu.region"() ({
        %run_scoped3A = tpu.sem_alloc : memref<!tpu.dma_semaphore, #tpu.memory_space<semaphore_mem>>
        %dma_start3A_354 = arith.constant 0 : i32
        %dma_start3A_355 = arith.constant 0 : i32
        %dma_start3A_356 = tpu.memref_slice %arg12[%dma_start3A_354, %dma_start3A_355] : memref<10240x128xf32, #tpu.memory_space<vmem_shared>> -> memref<10240x128xf32, #tpu.memory_space<vmem_shared>>
        tpu.enqueue_indirect_dma source(%arg10 : memref<128x128xf32, #tpu.memory_space<vmem>>) target(%dma_start3A_356 : memref<10240x128xf32, #tpu.memory_space<vmem_shared>>) offsets(%arg7 : memref<128xi32, #tpu.memory_space<vmem>>) semaphore(%run_scoped3A : memref<!tpu.dma_semaphore, #tpu.memory_space<semaphore_mem>>) {add = true}
        %dma_wait3A_357 = arith.constant 0 : i32
        %dma_wait3A_358 = arith.constant 0 : i32
        %dma_wait3A_359 = tpu.memref_slice %arg12[%dma_wait3A_357, %dma_wait3A_358] : memref<10240x128xf32, #tpu.memory_space<vmem_shared>> -> memref<10240x128xf32, #tpu.memory_space<vmem_shared>>
        tpu.wait_indirect_dma semaphore(%run_scoped3A : memref<!tpu.dma_semaphore, #tpu.memory_space<semaphore_mem>>) src(%arg10 : memref<128x128xf32, #tpu.memory_space<vmem>>) dst(%dma_wait3A_359 : memref<10240x128xf32, #tpu.memory_space<vmem_shared>>)
        tpu.yield
      }) : () -> ()
      %add3A_347 = arith.constant 2 : i32
      %add3A_348 = arith.addi %mul3A_195, %add3A_347 : i32
      %lt3A = arith.constant 80 : i32
      %lt3A_349 = arith.cmpi slt, %add3A_348, %lt3A : i32
      %convert_element_type3A = arith.extui %lt3A_349 : i1 to i32
      %cond3A = arith.constant 0 : i32
      %cond3A_350 = arith.cmpi ne, %convert_element_type3A, %cond3A : i32
      scf.if %cond3A_350 {
        %add3A_354 = arith.constant 2 : i32
        %add3A_355 = arith.addi %mul3A_195, %add3A_354 : i32
        %get3A_356 = arith.index_cast %add3A_355 : i32 to index
        %get3A_357 = arith.constant 0 : index
        %get3A_358 = tpu.vector_load %arg5[%get3A_356, %get3A_357] {strides = array<i32>} : memref<80x128xi32, #tpu.memory_space<vmem>>, vector<1x16xi32>,
        %get3A_359 = vector.shape_cast %get3A_358 : vector<1x16xi32> to vector<16xi32>
        %shift_right_arithmetic3A_360 = arith.constant 14 : i32
        %shift_right_arithmetic3A_361 = vector.broadcast %shift_right_arithmetic3A_360 : i32 to vector<16xi32>
        %shift_right_arithmetic3A_362 = arith.shrsi %get3A_359, %shift_right_arithmetic3A_361 : vector<16xi32>
        %swap3A_363 = arith.constant 0 : index
        %swap3A_364 = tpu.vector_load %arg6[%swap3A_363] {strides = array<i32>} : memref<128xi32, #tpu.memory_space<vmem>>, vector<16xi32>,
        %swap3A_365 = vector.shape_cast %swap3A_364 : vector<16xi32> to vector<16xi32>
        %swap3A_366 = vector.shape_cast %shift_right_arithmetic3A_362 : vector<16xi32> to vector<16xi32>
        tpu.vector_store %arg6[%swap3A_363], %swap3A_366 {strides = array<i32>} : memref<128xi32, #tpu.memory_space<vmem>>, vector<16xi32>,
        %and3A_367 = arith.constant 16383 : i32
        %and3A_368 = vector.broadcast %and3A_367 : i32 to vector<16xi32>
        %and3A_369 = arith.andi %get3A_359, %and3A_368 : vector<16xi32>
        %swap3A_370 = arith.constant 0 : index
        %swap3A_371 = tpu.vector_load %arg7[%swap3A_370] {strides = array<i32>} : memref<128xi32, #tpu.memory_space<vmem>>, vector<16xi32>,
        %swap3A_372 = vector.shape_cast %swap3A_371 : vector<16xi32> to vector<16xi32>
        %swap3A_373 = vector.shape_cast %and3A_369 : vector<16xi32> to vector<16xi32>
        tpu.vector_store %arg7[%swap3A_370], %swap3A_373 {strides = array<i32>} : memref<128xi32, #tpu.memory_space<vmem>>, vector<16xi32>,
        %get3A_374 = arith.index_cast %add3A_355 : i32 to index
        %get3A_375 = arith.constant 16 : index
        %get3A_376 = tpu.vector_load %arg5[%get3A_374, %get3A_375] {strides = array<i32>} : memref<80x128xi32, #tpu.memory_space<vmem>>, vector<1x16xi32>,
        %get3A_377 = vector.shape_cast %get3A_376 : vector<1x16xi32> to vector<16xi32>
        %shift_right_arithmetic3A_378 = arith.constant 14 : i32
        %shift_right_arithmetic3A_379 = vector.broadcast %shift_right_arithmetic3A_378 : i32 to vector<16xi32>
        %shift_right_arithmetic3A_380 = arith.shrsi %get3A_377, %shift_right_arithmetic3A_379 : vector<16xi32>
        %swap3A_381 = arith.constant 16 : index
        %swap3A_382 = tpu.vector_load %arg6[%swap3A_381] {strides = array<i32>} : memref<128xi32, #tpu.memory_space<vmem>>, vector<16xi32>,
        %swap3A_383 = vector.shape_cast %swap3A_382 : vector<16xi32> to vector<16xi32>
        %swap3A_384 = vector.shape_cast %shift_right_arithmetic3A_380 : vector<16xi32> to vector<16xi32>
        tpu.vector_store %arg6[%swap3A_381], %swap3A_384 {strides = array<i32>} : memref<128xi32, #tpu.memory_space<vmem>>, vector<16xi32>,
        %and3A_385 = arith.constant 16383 : i32
        %and3A_386 = vector.broadcast %and3A_385 : i32 to vector<16xi32>
        %and3A_387 = arith.andi %get3A_377, %and3A_386 : vector<16xi32>
        %swap3A_388 = arith.constant 16 : index
        %swap3A_389 = tpu.vector_load %arg7[%swap3A_388] {strides = array<i32>} : memref<128xi32, #tpu.memory_space<vmem>>, vector<16xi32>,
        %swap3A_390 = vector.shape_cast %swap3A_389 : vector<16xi32> to vector<16xi32>
        %swap3A_391 = vector.shape_cast %and3A_387 : vector<16xi32> to vector<16xi32>
        tpu.vector_store %arg7[%swap3A_388], %swap3A_391 {strides = array<i32>} : memref<128xi32, #tpu.memory_space<vmem>>, vector<16xi32>,
        %get3A_392 = arith.index_cast %add3A_355 : i32 to index
        %get3A_393 = arith.constant 32 : index
        %get3A_394 = tpu.vector_load %arg5[%get3A_392, %get3A_393] {strides = array<i32>} : memref<80x128xi32, #tpu.memory_space<vmem>>, vector<1x16xi32>,
        %get3A_395 = vector.shape_cast %get3A_394 : vector<1x16xi32> to vector<16xi32>
        %shift_right_arithmetic3A_396 = arith.constant 14 : i32
        %shift_right_arithmetic3A_397 = vector.broadcast %shift_right_arithmetic3A_396 : i32 to vector<16xi32>
        %shift_right_arithmetic3A_398 = arith.shrsi %get3A_395, %shift_right_arithmetic3A_397 : vector<16xi32>
        %swap3A_399 = arith.constant 32 : index
        %swap3A_400 = tpu.vector_load %arg6[%swap3A_399] {strides = array<i32>} : memref<128xi32, #tpu.memory_space<vmem>>, vector<16xi32>,
        %swap3A_401 = vector.shape_cast %swap3A_400 : vector<16xi32> to vector<16xi32>
        %swap3A_402 = vector.shape_cast %shift_right_arithmetic3A_398 : vector<16xi32> to vector<16xi32>
        tpu.vector_store %arg6[%swap3A_399], %swap3A_402 {strides = array<i32>} : memref<128xi32, #tpu.memory_space<vmem>>, vector<16xi32>,
        %and3A_403 = arith.constant 16383 : i32
        %and3A_404 = vector.broadcast %and3A_403 : i32 to vector<16xi32>
        %and3A_405 = arith.andi %get3A_395, %and3A_404 : vector<16xi32>
        %swap3A_406 = arith.constant 32 : index
        %swap3A_407 = tpu.vector_load %arg7[%swap3A_406] {strides = array<i32>} : memref<128xi32, #tpu.memory_space<vmem>>, vector<16xi32>,
        %swap3A_408 = vector.shape_cast %swap3A_407 : vector<16xi32> to vector<16xi32>
        %swap3A_409 = vector.shape_cast %and3A_405 : vector<16xi32> to vector<16xi32>
        tpu.vector_store %arg7[%swap3A_406], %swap3A_409 {strides = array<i32>} : memref<128xi32, #tpu.memory_space<vmem>>, vector<16xi32>,
        %get3A_410 = arith.index_cast %add3A_355 : i32 to index
        %get3A_411 = arith.constant 48 : index
        %get3A_412 = tpu.vector_load %arg5[%get3A_410, %get3A_411] {strides = array<i32>} : memref<80x128xi32, #tpu.memory_space<vmem>>, vector<1x16xi32>,
        %get3A_413 = vector.shape_cast %get3A_412 : vector<1x16xi32> to vector<16xi32>
        %shift_right_arithmetic3A_414 = arith.constant 14 : i32
        %shift_right_arithmetic3A_415 = vector.broadcast %shift_right_arithmetic3A_414 : i32 to vector<16xi32>
        %shift_right_arithmetic3A_416 = arith.shrsi %get3A_413, %shift_right_arithmetic3A_415 : vector<16xi32>
        %swap3A_417 = arith.constant 48 : index
        %swap3A_418 = tpu.vector_load %arg6[%swap3A_417] {strides = array<i32>} : memref<128xi32, #tpu.memory_space<vmem>>, vector<16xi32>,
        %swap3A_419 = vector.shape_cast %swap3A_418 : vector<16xi32> to vector<16xi32>
        %swap3A_420 = vector.shape_cast %shift_right_arithmetic3A_416 : vector<16xi32> to vector<16xi32>
        tpu.vector_store %arg6[%swap3A_417], %swap3A_420 {strides = array<i32>} : memref<128xi32, #tpu.memory_space<vmem>>, vector<16xi32>,
        %and3A_421 = arith.constant 16383 : i32
        %and3A_422 = vector.broadcast %and3A_421 : i32 to vector<16xi32>
        %and3A_423 = arith.andi %get3A_413, %and3A_422 : vector<16xi32>
        %swap3A_424 = arith.constant 48 : index
        %swap3A_425 = tpu.vector_load %arg7[%swap3A_424] {strides = array<i32>} : memref<128xi32, #tpu.memory_space<vmem>>, vector<16xi32>,
        %swap3A_426 = vector.shape_cast %swap3A_425 : vector<16xi32> to vector<16xi32>
        %swap3A_427 = vector.shape_cast %and3A_423 : vector<16xi32> to vector<16xi32>
        tpu.vector_store %arg7[%swap3A_424], %swap3A_427 {strides = array<i32>} : memref<128xi32, #tpu.memory_space<vmem>>, vector<16xi32>,
        %get3A_428 = arith.index_cast %add3A_355 : i32 to index
        %get3A_429 = arith.constant 64 : index
        %get3A_430 = tpu.vector_load %arg5[%get3A_428, %get3A_429] {strides = array<i32>} : memref<80x128xi32, #tpu.memory_space<vmem>>, vector<1x16xi32>,
        %get3A_431 = vector.shape_cast %get3A_430 : vector<1x16xi32> to vector<16xi32>
        %shift_right_arithmetic3A_432 = arith.constant 14 : i32
        %shift_right_arithmetic3A_433 = vector.broadcast %shift_right_arithmetic3A_432 : i32 to vector<16xi32>
        %shift_right_arithmetic3A_434 = arith.shrsi %get3A_431, %shift_right_arithmetic3A_433 : vector<16xi32>
        %swap3A_435 = arith.constant 64 : index
        %swap3A_436 = tpu.vector_load %arg6[%swap3A_435] {strides = array<i32>} : memref<128xi32, #tpu.memory_space<vmem>>, vector<16xi32>,
        %swap3A_437 = vector.shape_cast %swap3A_436 : vector<16xi32> to vector<16xi32>
        %swap3A_438 = vector.shape_cast %shift_right_arithmetic3A_434 : vector<16xi32> to vector<16xi32>
        tpu.vector_store %arg6[%swap3A_435], %swap3A_438 {strides = array<i32>} : memref<128xi32, #tpu.memory_space<vmem>>, vector<16xi32>,
        %and3A_439 = arith.constant 16383 : i32
        %and3A_440 = vector.broadcast %and3A_439 : i32 to vector<16xi32>
        %and3A_441 = arith.andi %get3A_431, %and3A_440 : vector<16xi32>
        %swap3A_442 = arith.constant 64 : index
        %swap3A_443 = tpu.vector_load %arg7[%swap3A_442] {strides = array<i32>} : memref<128xi32, #tpu.memory_space<vmem>>, vector<16xi32>,
        %swap3A_444 = vector.shape_cast %swap3A_443 : vector<16xi32> to vector<16xi32>
        %swap3A_445 = vector.shape_cast %and3A_441 : vector<16xi32> to vector<16xi32>
        tpu.vector_store %arg7[%swap3A_442], %swap3A_445 {strides = array<i32>} : memref<128xi32, #tpu.memory_space<vmem>>, vector<16xi32>,
        %get3A_446 = arith.index_cast %add3A_355 : i32 to index
        %get3A_447 = arith.constant 80 : index
        %get3A_448 = tpu.vector_load %arg5[%get3A_446, %get3A_447] {strides = array<i32>} : memref<80x128xi32, #tpu.memory_space<vmem>>, vector<1x16xi32>,
        %get3A_449 = vector.shape_cast %get3A_448 : vector<1x16xi32> to vector<16xi32>
        %shift_right_arithmetic3A_450 = arith.constant 14 : i32
        %shift_right_arithmetic3A_451 = vector.broadcast %shift_right_arithmetic3A_450 : i32 to vector<16xi32>
        %shift_right_arithmetic3A_452 = arith.shrsi %get3A_449, %shift_right_arithmetic3A_451 : vector<16xi32>
        %swap3A_453 = arith.constant 80 : index
        %swap3A_454 = tpu.vector_load %arg6[%swap3A_453] {strides = array<i32>} : memref<128xi32, #tpu.memory_space<vmem>>, vector<16xi32>,
        %swap3A_455 = vector.shape_cast %swap3A_454 : vector<16xi32> to vector<16xi32>
        %swap3A_456 = vector.shape_cast %shift_right_arithmetic3A_452 : vector<16xi32> to vector<16xi32>
        tpu.vector_store %arg6[%swap3A_453], %swap3A_456 {strides = array<i32>} : memref<128xi32, #tpu.memory_space<vmem>>, vector<16xi32>,
        %and3A_457 = arith.constant 16383 : i32
        %and3A_458 = vector.broadcast %and3A_457 : i32 to vector<16xi32>
        %and3A_459 = arith.andi %get3A_449, %and3A_458 : vector<16xi32>
        %swap3A_460 = arith.constant 80 : index
        %swap3A_461 = tpu.vector_load %arg7[%swap3A_460] {strides = array<i32>} : memref<128xi32, #tpu.memory_space<vmem>>, vector<16xi32>,
        %swap3A_462 = vector.shape_cast %swap3A_461 : vector<16xi32> to vector<16xi32>
        %swap3A_463 = vector.shape_cast %and3A_459 : vector<16xi32> to vector<16xi32>
        tpu.vector_store %arg7[%swap3A_460], %swap3A_463 {strides = array<i32>} : memref<128xi32, #tpu.memory_space<vmem>>, vector<16xi32>,
        %get3A_464 = arith.index_cast %add3A_355 : i32 to index
        %get3A_465 = arith.constant 96 : index
        %get3A_466 = tpu.vector_load %arg5[%get3A_464, %get3A_465] {strides = array<i32>} : memref<80x128xi32, #tpu.memory_space<vmem>>, vector<1x16xi32>,
        %get3A_467 = vector.shape_cast %get3A_466 : vector<1x16xi32> to vector<16xi32>
        %shift_right_arithmetic3A_468 = arith.constant 14 : i32
        %shift_right_arithmetic3A_469 = vector.broadcast %shift_right_arithmetic3A_468 : i32 to vector<16xi32>
        %shift_right_arithmetic3A_470 = arith.shrsi %get3A_467, %shift_right_arithmetic3A_469 : vector<16xi32>
        %swap3A_471 = arith.constant 96 : index
        %swap3A_472 = tpu.vector_load %arg6[%swap3A_471] {strides = array<i32>} : memref<128xi32, #tpu.memory_space<vmem>>, vector<16xi32>,
        %swap3A_473 = vector.shape_cast %swap3A_472 : vector<16xi32> to vector<16xi32>
        %swap3A_474 = vector.shape_cast %shift_right_arithmetic3A_470 : vector<16xi32> to vector<16xi32>
        tpu.vector_store %arg6[%swap3A_471], %swap3A_474 {strides = array<i32>} : memref<128xi32, #tpu.memory_space<vmem>>, vector<16xi32>,
        %and3A_475 = arith.constant 16383 : i32
        %and3A_476 = vector.broadcast %and3A_475 : i32 to vector<16xi32>
        %and3A_477 = arith.andi %get3A_467, %and3A_476 : vector<16xi32>
        %swap3A_478 = arith.constant 96 : index
        %swap3A_479 = tpu.vector_load %arg7[%swap3A_478] {strides = array<i32>} : memref<128xi32, #tpu.memory_space<vmem>>, vector<16xi32>,
        %swap3A_480 = vector.shape_cast %swap3A_479 : vector<16xi32> to vector<16xi32>
        %swap3A_481 = vector.shape_cast %and3A_477 : vector<16xi32> to vector<16xi32>
        tpu.vector_store %arg7[%swap3A_478], %swap3A_481 {strides = array<i32>} : memref<128xi32, #tpu.memory_space<vmem>>, vector<16xi32>,
        %get3A_482 = arith.index_cast %add3A_355 : i32 to index
        %get3A_483 = arith.constant 112 : index
        %get3A_484 = tpu.vector_load %arg5[%get3A_482, %get3A_483] {strides = array<i32>} : memref<80x128xi32, #tpu.memory_space<vmem>>, vector<1x16xi32>,
        %get3A_485 = vector.shape_cast %get3A_484 : vector<1x16xi32> to vector<16xi32>
        %shift_right_arithmetic3A_486 = arith.constant 14 : i32
        %shift_right_arithmetic3A_487 = vector.broadcast %shift_right_arithmetic3A_486 : i32 to vector<16xi32>
        %shift_right_arithmetic3A_488 = arith.shrsi %get3A_485, %shift_right_arithmetic3A_487 : vector<16xi32>
        %swap3A_489 = arith.constant 112 : index
        %swap3A_490 = tpu.vector_load %arg6[%swap3A_489] {strides = array<i32>} : memref<128xi32, #tpu.memory_space<vmem>>, vector<16xi32>,
        %swap3A_491 = vector.shape_cast %swap3A_490 : vector<16xi32> to vector<16xi32>
        %swap3A_492 = vector.shape_cast %shift_right_arithmetic3A_488 : vector<16xi32> to vector<16xi32>
        tpu.vector_store %arg6[%swap3A_489], %swap3A_492 {strides = array<i32>} : memref<128xi32, #tpu.memory_space<vmem>>, vector<16xi32>,
        %and3A_493 = arith.constant 16383 : i32
        %and3A_494 = vector.broadcast %and3A_493 : i32 to vector<16xi32>
        %and3A_495 = arith.andi %get3A_485, %and3A_494 : vector<16xi32>
        %swap3A_496 = arith.constant 112 : index
        %swap3A_497 = tpu.vector_load %arg7[%swap3A_496] {strides = array<i32>} : memref<128xi32, #tpu.memory_space<vmem>>, vector<16xi32>,
        %swap3A_498 = vector.shape_cast %swap3A_497 : vector<16xi32> to vector<16xi32>
        %swap3A_499 = vector.shape_cast %and3A_495 : vector<16xi32> to vector<16xi32>
        tpu.vector_store %arg7[%swap3A_496], %swap3A_499 {strides = array<i32>} : memref<128xi32, #tpu.memory_space<vmem>>, vector<16xi32>,
        %dma_start3A_500 = arith.constant 0 : i32
        %dma_start3A_501 = arith.constant 0 : i32
        %dma_start3A_502 = tpu.memref_slice %arg2[%dma_start3A_500, %dma_start3A_501] : memref<10000x128xf32, #tpu.memory_space<hbm>> -> memref<10000x128xf32, #tpu.memory_space<hbm>>
        tpu.enqueue_indirect_dma source(%dma_start3A_502 : memref<10000x128xf32, #tpu.memory_space<hbm>>) target(%arg10 : memref<128x128xf32, #tpu.memory_space<vmem>>) offsets(%arg6 : memref<128xi32, #tpu.memory_space<vmem>>) semaphore(%arg13 : memref<!tpu.dma_semaphore, #tpu.memory_space<semaphore_mem>>)
      } else {
      }
      %dma_wait3A_351 = arith.constant 0 : i32
      %dma_wait3A_352 = arith.constant 0 : i32
      %dma_wait3A_353 = tpu.memref_slice %arg2[%dma_wait3A_351, %dma_wait3A_352] : memref<10000x128xf32, #tpu.memory_space<hbm>> -> memref<10000x128xf32, #tpu.memory_space<hbm>>
      tpu.wait_indirect_dma semaphore(%arg14 : memref<!tpu.dma_semaphore, #tpu.memory_space<semaphore_mem>>) src(%dma_wait3A_353 : memref<10000x128xf32, #tpu.memory_space<hbm>>) dst(%arg11 : memref<128x128xf32, #tpu.memory_space<vmem>>)
      "tpu.region"() ({
        %run_scoped3A = tpu.sem_alloc : memref<!tpu.dma_semaphore, #tpu.memory_space<semaphore_mem>>
        %dma_start3A_354 = arith.constant 0 : i32
        %dma_start3A_355 = arith.constant 0 : i32
        %dma_start3A_356 = tpu.memref_slice %arg12[%dma_start3A_354, %dma_start3A_355] : memref<10240x128xf32, #tpu.memory_space<vmem_shared>> -> memref<10240x128xf32, #tpu.memory_space<vmem_shared>>
        tpu.enqueue_indirect_dma source(%arg11 : memref<128x128xf32, #tpu.memory_space<vmem>>) target(%dma_start3A_356 : memref<10240x128xf32, #tpu.memory_space<vmem_shared>>) offsets(%arg9 : memref<128xi32, #tpu.memory_space<vmem>>) semaphore(%run_scoped3A : memref<!tpu.dma_semaphore, #tpu.memory_space<semaphore_mem>>) {add = true}
        %dma_wait3A_357 = arith.constant 0 : i32
        %dma_wait3A_358 = arith.constant 0 : i32
        %dma_wait3A_359 = tpu.memref_slice %arg12[%dma_wait3A_357, %dma_wait3A_358] : memref<10240x128xf32, #tpu.memory_space<vmem_shared>> -> memref<10240x128xf32, #tpu.memory_space<vmem_shared>>
        tpu.wait_indirect_dma semaphore(%run_scoped3A : memref<!tpu.dma_semaphore, #tpu.memory_space<semaphore_mem>>) src(%arg11 : memref<128x128xf32, #tpu.memory_space<vmem>>) dst(%dma_wait3A_359 : memref<10240x128xf32, #tpu.memory_space<vmem_shared>>)
        tpu.yield
      }) : () -> ()
    }
    %scan3A_184 = arith.constant 40 : i32
    %barrier3A_185 = arith.constant 0 : index
    tpu.barrier barrier_id(%barrier3A_185)
    %mul3A_186 = arith.constant 640 : i32
    %mul3A_187 = arith.muli %arg1, %mul3A_186 : i32
    %mul3A_188 = arith.constant 10240 : i32
    %mul3A_189 = arith.muli %arg0, %mul3A_188 : i32
    %mul3A_190 = arith.constant 640 : i32
    %mul3A_191 = arith.muli %arg1, %mul3A_190 : i32
    %add3A_192 = arith.addi %mul3A_189, %mul3A_191 : i32
    "tpu.region"() ({
      %run_scoped3A = tpu.sem_alloc : memref<!tpu.dma_semaphore, #tpu.memory_space<semaphore_mem>>
      %dma_start3A_193 = arith.constant 0 : i32
      %dma_start3A_194 = tpu.memref_slice %arg4[%add3A_192, %dma_start3A_193] : memref<20480x128xf32, #tpu.memory_space<hbm>> -> memref<640x128xf32, #tpu.memory_space<hbm>>
      %dma_start3A_195 = arith.constant 0 : i32
      %dma_start3A_196 = tpu.memref_slice %arg12[%mul3A_187, %dma_start3A_195] : memref<10240x128xf32, #tpu.memory_space<vmem_shared>> -> memref<640x128xf32, #tpu.memory_space<vmem_shared>>
      tpu.enqueue_dma source(%dma_start3A_196 : memref<640x128xf32, #tpu.memory_space<vmem_shared>>) target(%dma_start3A_194 : memref<640x128xf32, #tpu.memory_space<hbm>>) target_semaphore(%run_scoped3A : memref<!tpu.dma_semaphore, #tpu.memory_space<semaphore_mem>>)
      %dma_wait3A = arith.constant 0 : i32
      %dma_wait3A_197 = tpu.memref_slice %arg4[%add3A_192, %dma_wait3A] : memref<20480x128xf32, #tpu.memory_space<hbm>> -> memref<640x128xf32, #tpu.memory_space<hbm>>
      %dma_wait3A_198 = arith.constant 0 : i32
      %dma_wait3A_199 = tpu.memref_slice %arg12[%mul3A_187, %dma_wait3A_198] : memref<10240x128xf32, #tpu.memory_space<vmem_shared>> -> memref<640x128xf32, #tpu.memory_space<vmem_shared>>
      tpu.wait_dma2 semaphore(%run_scoped3A : memref<!tpu.dma_semaphore, #tpu.memory_space<semaphore_mem>>) src(%dma_wait3A_199 : memref<640x128xf32, #tpu.memory_space<vmem_shared>>) dst(%dma_wait3A_197 : memref<640x128xf32, #tpu.memory_space<hbm>>)
      tpu.yield
    }) : () -> ()
    return
  }
}

#map = affine_map<(d0, d1) -> (0, 0)>
module attributes {stable_mosaic.version = 14 : i64} {
  func.func @_agg_kernel(%arg0: i32, %arg1: i32, %arg2: memref<10000x128xf32, #tpu.memory_space<hbm>>, %arg3: memref<2560x128xi32, #tpu.memory_space<hbm>>, %arg4: memref<20480x128xf32, #tpu.memory_space<hbm>>, %arg5: memref<80x128xi32, #tpu.memory_space<vmem>>, %arg6: memref<128xi32, #tpu.memory_space<vmem>>, %arg7: memref<128xi32, #tpu.memory_space<vmem>>, %arg8: memref<128xi32, #tpu.memory_space<vmem>>, %arg9: memref<128xi32, #tpu.memory_space<vmem>>, %arg10: memref<128x128xf32, #tpu.memory_space<vmem>>, %arg11: memref<128x128xf32, #tpu.memory_space<vmem>>, %arg12: memref<10240x128xf32, #tpu.memory_space<vmem_shared>>, %arg13: memref<!tpu.dma_semaphore, #tpu.memory_space<semaphore_mem>>, %arg14: memref<!tpu.dma_semaphore, #tpu.memory_space<semaphore_mem>>) attributes {dimension_semantics = [#tpu.dimension_semantics<core_parallel>, #tpu.dimension_semantics<subcore_parallel>], iteration_bounds = array<i64: 2, 16>, scalar_prefetch = 0 : i64, scratch_operands = 10 : i64, tpu.core_type = #tpu.core_type<sc_vector_subcore>, window_params = [{transform_indices = #map}, {transform_indices = #map}, {transform_indices = #map}]} {
    %mul3A = arith.constant 16 : i32
    %mul3A_0 = arith.muli %arg0, %mul3A : i32
    %add3A = arith.addi %mul3A_0, %arg1 : i32
    %broadcast_in_dim3A = arith.constant 0.000000e+00 : f32
    %broadcast_in_dim3A_1 = vector.broadcast %broadcast_in_dim3A : f32 to vector<16xf32>
    %scan3A = arith.constant 0 : i32
    %scan3A_2 = arith.constant 0 : i32
    %scan3A_3 = arith.constant 128 : i32
    %scan3A_4 = arith.addi %scan3A_2, %scan3A_3 : i32
    %scan3A_5 = arith.constant 1 : i32
    scf.for %scan3A_193 = %scan3A_2 to %scan3A_4 step %scan3A_5  : i32 {
      %swap3A_194 = arith.index_cast %scan3A_193 : i32 to index
      %swap3A_195 = arith.constant 0 : index
      %swap3A_196 = tpu.vector_load %arg10[%swap3A_194, %swap3A_195] {strides = array<i32>} : memref<128x128xf32, #tpu.memory_space<vmem>>, vector<1x16xf32>,
      %swap3A_197 = vector.shape_cast %swap3A_196 : vector<1x16xf32> to vector<16xf32>
      %swap3A_198 = vector.shape_cast %broadcast_in_dim3A_1 : vector<16xf32> to vector<1x16xf32>
      tpu.vector_store %arg10[%swap3A_194, %swap3A_195], %swap3A_198 {strides = array<i32>} : memref<128x128xf32, #tpu.memory_space<vmem>>, vector<1x16xf32>,
      %swap3A_199 = arith.index_cast %scan3A_193 : i32 to index
      %swap3A_200 = arith.constant 16 : index
      %swap3A_201 = tpu.vector_load %arg10[%swap3A_199, %swap3A_200] {strides = array<i32>} : memref<128x128xf32, #tpu.memory_space<vmem>>, vector<1x16xf32>,
      %swap3A_202 = vector.shape_cast %swap3A_201 : vector<1x16xf32> to vector<16xf32>
      %swap3A_203 = vector.shape_cast %broadcast_in_dim3A_1 : vector<16xf32> to vector<1x16xf32>
      tpu.vector_store %arg10[%swap3A_199, %swap3A_200], %swap3A_203 {strides = array<i32>} : memref<128x128xf32, #tpu.memory_space<vmem>>, vector<1x16xf32>,
      %swap3A_204 = arith.index_cast %scan3A_193 : i32 to index
      %swap3A_205 = arith.constant 32 : index
      %swap3A_206 = tpu.vector_load %arg10[%swap3A_204, %swap3A_205] {strides = array<i32>} : memref<128x128xf32, #tpu.memory_space<vmem>>, vector<1x16xf32>,
      %swap3A_207 = vector.shape_cast %swap3A_206 : vector<1x16xf32> to vector<16xf32>
      %swap3A_208 = vector.shape_cast %broadcast_in_dim3A_1 : vector<16xf32> to vector<1x16xf32>
      tpu.vector_store %arg10[%swap3A_204, %swap3A_205], %swap3A_208 {strides = array<i32>} : memref<128x128xf32, #tpu.memory_space<vmem>>, vector<1x16xf32>,
      %swap3A_209 = arith.index_cast %scan3A_193 : i32 to index
      %swap3A_210 = arith.constant 48 : index
      %swap3A_211 = tpu.vector_load %arg10[%swap3A_209, %swap3A_210] {strides = array<i32>} : memref<128x128xf32, #tpu.memory_space<vmem>>, vector<1x16xf32>,
      %swap3A_212 = vector.shape_cast %swap3A_211 : vector<1x16xf32> to vector<16xf32>
      %swap3A_213 = vector.shape_cast %broadcast_in_dim3A_1 : vector<16xf32> to vector<1x16xf32>
      tpu.vector_store %arg10[%swap3A_209, %swap3A_210], %swap3A_213 {strides = array<i32>} : memref<128x128xf32, #tpu.memory_space<vmem>>, vector<1x16xf32>,
      %swap3A_214 = arith.index_cast %scan3A_193 : i32 to index
      %swap3A_215 = arith.constant 64 : index
      %swap3A_216 = tpu.vector_load %arg10[%swap3A_214, %swap3A_215] {strides = array<i32>} : memref<128x128xf32, #tpu.memory_space<vmem>>, vector<1x16xf32>,
      %swap3A_217 = vector.shape_cast %swap3A_216 : vector<1x16xf32> to vector<16xf32>
      %swap3A_218 = vector.shape_cast %broadcast_in_dim3A_1 : vector<16xf32> to vector<1x16xf32>
      tpu.vector_store %arg10[%swap3A_214, %swap3A_215], %swap3A_218 {strides = array<i32>} : memref<128x128xf32, #tpu.memory_space<vmem>>, vector<1x16xf32>,
      %swap3A_219 = arith.index_cast %scan3A_193 : i32 to index
      %swap3A_220 = arith.constant 80 : index
      %swap3A_221 = tpu.vector_load %arg10[%swap3A_219, %swap3A_220] {strides = array<i32>} : memref<128x128xf32, #tpu.memory_space<vmem>>, vector<1x16xf32>,
      %swap3A_222 = vector.shape_cast %swap3A_221 : vector<1x16xf32> to vector<16xf32>
      %swap3A_223 = vector.shape_cast %broadcast_in_dim3A_1 : vector<16xf32> to vector<1x16xf32>
      tpu.vector_store %arg10[%swap3A_219, %swap3A_220], %swap3A_223 {strides = array<i32>} : memref<128x128xf32, #tpu.memory_space<vmem>>, vector<1x16xf32>,
      %swap3A_224 = arith.index_cast %scan3A_193 : i32 to index
      %swap3A_225 = arith.constant 96 : index
      %swap3A_226 = tpu.vector_load %arg10[%swap3A_224, %swap3A_225] {strides = array<i32>} : memref<128x128xf32, #tpu.memory_space<vmem>>, vector<1x16xf32>,
      %swap3A_227 = vector.shape_cast %swap3A_226 : vector<1x16xf32> to vector<16xf32>
      %swap3A_228 = vector.shape_cast %broadcast_in_dim3A_1 : vector<16xf32> to vector<1x16xf32>
      tpu.vector_store %arg10[%swap3A_224, %swap3A_225], %swap3A_228 {strides = array<i32>} : memref<128x128xf32, #tpu.memory_space<vmem>>, vector<1x16xf32>,
      %swap3A_229 = arith.index_cast %scan3A_193 : i32 to index
      %swap3A_230 = arith.constant 112 : index
      %swap3A_231 = tpu.vector_load %arg10[%swap3A_229, %swap3A_230] {strides = array<i32>} : memref<128x128xf32, #tpu.memory_space<vmem>>, vector<1x16xf32>,
      %swap3A_232 = vector.shape_cast %swap3A_231 : vector<1x16xf32> to vector<16xf32>
      %swap3A_233 = vector.shape_cast %broadcast_in_dim3A_1 : vector<16xf32> to vector<1x16xf32>
      tpu.vector_store %arg10[%swap3A_229, %swap3A_230], %swap3A_233 {strides = array<i32>} : memref<128x128xf32, #tpu.memory_space<vmem>>, vector<1x16xf32>,
    }
    %scan3A_6 = arith.constant 128 : i32
    %mul3A_7 = arith.constant 640 : i32
    %mul3A_8 = arith.muli %arg1, %mul3A_7 : i32
    %add3A_9 = arith.constant 0 : i32
    %add3A_10 = arith.addi %mul3A_8, %add3A_9 : i32
    "tpu.region"() ({
      %run_scoped3A = tpu.sem_alloc : memref<!tpu.dma_semaphore, #tpu.memory_space<semaphore_mem>>
      %dma_start3A_193 = arith.constant 0 : i32
      %dma_start3A_194 = tpu.memref_slice %arg12[%add3A_10, %dma_start3A_193] : memref<10240x128xf32, #tpu.memory_space<vmem_shared>> -> memref<128x128xf32, #tpu.memory_space<vmem_shared>>
      %dma_start3A_195 = arith.constant 0 : i32
      %dma_start3A_196 = tpu.memref_slice %arg12[%add3A_10, %dma_start3A_195] : memref<10240x128xf32, #tpu.memory_space<vmem_shared>> -> memref<128x128xf32, #tpu.memory_space<vmem_shared>>
      tpu.enqueue_dma source(%arg10 : memref<128x128xf32, #tpu.memory_space<vmem>>) target(%dma_start3A_196 : memref<128x128xf32, #tpu.memory_space<vmem_shared>>) target_semaphore(%run_scoped3A : memref<!tpu.dma_semaphore, #tpu.memory_space<semaphore_mem>>)
      %dma_wait3A = arith.constant 0 : i32
      %dma_wait3A_197 = tpu.memref_slice %arg12[%add3A_10, %dma_wait3A] : memref<10240x128xf32, #tpu.memory_space<vmem_shared>> -> memref<128x128xf32, #tpu.memory_space<vmem_shared>>
      %dma_wait3A_198 = arith.constant 0 : i32
      %dma_wait3A_199 = tpu.memref_slice %arg12[%add3A_10, %dma_wait3A_198] : memref<10240x128xf32, #tpu.memory_space<vmem_shared>> -> memref<128x128xf32, #tpu.memory_space<vmem_shared>>
      tpu.wait_dma2 semaphore(%run_scoped3A : memref<!tpu.dma_semaphore, #tpu.memory_space<semaphore_mem>>) src(%arg10 : memref<128x128xf32, #tpu.memory_space<vmem>>) dst(%dma_wait3A_199 : memref<128x128xf32, #tpu.memory_space<vmem_shared>>)
      tpu.yield
    }) : () -> ()
    %mul3A_11 = arith.constant 640 : i32
    %mul3A_12 = arith.muli %arg1, %mul3A_11 : i32
    %add3A_13 = arith.constant 128 : i32
    %add3A_14 = arith.addi %mul3A_12, %add3A_13 : i32
    "tpu.region"() ({
      %run_scoped3A = tpu.sem_alloc : memref<!tpu.dma_semaphore, #tpu.memory_space<semaphore_mem>>
      %dma_start3A_193 = arith.constant 0 : i32
      %dma_start3A_194 = tpu.memref_slice %arg12[%add3A_14, %dma_start3A_193] : memref<10240x128xf32, #tpu.memory_space<vmem_shared>> -> memref<128x128xf32, #tpu.memory_space<vmem_shared>>
      %dma_start3A_195 = arith.constant 0 : i32
      %dma_start3A_196 = tpu.memref_slice %arg12[%add3A_14, %dma_start3A_195] : memref<10240x128xf32, #tpu.memory_space<vmem_shared>> -> memref<128x128xf32, #tpu.memory_space<vmem_shared>>
      tpu.enqueue_dma source(%arg10 : memref<128x128xf32, #tpu.memory_space<vmem>>) target(%dma_start3A_196 : memref<128x128xf32, #tpu.memory_space<vmem_shared>>) target_semaphore(%run_scoped3A : memref<!tpu.dma_semaphore, #tpu.memory_space<semaphore_mem>>)
      %dma_wait3A = arith.constant 0 : i32
      %dma_wait3A_197 = tpu.memref_slice %arg12[%add3A_14, %dma_wait3A] : memref<10240x128xf32, #tpu.memory_space<vmem_shared>> -> memref<128x128xf32, #tpu.memory_space<vmem_shared>>
      %dma_wait3A_198 = arith.constant 0 : i32
      %dma_wait3A_199 = tpu.memref_slice %arg12[%add3A_14, %dma_wait3A_198] : memref<10240x128xf32, #tpu.memory_space<vmem_shared>> -> memref<128x128xf32, #tpu.memory_space<vmem_shared>>
      tpu.wait_dma2 semaphore(%run_scoped3A : memref<!tpu.dma_semaphore, #tpu.memory_space<semaphore_mem>>) src(%arg10 : memref<128x128xf32, #tpu.memory_space<vmem>>) dst(%dma_wait3A_199 : memref<128x128xf32, #tpu.memory_space<vmem_shared>>)
      tpu.yield
    }) : () -> ()
    %mul3A_15 = arith.constant 640 : i32
    %mul3A_16 = arith.muli %arg1, %mul3A_15 : i32
    %add3A_17 = arith.constant 256 : i32
    %add3A_18 = arith.addi %mul3A_16, %add3A_17 : i32
    "tpu.region"() ({
      %run_scoped3A = tpu.sem_alloc : memref<!tpu.dma_semaphore, #tpu.memory_space<semaphore_mem>>
      %dma_start3A_193 = arith.constant 0 : i32
      %dma_start3A_194 = tpu.memref_slice %arg12[%add3A_18, %dma_start3A_193] : memref<10240x128xf32, #tpu.memory_space<vmem_shared>> -> memref<128x128xf32, #tpu.memory_space<vmem_shared>>
      %dma_start3A_195 = arith.constant 0 : i32
      %dma_start3A_196 = tpu.memref_slice %arg12[%add3A_18, %dma_start3A_195] : memref<10240x128xf32, #tpu.memory_space<vmem_shared>> -> memref<128x128xf32, #tpu.memory_space<vmem_shared>>
      tpu.enqueue_dma source(%arg10 : memref<128x128xf32, #tpu.memory_space<vmem>>) target(%dma_start3A_196 : memref<128x128xf32, #tpu.memory_space<vmem_shared>>) target_semaphore(%run_scoped3A : memref<!tpu.dma_semaphore, #tpu.memory_space<semaphore_mem>>)
      %dma_wait3A = arith.constant 0 : i32
      %dma_wait3A_197 = tpu.memref_slice %arg12[%add3A_18, %dma_wait3A] : memref<10240x128xf32, #tpu.memory_space<vmem_shared>> -> memref<128x128xf32, #tpu.memory_space<vmem_shared>>
      %dma_wait3A_198 = arith.constant 0 : i32
      %dma_wait3A_199 = tpu.memref_slice %arg12[%add3A_18, %dma_wait3A_198] : memref<10240x128xf32, #tpu.memory_space<vmem_shared>> -> memref<128x128xf32, #tpu.memory_space<vmem_shared>>
      tpu.wait_dma2 semaphore(%run_scoped3A : memref<!tpu.dma_semaphore, #tpu.memory_space<semaphore_mem>>) src(%arg10 : memref<128x128xf32, #tpu.memory_space<vmem>>) dst(%dma_wait3A_199 : memref<128x128xf32, #tpu.memory_space<vmem_shared>>)
      tpu.yield
    }) : () -> ()
    %mul3A_19 = arith.constant 640 : i32
    %mul3A_20 = arith.muli %arg1, %mul3A_19 : i32
    %add3A_21 = arith.constant 384 : i32
    %add3A_22 = arith.addi %mul3A_20, %add3A_21 : i32
    "tpu.region"() ({
      %run_scoped3A = tpu.sem_alloc : memref<!tpu.dma_semaphore, #tpu.memory_space<semaphore_mem>>
      %dma_start3A_193 = arith.constant 0 : i32
      %dma_start3A_194 = tpu.memref_slice %arg12[%add3A_22, %dma_start3A_193] : memref<10240x128xf32, #tpu.memory_space<vmem_shared>> -> memref<128x128xf32, #tpu.memory_space<vmem_shared>>
      %dma_start3A_195 = arith.constant 0 : i32
      %dma_start3A_196 = tpu.memref_slice %arg12[%add3A_22, %dma_start3A_195] : memref<10240x128xf32, #tpu.memory_space<vmem_shared>> -> memref<128x128xf32, #tpu.memory_space<vmem_shared>>
      tpu.enqueue_dma source(%arg10 : memref<128x128xf32, #tpu.memory_space<vmem>>) target(%dma_start3A_196 : memref<128x128xf32, #tpu.memory_space<vmem_shared>>) target_semaphore(%run_scoped3A : memref<!tpu.dma_semaphore, #tpu.memory_space<semaphore_mem>>)
      %dma_wait3A = arith.constant 0 : i32
      %dma_wait3A_197 = tpu.memref_slice %arg12[%add3A_22, %dma_wait3A] : memref<10240x128xf32, #tpu.memory_space<vmem_shared>> -> memref<128x128xf32, #tpu.memory_space<vmem_shared>>
      %dma_wait3A_198 = arith.constant 0 : i32
      %dma_wait3A_199 = tpu.memref_slice %arg12[%add3A_22, %dma_wait3A_198] : memref<10240x128xf32, #tpu.memory_space<vmem_shared>> -> memref<128x128xf32, #tpu.memory_space<vmem_shared>>
      tpu.wait_dma2 semaphore(%run_scoped3A : memref<!tpu.dma_semaphore, #tpu.memory_space<semaphore_mem>>) src(%arg10 : memref<128x128xf32, #tpu.memory_space<vmem>>) dst(%dma_wait3A_199 : memref<128x128xf32, #tpu.memory_space<vmem_shared>>)
      tpu.yield
    }) : () -> ()
    %mul3A_23 = arith.constant 640 : i32
    %mul3A_24 = arith.muli %arg1, %mul3A_23 : i32
    %add3A_25 = arith.constant 512 : i32
    %add3A_26 = arith.addi %mul3A_24, %add3A_25 : i32
    "tpu.region"() ({
      %run_scoped3A = tpu.sem_alloc : memref<!tpu.dma_semaphore, #tpu.memory_space<semaphore_mem>>
      %dma_start3A_193 = arith.constant 0 : i32
      %dma_start3A_194 = tpu.memref_slice %arg12[%add3A_26, %dma_start3A_193] : memref<10240x128xf32, #tpu.memory_space<vmem_shared>> -> memref<128x128xf32, #tpu.memory_space<vmem_shared>>
      %dma_start3A_195 = arith.constant 0 : i32
      %dma_start3A_196 = tpu.memref_slice %arg12[%add3A_26, %dma_start3A_195] : memref<10240x128xf32, #tpu.memory_space<vmem_shared>> -> memref<128x128xf32, #tpu.memory_space<vmem_shared>>
      tpu.enqueue_dma source(%arg10 : memref<128x128xf32, #tpu.memory_space<vmem>>) target(%dma_start3A_196 : memref<128x128xf32, #tpu.memory_space<vmem_shared>>) target_semaphore(%run_scoped3A : memref<!tpu.dma_semaphore, #tpu.memory_space<semaphore_mem>>)
      %dma_wait3A = arith.constant 0 : i32
      %dma_wait3A_197 = tpu.memref_slice %arg12[%add3A_26, %dma_wait3A] : memref<10240x128xf32, #tpu.memory_space<vmem_shared>> -> memref<128x128xf32, #tpu.memory_space<vmem_shared>>
      %dma_wait3A_198 = arith.constant 0 : i32
      %dma_wait3A_199 = tpu.memref_slice %arg12[%add3A_26, %dma_wait3A_198] : memref<10240x128xf32, #tpu.memory_space<vmem_shared>> -> memref<128x128xf32, #tpu.memory_space<vmem_shared>>
      tpu.wait_dma2 semaphore(%run_scoped3A : memref<!tpu.dma_semaphore, #tpu.memory_space<semaphore_mem>>) src(%arg10 : memref<128x128xf32, #tpu.memory_space<vmem>>) dst(%dma_wait3A_199 : memref<128x128xf32, #tpu.memory_space<vmem_shared>>)
      tpu.yield
    }) : () -> ()
    %mul3A_27 = arith.constant 80 : i32
    %mul3A_28 = arith.muli %add3A, %mul3A_27 : i32
    "tpu.region"() ({
      %run_scoped3A = tpu.sem_alloc : memref<!tpu.dma_semaphore, #tpu.memory_space<semaphore_mem>>
      %dma_start3A_193 = arith.constant 0 : i32
      %dma_start3A_194 = tpu.memref_slice %arg3[%mul3A_28, %dma_start3A_193] : memref<2560x128xi32, #tpu.memory_space<hbm>> -> memref<80x128xi32, #tpu.memory_space<hbm>>
      %dma_start3A_195 = arith.constant 0 : i32
      %dma_start3A_196 = tpu.memref_slice %arg3[%mul3A_28, %dma_start3A_195] : memref<2560x128xi32, #tpu.memory_space<hbm>> -> memref<80x128xi32, #tpu.memory_space<hbm>>
      tpu.enqueue_dma source(%dma_start3A_196 : memref<80x128xi32, #tpu.memory_space<hbm>>) target(%arg5 : memref<80x128xi32, #tpu.memory_space<vmem>>) target_semaphore(%run_scoped3A : memref<!tpu.dma_semaphore, #tpu.memory_space<semaphore_mem>>)
      %dma_wait3A = arith.constant 0 : i32
      %dma_wait3A_197 = tpu.memref_slice %arg3[%mul3A_28, %dma_wait3A] : memref<2560x128xi32, #tpu.memory_space<hbm>> -> memref<80x128xi32, #tpu.memory_space<hbm>>
      %dma_wait3A_198 = arith.constant 0 : i32
      %dma_wait3A_199 = tpu.memref_slice %arg3[%mul3A_28, %dma_wait3A_198] : memref<2560x128xi32, #tpu.memory_space<hbm>> -> memref<80x128xi32, #tpu.memory_space<hbm>>
      tpu.wait_dma2 semaphore(%run_scoped3A : memref<!tpu.dma_semaphore, #tpu.memory_space<semaphore_mem>>) src(%dma_wait3A_199 : memref<80x128xi32, #tpu.memory_space<hbm>>) dst(%arg5 : memref<80x128xi32, #tpu.memory_space<vmem>>)
      tpu.yield
    }) : () -> ()
    %barrier3A = arith.constant 0 : index
    tpu.barrier barrier_id(%barrier3A)
    %get3A = arith.constant 0 : i32
    %get3A_29 = arith.index_cast %get3A : i32 to index
    %get3A_30 = arith.constant 0 : index
    %get3A_31 = tpu.vector_load %arg5[%get3A_29, %get3A_30] {strides = array<i32>} : memref<80x128xi32, #tpu.memory_space<vmem>>, vector<1x16xi32>,
    %get3A_32 = vector.shape_cast %get3A_31 : vector<1x16xi32> to vector<16xi32>
    %shift_right_arithmetic3A = arith.constant 14 : i32
    %shift_right_arithmetic3A_33 = vector.broadcast %shift_right_arithmetic3A : i32 to vector<16xi32>
    %shift_right_arithmetic3A_34 = arith.shrsi %get3A_32, %shift_right_arithmetic3A_33 : vector<16xi32>
    %swap3A = arith.constant 0 : index
    %swap3A_35 = tpu.vector_load %arg6[%swap3A] {strides = array<i32>} : memref<128xi32, #tpu.memory_space<vmem>>, vector<16xi32>,
    %swap3A_36 = vector.shape_cast %swap3A_35 : vector<16xi32> to vector<16xi32>
    %swap3A_37 = vector.shape_cast %shift_right_arithmetic3A_34 : vector<16xi32> to vector<16xi32>
    tpu.vector_store %arg6[%swap3A], %swap3A_37 {strides = array<i32>} : memref<128xi32, #tpu.memory_space<vmem>>, vector<16xi32>,
    %and3A = arith.constant 16383 : i32
    %and3A_38 = vector.broadcast %and3A : i32 to vector<16xi32>
    %and3A_39 = arith.andi %get3A_32, %and3A_38 : vector<16xi32>
    %swap3A_40 = arith.constant 0 : index
    %swap3A_41 = tpu.vector_load %arg7[%swap3A_40] {strides = array<i32>} : memref<128xi32, #tpu.memory_space<vmem>>, vector<16xi32>,
    %swap3A_42 = vector.shape_cast %swap3A_41 : vector<16xi32> to vector<16xi32>
    %swap3A_43 = vector.shape_cast %and3A_39 : vector<16xi32> to vector<16xi32>
    tpu.vector_store %arg7[%swap3A_40], %swap3A_43 {strides = array<i32>} : memref<128xi32, #tpu.memory_space<vmem>>, vector<16xi32>,
    %get3A_44 = arith.constant 0 : i32
    %get3A_45 = arith.index_cast %get3A_44 : i32 to index
    %get3A_46 = arith.constant 16 : index
    %get3A_47 = tpu.vector_load %arg5[%get3A_45, %get3A_46] {strides = array<i32>} : memref<80x128xi32, #tpu.memory_space<vmem>>, vector<1x16xi32>,
    %get3A_48 = vector.shape_cast %get3A_47 : vector<1x16xi32> to vector<16xi32>
    %shift_right_arithmetic3A_49 = arith.constant 14 : i32
    %shift_right_arithmetic3A_50 = vector.broadcast %shift_right_arithmetic3A_49 : i32 to vector<16xi32>
    %shift_right_arithmetic3A_51 = arith.shrsi %get3A_48, %shift_right_arithmetic3A_50 : vector<16xi32>
    %swap3A_52 = arith.constant 16 : index
    %swap3A_53 = tpu.vector_load %arg6[%swap3A_52] {strides = array<i32>} : memref<128xi32, #tpu.memory_space<vmem>>, vector<16xi32>,
    %swap3A_54 = vector.shape_cast %swap3A_53 : vector<16xi32> to vector<16xi32>
    %swap3A_55 = vector.shape_cast %shift_right_arithmetic3A_51 : vector<16xi32> to vector<16xi32>
    tpu.vector_store %arg6[%swap3A_52], %swap3A_55 {strides = array<i32>} : memref<128xi32, #tpu.memory_space<vmem>>, vector<16xi32>,
    %and3A_56 = arith.constant 16383 : i32
    %and3A_57 = vector.broadcast %and3A_56 : i32 to vector<16xi32>
    %and3A_58 = arith.andi %get3A_48, %and3A_57 : vector<16xi32>
    %swap3A_59 = arith.constant 16 : index
    %swap3A_60 = tpu.vector_load %arg7[%swap3A_59] {strides = array<i32>} : memref<128xi32, #tpu.memory_space<vmem>>, vector<16xi32>,
    %swap3A_61 = vector.shape_cast %swap3A_60 : vector<16xi32> to vector<16xi32>
    %swap3A_62 = vector.shape_cast %and3A_58 : vector<16xi32> to vector<16xi32>
    tpu.vector_store %arg7[%swap3A_59], %swap3A_62 {strides = array<i32>} : memref<128xi32, #tpu.memory_space<vmem>>, vector<16xi32>,
    %get3A_63 = arith.constant 0 : i32
    %get3A_64 = arith.index_cast %get3A_63 : i32 to index
    %get3A_65 = arith.constant 32 : index
    %get3A_66 = tpu.vector_load %arg5[%get3A_64, %get3A_65] {strides = array<i32>} : memref<80x128xi32, #tpu.memory_space<vmem>>, vector<1x16xi32>,
    %get3A_67 = vector.shape_cast %get3A_66 : vector<1x16xi32> to vector<16xi32>
    %shift_right_arithmetic3A_68 = arith.constant 14 : i32
    %shift_right_arithmetic3A_69 = vector.broadcast %shift_right_arithmetic3A_68 : i32 to vector<16xi32>
    %shift_right_arithmetic3A_70 = arith.shrsi %get3A_67, %shift_right_arithmetic3A_69 : vector<16xi32>
    %swap3A_71 = arith.constant 32 : index
    %swap3A_72 = tpu.vector_load %arg6[%swap3A_71] {strides = array<i32>} : memref<128xi32, #tpu.memory_space<vmem>>, vector<16xi32>,
    %swap3A_73 = vector.shape_cast %swap3A_72 : vector<16xi32> to vector<16xi32>
    %swap3A_74 = vector.shape_cast %shift_right_arithmetic3A_70 : vector<16xi32> to vector<16xi32>
    tpu.vector_store %arg6[%swap3A_71], %swap3A_74 {strides = array<i32>} : memref<128xi32, #tpu.memory_space<vmem>>, vector<16xi32>,
    %and3A_75 = arith.constant 16383 : i32
    %and3A_76 = vector.broadcast %and3A_75 : i32 to vector<16xi32>
    %and3A_77 = arith.andi %get3A_67, %and3A_76 : vector<16xi32>
    %swap3A_78 = arith.constant 32 : index
    %swap3A_79 = tpu.vector_load %arg7[%swap3A_78] {strides = array<i32>} : memref<128xi32, #tpu.memory_space<vmem>>, vector<16xi32>,
    %swap3A_80 = vector.shape_cast %swap3A_79 : vector<16xi32> to vector<16xi32>
    %swap3A_81 = vector.shape_cast %and3A_77 : vector<16xi32> to vector<16xi32>
    tpu.vector_store %arg7[%swap3A_78], %swap3A_81 {strides = array<i32>} : memref<128xi32, #tpu.memory_space<vmem>>, vector<16xi32>,
    %get3A_82 = arith.constant 0 : i32
    %get3A_83 = arith.index_cast %get3A_82 : i32 to index
    %get3A_84 = arith.constant 48 : index
    %get3A_85 = tpu.vector_load %arg5[%get3A_83, %get3A_84] {strides = array<i32>} : memref<80x128xi32, #tpu.memory_space<vmem>>, vector<1x16xi32>,
    %get3A_86 = vector.shape_cast %get3A_85 : vector<1x16xi32> to vector<16xi32>
    %shift_right_arithmetic3A_87 = arith.constant 14 : i32
    %shift_right_arithmetic3A_88 = vector.broadcast %shift_right_arithmetic3A_87 : i32 to vector<16xi32>
    %shift_right_arithmetic3A_89 = arith.shrsi %get3A_86, %shift_right_arithmetic3A_88 : vector<16xi32>
    %swap3A_90 = arith.constant 48 : index
    %swap3A_91 = tpu.vector_load %arg6[%swap3A_90] {strides = array<i32>} : memref<128xi32, #tpu.memory_space<vmem>>, vector<16xi32>,
    %swap3A_92 = vector.shape_cast %swap3A_91 : vector<16xi32> to vector<16xi32>
    %swap3A_93 = vector.shape_cast %shift_right_arithmetic3A_89 : vector<16xi32> to vector<16xi32>
    tpu.vector_store %arg6[%swap3A_90], %swap3A_93 {strides = array<i32>} : memref<128xi32, #tpu.memory_space<vmem>>, vector<16xi32>,
    %and3A_94 = arith.constant 16383 : i32
    %and3A_95 = vector.broadcast %and3A_94 : i32 to vector<16xi32>
    %and3A_96 = arith.andi %get3A_86, %and3A_95 : vector<16xi32>
    %swap3A_97 = arith.constant 48 : index
    %swap3A_98 = tpu.vector_load %arg7[%swap3A_97] {strides = array<i32>} : memref<128xi32, #tpu.memory_space<vmem>>, vector<16xi32>,
    %swap3A_99 = vector.shape_cast %swap3A_98 : vector<16xi32> to vector<16xi32>
    %swap3A_100 = vector.shape_cast %and3A_96 : vector<16xi32> to vector<16xi32>
    tpu.vector_store %arg7[%swap3A_97], %swap3A_100 {strides = array<i32>} : memref<128xi32, #tpu.memory_space<vmem>>, vector<16xi32>,
    %get3A_101 = arith.constant 0 : i32
    %get3A_102 = arith.index_cast %get3A_101 : i32 to index
    %get3A_103 = arith.constant 64 : index
    %get3A_104 = tpu.vector_load %arg5[%get3A_102, %get3A_103] {strides = array<i32>} : memref<80x128xi32, #tpu.memory_space<vmem>>, vector<1x16xi32>,
    %get3A_105 = vector.shape_cast %get3A_104 : vector<1x16xi32> to vector<16xi32>
    %shift_right_arithmetic3A_106 = arith.constant 14 : i32
    %shift_right_arithmetic3A_107 = vector.broadcast %shift_right_arithmetic3A_106 : i32 to vector<16xi32>
    %shift_right_arithmetic3A_108 = arith.shrsi %get3A_105, %shift_right_arithmetic3A_107 : vector<16xi32>
    %swap3A_109 = arith.constant 64 : index
    %swap3A_110 = tpu.vector_load %arg6[%swap3A_109] {strides = array<i32>} : memref<128xi32, #tpu.memory_space<vmem>>, vector<16xi32>,
    %swap3A_111 = vector.shape_cast %swap3A_110 : vector<16xi32> to vector<16xi32>
    %swap3A_112 = vector.shape_cast %shift_right_arithmetic3A_108 : vector<16xi32> to vector<16xi32>
    tpu.vector_store %arg6[%swap3A_109], %swap3A_112 {strides = array<i32>} : memref<128xi32, #tpu.memory_space<vmem>>, vector<16xi32>,
    %and3A_113 = arith.constant 16383 : i32
    %and3A_114 = vector.broadcast %and3A_113 : i32 to vector<16xi32>
    %and3A_115 = arith.andi %get3A_105, %and3A_114 : vector<16xi32>
    %swap3A_116 = arith.constant 64 : index
    %swap3A_117 = tpu.vector_load %arg7[%swap3A_116] {strides = array<i32>} : memref<128xi32, #tpu.memory_space<vmem>>, vector<16xi32>,
    %swap3A_118 = vector.shape_cast %swap3A_117 : vector<16xi32> to vector<16xi32>
    %swap3A_119 = vector.shape_cast %and3A_115 : vector<16xi32> to vector<16xi32>
    tpu.vector_store %arg7[%swap3A_116], %swap3A_119 {strides = array<i32>} : memref<128xi32, #tpu.memory_space<vmem>>, vector<16xi32>,
    %get3A_120 = arith.constant 0 : i32
    %get3A_121 = arith.index_cast %get3A_120 : i32 to index
    %get3A_122 = arith.constant 80 : index
    %get3A_123 = tpu.vector_load %arg5[%get3A_121, %get3A_122] {strides = array<i32>} : memref<80x128xi32, #tpu.memory_space<vmem>>, vector<1x16xi32>,
    %get3A_124 = vector.shape_cast %get3A_123 : vector<1x16xi32> to vector<16xi32>
    %shift_right_arithmetic3A_125 = arith.constant 14 : i32
    %shift_right_arithmetic3A_126 = vector.broadcast %shift_right_arithmetic3A_125 : i32 to vector<16xi32>
    %shift_right_arithmetic3A_127 = arith.shrsi %get3A_124, %shift_right_arithmetic3A_126 : vector<16xi32>
    %swap3A_128 = arith.constant 80 : index
    %swap3A_129 = tpu.vector_load %arg6[%swap3A_128] {strides = array<i32>} : memref<128xi32, #tpu.memory_space<vmem>>, vector<16xi32>,
    %swap3A_130 = vector.shape_cast %swap3A_129 : vector<16xi32> to vector<16xi32>
    %swap3A_131 = vector.shape_cast %shift_right_arithmetic3A_127 : vector<16xi32> to vector<16xi32>
    tpu.vector_store %arg6[%swap3A_128], %swap3A_131 {strides = array<i32>} : memref<128xi32, #tpu.memory_space<vmem>>, vector<16xi32>,
    %and3A_132 = arith.constant 16383 : i32
    %and3A_133 = vector.broadcast %and3A_132 : i32 to vector<16xi32>
    %and3A_134 = arith.andi %get3A_124, %and3A_133 : vector<16xi32>
    %swap3A_135 = arith.constant 80 : index
    %swap3A_136 = tpu.vector_load %arg7[%swap3A_135] {strides = array<i32>} : memref<128xi32, #tpu.memory_space<vmem>>, vector<16xi32>,
    %swap3A_137 = vector.shape_cast %swap3A_136 : vector<16xi32> to vector<16xi32>
    %swap3A_138 = vector.shape_cast %and3A_134 : vector<16xi32> to vector<16xi32>
    tpu.vector_store %arg7[%swap3A_135], %swap3A_138 {strides = array<i32>} : memref<128xi32, #tpu.memory_space<vmem>>, vector<16xi32>,
    %get3A_139 = arith.constant 0 : i32
    %get3A_140 = arith.index_cast %get3A_139 : i32 to index
    %get3A_141 = arith.constant 96 : index
    %get3A_142 = tpu.vector_load %arg5[%get3A_140, %get3A_141] {strides = array<i32>} : memref<80x128xi32, #tpu.memory_space<vmem>>, vector<1x16xi32>,
    %get3A_143 = vector.shape_cast %get3A_142 : vector<1x16xi32> to vector<16xi32>
    %shift_right_arithmetic3A_144 = arith.constant 14 : i32
    %shift_right_arithmetic3A_145 = vector.broadcast %shift_right_arithmetic3A_144 : i32 to vector<16xi32>
    %shift_right_arithmetic3A_146 = arith.shrsi %get3A_143, %shift_right_arithmetic3A_145 : vector<16xi32>
    %swap3A_147 = arith.constant 96 : index
    %swap3A_148 = tpu.vector_load %arg6[%swap3A_147] {strides = array<i32>} : memref<128xi32, #tpu.memory_space<vmem>>, vector<16xi32>,
    %swap3A_149 = vector.shape_cast %swap3A_148 : vector<16xi32> to vector<16xi32>
    %swap3A_150 = vector.shape_cast %shift_right_arithmetic3A_146 : vector<16xi32> to vector<16xi32>
    tpu.vector_store %arg6[%swap3A_147], %swap3A_150 {strides = array<i32>} : memref<128xi32, #tpu.memory_space<vmem>>, vector<16xi32>,
    %and3A_151 = arith.constant 16383 : i32
    %and3A_152 = vector.broadcast %and3A_151 : i32 to vector<16xi32>
    %and3A_153 = arith.andi %get3A_143, %and3A_152 : vector<16xi32>
    %swap3A_154 = arith.constant 96 : index
    %swap3A_155 = tpu.vector_load %arg7[%swap3A_154] {strides = array<i32>} : memref<128xi32, #tpu.memory_space<vmem>>, vector<16xi32>,
    %swap3A_156 = vector.shape_cast %swap3A_155 : vector<16xi32> to vector<16xi32>
    %swap3A_157 = vector.shape_cast %and3A_153 : vector<16xi32> to vector<16xi32>
    tpu.vector_store %arg7[%swap3A_154], %swap3A_157 {strides = array<i32>} : memref<128xi32, #tpu.memory_space<vmem>>, vector<16xi32>,
    %get3A_158 = arith.constant 0 : i32
    %get3A_159 = arith.index_cast %get3A_158 : i32 to index
    %get3A_160 = arith.constant 112 : index
    %get3A_161 = tpu.vector_load %arg5[%get3A_159, %get3A_160] {strides = array<i32>} : memref<80x128xi32, #tpu.memory_space<vmem>>, vector<1x16xi32>,
    %get3A_162 = vector.shape_cast %get3A_161 : vector<1x16xi32> to vector<16xi32>
    %shift_right_arithmetic3A_163 = arith.constant 14 : i32
    %shift_right_arithmetic3A_164 = vector.broadcast %shift_right_arithmetic3A_163 : i32 to vector<16xi32>
    %shift_right_arithmetic3A_165 = arith.shrsi %get3A_162, %shift_right_arithmetic3A_164 : vector<16xi32>
    %swap3A_166 = arith.constant 112 : index
    %swap3A_167 = tpu.vector_load %arg6[%swap3A_166] {strides = array<i32>} : memref<128xi32, #tpu.memory_space<vmem>>, vector<16xi32>,
    %swap3A_168 = vector.shape_cast %swap3A_167 : vector<16xi32> to vector<16xi32>
    %swap3A_169 = vector.shape_cast %shift_right_arithmetic3A_165 : vector<16xi32> to vector<16xi32>
    tpu.vector_store %arg6[%swap3A_166], %swap3A_169 {strides = array<i32>} : memref<128xi32, #tpu.memory_space<vmem>>, vector<16xi32>,
    %and3A_170 = arith.constant 16383 : i32
    %and3A_171 = vector.broadcast %and3A_170 : i32 to vector<16xi32>
    %and3A_172 = arith.andi %get3A_162, %and3A_171 : vector<16xi32>
    %swap3A_173 = arith.constant 112 : index
    %swap3A_174 = tpu.vector_load %arg7[%swap3A_173] {strides = array<i32>} : memref<128xi32, #tpu.memory_space<vmem>>, vector<16xi32>,
    %swap3A_175 = vector.shape_cast %swap3A_174 : vector<16xi32> to vector<16xi32>
    %swap3A_176 = vector.shape_cast %and3A_172 : vector<16xi32> to vector<16xi32>
    tpu.vector_store %arg7[%swap3A_173], %swap3A_176 {strides = array<i32>} : memref<128xi32, #tpu.memory_space<vmem>>, vector<16xi32>,
    %dma_start3A = arith.constant 0 : i32
    %dma_start3A_177 = arith.constant 0 : i32
    %dma_start3A_178 = tpu.memref_slice %arg2[%dma_start3A, %dma_start3A_177] : memref<10000x128xf32, #tpu.memory_space<hbm>> -> memref<10000x128xf32, #tpu.memory_space<hbm>>
    tpu.enqueue_indirect_dma source(%dma_start3A_178 : memref<10000x128xf32, #tpu.memory_space<hbm>>) target(%arg10 : memref<128x128xf32, #tpu.memory_space<vmem>>) offsets(%arg6 : memref<128xi32, #tpu.memory_space<vmem>>) semaphore(%arg13 : memref<!tpu.dma_semaphore, #tpu.memory_space<semaphore_mem>>)
    %scan3A_179 = arith.constant 0 : i32
    %scan3A_180 = arith.constant 0 : i32
    %scan3A_181 = arith.constant 40 : i32
    %scan3A_182 = arith.addi %scan3A_180, %scan3A_181 : i32
    %scan3A_183 = arith.constant 1 : i32
    scf.for %scan3A_193 = %scan3A_180 to %scan3A_182 step %scan3A_183  : i32 {
      %mul3A_194 = arith.constant 2 : i32
      %mul3A_195 = arith.muli %scan3A_193, %mul3A_194 : i32
      %add3A_196 = arith.constant 1 : i32
      %add3A_197 = arith.addi %mul3A_195, %add3A_196 : i32
      %get3A_198 = arith.index_cast %add3A_197 : i32 to index
      %get3A_199 = arith.constant 0 : index
      %get3A_200 = tpu.vector_load %arg5[%get3A_198, %get3A_199] {strides = array<i32>} : memref<80x128xi32, #tpu.memory_space<vmem>>, vector<1x16xi32>,
      %get3A_201 = vector.shape_cast %get3A_200 : vector<1x16xi32> to vector<16xi32>
      %shift_right_arithmetic3A_202 = arith.constant 14 : i32
      %shift_right_arithmetic3A_203 = vector.broadcast %shift_right_arithmetic3A_202 : i32 to vector<16xi32>
      %shift_right_arithmetic3A_204 = arith.shrsi %get3A_201, %shift_right_arithmetic3A_203 : vector<16xi32>
      %swap3A_205 = arith.constant 0 : index
      %swap3A_206 = tpu.vector_load %arg8[%swap3A_205] {strides = array<i32>} : memref<128xi32, #tpu.memory_space<vmem>>, vector<16xi32>,
      %swap3A_207 = vector.shape_cast %swap3A_206 : vector<16xi32> to vector<16xi32>
      %swap3A_208 = vector.shape_cast %shift_right_arithmetic3A_204 : vector<16xi32> to vector<16xi32>
      tpu.vector_store %arg8[%swap3A_205], %swap3A_208 {strides = array<i32>} : memref<128xi32, #tpu.memory_space<vmem>>, vector<16xi32>,
      %and3A_209 = arith.constant 16383 : i32
      %and3A_210 = vector.broadcast %and3A_209 : i32 to vector<16xi32>
      %and3A_211 = arith.andi %get3A_201, %and3A_210 : vector<16xi32>
      %swap3A_212 = arith.constant 0 : index
      %swap3A_213 = tpu.vector_load %arg9[%swap3A_212] {strides = array<i32>} : memref<128xi32, #tpu.memory_space<vmem>>, vector<16xi32>,
      %swap3A_214 = vector.shape_cast %swap3A_213 : vector<16xi32> to vector<16xi32>
      %swap3A_215 = vector.shape_cast %and3A_211 : vector<16xi32> to vector<16xi32>
      tpu.vector_store %arg9[%swap3A_212], %swap3A_215 {strides = array<i32>} : memref<128xi32, #tpu.memory_space<vmem>>, vector<16xi32>,
      %get3A_216 = arith.index_cast %add3A_197 : i32 to index
      %get3A_217 = arith.constant 16 : index
      %get3A_218 = tpu.vector_load %arg5[%get3A_216, %get3A_217] {strides = array<i32>} : memref<80x128xi32, #tpu.memory_space<vmem>>, vector<1x16xi32>,
      %get3A_219 = vector.shape_cast %get3A_218 : vector<1x16xi32> to vector<16xi32>
      %shift_right_arithmetic3A_220 = arith.constant 14 : i32
      %shift_right_arithmetic3A_221 = vector.broadcast %shift_right_arithmetic3A_220 : i32 to vector<16xi32>
      %shift_right_arithmetic3A_222 = arith.shrsi %get3A_219, %shift_right_arithmetic3A_221 : vector<16xi32>
      %swap3A_223 = arith.constant 16 : index
      %swap3A_224 = tpu.vector_load %arg8[%swap3A_223] {strides = array<i32>} : memref<128xi32, #tpu.memory_space<vmem>>, vector<16xi32>,
      %swap3A_225 = vector.shape_cast %swap3A_224 : vector<16xi32> to vector<16xi32>
      %swap3A_226 = vector.shape_cast %shift_right_arithmetic3A_222 : vector<16xi32> to vector<16xi32>
      tpu.vector_store %arg8[%swap3A_223], %swap3A_226 {strides = array<i32>} : memref<128xi32, #tpu.memory_space<vmem>>, vector<16xi32>,
      %and3A_227 = arith.constant 16383 : i32
      %and3A_228 = vector.broadcast %and3A_227 : i32 to vector<16xi32>
      %and3A_229 = arith.andi %get3A_219, %and3A_228 : vector<16xi32>
      %swap3A_230 = arith.constant 16 : index
      %swap3A_231 = tpu.vector_load %arg9[%swap3A_230] {strides = array<i32>} : memref<128xi32, #tpu.memory_space<vmem>>, vector<16xi32>,
      %swap3A_232 = vector.shape_cast %swap3A_231 : vector<16xi32> to vector<16xi32>
      %swap3A_233 = vector.shape_cast %and3A_229 : vector<16xi32> to vector<16xi32>
      tpu.vector_store %arg9[%swap3A_230], %swap3A_233 {strides = array<i32>} : memref<128xi32, #tpu.memory_space<vmem>>, vector<16xi32>,
      %get3A_234 = arith.index_cast %add3A_197 : i32 to index
      %get3A_235 = arith.constant 32 : index
      %get3A_236 = tpu.vector_load %arg5[%get3A_234, %get3A_235] {strides = array<i32>} : memref<80x128xi32, #tpu.memory_space<vmem>>, vector<1x16xi32>,
      %get3A_237 = vector.shape_cast %get3A_236 : vector<1x16xi32> to vector<16xi32>
      %shift_right_arithmetic3A_238 = arith.constant 14 : i32
      %shift_right_arithmetic3A_239 = vector.broadcast %shift_right_arithmetic3A_238 : i32 to vector<16xi32>
      %shift_right_arithmetic3A_240 = arith.shrsi %get3A_237, %shift_right_arithmetic3A_239 : vector<16xi32>
      %swap3A_241 = arith.constant 32 : index
      %swap3A_242 = tpu.vector_load %arg8[%swap3A_241] {strides = array<i32>} : memref<128xi32, #tpu.memory_space<vmem>>, vector<16xi32>,
      %swap3A_243 = vector.shape_cast %swap3A_242 : vector<16xi32> to vector<16xi32>
      %swap3A_244 = vector.shape_cast %shift_right_arithmetic3A_240 : vector<16xi32> to vector<16xi32>
      tpu.vector_store %arg8[%swap3A_241], %swap3A_244 {strides = array<i32>} : memref<128xi32, #tpu.memory_space<vmem>>, vector<16xi32>,
      %and3A_245 = arith.constant 16383 : i32
      %and3A_246 = vector.broadcast %and3A_245 : i32 to vector<16xi32>
      %and3A_247 = arith.andi %get3A_237, %and3A_246 : vector<16xi32>
      %swap3A_248 = arith.constant 32 : index
      %swap3A_249 = tpu.vector_load %arg9[%swap3A_248] {strides = array<i32>} : memref<128xi32, #tpu.memory_space<vmem>>, vector<16xi32>,
      %swap3A_250 = vector.shape_cast %swap3A_249 : vector<16xi32> to vector<16xi32>
      %swap3A_251 = vector.shape_cast %and3A_247 : vector<16xi32> to vector<16xi32>
      tpu.vector_store %arg9[%swap3A_248], %swap3A_251 {strides = array<i32>} : memref<128xi32, #tpu.memory_space<vmem>>, vector<16xi32>,
      %get3A_252 = arith.index_cast %add3A_197 : i32 to index
      %get3A_253 = arith.constant 48 : index
      %get3A_254 = tpu.vector_load %arg5[%get3A_252, %get3A_253] {strides = array<i32>} : memref<80x128xi32, #tpu.memory_space<vmem>>, vector<1x16xi32>,
      %get3A_255 = vector.shape_cast %get3A_254 : vector<1x16xi32> to vector<16xi32>
      %shift_right_arithmetic3A_256 = arith.constant 14 : i32
      %shift_right_arithmetic3A_257 = vector.broadcast %shift_right_arithmetic3A_256 : i32 to vector<16xi32>
      %shift_right_arithmetic3A_258 = arith.shrsi %get3A_255, %shift_right_arithmetic3A_257 : vector<16xi32>
      %swap3A_259 = arith.constant 48 : index
      %swap3A_260 = tpu.vector_load %arg8[%swap3A_259] {strides = array<i32>} : memref<128xi32, #tpu.memory_space<vmem>>, vector<16xi32>,
      %swap3A_261 = vector.shape_cast %swap3A_260 : vector<16xi32> to vector<16xi32>
      %swap3A_262 = vector.shape_cast %shift_right_arithmetic3A_258 : vector<16xi32> to vector<16xi32>
      tpu.vector_store %arg8[%swap3A_259], %swap3A_262 {strides = array<i32>} : memref<128xi32, #tpu.memory_space<vmem>>, vector<16xi32>,
      %and3A_263 = arith.constant 16383 : i32
      %and3A_264 = vector.broadcast %and3A_263 : i32 to vector<16xi32>
      %and3A_265 = arith.andi %get3A_255, %and3A_264 : vector<16xi32>
      %swap3A_266 = arith.constant 48 : index
      %swap3A_267 = tpu.vector_load %arg9[%swap3A_266] {strides = array<i32>} : memref<128xi32, #tpu.memory_space<vmem>>, vector<16xi32>,
      %swap3A_268 = vector.shape_cast %swap3A_267 : vector<16xi32> to vector<16xi32>
      %swap3A_269 = vector.shape_cast %and3A_265 : vector<16xi32> to vector<16xi32>
      tpu.vector_store %arg9[%swap3A_266], %swap3A_269 {strides = array<i32>} : memref<128xi32, #tpu.memory_space<vmem>>, vector<16xi32>,
      %get3A_270 = arith.index_cast %add3A_197 : i32 to index
      %get3A_271 = arith.constant 64 : index
      %get3A_272 = tpu.vector_load %arg5[%get3A_270, %get3A_271] {strides = array<i32>} : memref<80x128xi32, #tpu.memory_space<vmem>>, vector<1x16xi32>,
      %get3A_273 = vector.shape_cast %get3A_272 : vector<1x16xi32> to vector<16xi32>
      %shift_right_arithmetic3A_274 = arith.constant 14 : i32
      %shift_right_arithmetic3A_275 = vector.broadcast %shift_right_arithmetic3A_274 : i32 to vector<16xi32>
      %shift_right_arithmetic3A_276 = arith.shrsi %get3A_273, %shift_right_arithmetic3A_275 : vector<16xi32>
      %swap3A_277 = arith.constant 64 : index
      %swap3A_278 = tpu.vector_load %arg8[%swap3A_277] {strides = array<i32>} : memref<128xi32, #tpu.memory_space<vmem>>, vector<16xi32>,
      %swap3A_279 = vector.shape_cast %swap3A_278 : vector<16xi32> to vector<16xi32>
      %swap3A_280 = vector.shape_cast %shift_right_arithmetic3A_276 : vector<16xi32> to vector<16xi32>
      tpu.vector_store %arg8[%swap3A_277], %swap3A_280 {strides = array<i32>} : memref<128xi32, #tpu.memory_space<vmem>>, vector<16xi32>,
      %and3A_281 = arith.constant 16383 : i32
      %and3A_282 = vector.broadcast %and3A_281 : i32 to vector<16xi32>
      %and3A_283 = arith.andi %get3A_273, %and3A_282 : vector<16xi32>
      %swap3A_284 = arith.constant 64 : index
      %swap3A_285 = tpu.vector_load %arg9[%swap3A_284] {strides = array<i32>} : memref<128xi32, #tpu.memory_space<vmem>>, vector<16xi32>,
      %swap3A_286 = vector.shape_cast %swap3A_285 : vector<16xi32> to vector<16xi32>
      %swap3A_287 = vector.shape_cast %and3A_283 : vector<16xi32> to vector<16xi32>
      tpu.vector_store %arg9[%swap3A_284], %swap3A_287 {strides = array<i32>} : memref<128xi32, #tpu.memory_space<vmem>>, vector<16xi32>,
      %get3A_288 = arith.index_cast %add3A_197 : i32 to index
      %get3A_289 = arith.constant 80 : index
      %get3A_290 = tpu.vector_load %arg5[%get3A_288, %get3A_289] {strides = array<i32>} : memref<80x128xi32, #tpu.memory_space<vmem>>, vector<1x16xi32>,
      %get3A_291 = vector.shape_cast %get3A_290 : vector<1x16xi32> to vector<16xi32>
      %shift_right_arithmetic3A_292 = arith.constant 14 : i32
      %shift_right_arithmetic3A_293 = vector.broadcast %shift_right_arithmetic3A_292 : i32 to vector<16xi32>
      %shift_right_arithmetic3A_294 = arith.shrsi %get3A_291, %shift_right_arithmetic3A_293 : vector<16xi32>
      %swap3A_295 = arith.constant 80 : index
      %swap3A_296 = tpu.vector_load %arg8[%swap3A_295] {strides = array<i32>} : memref<128xi32, #tpu.memory_space<vmem>>, vector<16xi32>,
      %swap3A_297 = vector.shape_cast %swap3A_296 : vector<16xi32> to vector<16xi32>
      %swap3A_298 = vector.shape_cast %shift_right_arithmetic3A_294 : vector<16xi32> to vector<16xi32>
      tpu.vector_store %arg8[%swap3A_295], %swap3A_298 {strides = array<i32>} : memref<128xi32, #tpu.memory_space<vmem>>, vector<16xi32>,
      %and3A_299 = arith.constant 16383 : i32
      %and3A_300 = vector.broadcast %and3A_299 : i32 to vector<16xi32>
      %and3A_301 = arith.andi %get3A_291, %and3A_300 : vector<16xi32>
      %swap3A_302 = arith.constant 80 : index
      %swap3A_303 = tpu.vector_load %arg9[%swap3A_302] {strides = array<i32>} : memref<128xi32, #tpu.memory_space<vmem>>, vector<16xi32>,
      %swap3A_304 = vector.shape_cast %swap3A_303 : vector<16xi32> to vector<16xi32>
      %swap3A_305 = vector.shape_cast %and3A_301 : vector<16xi32> to vector<16xi32>
      tpu.vector_store %arg9[%swap3A_302], %swap3A_305 {strides = array<i32>} : memref<128xi32, #tpu.memory_space<vmem>>, vector<16xi32>,
      %get3A_306 = arith.index_cast %add3A_197 : i32 to index
      %get3A_307 = arith.constant 96 : index
      %get3A_308 = tpu.vector_load %arg5[%get3A_306, %get3A_307] {strides = array<i32>} : memref<80x128xi32, #tpu.memory_space<vmem>>, vector<1x16xi32>,
      %get3A_309 = vector.shape_cast %get3A_308 : vector<1x16xi32> to vector<16xi32>
      %shift_right_arithmetic3A_310 = arith.constant 14 : i32
      %shift_right_arithmetic3A_311 = vector.broadcast %shift_right_arithmetic3A_310 : i32 to vector<16xi32>
      %shift_right_arithmetic3A_312 = arith.shrsi %get3A_309, %shift_right_arithmetic3A_311 : vector<16xi32>
      %swap3A_313 = arith.constant 96 : index
      %swap3A_314 = tpu.vector_load %arg8[%swap3A_313] {strides = array<i32>} : memref<128xi32, #tpu.memory_space<vmem>>, vector<16xi32>,
      %swap3A_315 = vector.shape_cast %swap3A_314 : vector<16xi32> to vector<16xi32>
      %swap3A_316 = vector.shape_cast %shift_right_arithmetic3A_312 : vector<16xi32> to vector<16xi32>
      tpu.vector_store %arg8[%swap3A_313], %swap3A_316 {strides = array<i32>} : memref<128xi32, #tpu.memory_space<vmem>>, vector<16xi32>,
      %and3A_317 = arith.constant 16383 : i32
      %and3A_318 = vector.broadcast %and3A_317 : i32 to vector<16xi32>
      %and3A_319 = arith.andi %get3A_309, %and3A_318 : vector<16xi32>
      %swap3A_320 = arith.constant 96 : index
      %swap3A_321 = tpu.vector_load %arg9[%swap3A_320] {strides = array<i32>} : memref<128xi32, #tpu.memory_space<vmem>>, vector<16xi32>,
      %swap3A_322 = vector.shape_cast %swap3A_321 : vector<16xi32> to vector<16xi32>
      %swap3A_323 = vector.shape_cast %and3A_319 : vector<16xi32> to vector<16xi32>
      tpu.vector_store %arg9[%swap3A_320], %swap3A_323 {strides = array<i32>} : memref<128xi32, #tpu.memory_space<vmem>>, vector<16xi32>,
      %get3A_324 = arith.index_cast %add3A_197 : i32 to index
      %get3A_325 = arith.constant 112 : index
      %get3A_326 = tpu.vector_load %arg5[%get3A_324, %get3A_325] {strides = array<i32>} : memref<80x128xi32, #tpu.memory_space<vmem>>, vector<1x16xi32>,
      %get3A_327 = vector.shape_cast %get3A_326 : vector<1x16xi32> to vector<16xi32>
      %shift_right_arithmetic3A_328 = arith.constant 14 : i32
      %shift_right_arithmetic3A_329 = vector.broadcast %shift_right_arithmetic3A_328 : i32 to vector<16xi32>
      %shift_right_arithmetic3A_330 = arith.shrsi %get3A_327, %shift_right_arithmetic3A_329 : vector<16xi32>
      %swap3A_331 = arith.constant 112 : index
      %swap3A_332 = tpu.vector_load %arg8[%swap3A_331] {strides = array<i32>} : memref<128xi32, #tpu.memory_space<vmem>>, vector<16xi32>,
      %swap3A_333 = vector.shape_cast %swap3A_332 : vector<16xi32> to vector<16xi32>
      %swap3A_334 = vector.shape_cast %shift_right_arithmetic3A_330 : vector<16xi32> to vector<16xi32>
      tpu.vector_store %arg8[%swap3A_331], %swap3A_334 {strides = array<i32>} : memref<128xi32, #tpu.memory_space<vmem>>, vector<16xi32>,
      %and3A_335 = arith.constant 16383 : i32
      %and3A_336 = vector.broadcast %and3A_335 : i32 to vector<16xi32>
      %and3A_337 = arith.andi %get3A_327, %and3A_336 : vector<16xi32>
      %swap3A_338 = arith.constant 112 : index
      %swap3A_339 = tpu.vector_load %arg9[%swap3A_338] {strides = array<i32>} : memref<128xi32, #tpu.memory_space<vmem>>, vector<16xi32>,
      %swap3A_340 = vector.shape_cast %swap3A_339 : vector<16xi32> to vector<16xi32>
      %swap3A_341 = vector.shape_cast %and3A_337 : vector<16xi32> to vector<16xi32>
      tpu.vector_store %arg9[%swap3A_338], %swap3A_341 {strides = array<i32>} : memref<128xi32, #tpu.memory_space<vmem>>, vector<16xi32>,
      %dma_start3A_342 = arith.constant 0 : i32
      %dma_start3A_343 = arith.constant 0 : i32
      %dma_start3A_344 = tpu.memref_slice %arg2[%dma_start3A_342, %dma_start3A_343] : memref<10000x128xf32, #tpu.memory_space<hbm>> -> memref<10000x128xf32, #tpu.memory_space<hbm>>
      tpu.enqueue_indirect_dma source(%dma_start3A_344 : memref<10000x128xf32, #tpu.memory_space<hbm>>) target(%arg11 : memref<128x128xf32, #tpu.memory_space<vmem>>) offsets(%arg8 : memref<128xi32, #tpu.memory_space<vmem>>) semaphore(%arg14 : memref<!tpu.dma_semaphore, #tpu.memory_space<semaphore_mem>>)
      %dma_wait3A = arith.constant 0 : i32
      %dma_wait3A_345 = arith.constant 0 : i32
      %dma_wait3A_346 = tpu.memref_slice %arg2[%dma_wait3A, %dma_wait3A_345] : memref<10000x128xf32, #tpu.memory_space<hbm>> -> memref<10000x128xf32, #tpu.memory_space<hbm>>
      tpu.wait_indirect_dma semaphore(%arg13 : memref<!tpu.dma_semaphore, #tpu.memory_space<semaphore_mem>>) src(%dma_wait3A_346 : memref<10000x128xf32, #tpu.memory_space<hbm>>) dst(%arg10 : memref<128x128xf32, #tpu.memory_space<vmem>>)
      "tpu.region"() ({
        %run_scoped3A = tpu.sem_alloc : memref<!tpu.dma_semaphore, #tpu.memory_space<semaphore_mem>>
        %dma_start3A_354 = arith.constant 0 : i32
        %dma_start3A_355 = arith.constant 0 : i32
        %dma_start3A_356 = tpu.memref_slice %arg12[%dma_start3A_354, %dma_start3A_355] : memref<10240x128xf32, #tpu.memory_space<vmem_shared>> -> memref<10240x128xf32, #tpu.memory_space<vmem_shared>>
        tpu.enqueue_indirect_dma source(%arg10 : memref<128x128xf32, #tpu.memory_space<vmem>>) target(%dma_start3A_356 : memref<10240x128xf32, #tpu.memory_space<vmem_shared>>) offsets(%arg7 : memref<128xi32, #tpu.memory_space<vmem>>) semaphore(%run_scoped3A : memref<!tpu.dma_semaphore, #tpu.memory_space<semaphore_mem>>) {add = true}
        %dma_wait3A_357 = arith.constant 0 : i32
        %dma_wait3A_358 = arith.constant 0 : i32
        %dma_wait3A_359 = tpu.memref_slice %arg12[%dma_wait3A_357, %dma_wait3A_358] : memref<10240x128xf32, #tpu.memory_space<vmem_shared>> -> memref<10240x128xf32, #tpu.memory_space<vmem_shared>>
        tpu.wait_indirect_dma semaphore(%run_scoped3A : memref<!tpu.dma_semaphore, #tpu.memory_space<semaphore_mem>>) src(%arg10 : memref<128x128xf32, #tpu.memory_space<vmem>>) dst(%dma_wait3A_359 : memref<10240x128xf32, #tpu.memory_space<vmem_shared>>)
        tpu.yield
      }) : () -> ()
      %add3A_347 = arith.constant 2 : i32
      %add3A_348 = arith.addi %mul3A_195, %add3A_347 : i32
      %lt3A = arith.constant 80 : i32
      %lt3A_349 = arith.cmpi slt, %add3A_348, %lt3A : i32
      %convert_element_type3A = arith.extui %lt3A_349 : i1 to i32
      %cond3A = arith.constant 0 : i32
      %cond3A_350 = arith.cmpi ne, %convert_element_type3A, %cond3A : i32
      scf.if %cond3A_350 {
        %add3A_354 = arith.constant 2 : i32
        %add3A_355 = arith.addi %mul3A_195, %add3A_354 : i32
        %get3A_356 = arith.index_cast %add3A_355 : i32 to index
        %get3A_357 = arith.constant 0 : index
        %get3A_358 = tpu.vector_load %arg5[%get3A_356, %get3A_357] {strides = array<i32>} : memref<80x128xi32, #tpu.memory_space<vmem>>, vector<1x16xi32>,
        %get3A_359 = vector.shape_cast %get3A_358 : vector<1x16xi32> to vector<16xi32>
        %shift_right_arithmetic3A_360 = arith.constant 14 : i32
        %shift_right_arithmetic3A_361 = vector.broadcast %shift_right_arithmetic3A_360 : i32 to vector<16xi32>
        %shift_right_arithmetic3A_362 = arith.shrsi %get3A_359, %shift_right_arithmetic3A_361 : vector<16xi32>
        %swap3A_363 = arith.constant 0 : index
        %swap3A_364 = tpu.vector_load %arg6[%swap3A_363] {strides = array<i32>} : memref<128xi32, #tpu.memory_space<vmem>>, vector<16xi32>,
        %swap3A_365 = vector.shape_cast %swap3A_364 : vector<16xi32> to vector<16xi32>
        %swap3A_366 = vector.shape_cast %shift_right_arithmetic3A_362 : vector<16xi32> to vector<16xi32>
        tpu.vector_store %arg6[%swap3A_363], %swap3A_366 {strides = array<i32>} : memref<128xi32, #tpu.memory_space<vmem>>, vector<16xi32>,
        %and3A_367 = arith.constant 16383 : i32
        %and3A_368 = vector.broadcast %and3A_367 : i32 to vector<16xi32>
        %and3A_369 = arith.andi %get3A_359, %and3A_368 : vector<16xi32>
        %swap3A_370 = arith.constant 0 : index
        %swap3A_371 = tpu.vector_load %arg7[%swap3A_370] {strides = array<i32>} : memref<128xi32, #tpu.memory_space<vmem>>, vector<16xi32>,
        %swap3A_372 = vector.shape_cast %swap3A_371 : vector<16xi32> to vector<16xi32>
        %swap3A_373 = vector.shape_cast %and3A_369 : vector<16xi32> to vector<16xi32>
        tpu.vector_store %arg7[%swap3A_370], %swap3A_373 {strides = array<i32>} : memref<128xi32, #tpu.memory_space<vmem>>, vector<16xi32>,
        %get3A_374 = arith.index_cast %add3A_355 : i32 to index
        %get3A_375 = arith.constant 16 : index
        %get3A_376 = tpu.vector_load %arg5[%get3A_374, %get3A_375] {strides = array<i32>} : memref<80x128xi32, #tpu.memory_space<vmem>>, vector<1x16xi32>,
        %get3A_377 = vector.shape_cast %get3A_376 : vector<1x16xi32> to vector<16xi32>
        %shift_right_arithmetic3A_378 = arith.constant 14 : i32
        %shift_right_arithmetic3A_379 = vector.broadcast %shift_right_arithmetic3A_378 : i32 to vector<16xi32>
        %shift_right_arithmetic3A_380 = arith.shrsi %get3A_377, %shift_right_arithmetic3A_379 : vector<16xi32>
        %swap3A_381 = arith.constant 16 : index
        %swap3A_382 = tpu.vector_load %arg6[%swap3A_381] {strides = array<i32>} : memref<128xi32, #tpu.memory_space<vmem>>, vector<16xi32>,
        %swap3A_383 = vector.shape_cast %swap3A_382 : vector<16xi32> to vector<16xi32>
        %swap3A_384 = vector.shape_cast %shift_right_arithmetic3A_380 : vector<16xi32> to vector<16xi32>
        tpu.vector_store %arg6[%swap3A_381], %swap3A_384 {strides = array<i32>} : memref<128xi32, #tpu.memory_space<vmem>>, vector<16xi32>,
        %and3A_385 = arith.constant 16383 : i32
        %and3A_386 = vector.broadcast %and3A_385 : i32 to vector<16xi32>
        %and3A_387 = arith.andi %get3A_377, %and3A_386 : vector<16xi32>
        %swap3A_388 = arith.constant 16 : index
        %swap3A_389 = tpu.vector_load %arg7[%swap3A_388] {strides = array<i32>} : memref<128xi32, #tpu.memory_space<vmem>>, vector<16xi32>,
        %swap3A_390 = vector.shape_cast %swap3A_389 : vector<16xi32> to vector<16xi32>
        %swap3A_391 = vector.shape_cast %and3A_387 : vector<16xi32> to vector<16xi32>
        tpu.vector_store %arg7[%swap3A_388], %swap3A_391 {strides = array<i32>} : memref<128xi32, #tpu.memory_space<vmem>>, vector<16xi32>,
        %get3A_392 = arith.index_cast %add3A_355 : i32 to index
        %get3A_393 = arith.constant 32 : index
        %get3A_394 = tpu.vector_load %arg5[%get3A_392, %get3A_393] {strides = array<i32>} : memref<80x128xi32, #tpu.memory_space<vmem>>, vector<1x16xi32>,
        %get3A_395 = vector.shape_cast %get3A_394 : vector<1x16xi32> to vector<16xi32>
        %shift_right_arithmetic3A_396 = arith.constant 14 : i32
        %shift_right_arithmetic3A_397 = vector.broadcast %shift_right_arithmetic3A_396 : i32 to vector<16xi32>
        %shift_right_arithmetic3A_398 = arith.shrsi %get3A_395, %shift_right_arithmetic3A_397 : vector<16xi32>
        %swap3A_399 = arith.constant 32 : index
        %swap3A_400 = tpu.vector_load %arg6[%swap3A_399] {strides = array<i32>} : memref<128xi32, #tpu.memory_space<vmem>>, vector<16xi32>,
        %swap3A_401 = vector.shape_cast %swap3A_400 : vector<16xi32> to vector<16xi32>
        %swap3A_402 = vector.shape_cast %shift_right_arithmetic3A_398 : vector<16xi32> to vector<16xi32>
        tpu.vector_store %arg6[%swap3A_399], %swap3A_402 {strides = array<i32>} : memref<128xi32, #tpu.memory_space<vmem>>, vector<16xi32>,
        %and3A_403 = arith.constant 16383 : i32
        %and3A_404 = vector.broadcast %and3A_403 : i32 to vector<16xi32>
        %and3A_405 = arith.andi %get3A_395, %and3A_404 : vector<16xi32>
        %swap3A_406 = arith.constant 32 : index
        %swap3A_407 = tpu.vector_load %arg7[%swap3A_406] {strides = array<i32>} : memref<128xi32, #tpu.memory_space<vmem>>, vector<16xi32>,
        %swap3A_408 = vector.shape_cast %swap3A_407 : vector<16xi32> to vector<16xi32>
        %swap3A_409 = vector.shape_cast %and3A_405 : vector<16xi32> to vector<16xi32>
        tpu.vector_store %arg7[%swap3A_406], %swap3A_409 {strides = array<i32>} : memref<128xi32, #tpu.memory_space<vmem>>, vector<16xi32>,
        %get3A_410 = arith.index_cast %add3A_355 : i32 to index
        %get3A_411 = arith.constant 48 : index
        %get3A_412 = tpu.vector_load %arg5[%get3A_410, %get3A_411] {strides = array<i32>} : memref<80x128xi32, #tpu.memory_space<vmem>>, vector<1x16xi32>,
        %get3A_413 = vector.shape_cast %get3A_412 : vector<1x16xi32> to vector<16xi32>
        %shift_right_arithmetic3A_414 = arith.constant 14 : i32
        %shift_right_arithmetic3A_415 = vector.broadcast %shift_right_arithmetic3A_414 : i32 to vector<16xi32>
        %shift_right_arithmetic3A_416 = arith.shrsi %get3A_413, %shift_right_arithmetic3A_415 : vector<16xi32>
        %swap3A_417 = arith.constant 48 : index
        %swap3A_418 = tpu.vector_load %arg6[%swap3A_417] {strides = array<i32>} : memref<128xi32, #tpu.memory_space<vmem>>, vector<16xi32>,
        %swap3A_419 = vector.shape_cast %swap3A_418 : vector<16xi32> to vector<16xi32>
        %swap3A_420 = vector.shape_cast %shift_right_arithmetic3A_416 : vector<16xi32> to vector<16xi32>
        tpu.vector_store %arg6[%swap3A_417], %swap3A_420 {strides = array<i32>} : memref<128xi32, #tpu.memory_space<vmem>>, vector<16xi32>,
        %and3A_421 = arith.constant 16383 : i32
        %and3A_422 = vector.broadcast %and3A_421 : i32 to vector<16xi32>
        %and3A_423 = arith.andi %get3A_413, %and3A_422 : vector<16xi32>
        %swap3A_424 = arith.constant 48 : index
        %swap3A_425 = tpu.vector_load %arg7[%swap3A_424] {strides = array<i32>} : memref<128xi32, #tpu.memory_space<vmem>>, vector<16xi32>,
        %swap3A_426 = vector.shape_cast %swap3A_425 : vector<16xi32> to vector<16xi32>
        %swap3A_427 = vector.shape_cast %and3A_423 : vector<16xi32> to vector<16xi32>
        tpu.vector_store %arg7[%swap3A_424], %swap3A_427 {strides = array<i32>} : memref<128xi32, #tpu.memory_space<vmem>>, vector<16xi32>,
        %get3A_428 = arith.index_cast %add3A_355 : i32 to index
        %get3A_429 = arith.constant 64 : index
        %get3A_430 = tpu.vector_load %arg5[%get3A_428, %get3A_429] {strides = array<i32>} : memref<80x128xi32, #tpu.memory_space<vmem>>, vector<1x16xi32>,
        %get3A_431 = vector.shape_cast %get3A_430 : vector<1x16xi32> to vector<16xi32>
        %shift_right_arithmetic3A_432 = arith.constant 14 : i32
        %shift_right_arithmetic3A_433 = vector.broadcast %shift_right_arithmetic3A_432 : i32 to vector<16xi32>
        %shift_right_arithmetic3A_434 = arith.shrsi %get3A_431, %shift_right_arithmetic3A_433 : vector<16xi32>
        %swap3A_435 = arith.constant 64 : index
        %swap3A_436 = tpu.vector_load %arg6[%swap3A_435] {strides = array<i32>} : memref<128xi32, #tpu.memory_space<vmem>>, vector<16xi32>,
        %swap3A_437 = vector.shape_cast %swap3A_436 : vector<16xi32> to vector<16xi32>
        %swap3A_438 = vector.shape_cast %shift_right_arithmetic3A_434 : vector<16xi32> to vector<16xi32>
        tpu.vector_store %arg6[%swap3A_435], %swap3A_438 {strides = array<i32>} : memref<128xi32, #tpu.memory_space<vmem>>, vector<16xi32>,
        %and3A_439 = arith.constant 16383 : i32
        %and3A_440 = vector.broadcast %and3A_439 : i32 to vector<16xi32>
        %and3A_441 = arith.andi %get3A_431, %and3A_440 : vector<16xi32>
        %swap3A_442 = arith.constant 64 : index
        %swap3A_443 = tpu.vector_load %arg7[%swap3A_442] {strides = array<i32>} : memref<128xi32, #tpu.memory_space<vmem>>, vector<16xi32>,
        %swap3A_444 = vector.shape_cast %swap3A_443 : vector<16xi32> to vector<16xi32>
        %swap3A_445 = vector.shape_cast %and3A_441 : vector<16xi32> to vector<16xi32>
        tpu.vector_store %arg7[%swap3A_442], %swap3A_445 {strides = array<i32>} : memref<128xi32, #tpu.memory_space<vmem>>, vector<16xi32>,
        %get3A_446 = arith.index_cast %add3A_355 : i32 to index
        %get3A_447 = arith.constant 80 : index
        %get3A_448 = tpu.vector_load %arg5[%get3A_446, %get3A_447] {strides = array<i32>} : memref<80x128xi32, #tpu.memory_space<vmem>>, vector<1x16xi32>,
        %get3A_449 = vector.shape_cast %get3A_448 : vector<1x16xi32> to vector<16xi32>
        %shift_right_arithmetic3A_450 = arith.constant 14 : i32
        %shift_right_arithmetic3A_451 = vector.broadcast %shift_right_arithmetic3A_450 : i32 to vector<16xi32>
        %shift_right_arithmetic3A_452 = arith.shrsi %get3A_449, %shift_right_arithmetic3A_451 : vector<16xi32>
        %swap3A_453 = arith.constant 80 : index
        %swap3A_454 = tpu.vector_load %arg6[%swap3A_453] {strides = array<i32>} : memref<128xi32, #tpu.memory_space<vmem>>, vector<16xi32>,
        %swap3A_455 = vector.shape_cast %swap3A_454 : vector<16xi32> to vector<16xi32>
        %swap3A_456 = vector.shape_cast %shift_right_arithmetic3A_452 : vector<16xi32> to vector<16xi32>
        tpu.vector_store %arg6[%swap3A_453], %swap3A_456 {strides = array<i32>} : memref<128xi32, #tpu.memory_space<vmem>>, vector<16xi32>,
        %and3A_457 = arith.constant 16383 : i32
        %and3A_458 = vector.broadcast %and3A_457 : i32 to vector<16xi32>
        %and3A_459 = arith.andi %get3A_449, %and3A_458 : vector<16xi32>
        %swap3A_460 = arith.constant 80 : index
        %swap3A_461 = tpu.vector_load %arg7[%swap3A_460] {strides = array<i32>} : memref<128xi32, #tpu.memory_space<vmem>>, vector<16xi32>,
        %swap3A_462 = vector.shape_cast %swap3A_461 : vector<16xi32> to vector<16xi32>
        %swap3A_463 = vector.shape_cast %and3A_459 : vector<16xi32> to vector<16xi32>
        tpu.vector_store %arg7[%swap3A_460], %swap3A_463 {strides = array<i32>} : memref<128xi32, #tpu.memory_space<vmem>>, vector<16xi32>,
        %get3A_464 = arith.index_cast %add3A_355 : i32 to index
        %get3A_465 = arith.constant 96 : index
        %get3A_466 = tpu.vector_load %arg5[%get3A_464, %get3A_465] {strides = array<i32>} : memref<80x128xi32, #tpu.memory_space<vmem>>, vector<1x16xi32>,
        %get3A_467 = vector.shape_cast %get3A_466 : vector<1x16xi32> to vector<16xi32>
        %shift_right_arithmetic3A_468 = arith.constant 14 : i32
        %shift_right_arithmetic3A_469 = vector.broadcast %shift_right_arithmetic3A_468 : i32 to vector<16xi32>
        %shift_right_arithmetic3A_470 = arith.shrsi %get3A_467, %shift_right_arithmetic3A_469 : vector<16xi32>
        %swap3A_471 = arith.constant 96 : index
        %swap3A_472 = tpu.vector_load %arg6[%swap3A_471] {strides = array<i32>} : memref<128xi32, #tpu.memory_space<vmem>>, vector<16xi32>,
        %swap3A_473 = vector.shape_cast %swap3A_472 : vector<16xi32> to vector<16xi32>
        %swap3A_474 = vector.shape_cast %shift_right_arithmetic3A_470 : vector<16xi32> to vector<16xi32>
        tpu.vector_store %arg6[%swap3A_471], %swap3A_474 {strides = array<i32>} : memref<128xi32, #tpu.memory_space<vmem>>, vector<16xi32>,
        %and3A_475 = arith.constant 16383 : i32
        %and3A_476 = vector.broadcast %and3A_475 : i32 to vector<16xi32>
        %and3A_477 = arith.andi %get3A_467, %and3A_476 : vector<16xi32>
        %swap3A_478 = arith.constant 96 : index
        %swap3A_479 = tpu.vector_load %arg7[%swap3A_478] {strides = array<i32>} : memref<128xi32, #tpu.memory_space<vmem>>, vector<16xi32>,
        %swap3A_480 = vector.shape_cast %swap3A_479 : vector<16xi32> to vector<16xi32>
        %swap3A_481 = vector.shape_cast %and3A_477 : vector<16xi32> to vector<16xi32>
        tpu.vector_store %arg7[%swap3A_478], %swap3A_481 {strides = array<i32>} : memref<128xi32, #tpu.memory_space<vmem>>, vector<16xi32>,
        %get3A_482 = arith.index_cast %add3A_355 : i32 to index
        %get3A_483 = arith.constant 112 : index
        %get3A_484 = tpu.vector_load %arg5[%get3A_482, %get3A_483] {strides = array<i32>} : memref<80x128xi32, #tpu.memory_space<vmem>>, vector<1x16xi32>,
        %get3A_485 = vector.shape_cast %get3A_484 : vector<1x16xi32> to vector<16xi32>
        %shift_right_arithmetic3A_486 = arith.constant 14 : i32
        %shift_right_arithmetic3A_487 = vector.broadcast %shift_right_arithmetic3A_486 : i32 to vector<16xi32>
        %shift_right_arithmetic3A_488 = arith.shrsi %get3A_485, %shift_right_arithmetic3A_487 : vector<16xi32>
        %swap3A_489 = arith.constant 112 : index
        %swap3A_490 = tpu.vector_load %arg6[%swap3A_489] {strides = array<i32>} : memref<128xi32, #tpu.memory_space<vmem>>, vector<16xi32>,
        %swap3A_491 = vector.shape_cast %swap3A_490 : vector<16xi32> to vector<16xi32>
        %swap3A_492 = vector.shape_cast %shift_right_arithmetic3A_488 : vector<16xi32> to vector<16xi32>
        tpu.vector_store %arg6[%swap3A_489], %swap3A_492 {strides = array<i32>} : memref<128xi32, #tpu.memory_space<vmem>>, vector<16xi32>,
        %and3A_493 = arith.constant 16383 : i32
        %and3A_494 = vector.broadcast %and3A_493 : i32 to vector<16xi32>
        %and3A_495 = arith.andi %get3A_485, %and3A_494 : vector<16xi32>
        %swap3A_496 = arith.constant 112 : index
        %swap3A_497 = tpu.vector_load %arg7[%swap3A_496] {strides = array<i32>} : memref<128xi32, #tpu.memory_space<vmem>>, vector<16xi32>,
        %swap3A_498 = vector.shape_cast %swap3A_497 : vector<16xi32> to vector<16xi32>
        %swap3A_499 = vector.shape_cast %and3A_495 : vector<16xi32> to vector<16xi32>
        tpu.vector_store %arg7[%swap3A_496], %swap3A_499 {strides = array<i32>} : memref<128xi32, #tpu.memory_space<vmem>>, vector<16xi32>,
        %dma_start3A_500 = arith.constant 0 : i32
        %dma_start3A_501 = arith.constant 0 : i32
        %dma_start3A_502 = tpu.memref_slice %arg2[%dma_start3A_500, %dma_start3A_501] : memref<10000x128xf32, #tpu.memory_space<hbm>> -> memref<10000x128xf32, #tpu.memory_space<hbm>>
        tpu.enqueue_indirect_dma source(%dma_start3A_502 : memref<10000x128xf32, #tpu.memory_space<hbm>>) target(%arg10 : memref<128x128xf32, #tpu.memory_space<vmem>>) offsets(%arg6 : memref<128xi32, #tpu.memory_space<vmem>>) semaphore(%arg13 : memref<!tpu.dma_semaphore, #tpu.memory_space<semaphore_mem>>)
      } else {
      }
      %dma_wait3A_351 = arith.constant 0 : i32
      %dma_wait3A_352 = arith.constant 0 : i32
      %dma_wait3A_353 = tpu.memref_slice %arg2[%dma_wait3A_351, %dma_wait3A_352] : memref<10000x128xf32, #tpu.memory_space<hbm>> -> memref<10000x128xf32, #tpu.memory_space<hbm>>
      tpu.wait_indirect_dma semaphore(%arg14 : memref<!tpu.dma_semaphore, #tpu.memory_space<semaphore_mem>>) src(%dma_wait3A_353 : memref<10000x128xf32, #tpu.memory_space<hbm>>) dst(%arg11 : memref<128x128xf32, #tpu.memory_space<vmem>>)
      "tpu.region"() ({
        %run_scoped3A = tpu.sem_alloc : memref<!tpu.dma_semaphore, #tpu.memory_space<semaphore_mem>>
        %dma_start3A_354 = arith.constant 0 : i32
        %dma_start3A_355 = arith.constant 0 : i32
        %dma_start3A_356 = tpu.memref_slice %arg12[%dma_start3A_354, %dma_start3A_355] : memref<10240x128xf32, #tpu.memory_space<vmem_shared>> -> memref<10240x128xf32, #tpu.memory_space<vmem_shared>>
        tpu.enqueue_indirect_dma source(%arg11 : memref<128x128xf32, #tpu.memory_space<vmem>>) target(%dma_start3A_356 : memref<10240x128xf32, #tpu.memory_space<vmem_shared>>) offsets(%arg9 : memref<128xi32, #tpu.memory_space<vmem>>) semaphore(%run_scoped3A : memref<!tpu.dma_semaphore, #tpu.memory_space<semaphore_mem>>) {add = true}
        %dma_wait3A_357 = arith.constant 0 : i32
        %dma_wait3A_358 = arith.constant 0 : i32
        %dma_wait3A_359 = tpu.memref_slice %arg12[%dma_wait3A_357, %dma_wait3A_358] : memref<10240x128xf32, #tpu.memory_space<vmem_shared>> -> memref<10240x128xf32, #tpu.memory_space<vmem_shared>>
        tpu.wait_indirect_dma semaphore(%run_scoped3A : memref<!tpu.dma_semaphore, #tpu.memory_space<semaphore_mem>>) src(%arg11 : memref<128x128xf32, #tpu.memory_space<vmem>>) dst(%dma_wait3A_359 : memref<10240x128xf32, #tpu.memory_space<vmem_shared>>)
        tpu.yield
      }) : () -> ()
    }
    %scan3A_184 = arith.constant 40 : i32
    %barrier3A_185 = arith.constant 0 : index
    tpu.barrier barrier_id(%barrier3A_185)
    %mul3A_186 = arith.constant 640 : i32
    %mul3A_187 = arith.muli %arg1, %mul3A_186 : i32
    %mul3A_188 = arith.constant 10240 : i32
    %mul3A_189 = arith.muli %arg0, %mul3A_188 : i32
    %mul3A_190 = arith.constant 640 : i32
    %mul3A_191 = arith.muli %arg1, %mul3A_190 : i32
    %add3A_192 = arith.addi %mul3A_189, %mul3A_191 : i32
    "tpu.region"() ({
      %run_scoped3A = tpu.sem_alloc : memref<!tpu.dma_semaphore, #tpu.memory_space<semaphore_mem>>
      %dma_start3A_193 = arith.constant 0 : i32
      %dma_start3A_194 = tpu.memref_slice %arg4[%add3A_192, %dma_start3A_193] : memref<20480x128xf32, #tpu.memory_space<hbm>> -> memref<640x128xf32, #tpu.memory_space<hbm>>
      %dma_start3A_195 = arith.constant 0 : i32
      %dma_start3A_196 = tpu.memref_slice %arg12[%mul3A_187, %dma_start3A_195] : memref<10240x128xf32, #tpu.memory_space<vmem_shared>> -> memref<640x128xf32, #tpu.memory_space<vmem_shared>>
      tpu.enqueue_dma source(%dma_start3A_196 : memref<640x128xf32, #tpu.memory_space<vmem_shared>>) target(%dma_start3A_194 : memref<640x128xf32, #tpu.memory_space<hbm>>) target_semaphore(%run_scoped3A : memref<!tpu.dma_semaphore, #tpu.memory_space<semaphore_mem>>)
      %dma_wait3A = arith.constant 0 : i32
      %dma_wait3A_197 = tpu.memref_slice %arg4[%add3A_192, %dma_wait3A] : memref<20480x128xf32, #tpu.memory_space<hbm>> -> memref<640x128xf32, #tpu.memory_space<hbm>>
      %dma_wait3A_198 = arith.constant 0 : i32
      %dma_wait3A_199 = tpu.memref_slice %arg12[%mul3A_187, %dma_wait3A_198] : memref<10240x128xf32, #tpu.memory_space<vmem_shared>> -> memref<640x128xf32, #tpu.memory_space<vmem_shared>>
      tpu.wait_dma2 semaphore(%run_scoped3A : memref<!tpu.dma_semaphore, #tpu.memory_space<semaphore_mem>>) src(%dma_wait3A_199 : memref<640x128xf32, #tpu.memory_space<vmem_shared>>) dst(%dma_wait3A_197 : memref<640x128xf32, #tpu.memory_space<hbm>>)
      tpu.yield
    }) : () -> ()
    return
  }
}

#map = affine_map<(d0, d1) -> (0, 0)>
module attributes {stable_mosaic.version = 14 : i64} {
  func.func @_agg_kernel(%arg0: i32, %arg1: i32, %arg2: memref<10000x128xf32, #tpu.memory_space<hbm>>, %arg3: memref<2560x128xi32, #tpu.memory_space<hbm>>, %arg4: memref<20480x128xf32, #tpu.memory_space<hbm>>, %arg5: memref<80x128xi32, #tpu.memory_space<vmem>>, %arg6: memref<128xi32, #tpu.memory_space<vmem>>, %arg7: memref<128xi32, #tpu.memory_space<vmem>>, %arg8: memref<128xi32, #tpu.memory_space<vmem>>, %arg9: memref<128xi32, #tpu.memory_space<vmem>>, %arg10: memref<128x128xf32, #tpu.memory_space<vmem>>, %arg11: memref<128x128xf32, #tpu.memory_space<vmem>>, %arg12: memref<10240x128xf32, #tpu.memory_space<vmem_shared>>, %arg13: memref<!tpu.dma_semaphore, #tpu.memory_space<semaphore_mem>>, %arg14: memref<!tpu.dma_semaphore, #tpu.memory_space<semaphore_mem>>) attributes {dimension_semantics = [#tpu.dimension_semantics<core_parallel>, #tpu.dimension_semantics<subcore_parallel>], iteration_bounds = array<i64: 2, 16>, scalar_prefetch = 0 : i64, scratch_operands = 10 : i64, tpu.core_type = #tpu.core_type<sc_vector_subcore>, window_params = [{transform_indices = #map}, {transform_indices = #map}, {transform_indices = #map}]} {
    %mul3A = arith.constant 16 : i32
    %mul3A_0 = arith.muli %arg0, %mul3A : i32
    %add3A = arith.addi %mul3A_0, %arg1 : i32
    %broadcast_in_dim3A = arith.constant 0.000000e+00 : f32
    %broadcast_in_dim3A_1 = vector.broadcast %broadcast_in_dim3A : f32 to vector<16xf32>
    %scan3A = arith.constant 0 : i32
    %scan3A_2 = arith.constant 0 : i32
    %scan3A_3 = arith.constant 128 : i32
    %scan3A_4 = arith.addi %scan3A_2, %scan3A_3 : i32
    %scan3A_5 = arith.constant 1 : i32
    scf.for %scan3A_193 = %scan3A_2 to %scan3A_4 step %scan3A_5  : i32 {
      %swap3A_194 = arith.index_cast %scan3A_193 : i32 to index
      %swap3A_195 = arith.constant 0 : index
      %swap3A_196 = tpu.vector_load %arg10[%swap3A_194, %swap3A_195] {strides = array<i32>} : memref<128x128xf32, #tpu.memory_space<vmem>>, vector<1x16xf32>,
      %swap3A_197 = vector.shape_cast %swap3A_196 : vector<1x16xf32> to vector<16xf32>
      %swap3A_198 = vector.shape_cast %broadcast_in_dim3A_1 : vector<16xf32> to vector<1x16xf32>
      tpu.vector_store %arg10[%swap3A_194, %swap3A_195], %swap3A_198 {strides = array<i32>} : memref<128x128xf32, #tpu.memory_space<vmem>>, vector<1x16xf32>,
      %swap3A_199 = arith.index_cast %scan3A_193 : i32 to index
      %swap3A_200 = arith.constant 16 : index
      %swap3A_201 = tpu.vector_load %arg10[%swap3A_199, %swap3A_200] {strides = array<i32>} : memref<128x128xf32, #tpu.memory_space<vmem>>, vector<1x16xf32>,
      %swap3A_202 = vector.shape_cast %swap3A_201 : vector<1x16xf32> to vector<16xf32>
      %swap3A_203 = vector.shape_cast %broadcast_in_dim3A_1 : vector<16xf32> to vector<1x16xf32>
      tpu.vector_store %arg10[%swap3A_199, %swap3A_200], %swap3A_203 {strides = array<i32>} : memref<128x128xf32, #tpu.memory_space<vmem>>, vector<1x16xf32>,
      %swap3A_204 = arith.index_cast %scan3A_193 : i32 to index
      %swap3A_205 = arith.constant 32 : index
      %swap3A_206 = tpu.vector_load %arg10[%swap3A_204, %swap3A_205] {strides = array<i32>} : memref<128x128xf32, #tpu.memory_space<vmem>>, vector<1x16xf32>,
      %swap3A_207 = vector.shape_cast %swap3A_206 : vector<1x16xf32> to vector<16xf32>
      %swap3A_208 = vector.shape_cast %broadcast_in_dim3A_1 : vector<16xf32> to vector<1x16xf32>
      tpu.vector_store %arg10[%swap3A_204, %swap3A_205], %swap3A_208 {strides = array<i32>} : memref<128x128xf32, #tpu.memory_space<vmem>>, vector<1x16xf32>,
      %swap3A_209 = arith.index_cast %scan3A_193 : i32 to index
      %swap3A_210 = arith.constant 48 : index
      %swap3A_211 = tpu.vector_load %arg10[%swap3A_209, %swap3A_210] {strides = array<i32>} : memref<128x128xf32, #tpu.memory_space<vmem>>, vector<1x16xf32>,
      %swap3A_212 = vector.shape_cast %swap3A_211 : vector<1x16xf32> to vector<16xf32>
      %swap3A_213 = vector.shape_cast %broadcast_in_dim3A_1 : vector<16xf32> to vector<1x16xf32>
      tpu.vector_store %arg10[%swap3A_209, %swap3A_210], %swap3A_213 {strides = array<i32>} : memref<128x128xf32, #tpu.memory_space<vmem>>, vector<1x16xf32>,
      %swap3A_214 = arith.index_cast %scan3A_193 : i32 to index
      %swap3A_215 = arith.constant 64 : index
      %swap3A_216 = tpu.vector_load %arg10[%swap3A_214, %swap3A_215] {strides = array<i32>} : memref<128x128xf32, #tpu.memory_space<vmem>>, vector<1x16xf32>,
      %swap3A_217 = vector.shape_cast %swap3A_216 : vector<1x16xf32> to vector<16xf32>
      %swap3A_218 = vector.shape_cast %broadcast_in_dim3A_1 : vector<16xf32> to vector<1x16xf32>
      tpu.vector_store %arg10[%swap3A_214, %swap3A_215], %swap3A_218 {strides = array<i32>} : memref<128x128xf32, #tpu.memory_space<vmem>>, vector<1x16xf32>,
      %swap3A_219 = arith.index_cast %scan3A_193 : i32 to index
      %swap3A_220 = arith.constant 80 : index
      %swap3A_221 = tpu.vector_load %arg10[%swap3A_219, %swap3A_220] {strides = array<i32>} : memref<128x128xf32, #tpu.memory_space<vmem>>, vector<1x16xf32>,
      %swap3A_222 = vector.shape_cast %swap3A_221 : vector<1x16xf32> to vector<16xf32>
      %swap3A_223 = vector.shape_cast %broadcast_in_dim3A_1 : vector<16xf32> to vector<1x16xf32>
      tpu.vector_store %arg10[%swap3A_219, %swap3A_220], %swap3A_223 {strides = array<i32>} : memref<128x128xf32, #tpu.memory_space<vmem>>, vector<1x16xf32>,
      %swap3A_224 = arith.index_cast %scan3A_193 : i32 to index
      %swap3A_225 = arith.constant 96 : index
      %swap3A_226 = tpu.vector_load %arg10[%swap3A_224, %swap3A_225] {strides = array<i32>} : memref<128x128xf32, #tpu.memory_space<vmem>>, vector<1x16xf32>,
      %swap3A_227 = vector.shape_cast %swap3A_226 : vector<1x16xf32> to vector<16xf32>
      %swap3A_228 = vector.shape_cast %broadcast_in_dim3A_1 : vector<16xf32> to vector<1x16xf32>
      tpu.vector_store %arg10[%swap3A_224, %swap3A_225], %swap3A_228 {strides = array<i32>} : memref<128x128xf32, #tpu.memory_space<vmem>>, vector<1x16xf32>,
      %swap3A_229 = arith.index_cast %scan3A_193 : i32 to index
      %swap3A_230 = arith.constant 112 : index
      %swap3A_231 = tpu.vector_load %arg10[%swap3A_229, %swap3A_230] {strides = array<i32>} : memref<128x128xf32, #tpu.memory_space<vmem>>, vector<1x16xf32>,
      %swap3A_232 = vector.shape_cast %swap3A_231 : vector<1x16xf32> to vector<16xf32>
      %swap3A_233 = vector.shape_cast %broadcast_in_dim3A_1 : vector<16xf32> to vector<1x16xf32>
      tpu.vector_store %arg10[%swap3A_229, %swap3A_230], %swap3A_233 {strides = array<i32>} : memref<128x128xf32, #tpu.memory_space<vmem>>, vector<1x16xf32>,
    }
    %scan3A_6 = arith.constant 128 : i32
    %mul3A_7 = arith.constant 640 : i32
    %mul3A_8 = arith.muli %arg1, %mul3A_7 : i32
    %add3A_9 = arith.constant 0 : i32
    %add3A_10 = arith.addi %mul3A_8, %add3A_9 : i32
    "tpu.region"() ({
      %run_scoped3A = tpu.sem_alloc : memref<!tpu.dma_semaphore, #tpu.memory_space<semaphore_mem>>
      %dma_start3A_193 = arith.constant 0 : i32
      %dma_start3A_194 = tpu.memref_slice %arg12[%add3A_10, %dma_start3A_193] : memref<10240x128xf32, #tpu.memory_space<vmem_shared>> -> memref<128x128xf32, #tpu.memory_space<vmem_shared>>
      %dma_start3A_195 = arith.constant 0 : i32
      %dma_start3A_196 = tpu.memref_slice %arg12[%add3A_10, %dma_start3A_195] : memref<10240x128xf32, #tpu.memory_space<vmem_shared>> -> memref<128x128xf32, #tpu.memory_space<vmem_shared>>
      tpu.enqueue_dma source(%arg10 : memref<128x128xf32, #tpu.memory_space<vmem>>) target(%dma_start3A_196 : memref<128x128xf32, #tpu.memory_space<vmem_shared>>) target_semaphore(%run_scoped3A : memref<!tpu.dma_semaphore, #tpu.memory_space<semaphore_mem>>)
      %dma_wait3A = arith.constant 0 : i32
      %dma_wait3A_197 = tpu.memref_slice %arg12[%add3A_10, %dma_wait3A] : memref<10240x128xf32, #tpu.memory_space<vmem_shared>> -> memref<128x128xf32, #tpu.memory_space<vmem_shared>>
      %dma_wait3A_198 = arith.constant 0 : i32
      %dma_wait3A_199 = tpu.memref_slice %arg12[%add3A_10, %dma_wait3A_198] : memref<10240x128xf32, #tpu.memory_space<vmem_shared>> -> memref<128x128xf32, #tpu.memory_space<vmem_shared>>
      tpu.wait_dma2 semaphore(%run_scoped3A : memref<!tpu.dma_semaphore, #tpu.memory_space<semaphore_mem>>) src(%arg10 : memref<128x128xf32, #tpu.memory_space<vmem>>) dst(%dma_wait3A_199 : memref<128x128xf32, #tpu.memory_space<vmem_shared>>)
      tpu.yield
    }) : () -> ()
    %mul3A_11 = arith.constant 640 : i32
    %mul3A_12 = arith.muli %arg1, %mul3A_11 : i32
    %add3A_13 = arith.constant 128 : i32
    %add3A_14 = arith.addi %mul3A_12, %add3A_13 : i32
    "tpu.region"() ({
      %run_scoped3A = tpu.sem_alloc : memref<!tpu.dma_semaphore, #tpu.memory_space<semaphore_mem>>
      %dma_start3A_193 = arith.constant 0 : i32
      %dma_start3A_194 = tpu.memref_slice %arg12[%add3A_14, %dma_start3A_193] : memref<10240x128xf32, #tpu.memory_space<vmem_shared>> -> memref<128x128xf32, #tpu.memory_space<vmem_shared>>
      %dma_start3A_195 = arith.constant 0 : i32
      %dma_start3A_196 = tpu.memref_slice %arg12[%add3A_14, %dma_start3A_195] : memref<10240x128xf32, #tpu.memory_space<vmem_shared>> -> memref<128x128xf32, #tpu.memory_space<vmem_shared>>
      tpu.enqueue_dma source(%arg10 : memref<128x128xf32, #tpu.memory_space<vmem>>) target(%dma_start3A_196 : memref<128x128xf32, #tpu.memory_space<vmem_shared>>) target_semaphore(%run_scoped3A : memref<!tpu.dma_semaphore, #tpu.memory_space<semaphore_mem>>)
      %dma_wait3A = arith.constant 0 : i32
      %dma_wait3A_197 = tpu.memref_slice %arg12[%add3A_14, %dma_wait3A] : memref<10240x128xf32, #tpu.memory_space<vmem_shared>> -> memref<128x128xf32, #tpu.memory_space<vmem_shared>>
      %dma_wait3A_198 = arith.constant 0 : i32
      %dma_wait3A_199 = tpu.memref_slice %arg12[%add3A_14, %dma_wait3A_198] : memref<10240x128xf32, #tpu.memory_space<vmem_shared>> -> memref<128x128xf32, #tpu.memory_space<vmem_shared>>
      tpu.wait_dma2 semaphore(%run_scoped3A : memref<!tpu.dma_semaphore, #tpu.memory_space<semaphore_mem>>) src(%arg10 : memref<128x128xf32, #tpu.memory_space<vmem>>) dst(%dma_wait3A_199 : memref<128x128xf32, #tpu.memory_space<vmem_shared>>)
      tpu.yield
    }) : () -> ()
    %mul3A_15 = arith.constant 640 : i32
    %mul3A_16 = arith.muli %arg1, %mul3A_15 : i32
    %add3A_17 = arith.constant 256 : i32
    %add3A_18 = arith.addi %mul3A_16, %add3A_17 : i32
    "tpu.region"() ({
      %run_scoped3A = tpu.sem_alloc : memref<!tpu.dma_semaphore, #tpu.memory_space<semaphore_mem>>
      %dma_start3A_193 = arith.constant 0 : i32
      %dma_start3A_194 = tpu.memref_slice %arg12[%add3A_18, %dma_start3A_193] : memref<10240x128xf32, #tpu.memory_space<vmem_shared>> -> memref<128x128xf32, #tpu.memory_space<vmem_shared>>
      %dma_start3A_195 = arith.constant 0 : i32
      %dma_start3A_196 = tpu.memref_slice %arg12[%add3A_18, %dma_start3A_195] : memref<10240x128xf32, #tpu.memory_space<vmem_shared>> -> memref<128x128xf32, #tpu.memory_space<vmem_shared>>
      tpu.enqueue_dma source(%arg10 : memref<128x128xf32, #tpu.memory_space<vmem>>) target(%dma_start3A_196 : memref<128x128xf32, #tpu.memory_space<vmem_shared>>) target_semaphore(%run_scoped3A : memref<!tpu.dma_semaphore, #tpu.memory_space<semaphore_mem>>)
      %dma_wait3A = arith.constant 0 : i32
      %dma_wait3A_197 = tpu.memref_slice %arg12[%add3A_18, %dma_wait3A] : memref<10240x128xf32, #tpu.memory_space<vmem_shared>> -> memref<128x128xf32, #tpu.memory_space<vmem_shared>>
      %dma_wait3A_198 = arith.constant 0 : i32
      %dma_wait3A_199 = tpu.memref_slice %arg12[%add3A_18, %dma_wait3A_198] : memref<10240x128xf32, #tpu.memory_space<vmem_shared>> -> memref<128x128xf32, #tpu.memory_space<vmem_shared>>
      tpu.wait_dma2 semaphore(%run_scoped3A : memref<!tpu.dma_semaphore, #tpu.memory_space<semaphore_mem>>) src(%arg10 : memref<128x128xf32, #tpu.memory_space<vmem>>) dst(%dma_wait3A_199 : memref<128x128xf32, #tpu.memory_space<vmem_shared>>)
      tpu.yield
    }) : () -> ()
    %mul3A_19 = arith.constant 640 : i32
    %mul3A_20 = arith.muli %arg1, %mul3A_19 : i32
    %add3A_21 = arith.constant 384 : i32
    %add3A_22 = arith.addi %mul3A_20, %add3A_21 : i32
    "tpu.region"() ({
      %run_scoped3A = tpu.sem_alloc : memref<!tpu.dma_semaphore, #tpu.memory_space<semaphore_mem>>
      %dma_start3A_193 = arith.constant 0 : i32
      %dma_start3A_194 = tpu.memref_slice %arg12[%add3A_22, %dma_start3A_193] : memref<10240x128xf32, #tpu.memory_space<vmem_shared>> -> memref<128x128xf32, #tpu.memory_space<vmem_shared>>
      %dma_start3A_195 = arith.constant 0 : i32
      %dma_start3A_196 = tpu.memref_slice %arg12[%add3A_22, %dma_start3A_195] : memref<10240x128xf32, #tpu.memory_space<vmem_shared>> -> memref<128x128xf32, #tpu.memory_space<vmem_shared>>
      tpu.enqueue_dma source(%arg10 : memref<128x128xf32, #tpu.memory_space<vmem>>) target(%dma_start3A_196 : memref<128x128xf32, #tpu.memory_space<vmem_shared>>) target_semaphore(%run_scoped3A : memref<!tpu.dma_semaphore, #tpu.memory_space<semaphore_mem>>)
      %dma_wait3A = arith.constant 0 : i32
      %dma_wait3A_197 = tpu.memref_slice %arg12[%add3A_22, %dma_wait3A] : memref<10240x128xf32, #tpu.memory_space<vmem_shared>> -> memref<128x128xf32, #tpu.memory_space<vmem_shared>>
      %dma_wait3A_198 = arith.constant 0 : i32
      %dma_wait3A_199 = tpu.memref_slice %arg12[%add3A_22, %dma_wait3A_198] : memref<10240x128xf32, #tpu.memory_space<vmem_shared>> -> memref<128x128xf32, #tpu.memory_space<vmem_shared>>
      tpu.wait_dma2 semaphore(%run_scoped3A : memref<!tpu.dma_semaphore, #tpu.memory_space<semaphore_mem>>) src(%arg10 : memref<128x128xf32, #tpu.memory_space<vmem>>) dst(%dma_wait3A_199 : memref<128x128xf32, #tpu.memory_space<vmem_shared>>)
      tpu.yield
    }) : () -> ()
    %mul3A_23 = arith.constant 640 : i32
    %mul3A_24 = arith.muli %arg1, %mul3A_23 : i32
    %add3A_25 = arith.constant 512 : i32
    %add3A_26 = arith.addi %mul3A_24, %add3A_25 : i32
    "tpu.region"() ({
      %run_scoped3A = tpu.sem_alloc : memref<!tpu.dma_semaphore, #tpu.memory_space<semaphore_mem>>
      %dma_start3A_193 = arith.constant 0 : i32
      %dma_start3A_194 = tpu.memref_slice %arg12[%add3A_26, %dma_start3A_193] : memref<10240x128xf32, #tpu.memory_space<vmem_shared>> -> memref<128x128xf32, #tpu.memory_space<vmem_shared>>
      %dma_start3A_195 = arith.constant 0 : i32
      %dma_start3A_196 = tpu.memref_slice %arg12[%add3A_26, %dma_start3A_195] : memref<10240x128xf32, #tpu.memory_space<vmem_shared>> -> memref<128x128xf32, #tpu.memory_space<vmem_shared>>
      tpu.enqueue_dma source(%arg10 : memref<128x128xf32, #tpu.memory_space<vmem>>) target(%dma_start3A_196 : memref<128x128xf32, #tpu.memory_space<vmem_shared>>) target_semaphore(%run_scoped3A : memref<!tpu.dma_semaphore, #tpu.memory_space<semaphore_mem>>)
      %dma_wait3A = arith.constant 0 : i32
      %dma_wait3A_197 = tpu.memref_slice %arg12[%add3A_26, %dma_wait3A] : memref<10240x128xf32, #tpu.memory_space<vmem_shared>> -> memref<128x128xf32, #tpu.memory_space<vmem_shared>>
      %dma_wait3A_198 = arith.constant 0 : i32
      %dma_wait3A_199 = tpu.memref_slice %arg12[%add3A_26, %dma_wait3A_198] : memref<10240x128xf32, #tpu.memory_space<vmem_shared>> -> memref<128x128xf32, #tpu.memory_space<vmem_shared>>
      tpu.wait_dma2 semaphore(%run_scoped3A : memref<!tpu.dma_semaphore, #tpu.memory_space<semaphore_mem>>) src(%arg10 : memref<128x128xf32, #tpu.memory_space<vmem>>) dst(%dma_wait3A_199 : memref<128x128xf32, #tpu.memory_space<vmem_shared>>)
      tpu.yield
    }) : () -> ()
    %mul3A_27 = arith.constant 80 : i32
    %mul3A_28 = arith.muli %add3A, %mul3A_27 : i32
    "tpu.region"() ({
      %run_scoped3A = tpu.sem_alloc : memref<!tpu.dma_semaphore, #tpu.memory_space<semaphore_mem>>
      %dma_start3A_193 = arith.constant 0 : i32
      %dma_start3A_194 = tpu.memref_slice %arg3[%mul3A_28, %dma_start3A_193] : memref<2560x128xi32, #tpu.memory_space<hbm>> -> memref<80x128xi32, #tpu.memory_space<hbm>>
      %dma_start3A_195 = arith.constant 0 : i32
      %dma_start3A_196 = tpu.memref_slice %arg3[%mul3A_28, %dma_start3A_195] : memref<2560x128xi32, #tpu.memory_space<hbm>> -> memref<80x128xi32, #tpu.memory_space<hbm>>
      tpu.enqueue_dma source(%dma_start3A_196 : memref<80x128xi32, #tpu.memory_space<hbm>>) target(%arg5 : memref<80x128xi32, #tpu.memory_space<vmem>>) target_semaphore(%run_scoped3A : memref<!tpu.dma_semaphore, #tpu.memory_space<semaphore_mem>>)
      %dma_wait3A = arith.constant 0 : i32
      %dma_wait3A_197 = tpu.memref_slice %arg3[%mul3A_28, %dma_wait3A] : memref<2560x128xi32, #tpu.memory_space<hbm>> -> memref<80x128xi32, #tpu.memory_space<hbm>>
      %dma_wait3A_198 = arith.constant 0 : i32
      %dma_wait3A_199 = tpu.memref_slice %arg3[%mul3A_28, %dma_wait3A_198] : memref<2560x128xi32, #tpu.memory_space<hbm>> -> memref<80x128xi32, #tpu.memory_space<hbm>>
      tpu.wait_dma2 semaphore(%run_scoped3A : memref<!tpu.dma_semaphore, #tpu.memory_space<semaphore_mem>>) src(%dma_wait3A_199 : memref<80x128xi32, #tpu.memory_space<hbm>>) dst(%arg5 : memref<80x128xi32, #tpu.memory_space<vmem>>)
      tpu.yield
    }) : () -> ()
    %barrier3A = arith.constant 0 : index
    tpu.barrier barrier_id(%barrier3A)
    %get3A = arith.constant 0 : i32
    %get3A_29 = arith.index_cast %get3A : i32 to index
    %get3A_30 = arith.constant 0 : index
    %get3A_31 = tpu.vector_load %arg5[%get3A_29, %get3A_30] {strides = array<i32>} : memref<80x128xi32, #tpu.memory_space<vmem>>, vector<1x16xi32>,
    %get3A_32 = vector.shape_cast %get3A_31 : vector<1x16xi32> to vector<16xi32>
    %shift_right_arithmetic3A = arith.constant 14 : i32
    %shift_right_arithmetic3A_33 = vector.broadcast %shift_right_arithmetic3A : i32 to vector<16xi32>
    %shift_right_arithmetic3A_34 = arith.shrsi %get3A_32, %shift_right_arithmetic3A_33 : vector<16xi32>
    %swap3A = arith.constant 0 : index
    %swap3A_35 = tpu.vector_load %arg6[%swap3A] {strides = array<i32>} : memref<128xi32, #tpu.memory_space<vmem>>, vector<16xi32>,
    %swap3A_36 = vector.shape_cast %swap3A_35 : vector<16xi32> to vector<16xi32>
    %swap3A_37 = vector.shape_cast %shift_right_arithmetic3A_34 : vector<16xi32> to vector<16xi32>
    tpu.vector_store %arg6[%swap3A], %swap3A_37 {strides = array<i32>} : memref<128xi32, #tpu.memory_space<vmem>>, vector<16xi32>,
    %and3A = arith.constant 16383 : i32
    %and3A_38 = vector.broadcast %and3A : i32 to vector<16xi32>
    %and3A_39 = arith.andi %get3A_32, %and3A_38 : vector<16xi32>
    %swap3A_40 = arith.constant 0 : index
    %swap3A_41 = tpu.vector_load %arg7[%swap3A_40] {strides = array<i32>} : memref<128xi32, #tpu.memory_space<vmem>>, vector<16xi32>,
    %swap3A_42 = vector.shape_cast %swap3A_41 : vector<16xi32> to vector<16xi32>
    %swap3A_43 = vector.shape_cast %and3A_39 : vector<16xi32> to vector<16xi32>
    tpu.vector_store %arg7[%swap3A_40], %swap3A_43 {strides = array<i32>} : memref<128xi32, #tpu.memory_space<vmem>>, vector<16xi32>,
    %get3A_44 = arith.constant 0 : i32
    %get3A_45 = arith.index_cast %get3A_44 : i32 to index
    %get3A_46 = arith.constant 16 : index
    %get3A_47 = tpu.vector_load %arg5[%get3A_45, %get3A_46] {strides = array<i32>} : memref<80x128xi32, #tpu.memory_space<vmem>>, vector<1x16xi32>,
    %get3A_48 = vector.shape_cast %get3A_47 : vector<1x16xi32> to vector<16xi32>
    %shift_right_arithmetic3A_49 = arith.constant 14 : i32
    %shift_right_arithmetic3A_50 = vector.broadcast %shift_right_arithmetic3A_49 : i32 to vector<16xi32>
    %shift_right_arithmetic3A_51 = arith.shrsi %get3A_48, %shift_right_arithmetic3A_50 : vector<16xi32>
    %swap3A_52 = arith.constant 16 : index
    %swap3A_53 = tpu.vector_load %arg6[%swap3A_52] {strides = array<i32>} : memref<128xi32, #tpu.memory_space<vmem>>, vector<16xi32>,
    %swap3A_54 = vector.shape_cast %swap3A_53 : vector<16xi32> to vector<16xi32>
    %swap3A_55 = vector.shape_cast %shift_right_arithmetic3A_51 : vector<16xi32> to vector<16xi32>
    tpu.vector_store %arg6[%swap3A_52], %swap3A_55 {strides = array<i32>} : memref<128xi32, #tpu.memory_space<vmem>>, vector<16xi32>,
    %and3A_56 = arith.constant 16383 : i32
    %and3A_57 = vector.broadcast %and3A_56 : i32 to vector<16xi32>
    %and3A_58 = arith.andi %get3A_48, %and3A_57 : vector<16xi32>
    %swap3A_59 = arith.constant 16 : index
    %swap3A_60 = tpu.vector_load %arg7[%swap3A_59] {strides = array<i32>} : memref<128xi32, #tpu.memory_space<vmem>>, vector<16xi32>,
    %swap3A_61 = vector.shape_cast %swap3A_60 : vector<16xi32> to vector<16xi32>
    %swap3A_62 = vector.shape_cast %and3A_58 : vector<16xi32> to vector<16xi32>
    tpu.vector_store %arg7[%swap3A_59], %swap3A_62 {strides = array<i32>} : memref<128xi32, #tpu.memory_space<vmem>>, vector<16xi32>,
    %get3A_63 = arith.constant 0 : i32
    %get3A_64 = arith.index_cast %get3A_63 : i32 to index
    %get3A_65 = arith.constant 32 : index
    %get3A_66 = tpu.vector_load %arg5[%get3A_64, %get3A_65] {strides = array<i32>} : memref<80x128xi32, #tpu.memory_space<vmem>>, vector<1x16xi32>,
    %get3A_67 = vector.shape_cast %get3A_66 : vector<1x16xi32> to vector<16xi32>
    %shift_right_arithmetic3A_68 = arith.constant 14 : i32
    %shift_right_arithmetic3A_69 = vector.broadcast %shift_right_arithmetic3A_68 : i32 to vector<16xi32>
    %shift_right_arithmetic3A_70 = arith.shrsi %get3A_67, %shift_right_arithmetic3A_69 : vector<16xi32>
    %swap3A_71 = arith.constant 32 : index
    %swap3A_72 = tpu.vector_load %arg6[%swap3A_71] {strides = array<i32>} : memref<128xi32, #tpu.memory_space<vmem>>, vector<16xi32>,
    %swap3A_73 = vector.shape_cast %swap3A_72 : vector<16xi32> to vector<16xi32>
    %swap3A_74 = vector.shape_cast %shift_right_arithmetic3A_70 : vector<16xi32> to vector<16xi32>
    tpu.vector_store %arg6[%swap3A_71], %swap3A_74 {strides = array<i32>} : memref<128xi32, #tpu.memory_space<vmem>>, vector<16xi32>,
    %and3A_75 = arith.constant 16383 : i32
    %and3A_76 = vector.broadcast %and3A_75 : i32 to vector<16xi32>
    %and3A_77 = arith.andi %get3A_67, %and3A_76 : vector<16xi32>
    %swap3A_78 = arith.constant 32 : index
    %swap3A_79 = tpu.vector_load %arg7[%swap3A_78] {strides = array<i32>} : memref<128xi32, #tpu.memory_space<vmem>>, vector<16xi32>,
    %swap3A_80 = vector.shape_cast %swap3A_79 : vector<16xi32> to vector<16xi32>
    %swap3A_81 = vector.shape_cast %and3A_77 : vector<16xi32> to vector<16xi32>
    tpu.vector_store %arg7[%swap3A_78], %swap3A_81 {strides = array<i32>} : memref<128xi32, #tpu.memory_space<vmem>>, vector<16xi32>,
    %get3A_82 = arith.constant 0 : i32
    %get3A_83 = arith.index_cast %get3A_82 : i32 to index
    %get3A_84 = arith.constant 48 : index
    %get3A_85 = tpu.vector_load %arg5[%get3A_83, %get3A_84] {strides = array<i32>} : memref<80x128xi32, #tpu.memory_space<vmem>>, vector<1x16xi32>,
    %get3A_86 = vector.shape_cast %get3A_85 : vector<1x16xi32> to vector<16xi32>
    %shift_right_arithmetic3A_87 = arith.constant 14 : i32
    %shift_right_arithmetic3A_88 = vector.broadcast %shift_right_arithmetic3A_87 : i32 to vector<16xi32>
    %shift_right_arithmetic3A_89 = arith.shrsi %get3A_86, %shift_right_arithmetic3A_88 : vector<16xi32>
    %swap3A_90 = arith.constant 48 : index
    %swap3A_91 = tpu.vector_load %arg6[%swap3A_90] {strides = array<i32>} : memref<128xi32, #tpu.memory_space<vmem>>, vector<16xi32>,
    %swap3A_92 = vector.shape_cast %swap3A_91 : vector<16xi32> to vector<16xi32>
    %swap3A_93 = vector.shape_cast %shift_right_arithmetic3A_89 : vector<16xi32> to vector<16xi32>
    tpu.vector_store %arg6[%swap3A_90], %swap3A_93 {strides = array<i32>} : memref<128xi32, #tpu.memory_space<vmem>>, vector<16xi32>,
    %and3A_94 = arith.constant 16383 : i32
    %and3A_95 = vector.broadcast %and3A_94 : i32 to vector<16xi32>
    %and3A_96 = arith.andi %get3A_86, %and3A_95 : vector<16xi32>
    %swap3A_97 = arith.constant 48 : index
    %swap3A_98 = tpu.vector_load %arg7[%swap3A_97] {strides = array<i32>} : memref<128xi32, #tpu.memory_space<vmem>>, vector<16xi32>,
    %swap3A_99 = vector.shape_cast %swap3A_98 : vector<16xi32> to vector<16xi32>
    %swap3A_100 = vector.shape_cast %and3A_96 : vector<16xi32> to vector<16xi32>
    tpu.vector_store %arg7[%swap3A_97], %swap3A_100 {strides = array<i32>} : memref<128xi32, #tpu.memory_space<vmem>>, vector<16xi32>,
    %get3A_101 = arith.constant 0 : i32
    %get3A_102 = arith.index_cast %get3A_101 : i32 to index
    %get3A_103 = arith.constant 64 : index
    %get3A_104 = tpu.vector_load %arg5[%get3A_102, %get3A_103] {strides = array<i32>} : memref<80x128xi32, #tpu.memory_space<vmem>>, vector<1x16xi32>,
    %get3A_105 = vector.shape_cast %get3A_104 : vector<1x16xi32> to vector<16xi32>
    %shift_right_arithmetic3A_106 = arith.constant 14 : i32
    %shift_right_arithmetic3A_107 = vector.broadcast %shift_right_arithmetic3A_106 : i32 to vector<16xi32>
    %shift_right_arithmetic3A_108 = arith.shrsi %get3A_105, %shift_right_arithmetic3A_107 : vector<16xi32>
    %swap3A_109 = arith.constant 64 : index
    %swap3A_110 = tpu.vector_load %arg6[%swap3A_109] {strides = array<i32>} : memref<128xi32, #tpu.memory_space<vmem>>, vector<16xi32>,
    %swap3A_111 = vector.shape_cast %swap3A_110 : vector<16xi32> to vector<16xi32>
    %swap3A_112 = vector.shape_cast %shift_right_arithmetic3A_108 : vector<16xi32> to vector<16xi32>
    tpu.vector_store %arg6[%swap3A_109], %swap3A_112 {strides = array<i32>} : memref<128xi32, #tpu.memory_space<vmem>>, vector<16xi32>,
    %and3A_113 = arith.constant 16383 : i32
    %and3A_114 = vector.broadcast %and3A_113 : i32 to vector<16xi32>
    %and3A_115 = arith.andi %get3A_105, %and3A_114 : vector<16xi32>
    %swap3A_116 = arith.constant 64 : index
    %swap3A_117 = tpu.vector_load %arg7[%swap3A_116] {strides = array<i32>} : memref<128xi32, #tpu.memory_space<vmem>>, vector<16xi32>,
    %swap3A_118 = vector.shape_cast %swap3A_117 : vector<16xi32> to vector<16xi32>
    %swap3A_119 = vector.shape_cast %and3A_115 : vector<16xi32> to vector<16xi32>
    tpu.vector_store %arg7[%swap3A_116], %swap3A_119 {strides = array<i32>} : memref<128xi32, #tpu.memory_space<vmem>>, vector<16xi32>,
    %get3A_120 = arith.constant 0 : i32
    %get3A_121 = arith.index_cast %get3A_120 : i32 to index
    %get3A_122 = arith.constant 80 : index
    %get3A_123 = tpu.vector_load %arg5[%get3A_121, %get3A_122] {strides = array<i32>} : memref<80x128xi32, #tpu.memory_space<vmem>>, vector<1x16xi32>,
    %get3A_124 = vector.shape_cast %get3A_123 : vector<1x16xi32> to vector<16xi32>
    %shift_right_arithmetic3A_125 = arith.constant 14 : i32
    %shift_right_arithmetic3A_126 = vector.broadcast %shift_right_arithmetic3A_125 : i32 to vector<16xi32>
    %shift_right_arithmetic3A_127 = arith.shrsi %get3A_124, %shift_right_arithmetic3A_126 : vector<16xi32>
    %swap3A_128 = arith.constant 80 : index
    %swap3A_129 = tpu.vector_load %arg6[%swap3A_128] {strides = array<i32>} : memref<128xi32, #tpu.memory_space<vmem>>, vector<16xi32>,
    %swap3A_130 = vector.shape_cast %swap3A_129 : vector<16xi32> to vector<16xi32>
    %swap3A_131 = vector.shape_cast %shift_right_arithmetic3A_127 : vector<16xi32> to vector<16xi32>
    tpu.vector_store %arg6[%swap3A_128], %swap3A_131 {strides = array<i32>} : memref<128xi32, #tpu.memory_space<vmem>>, vector<16xi32>,
    %and3A_132 = arith.constant 16383 : i32
    %and3A_133 = vector.broadcast %and3A_132 : i32 to vector<16xi32>
    %and3A_134 = arith.andi %get3A_124, %and3A_133 : vector<16xi32>
    %swap3A_135 = arith.constant 80 : index
    %swap3A_136 = tpu.vector_load %arg7[%swap3A_135] {strides = array<i32>} : memref<128xi32, #tpu.memory_space<vmem>>, vector<16xi32>,
    %swap3A_137 = vector.shape_cast %swap3A_136 : vector<16xi32> to vector<16xi32>
    %swap3A_138 = vector.shape_cast %and3A_134 : vector<16xi32> to vector<16xi32>
    tpu.vector_store %arg7[%swap3A_135], %swap3A_138 {strides = array<i32>} : memref<128xi32, #tpu.memory_space<vmem>>, vector<16xi32>,
    %get3A_139 = arith.constant 0 : i32
    %get3A_140 = arith.index_cast %get3A_139 : i32 to index
    %get3A_141 = arith.constant 96 : index
    %get3A_142 = tpu.vector_load %arg5[%get3A_140, %get3A_141] {strides = array<i32>} : memref<80x128xi32, #tpu.memory_space<vmem>>, vector<1x16xi32>,
    %get3A_143 = vector.shape_cast %get3A_142 : vector<1x16xi32> to vector<16xi32>
    %shift_right_arithmetic3A_144 = arith.constant 14 : i32
    %shift_right_arithmetic3A_145 = vector.broadcast %shift_right_arithmetic3A_144 : i32 to vector<16xi32>
    %shift_right_arithmetic3A_146 = arith.shrsi %get3A_143, %shift_right_arithmetic3A_145 : vector<16xi32>
    %swap3A_147 = arith.constant 96 : index
    %swap3A_148 = tpu.vector_load %arg6[%swap3A_147] {strides = array<i32>} : memref<128xi32, #tpu.memory_space<vmem>>, vector<16xi32>,
    %swap3A_149 = vector.shape_cast %swap3A_148 : vector<16xi32> to vector<16xi32>
    %swap3A_150 = vector.shape_cast %shift_right_arithmetic3A_146 : vector<16xi32> to vector<16xi32>
    tpu.vector_store %arg6[%swap3A_147], %swap3A_150 {strides = array<i32>} : memref<128xi32, #tpu.memory_space<vmem>>, vector<16xi32>,
    %and3A_151 = arith.constant 16383 : i32
    %and3A_152 = vector.broadcast %and3A_151 : i32 to vector<16xi32>
    %and3A_153 = arith.andi %get3A_143, %and3A_152 : vector<16xi32>
    %swap3A_154 = arith.constant 96 : index
    %swap3A_155 = tpu.vector_load %arg7[%swap3A_154] {strides = array<i32>} : memref<128xi32, #tpu.memory_space<vmem>>, vector<16xi32>,
    %swap3A_156 = vector.shape_cast %swap3A_155 : vector<16xi32> to vector<16xi32>
    %swap3A_157 = vector.shape_cast %and3A_153 : vector<16xi32> to vector<16xi32>
    tpu.vector_store %arg7[%swap3A_154], %swap3A_157 {strides = array<i32>} : memref<128xi32, #tpu.memory_space<vmem>>, vector<16xi32>,
    %get3A_158 = arith.constant 0 : i32
    %get3A_159 = arith.index_cast %get3A_158 : i32 to index
    %get3A_160 = arith.constant 112 : index
    %get3A_161 = tpu.vector_load %arg5[%get3A_159, %get3A_160] {strides = array<i32>} : memref<80x128xi32, #tpu.memory_space<vmem>>, vector<1x16xi32>,
    %get3A_162 = vector.shape_cast %get3A_161 : vector<1x16xi32> to vector<16xi32>
    %shift_right_arithmetic3A_163 = arith.constant 14 : i32
    %shift_right_arithmetic3A_164 = vector.broadcast %shift_right_arithmetic3A_163 : i32 to vector<16xi32>
    %shift_right_arithmetic3A_165 = arith.shrsi %get3A_162, %shift_right_arithmetic3A_164 : vector<16xi32>
    %swap3A_166 = arith.constant 112 : index
    %swap3A_167 = tpu.vector_load %arg6[%swap3A_166] {strides = array<i32>} : memref<128xi32, #tpu.memory_space<vmem>>, vector<16xi32>,
    %swap3A_168 = vector.shape_cast %swap3A_167 : vector<16xi32> to vector<16xi32>
    %swap3A_169 = vector.shape_cast %shift_right_arithmetic3A_165 : vector<16xi32> to vector<16xi32>
    tpu.vector_store %arg6[%swap3A_166], %swap3A_169 {strides = array<i32>} : memref<128xi32, #tpu.memory_space<vmem>>, vector<16xi32>,
    %and3A_170 = arith.constant 16383 : i32
    %and3A_171 = vector.broadcast %and3A_170 : i32 to vector<16xi32>
    %and3A_172 = arith.andi %get3A_162, %and3A_171 : vector<16xi32>
    %swap3A_173 = arith.constant 112 : index
    %swap3A_174 = tpu.vector_load %arg7[%swap3A_173] {strides = array<i32>} : memref<128xi32, #tpu.memory_space<vmem>>, vector<16xi32>,
    %swap3A_175 = vector.shape_cast %swap3A_174 : vector<16xi32> to vector<16xi32>
    %swap3A_176 = vector.shape_cast %and3A_172 : vector<16xi32> to vector<16xi32>
    tpu.vector_store %arg7[%swap3A_173], %swap3A_176 {strides = array<i32>} : memref<128xi32, #tpu.memory_space<vmem>>, vector<16xi32>,
    %dma_start3A = arith.constant 0 : i32
    %dma_start3A_177 = arith.constant 0 : i32
    %dma_start3A_178 = tpu.memref_slice %arg2[%dma_start3A, %dma_start3A_177] : memref<10000x128xf32, #tpu.memory_space<hbm>> -> memref<10000x128xf32, #tpu.memory_space<hbm>>
    tpu.enqueue_indirect_dma source(%dma_start3A_178 : memref<10000x128xf32, #tpu.memory_space<hbm>>) target(%arg10 : memref<128x128xf32, #tpu.memory_space<vmem>>) offsets(%arg6 : memref<128xi32, #tpu.memory_space<vmem>>) semaphore(%arg13 : memref<!tpu.dma_semaphore, #tpu.memory_space<semaphore_mem>>)
    %scan3A_179 = arith.constant 0 : i32
    %scan3A_180 = arith.constant 0 : i32
    %scan3A_181 = arith.constant 40 : i32
    %scan3A_182 = arith.addi %scan3A_180, %scan3A_181 : i32
    %scan3A_183 = arith.constant 1 : i32
    scf.for %scan3A_193 = %scan3A_180 to %scan3A_182 step %scan3A_183  : i32 {
      %mul3A_194 = arith.constant 2 : i32
      %mul3A_195 = arith.muli %scan3A_193, %mul3A_194 : i32
      %add3A_196 = arith.constant 1 : i32
      %add3A_197 = arith.addi %mul3A_195, %add3A_196 : i32
      %get3A_198 = arith.index_cast %add3A_197 : i32 to index
      %get3A_199 = arith.constant 0 : index
      %get3A_200 = tpu.vector_load %arg5[%get3A_198, %get3A_199] {strides = array<i32>} : memref<80x128xi32, #tpu.memory_space<vmem>>, vector<1x16xi32>,
      %get3A_201 = vector.shape_cast %get3A_200 : vector<1x16xi32> to vector<16xi32>
      %shift_right_arithmetic3A_202 = arith.constant 14 : i32
      %shift_right_arithmetic3A_203 = vector.broadcast %shift_right_arithmetic3A_202 : i32 to vector<16xi32>
      %shift_right_arithmetic3A_204 = arith.shrsi %get3A_201, %shift_right_arithmetic3A_203 : vector<16xi32>
      %swap3A_205 = arith.constant 0 : index
      %swap3A_206 = tpu.vector_load %arg8[%swap3A_205] {strides = array<i32>} : memref<128xi32, #tpu.memory_space<vmem>>, vector<16xi32>,
      %swap3A_207 = vector.shape_cast %swap3A_206 : vector<16xi32> to vector<16xi32>
      %swap3A_208 = vector.shape_cast %shift_right_arithmetic3A_204 : vector<16xi32> to vector<16xi32>
      tpu.vector_store %arg8[%swap3A_205], %swap3A_208 {strides = array<i32>} : memref<128xi32, #tpu.memory_space<vmem>>, vector<16xi32>,
      %and3A_209 = arith.constant 16383 : i32
      %and3A_210 = vector.broadcast %and3A_209 : i32 to vector<16xi32>
      %and3A_211 = arith.andi %get3A_201, %and3A_210 : vector<16xi32>
      %swap3A_212 = arith.constant 0 : index
      %swap3A_213 = tpu.vector_load %arg9[%swap3A_212] {strides = array<i32>} : memref<128xi32, #tpu.memory_space<vmem>>, vector<16xi32>,
      %swap3A_214 = vector.shape_cast %swap3A_213 : vector<16xi32> to vector<16xi32>
      %swap3A_215 = vector.shape_cast %and3A_211 : vector<16xi32> to vector<16xi32>
      tpu.vector_store %arg9[%swap3A_212], %swap3A_215 {strides = array<i32>} : memref<128xi32, #tpu.memory_space<vmem>>, vector<16xi32>,
      %get3A_216 = arith.index_cast %add3A_197 : i32 to index
      %get3A_217 = arith.constant 16 : index
      %get3A_218 = tpu.vector_load %arg5[%get3A_216, %get3A_217] {strides = array<i32>} : memref<80x128xi32, #tpu.memory_space<vmem>>, vector<1x16xi32>,
      %get3A_219 = vector.shape_cast %get3A_218 : vector<1x16xi32> to vector<16xi32>
      %shift_right_arithmetic3A_220 = arith.constant 14 : i32
      %shift_right_arithmetic3A_221 = vector.broadcast %shift_right_arithmetic3A_220 : i32 to vector<16xi32>
      %shift_right_arithmetic3A_222 = arith.shrsi %get3A_219, %shift_right_arithmetic3A_221 : vector<16xi32>
      %swap3A_223 = arith.constant 16 : index
      %swap3A_224 = tpu.vector_load %arg8[%swap3A_223] {strides = array<i32>} : memref<128xi32, #tpu.memory_space<vmem>>, vector<16xi32>,
      %swap3A_225 = vector.shape_cast %swap3A_224 : vector<16xi32> to vector<16xi32>
      %swap3A_226 = vector.shape_cast %shift_right_arithmetic3A_222 : vector<16xi32> to vector<16xi32>
      tpu.vector_store %arg8[%swap3A_223], %swap3A_226 {strides = array<i32>} : memref<128xi32, #tpu.memory_space<vmem>>, vector<16xi32>,
      %and3A_227 = arith.constant 16383 : i32
      %and3A_228 = vector.broadcast %and3A_227 : i32 to vector<16xi32>
      %and3A_229 = arith.andi %get3A_219, %and3A_228 : vector<16xi32>
      %swap3A_230 = arith.constant 16 : index
      %swap3A_231 = tpu.vector_load %arg9[%swap3A_230] {strides = array<i32>} : memref<128xi32, #tpu.memory_space<vmem>>, vector<16xi32>,
      %swap3A_232 = vector.shape_cast %swap3A_231 : vector<16xi32> to vector<16xi32>
      %swap3A_233 = vector.shape_cast %and3A_229 : vector<16xi32> to vector<16xi32>
      tpu.vector_store %arg9[%swap3A_230], %swap3A_233 {strides = array<i32>} : memref<128xi32, #tpu.memory_space<vmem>>, vector<16xi32>,
      %get3A_234 = arith.index_cast %add3A_197 : i32 to index
      %get3A_235 = arith.constant 32 : index
      %get3A_236 = tpu.vector_load %arg5[%get3A_234, %get3A_235] {strides = array<i32>} : memref<80x128xi32, #tpu.memory_space<vmem>>, vector<1x16xi32>,
      %get3A_237 = vector.shape_cast %get3A_236 : vector<1x16xi32> to vector<16xi32>
      %shift_right_arithmetic3A_238 = arith.constant 14 : i32
      %shift_right_arithmetic3A_239 = vector.broadcast %shift_right_arithmetic3A_238 : i32 to vector<16xi32>
      %shift_right_arithmetic3A_240 = arith.shrsi %get3A_237, %shift_right_arithmetic3A_239 : vector<16xi32>
      %swap3A_241 = arith.constant 32 : index
      %swap3A_242 = tpu.vector_load %arg8[%swap3A_241] {strides = array<i32>} : memref<128xi32, #tpu.memory_space<vmem>>, vector<16xi32>,
      %swap3A_243 = vector.shape_cast %swap3A_242 : vector<16xi32> to vector<16xi32>
      %swap3A_244 = vector.shape_cast %shift_right_arithmetic3A_240 : vector<16xi32> to vector<16xi32>
      tpu.vector_store %arg8[%swap3A_241], %swap3A_244 {strides = array<i32>} : memref<128xi32, #tpu.memory_space<vmem>>, vector<16xi32>,
      %and3A_245 = arith.constant 16383 : i32
      %and3A_246 = vector.broadcast %and3A_245 : i32 to vector<16xi32>
      %and3A_247 = arith.andi %get3A_237, %and3A_246 : vector<16xi32>
      %swap3A_248 = arith.constant 32 : index
      %swap3A_249 = tpu.vector_load %arg9[%swap3A_248] {strides = array<i32>} : memref<128xi32, #tpu.memory_space<vmem>>, vector<16xi32>,
      %swap3A_250 = vector.shape_cast %swap3A_249 : vector<16xi32> to vector<16xi32>
      %swap3A_251 = vector.shape_cast %and3A_247 : vector<16xi32> to vector<16xi32>
      tpu.vector_store %arg9[%swap3A_248], %swap3A_251 {strides = array<i32>} : memref<128xi32, #tpu.memory_space<vmem>>, vector<16xi32>,
      %get3A_252 = arith.index_cast %add3A_197 : i32 to index
      %get3A_253 = arith.constant 48 : index
      %get3A_254 = tpu.vector_load %arg5[%get3A_252, %get3A_253] {strides = array<i32>} : memref<80x128xi32, #tpu.memory_space<vmem>>, vector<1x16xi32>,
      %get3A_255 = vector.shape_cast %get3A_254 : vector<1x16xi32> to vector<16xi32>
      %shift_right_arithmetic3A_256 = arith.constant 14 : i32
      %shift_right_arithmetic3A_257 = vector.broadcast %shift_right_arithmetic3A_256 : i32 to vector<16xi32>
      %shift_right_arithmetic3A_258 = arith.shrsi %get3A_255, %shift_right_arithmetic3A_257 : vector<16xi32>
      %swap3A_259 = arith.constant 48 : index
      %swap3A_260 = tpu.vector_load %arg8[%swap3A_259] {strides = array<i32>} : memref<128xi32, #tpu.memory_space<vmem>>, vector<16xi32>,
      %swap3A_261 = vector.shape_cast %swap3A_260 : vector<16xi32> to vector<16xi32>
      %swap3A_262 = vector.shape_cast %shift_right_arithmetic3A_258 : vector<16xi32> to vector<16xi32>
      tpu.vector_store %arg8[%swap3A_259], %swap3A_262 {strides = array<i32>} : memref<128xi32, #tpu.memory_space<vmem>>, vector<16xi32>,
      %and3A_263 = arith.constant 16383 : i32
      %and3A_264 = vector.broadcast %and3A_263 : i32 to vector<16xi32>
      %and3A_265 = arith.andi %get3A_255, %and3A_264 : vector<16xi32>
      %swap3A_266 = arith.constant 48 : index
      %swap3A_267 = tpu.vector_load %arg9[%swap3A_266] {strides = array<i32>} : memref<128xi32, #tpu.memory_space<vmem>>, vector<16xi32>,
      %swap3A_268 = vector.shape_cast %swap3A_267 : vector<16xi32> to vector<16xi32>
      %swap3A_269 = vector.shape_cast %and3A_265 : vector<16xi32> to vector<16xi32>
      tpu.vector_store %arg9[%swap3A_266], %swap3A_269 {strides = array<i32>} : memref<128xi32, #tpu.memory_space<vmem>>, vector<16xi32>,
      %get3A_270 = arith.index_cast %add3A_197 : i32 to index
      %get3A_271 = arith.constant 64 : index
      %get3A_272 = tpu.vector_load %arg5[%get3A_270, %get3A_271] {strides = array<i32>} : memref<80x128xi32, #tpu.memory_space<vmem>>, vector<1x16xi32>,
      %get3A_273 = vector.shape_cast %get3A_272 : vector<1x16xi32> to vector<16xi32>
      %shift_right_arithmetic3A_274 = arith.constant 14 : i32
      %shift_right_arithmetic3A_275 = vector.broadcast %shift_right_arithmetic3A_274 : i32 to vector<16xi32>
      %shift_right_arithmetic3A_276 = arith.shrsi %get3A_273, %shift_right_arithmetic3A_275 : vector<16xi32>
      %swap3A_277 = arith.constant 64 : index
      %swap3A_278 = tpu.vector_load %arg8[%swap3A_277] {strides = array<i32>} : memref<128xi32, #tpu.memory_space<vmem>>, vector<16xi32>,
      %swap3A_279 = vector.shape_cast %swap3A_278 : vector<16xi32> to vector<16xi32>
      %swap3A_280 = vector.shape_cast %shift_right_arithmetic3A_276 : vector<16xi32> to vector<16xi32>
      tpu.vector_store %arg8[%swap3A_277], %swap3A_280 {strides = array<i32>} : memref<128xi32, #tpu.memory_space<vmem>>, vector<16xi32>,
      %and3A_281 = arith.constant 16383 : i32
      %and3A_282 = vector.broadcast %and3A_281 : i32 to vector<16xi32>
      %and3A_283 = arith.andi %get3A_273, %and3A_282 : vector<16xi32>
      %swap3A_284 = arith.constant 64 : index
      %swap3A_285 = tpu.vector_load %arg9[%swap3A_284] {strides = array<i32>} : memref<128xi32, #tpu.memory_space<vmem>>, vector<16xi32>,
      %swap3A_286 = vector.shape_cast %swap3A_285 : vector<16xi32> to vector<16xi32>
      %swap3A_287 = vector.shape_cast %and3A_283 : vector<16xi32> to vector<16xi32>
      tpu.vector_store %arg9[%swap3A_284], %swap3A_287 {strides = array<i32>} : memref<128xi32, #tpu.memory_space<vmem>>, vector<16xi32>,
      %get3A_288 = arith.index_cast %add3A_197 : i32 to index
      %get3A_289 = arith.constant 80 : index
      %get3A_290 = tpu.vector_load %arg5[%get3A_288, %get3A_289] {strides = array<i32>} : memref<80x128xi32, #tpu.memory_space<vmem>>, vector<1x16xi32>,
      %get3A_291 = vector.shape_cast %get3A_290 : vector<1x16xi32> to vector<16xi32>
      %shift_right_arithmetic3A_292 = arith.constant 14 : i32
      %shift_right_arithmetic3A_293 = vector.broadcast %shift_right_arithmetic3A_292 : i32 to vector<16xi32>
      %shift_right_arithmetic3A_294 = arith.shrsi %get3A_291, %shift_right_arithmetic3A_293 : vector<16xi32>
      %swap3A_295 = arith.constant 80 : index
      %swap3A_296 = tpu.vector_load %arg8[%swap3A_295] {strides = array<i32>} : memref<128xi32, #tpu.memory_space<vmem>>, vector<16xi32>,
      %swap3A_297 = vector.shape_cast %swap3A_296 : vector<16xi32> to vector<16xi32>
      %swap3A_298 = vector.shape_cast %shift_right_arithmetic3A_294 : vector<16xi32> to vector<16xi32>
      tpu.vector_store %arg8[%swap3A_295], %swap3A_298 {strides = array<i32>} : memref<128xi32, #tpu.memory_space<vmem>>, vector<16xi32>,
      %and3A_299 = arith.constant 16383 : i32
      %and3A_300 = vector.broadcast %and3A_299 : i32 to vector<16xi32>
      %and3A_301 = arith.andi %get3A_291, %and3A_300 : vector<16xi32>
      %swap3A_302 = arith.constant 80 : index
      %swap3A_303 = tpu.vector_load %arg9[%swap3A_302] {strides = array<i32>} : memref<128xi32, #tpu.memory_space<vmem>>, vector<16xi32>,
      %swap3A_304 = vector.shape_cast %swap3A_303 : vector<16xi32> to vector<16xi32>
      %swap3A_305 = vector.shape_cast %and3A_301 : vector<16xi32> to vector<16xi32>
      tpu.vector_store %arg9[%swap3A_302], %swap3A_305 {strides = array<i32>} : memref<128xi32, #tpu.memory_space<vmem>>, vector<16xi32>,
      %get3A_306 = arith.index_cast %add3A_197 : i32 to index
      %get3A_307 = arith.constant 96 : index
      %get3A_308 = tpu.vector_load %arg5[%get3A_306, %get3A_307] {strides = array<i32>} : memref<80x128xi32, #tpu.memory_space<vmem>>, vector<1x16xi32>,
      %get3A_309 = vector.shape_cast %get3A_308 : vector<1x16xi32> to vector<16xi32>
      %shift_right_arithmetic3A_310 = arith.constant 14 : i32
      %shift_right_arithmetic3A_311 = vector.broadcast %shift_right_arithmetic3A_310 : i32 to vector<16xi32>
      %shift_right_arithmetic3A_312 = arith.shrsi %get3A_309, %shift_right_arithmetic3A_311 : vector<16xi32>
      %swap3A_313 = arith.constant 96 : index
      %swap3A_314 = tpu.vector_load %arg8[%swap3A_313] {strides = array<i32>} : memref<128xi32, #tpu.memory_space<vmem>>, vector<16xi32>,
      %swap3A_315 = vector.shape_cast %swap3A_314 : vector<16xi32> to vector<16xi32>
      %swap3A_316 = vector.shape_cast %shift_right_arithmetic3A_312 : vector<16xi32> to vector<16xi32>
      tpu.vector_store %arg8[%swap3A_313], %swap3A_316 {strides = array<i32>} : memref<128xi32, #tpu.memory_space<vmem>>, vector<16xi32>,
      %and3A_317 = arith.constant 16383 : i32
      %and3A_318 = vector.broadcast %and3A_317 : i32 to vector<16xi32>
      %and3A_319 = arith.andi %get3A_309, %and3A_318 : vector<16xi32>
      %swap3A_320 = arith.constant 96 : index
      %swap3A_321 = tpu.vector_load %arg9[%swap3A_320] {strides = array<i32>} : memref<128xi32, #tpu.memory_space<vmem>>, vector<16xi32>,
      %swap3A_322 = vector.shape_cast %swap3A_321 : vector<16xi32> to vector<16xi32>
      %swap3A_323 = vector.shape_cast %and3A_319 : vector<16xi32> to vector<16xi32>
      tpu.vector_store %arg9[%swap3A_320], %swap3A_323 {strides = array<i32>} : memref<128xi32, #tpu.memory_space<vmem>>, vector<16xi32>,
      %get3A_324 = arith.index_cast %add3A_197 : i32 to index
      %get3A_325 = arith.constant 112 : index
      %get3A_326 = tpu.vector_load %arg5[%get3A_324, %get3A_325] {strides = array<i32>} : memref<80x128xi32, #tpu.memory_space<vmem>>, vector<1x16xi32>,
      %get3A_327 = vector.shape_cast %get3A_326 : vector<1x16xi32> to vector<16xi32>
      %shift_right_arithmetic3A_328 = arith.constant 14 : i32
      %shift_right_arithmetic3A_329 = vector.broadcast %shift_right_arithmetic3A_328 : i32 to vector<16xi32>
      %shift_right_arithmetic3A_330 = arith.shrsi %get3A_327, %shift_right_arithmetic3A_329 : vector<16xi32>
      %swap3A_331 = arith.constant 112 : index
      %swap3A_332 = tpu.vector_load %arg8[%swap3A_331] {strides = array<i32>} : memref<128xi32, #tpu.memory_space<vmem>>, vector<16xi32>,
      %swap3A_333 = vector.shape_cast %swap3A_332 : vector<16xi32> to vector<16xi32>
      %swap3A_334 = vector.shape_cast %shift_right_arithmetic3A_330 : vector<16xi32> to vector<16xi32>
      tpu.vector_store %arg8[%swap3A_331], %swap3A_334 {strides = array<i32>} : memref<128xi32, #tpu.memory_space<vmem>>, vector<16xi32>,
      %and3A_335 = arith.constant 16383 : i32
      %and3A_336 = vector.broadcast %and3A_335 : i32 to vector<16xi32>
      %and3A_337 = arith.andi %get3A_327, %and3A_336 : vector<16xi32>
      %swap3A_338 = arith.constant 112 : index
      %swap3A_339 = tpu.vector_load %arg9[%swap3A_338] {strides = array<i32>} : memref<128xi32, #tpu.memory_space<vmem>>, vector<16xi32>,
      %swap3A_340 = vector.shape_cast %swap3A_339 : vector<16xi32> to vector<16xi32>
      %swap3A_341 = vector.shape_cast %and3A_337 : vector<16xi32> to vector<16xi32>
      tpu.vector_store %arg9[%swap3A_338], %swap3A_341 {strides = array<i32>} : memref<128xi32, #tpu.memory_space<vmem>>, vector<16xi32>,
      %dma_start3A_342 = arith.constant 0 : i32
      %dma_start3A_343 = arith.constant 0 : i32
      %dma_start3A_344 = tpu.memref_slice %arg2[%dma_start3A_342, %dma_start3A_343] : memref<10000x128xf32, #tpu.memory_space<hbm>> -> memref<10000x128xf32, #tpu.memory_space<hbm>>
      tpu.enqueue_indirect_dma source(%dma_start3A_344 : memref<10000x128xf32, #tpu.memory_space<hbm>>) target(%arg11 : memref<128x128xf32, #tpu.memory_space<vmem>>) offsets(%arg8 : memref<128xi32, #tpu.memory_space<vmem>>) semaphore(%arg14 : memref<!tpu.dma_semaphore, #tpu.memory_space<semaphore_mem>>)
      %dma_wait3A = arith.constant 0 : i32
      %dma_wait3A_345 = arith.constant 0 : i32
      %dma_wait3A_346 = tpu.memref_slice %arg2[%dma_wait3A, %dma_wait3A_345] : memref<10000x128xf32, #tpu.memory_space<hbm>> -> memref<10000x128xf32, #tpu.memory_space<hbm>>
      tpu.wait_indirect_dma semaphore(%arg13 : memref<!tpu.dma_semaphore, #tpu.memory_space<semaphore_mem>>) src(%dma_wait3A_346 : memref<10000x128xf32, #tpu.memory_space<hbm>>) dst(%arg10 : memref<128x128xf32, #tpu.memory_space<vmem>>)
      "tpu.region"() ({
        %run_scoped3A = tpu.sem_alloc : memref<!tpu.dma_semaphore, #tpu.memory_space<semaphore_mem>>
        %dma_start3A_354 = arith.constant 0 : i32
        %dma_start3A_355 = arith.constant 0 : i32
        %dma_start3A_356 = tpu.memref_slice %arg12[%dma_start3A_354, %dma_start3A_355] : memref<10240x128xf32, #tpu.memory_space<vmem_shared>> -> memref<10240x128xf32, #tpu.memory_space<vmem_shared>>
        tpu.enqueue_indirect_dma source(%arg10 : memref<128x128xf32, #tpu.memory_space<vmem>>) target(%dma_start3A_356 : memref<10240x128xf32, #tpu.memory_space<vmem_shared>>) offsets(%arg7 : memref<128xi32, #tpu.memory_space<vmem>>) semaphore(%run_scoped3A : memref<!tpu.dma_semaphore, #tpu.memory_space<semaphore_mem>>) {add = true}
        %dma_wait3A_357 = arith.constant 0 : i32
        %dma_wait3A_358 = arith.constant 0 : i32
        %dma_wait3A_359 = tpu.memref_slice %arg12[%dma_wait3A_357, %dma_wait3A_358] : memref<10240x128xf32, #tpu.memory_space<vmem_shared>> -> memref<10240x128xf32, #tpu.memory_space<vmem_shared>>
        tpu.wait_indirect_dma semaphore(%run_scoped3A : memref<!tpu.dma_semaphore, #tpu.memory_space<semaphore_mem>>) src(%arg10 : memref<128x128xf32, #tpu.memory_space<vmem>>) dst(%dma_wait3A_359 : memref<10240x128xf32, #tpu.memory_space<vmem_shared>>)
        tpu.yield
      }) : () -> ()
      %add3A_347 = arith.constant 2 : i32
      %add3A_348 = arith.addi %mul3A_195, %add3A_347 : i32
      %lt3A = arith.constant 80 : i32
      %lt3A_349 = arith.cmpi slt, %add3A_348, %lt3A : i32
      %convert_element_type3A = arith.extui %lt3A_349 : i1 to i32
      %cond3A = arith.constant 0 : i32
      %cond3A_350 = arith.cmpi ne, %convert_element_type3A, %cond3A : i32
      scf.if %cond3A_350 {
        %add3A_354 = arith.constant 2 : i32
        %add3A_355 = arith.addi %mul3A_195, %add3A_354 : i32
        %get3A_356 = arith.index_cast %add3A_355 : i32 to index
        %get3A_357 = arith.constant 0 : index
        %get3A_358 = tpu.vector_load %arg5[%get3A_356, %get3A_357] {strides = array<i32>} : memref<80x128xi32, #tpu.memory_space<vmem>>, vector<1x16xi32>,
        %get3A_359 = vector.shape_cast %get3A_358 : vector<1x16xi32> to vector<16xi32>
        %shift_right_arithmetic3A_360 = arith.constant 14 : i32
        %shift_right_arithmetic3A_361 = vector.broadcast %shift_right_arithmetic3A_360 : i32 to vector<16xi32>
        %shift_right_arithmetic3A_362 = arith.shrsi %get3A_359, %shift_right_arithmetic3A_361 : vector<16xi32>
        %swap3A_363 = arith.constant 0 : index
        %swap3A_364 = tpu.vector_load %arg6[%swap3A_363] {strides = array<i32>} : memref<128xi32, #tpu.memory_space<vmem>>, vector<16xi32>,
        %swap3A_365 = vector.shape_cast %swap3A_364 : vector<16xi32> to vector<16xi32>
        %swap3A_366 = vector.shape_cast %shift_right_arithmetic3A_362 : vector<16xi32> to vector<16xi32>
        tpu.vector_store %arg6[%swap3A_363], %swap3A_366 {strides = array<i32>} : memref<128xi32, #tpu.memory_space<vmem>>, vector<16xi32>,
        %and3A_367 = arith.constant 16383 : i32
        %and3A_368 = vector.broadcast %and3A_367 : i32 to vector<16xi32>
        %and3A_369 = arith.andi %get3A_359, %and3A_368 : vector<16xi32>
        %swap3A_370 = arith.constant 0 : index
        %swap3A_371 = tpu.vector_load %arg7[%swap3A_370] {strides = array<i32>} : memref<128xi32, #tpu.memory_space<vmem>>, vector<16xi32>,
        %swap3A_372 = vector.shape_cast %swap3A_371 : vector<16xi32> to vector<16xi32>
        %swap3A_373 = vector.shape_cast %and3A_369 : vector<16xi32> to vector<16xi32>
        tpu.vector_store %arg7[%swap3A_370], %swap3A_373 {strides = array<i32>} : memref<128xi32, #tpu.memory_space<vmem>>, vector<16xi32>,
        %get3A_374 = arith.index_cast %add3A_355 : i32 to index
        %get3A_375 = arith.constant 16 : index
        %get3A_376 = tpu.vector_load %arg5[%get3A_374, %get3A_375] {strides = array<i32>} : memref<80x128xi32, #tpu.memory_space<vmem>>, vector<1x16xi32>,
        %get3A_377 = vector.shape_cast %get3A_376 : vector<1x16xi32> to vector<16xi32>
        %shift_right_arithmetic3A_378 = arith.constant 14 : i32
        %shift_right_arithmetic3A_379 = vector.broadcast %shift_right_arithmetic3A_378 : i32 to vector<16xi32>
        %shift_right_arithmetic3A_380 = arith.shrsi %get3A_377, %shift_right_arithmetic3A_379 : vector<16xi32>
        %swap3A_381 = arith.constant 16 : index
        %swap3A_382 = tpu.vector_load %arg6[%swap3A_381] {strides = array<i32>} : memref<128xi32, #tpu.memory_space<vmem>>, vector<16xi32>,
        %swap3A_383 = vector.shape_cast %swap3A_382 : vector<16xi32> to vector<16xi32>
        %swap3A_384 = vector.shape_cast %shift_right_arithmetic3A_380 : vector<16xi32> to vector<16xi32>
        tpu.vector_store %arg6[%swap3A_381], %swap3A_384 {strides = array<i32>} : memref<128xi32, #tpu.memory_space<vmem>>, vector<16xi32>,
        %and3A_385 = arith.constant 16383 : i32
        %and3A_386 = vector.broadcast %and3A_385 : i32 to vector<16xi32>
        %and3A_387 = arith.andi %get3A_377, %and3A_386 : vector<16xi32>
        %swap3A_388 = arith.constant 16 : index
        %swap3A_389 = tpu.vector_load %arg7[%swap3A_388] {strides = array<i32>} : memref<128xi32, #tpu.memory_space<vmem>>, vector<16xi32>,
        %swap3A_390 = vector.shape_cast %swap3A_389 : vector<16xi32> to vector<16xi32>
        %swap3A_391 = vector.shape_cast %and3A_387 : vector<16xi32> to vector<16xi32>
        tpu.vector_store %arg7[%swap3A_388], %swap3A_391 {strides = array<i32>} : memref<128xi32, #tpu.memory_space<vmem>>, vector<16xi32>,
        %get3A_392 = arith.index_cast %add3A_355 : i32 to index
        %get3A_393 = arith.constant 32 : index
        %get3A_394 = tpu.vector_load %arg5[%get3A_392, %get3A_393] {strides = array<i32>} : memref<80x128xi32, #tpu.memory_space<vmem>>, vector<1x16xi32>,
        %get3A_395 = vector.shape_cast %get3A_394 : vector<1x16xi32> to vector<16xi32>
        %shift_right_arithmetic3A_396 = arith.constant 14 : i32
        %shift_right_arithmetic3A_397 = vector.broadcast %shift_right_arithmetic3A_396 : i32 to vector<16xi32>
        %shift_right_arithmetic3A_398 = arith.shrsi %get3A_395, %shift_right_arithmetic3A_397 : vector<16xi32>
        %swap3A_399 = arith.constant 32 : index
        %swap3A_400 = tpu.vector_load %arg6[%swap3A_399] {strides = array<i32>} : memref<128xi32, #tpu.memory_space<vmem>>, vector<16xi32>,
        %swap3A_401 = vector.shape_cast %swap3A_400 : vector<16xi32> to vector<16xi32>
        %swap3A_402 = vector.shape_cast %shift_right_arithmetic3A_398 : vector<16xi32> to vector<16xi32>
        tpu.vector_store %arg6[%swap3A_399], %swap3A_402 {strides = array<i32>} : memref<128xi32, #tpu.memory_space<vmem>>, vector<16xi32>,
        %and3A_403 = arith.constant 16383 : i32
        %and3A_404 = vector.broadcast %and3A_403 : i32 to vector<16xi32>
        %and3A_405 = arith.andi %get3A_395, %and3A_404 : vector<16xi32>
        %swap3A_406 = arith.constant 32 : index
        %swap3A_407 = tpu.vector_load %arg7[%swap3A_406] {strides = array<i32>} : memref<128xi32, #tpu.memory_space<vmem>>, vector<16xi32>,
        %swap3A_408 = vector.shape_cast %swap3A_407 : vector<16xi32> to vector<16xi32>
        %swap3A_409 = vector.shape_cast %and3A_405 : vector<16xi32> to vector<16xi32>
        tpu.vector_store %arg7[%swap3A_406], %swap3A_409 {strides = array<i32>} : memref<128xi32, #tpu.memory_space<vmem>>, vector<16xi32>,
        %get3A_410 = arith.index_cast %add3A_355 : i32 to index
        %get3A_411 = arith.constant 48 : index
        %get3A_412 = tpu.vector_load %arg5[%get3A_410, %get3A_411] {strides = array<i32>} : memref<80x128xi32, #tpu.memory_space<vmem>>, vector<1x16xi32>,
        %get3A_413 = vector.shape_cast %get3A_412 : vector<1x16xi32> to vector<16xi32>
        %shift_right_arithmetic3A_414 = arith.constant 14 : i32
        %shift_right_arithmetic3A_415 = vector.broadcast %shift_right_arithmetic3A_414 : i32 to vector<16xi32>
        %shift_right_arithmetic3A_416 = arith.shrsi %get3A_413, %shift_right_arithmetic3A_415 : vector<16xi32>
        %swap3A_417 = arith.constant 48 : index
        %swap3A_418 = tpu.vector_load %arg6[%swap3A_417] {strides = array<i32>} : memref<128xi32, #tpu.memory_space<vmem>>, vector<16xi32>,
        %swap3A_419 = vector.shape_cast %swap3A_418 : vector<16xi32> to vector<16xi32>
        %swap3A_420 = vector.shape_cast %shift_right_arithmetic3A_416 : vector<16xi32> to vector<16xi32>
        tpu.vector_store %arg6[%swap3A_417], %swap3A_420 {strides = array<i32>} : memref<128xi32, #tpu.memory_space<vmem>>, vector<16xi32>,
        %and3A_421 = arith.constant 16383 : i32
        %and3A_422 = vector.broadcast %and3A_421 : i32 to vector<16xi32>
        %and3A_423 = arith.andi %get3A_413, %and3A_422 : vector<16xi32>
        %swap3A_424 = arith.constant 48 : index
        %swap3A_425 = tpu.vector_load %arg7[%swap3A_424] {strides = array<i32>} : memref<128xi32, #tpu.memory_space<vmem>>, vector<16xi32>,
        %swap3A_426 = vector.shape_cast %swap3A_425 : vector<16xi32> to vector<16xi32>
        %swap3A_427 = vector.shape_cast %and3A_423 : vector<16xi32> to vector<16xi32>
        tpu.vector_store %arg7[%swap3A_424], %swap3A_427 {strides = array<i32>} : memref<128xi32, #tpu.memory_space<vmem>>, vector<16xi32>,
        %get3A_428 = arith.index_cast %add3A_355 : i32 to index
        %get3A_429 = arith.constant 64 : index
        %get3A_430 = tpu.vector_load %arg5[%get3A_428, %get3A_429] {strides = array<i32>} : memref<80x128xi32, #tpu.memory_space<vmem>>, vector<1x16xi32>,
        %get3A_431 = vector.shape_cast %get3A_430 : vector<1x16xi32> to vector<16xi32>
        %shift_right_arithmetic3A_432 = arith.constant 14 : i32
        %shift_right_arithmetic3A_433 = vector.broadcast %shift_right_arithmetic3A_432 : i32 to vector<16xi32>
        %shift_right_arithmetic3A_434 = arith.shrsi %get3A_431, %shift_right_arithmetic3A_433 : vector<16xi32>
        %swap3A_435 = arith.constant 64 : index
        %swap3A_436 = tpu.vector_load %arg6[%swap3A_435] {strides = array<i32>} : memref<128xi32, #tpu.memory_space<vmem>>, vector<16xi32>,
        %swap3A_437 = vector.shape_cast %swap3A_436 : vector<16xi32> to vector<16xi32>
        %swap3A_438 = vector.shape_cast %shift_right_arithmetic3A_434 : vector<16xi32> to vector<16xi32>
        tpu.vector_store %arg6[%swap3A_435], %swap3A_438 {strides = array<i32>} : memref<128xi32, #tpu.memory_space<vmem>>, vector<16xi32>,
        %and3A_439 = arith.constant 16383 : i32
        %and3A_440 = vector.broadcast %and3A_439 : i32 to vector<16xi32>
        %and3A_441 = arith.andi %get3A_431, %and3A_440 : vector<16xi32>
        %swap3A_442 = arith.constant 64 : index
        %swap3A_443 = tpu.vector_load %arg7[%swap3A_442] {strides = array<i32>} : memref<128xi32, #tpu.memory_space<vmem>>, vector<16xi32>,
        %swap3A_444 = vector.shape_cast %swap3A_443 : vector<16xi32> to vector<16xi32>
        %swap3A_445 = vector.shape_cast %and3A_441 : vector<16xi32> to vector<16xi32>
        tpu.vector_store %arg7[%swap3A_442], %swap3A_445 {strides = array<i32>} : memref<128xi32, #tpu.memory_space<vmem>>, vector<16xi32>,
        %get3A_446 = arith.index_cast %add3A_355 : i32 to index
        %get3A_447 = arith.constant 80 : index
        %get3A_448 = tpu.vector_load %arg5[%get3A_446, %get3A_447] {strides = array<i32>} : memref<80x128xi32, #tpu.memory_space<vmem>>, vector<1x16xi32>,
        %get3A_449 = vector.shape_cast %get3A_448 : vector<1x16xi32> to vector<16xi32>
        %shift_right_arithmetic3A_450 = arith.constant 14 : i32
        %shift_right_arithmetic3A_451 = vector.broadcast %shift_right_arithmetic3A_450 : i32 to vector<16xi32>
        %shift_right_arithmetic3A_452 = arith.shrsi %get3A_449, %shift_right_arithmetic3A_451 : vector<16xi32>
        %swap3A_453 = arith.constant 80 : index
        %swap3A_454 = tpu.vector_load %arg6[%swap3A_453] {strides = array<i32>} : memref<128xi32, #tpu.memory_space<vmem>>, vector<16xi32>,
        %swap3A_455 = vector.shape_cast %swap3A_454 : vector<16xi32> to vector<16xi32>
        %swap3A_456 = vector.shape_cast %shift_right_arithmetic3A_452 : vector<16xi32> to vector<16xi32>
        tpu.vector_store %arg6[%swap3A_453], %swap3A_456 {strides = array<i32>} : memref<128xi32, #tpu.memory_space<vmem>>, vector<16xi32>,
        %and3A_457 = arith.constant 16383 : i32
        %and3A_458 = vector.broadcast %and3A_457 : i32 to vector<16xi32>
        %and3A_459 = arith.andi %get3A_449, %and3A_458 : vector<16xi32>
        %swap3A_460 = arith.constant 80 : index
        %swap3A_461 = tpu.vector_load %arg7[%swap3A_460] {strides = array<i32>} : memref<128xi32, #tpu.memory_space<vmem>>, vector<16xi32>,
        %swap3A_462 = vector.shape_cast %swap3A_461 : vector<16xi32> to vector<16xi32>
        %swap3A_463 = vector.shape_cast %and3A_459 : vector<16xi32> to vector<16xi32>
        tpu.vector_store %arg7[%swap3A_460], %swap3A_463 {strides = array<i32>} : memref<128xi32, #tpu.memory_space<vmem>>, vector<16xi32>,
        %get3A_464 = arith.index_cast %add3A_355 : i32 to index
        %get3A_465 = arith.constant 96 : index
        %get3A_466 = tpu.vector_load %arg5[%get3A_464, %get3A_465] {strides = array<i32>} : memref<80x128xi32, #tpu.memory_space<vmem>>, vector<1x16xi32>,
        %get3A_467 = vector.shape_cast %get3A_466 : vector<1x16xi32> to vector<16xi32>
        %shift_right_arithmetic3A_468 = arith.constant 14 : i32
        %shift_right_arithmetic3A_469 = vector.broadcast %shift_right_arithmetic3A_468 : i32 to vector<16xi32>
        %shift_right_arithmetic3A_470 = arith.shrsi %get3A_467, %shift_right_arithmetic3A_469 : vector<16xi32>
        %swap3A_471 = arith.constant 96 : index
        %swap3A_472 = tpu.vector_load %arg6[%swap3A_471] {strides = array<i32>} : memref<128xi32, #tpu.memory_space<vmem>>, vector<16xi32>,
        %swap3A_473 = vector.shape_cast %swap3A_472 : vector<16xi32> to vector<16xi32>
        %swap3A_474 = vector.shape_cast %shift_right_arithmetic3A_470 : vector<16xi32> to vector<16xi32>
        tpu.vector_store %arg6[%swap3A_471], %swap3A_474 {strides = array<i32>} : memref<128xi32, #tpu.memory_space<vmem>>, vector<16xi32>,
        %and3A_475 = arith.constant 16383 : i32
        %and3A_476 = vector.broadcast %and3A_475 : i32 to vector<16xi32>
        %and3A_477 = arith.andi %get3A_467, %and3A_476 : vector<16xi32>
        %swap3A_478 = arith.constant 96 : index
        %swap3A_479 = tpu.vector_load %arg7[%swap3A_478] {strides = array<i32>} : memref<128xi32, #tpu.memory_space<vmem>>, vector<16xi32>,
        %swap3A_480 = vector.shape_cast %swap3A_479 : vector<16xi32> to vector<16xi32>
        %swap3A_481 = vector.shape_cast %and3A_477 : vector<16xi32> to vector<16xi32>
        tpu.vector_store %arg7[%swap3A_478], %swap3A_481 {strides = array<i32>} : memref<128xi32, #tpu.memory_space<vmem>>, vector<16xi32>,
        %get3A_482 = arith.index_cast %add3A_355 : i32 to index
        %get3A_483 = arith.constant 112 : index
        %get3A_484 = tpu.vector_load %arg5[%get3A_482, %get3A_483] {strides = array<i32>} : memref<80x128xi32, #tpu.memory_space<vmem>>, vector<1x16xi32>,
        %get3A_485 = vector.shape_cast %get3A_484 : vector<1x16xi32> to vector<16xi32>
        %shift_right_arithmetic3A_486 = arith.constant 14 : i32
        %shift_right_arithmetic3A_487 = vector.broadcast %shift_right_arithmetic3A_486 : i32 to vector<16xi32>
        %shift_right_arithmetic3A_488 = arith.shrsi %get3A_485, %shift_right_arithmetic3A_487 : vector<16xi32>
        %swap3A_489 = arith.constant 112 : index
        %swap3A_490 = tpu.vector_load %arg6[%swap3A_489] {strides = array<i32>} : memref<128xi32, #tpu.memory_space<vmem>>, vector<16xi32>,
        %swap3A_491 = vector.shape_cast %swap3A_490 : vector<16xi32> to vector<16xi32>
        %swap3A_492 = vector.shape_cast %shift_right_arithmetic3A_488 : vector<16xi32> to vector<16xi32>
        tpu.vector_store %arg6[%swap3A_489], %swap3A_492 {strides = array<i32>} : memref<128xi32, #tpu.memory_space<vmem>>, vector<16xi32>,
        %and3A_493 = arith.constant 16383 : i32
        %and3A_494 = vector.broadcast %and3A_493 : i32 to vector<16xi32>
        %and3A_495 = arith.andi %get3A_485, %and3A_494 : vector<16xi32>
        %swap3A_496 = arith.constant 112 : index
        %swap3A_497 = tpu.vector_load %arg7[%swap3A_496] {strides = array<i32>} : memref<128xi32, #tpu.memory_space<vmem>>, vector<16xi32>,
        %swap3A_498 = vector.shape_cast %swap3A_497 : vector<16xi32> to vector<16xi32>
        %swap3A_499 = vector.shape_cast %and3A_495 : vector<16xi32> to vector<16xi32>
        tpu.vector_store %arg7[%swap3A_496], %swap3A_499 {strides = array<i32>} : memref<128xi32, #tpu.memory_space<vmem>>, vector<16xi32>,
        %dma_start3A_500 = arith.constant 0 : i32
        %dma_start3A_501 = arith.constant 0 : i32
        %dma_start3A_502 = tpu.memref_slice %arg2[%dma_start3A_500, %dma_start3A_501] : memref<10000x128xf32, #tpu.memory_space<hbm>> -> memref<10000x128xf32, #tpu.memory_space<hbm>>
        tpu.enqueue_indirect_dma source(%dma_start3A_502 : memref<10000x128xf32, #tpu.memory_space<hbm>>) target(%arg10 : memref<128x128xf32, #tpu.memory_space<vmem>>) offsets(%arg6 : memref<128xi32, #tpu.memory_space<vmem>>) semaphore(%arg13 : memref<!tpu.dma_semaphore, #tpu.memory_space<semaphore_mem>>)
      } else {
      }
      %dma_wait3A_351 = arith.constant 0 : i32
      %dma_wait3A_352 = arith.constant 0 : i32
      %dma_wait3A_353 = tpu.memref_slice %arg2[%dma_wait3A_351, %dma_wait3A_352] : memref<10000x128xf32, #tpu.memory_space<hbm>> -> memref<10000x128xf32, #tpu.memory_space<hbm>>
      tpu.wait_indirect_dma semaphore(%arg14 : memref<!tpu.dma_semaphore, #tpu.memory_space<semaphore_mem>>) src(%dma_wait3A_353 : memref<10000x128xf32, #tpu.memory_space<hbm>>) dst(%arg11 : memref<128x128xf32, #tpu.memory_space<vmem>>)
      "tpu.region"() ({
        %run_scoped3A = tpu.sem_alloc : memref<!tpu.dma_semaphore, #tpu.memory_space<semaphore_mem>>
        %dma_start3A_354 = arith.constant 0 : i32
        %dma_start3A_355 = arith.constant 0 : i32
        %dma_start3A_356 = tpu.memref_slice %arg12[%dma_start3A_354, %dma_start3A_355] : memref<10240x128xf32, #tpu.memory_space<vmem_shared>> -> memref<10240x128xf32, #tpu.memory_space<vmem_shared>>
        tpu.enqueue_indirect_dma source(%arg11 : memref<128x128xf32, #tpu.memory_space<vmem>>) target(%dma_start3A_356 : memref<10240x128xf32, #tpu.memory_space<vmem_shared>>) offsets(%arg9 : memref<128xi32, #tpu.memory_space<vmem>>) semaphore(%run_scoped3A : memref<!tpu.dma_semaphore, #tpu.memory_space<semaphore_mem>>) {add = true}
        %dma_wait3A_357 = arith.constant 0 : i32
        %dma_wait3A_358 = arith.constant 0 : i32
        %dma_wait3A_359 = tpu.memref_slice %arg12[%dma_wait3A_357, %dma_wait3A_358] : memref<10240x128xf32, #tpu.memory_space<vmem_shared>> -> memref<10240x128xf32, #tpu.memory_space<vmem_shared>>
        tpu.wait_indirect_dma semaphore(%run_scoped3A : memref<!tpu.dma_semaphore, #tpu.memory_space<semaphore_mem>>) src(%arg11 : memref<128x128xf32, #tpu.memory_space<vmem>>) dst(%dma_wait3A_359 : memref<10240x128xf32, #tpu.memory_space<vmem_shared>>)
        tpu.yield
      }) : () -> ()
    }
    %scan3A_184 = arith.constant 40 : i32
    %barrier3A_185 = arith.constant 0 : index
    tpu.barrier barrier_id(%barrier3A_185)
    %mul3A_186 = arith.constant 640 : i32
    %mul3A_187 = arith.muli %arg1, %mul3A_186 : i32
    %mul3A_188 = arith.constant 10240 : i32
    %mul3A_189 = arith.muli %arg0, %mul3A_188 : i32
    %mul3A_190 = arith.constant 640 : i32
    %mul3A_191 = arith.muli %arg1, %mul3A_190 : i32
    %add3A_192 = arith.addi %mul3A_189, %mul3A_191 : i32
    "tpu.region"() ({
      %run_scoped3A = tpu.sem_alloc : memref<!tpu.dma_semaphore, #tpu.memory_space<semaphore_mem>>
      %dma_start3A_193 = arith.constant 0 : i32
      %dma_start3A_194 = tpu.memref_slice %arg4[%add3A_192, %dma_start3A_193] : memref<20480x128xf32, #tpu.memory_space<hbm>> -> memref<640x128xf32, #tpu.memory_space<hbm>>
      %dma_start3A_195 = arith.constant 0 : i32
      %dma_start3A_196 = tpu.memref_slice %arg12[%mul3A_187, %dma_start3A_195] : memref<10240x128xf32, #tpu.memory_space<vmem_shared>> -> memref<640x128xf32, #tpu.memory_space<vmem_shared>>
      tpu.enqueue_dma source(%dma_start3A_196 : memref<640x128xf32, #tpu.memory_space<vmem_shared>>) target(%dma_start3A_194 : memref<640x128xf32, #tpu.memory_space<hbm>>) target_semaphore(%run_scoped3A : memref<!tpu.dma_semaphore, #tpu.memory_space<semaphore_mem>>)
      %dma_wait3A = arith.constant 0 : i32
      %dma_wait3A_197 = tpu.memref_slice %arg4[%add3A_192, %dma_wait3A] : memref<20480x128xf32, #tpu.memory_space<hbm>> -> memref<640x128xf32, #tpu.memory_space<hbm>>
      %dma_wait3A_198 = arith.constant 0 : i32
      %dma_wait3A_199 = tpu.memref_slice %arg12[%mul3A_187, %dma_wait3A_198] : memref<10240x128xf32, #tpu.memory_space<vmem_shared>> -> memref<640x128xf32, #tpu.memory_space<vmem_shared>>
      tpu.wait_dma2 semaphore(%run_scoped3A : memref<!tpu.dma_semaphore, #tpu.memory_space<semaphore_mem>>) src(%dma_wait3A_199 : memref<640x128xf32, #tpu.memory_space<vmem_shared>>) dst(%dma_wait3A_197 : memref<640x128xf32, #tpu.memory_space<hbm>>)
      tpu.yield
    }) : () -> ()
    return
  }
}

module attributes {stable_mosaic.version = 14 : i64} {
  func.func @_lin_in_body(%arg0: i32, %arg1: memref<1000x128xf32, #tpu.memory_space<vmem>>, %arg2: memref<128x128xf32, #tpu.memory_space<vmem>>, %arg3: memref<1x128xf32, #tpu.memory_space<vmem>>, %arg4: memref<1000x128xf32, #tpu.memory_space<vmem>>, %arg5: memref<1000x128xf32, #tpu.memory_space<vmem>>) attributes {dimension_semantics = [#tpu.dimension_semantics<arbitrary>], iteration_bounds = array<i64: 10>, scalar_prefetch = 0 : i64, scratch_operands = 0 : i64, tpu.core_type = #tpu.core_type<tc>, window_params = [{transform_indices = @transform_0, window_bounds = array<i64: 1000, 128>}, {pipeline_mode = #tpu.pipeline_mode<synchronous>, transform_indices = @transform_1, window_bounds = array<i64: 128, 128>}, {pipeline_mode = #tpu.pipeline_mode<synchronous>, transform_indices = @transform_2, window_bounds = array<i64: 1, 128>}, {transform_indices = @transform_3, window_bounds = array<i64: 1000, 128>}, {transform_indices = @transform_4, window_bounds = array<i64: 1000, 128>}]} {
    %get3A = arith.constant 0 : index
    %get3A_0 = arith.constant 0 : index
    %get3A_1 = vector.load %arg1[%get3A, %get3A_0] : memref<1000x128xf32, #tpu.memory_space<vmem>>, vector<1000x128xf32>
    %convert_element_type3A = arith.truncf %get3A_1 : vector<1000x128xf32> to vector<1000x128xbf16>
    %get3A_2 = arith.constant 0 : index
    %get3A_3 = arith.constant 0 : index
    %get3A_4 = vector.load %arg2[%get3A_2, %get3A_3] : memref<128x128xf32, #tpu.memory_space<vmem>>, vector<128x128xf32>
    %convert_element_type3A_5 = arith.truncf %get3A_4 : vector<128x128xf32> to vector<128x128xbf16>
    %dot_general3A = arith.constant dense<0.000000e+00> : vector<1000x128xf32>
    %dot_general3A_6 = tpu.matmul %convert_element_type3A, %convert_element_type3A_5, %dot_general3A {dimension_numbers = #tpu.dot_dimension_numbers<[1], [0], [0], [1], [0, 0, 1, 1], [], []>, transpose_lhs_hint = false} : vector<1000x128xbf16>, vector<128x128xbf16>, vector<1000x128xf32> -> vector<1000x128xf32>
    %get3A_7 = arith.constant 0 : index
    %get3A_8 = arith.constant 0 : index
    %get3A_9 = vector.load %arg3[%get3A_7, %get3A_8] : memref<1x128xf32, #tpu.memory_space<vmem>>, vector<1x128xf32>
    %add3A = vector.broadcast %get3A_9 : vector<1x128xf32> to vector<1000x128xf32>
    %add3A_10 = arith.addf %dot_general3A_6, %add3A : vector<1000x128xf32>
    %swap3A = arith.constant 0 : index
    %swap3A_11 = arith.constant 0 : index
    %swap3A_12 = vector.load %arg4[%swap3A, %swap3A_11] : memref<1000x128xf32, #tpu.memory_space<vmem>>, vector<1000x128xf32>
    tpu.vector_store %arg4[%swap3A, %swap3A_11], %add3A_10 {strides = array<i32>} : memref<1000x128xf32, #tpu.memory_space<vmem>>, vector<1000x128xf32>,
    %max3A = arith.constant 0.000000e+00 : f32
    %max3A_13 = vector.broadcast %max3A : f32 to vector<1000x128xf32>
    %max3A_14 = arith.maximumf %add3A_10, %max3A_13 : vector<1000x128xf32>
    %swap3A_15 = arith.constant 0 : index
    %swap3A_16 = arith.constant 0 : index
    %swap3A_17 = vector.load %arg5[%swap3A_15, %swap3A_16] : memref<1000x128xf32, #tpu.memory_space<vmem>>, vector<1000x128xf32>
    tpu.vector_store %arg5[%swap3A_15, %swap3A_16], %max3A_14 {strides = array<i32>} : memref<1000x128xf32, #tpu.memory_space<vmem>>, vector<1000x128xf32>,
    return
  }
  func.func @transform_0(%arg0: i32) -> (i32, i32) {
    %c0_i32 = arith.constant 0 : i32
    %c0_i32_0 = arith.constant 0 : i32
    return %arg0, %c0_i32 : i32, i32
  }
  func.func @transform_1(%arg0: i32) -> (i32, i32) {
    %c0_i32 = arith.constant 0 : i32
    %c0_i32_0 = arith.constant 0 : i32
    %c0_i32_1 = arith.constant 0 : i32
    return %c0_i32, %c0_i32_0 : i32, i32
  }
  func.func @transform_2(%arg0: i32) -> (i32, i32) {
    %c0_i32 = arith.constant 0 : i32
    %c0_i32_0 = arith.constant 0 : i32
    %c0_i32_1 = arith.constant 0 : i32
    return %c0_i32, %c0_i32_0 : i32, i32
  }
  func.func @transform_3(%arg0: i32) -> (i32, i32) {
    %c0_i32 = arith.constant 0 : i32
    %c0_i32_0 = arith.constant 0 : i32
    return %arg0, %c0_i32 : i32, i32
  }
  func.func @transform_4(%arg0: i32) -> (i32, i32) {
    %c0_i32 = arith.constant 0 : i32
    %c0_i32_0 = arith.constant 0 : i32
    return %arg0, %c0_i32 : i32, i32
  }
}

module attributes {stable_mosaic.version = 14 : i64} {
  func.func @_mlp1_body(%arg0: i32, %arg1: memref<1x1xf32, #tpu.memory_space<smem>>, %arg2: memref<1000x128xf32, #tpu.memory_space<vmem>>, %arg3: memref<2x1000x128xf32, #tpu.memory_space<vmem>>, %arg4: memref<128x256xf32, #tpu.memory_space<vmem>>, %arg5: memref<1x256xf32, #tpu.memory_space<vmem>>, %arg6: memref<1000x256xf32, #tpu.memory_space<vmem>>, %arg7: memref<1x256xf32, #tpu.memory_space<vmem>>) attributes {dimension_semantics = [#tpu.dimension_semantics<arbitrary>], iteration_bounds = array<i64: 10>, scalar_prefetch = 0 : i64, scratch_operands = 0 : i64, tpu.core_type = #tpu.core_type<tc>, window_params = [{transform_indices = @transform_0, window_bounds = array<i64: 1, 1>}, {transform_indices = @transform_1, window_bounds = array<i64: 1000, 128>}, {transform_indices = @transform_2, window_bounds = array<i64: 2, 1000, 128>}, {pipeline_mode = #tpu.pipeline_mode<synchronous>, transform_indices = @transform_3, window_bounds = array<i64: 128, 256>}, {pipeline_mode = #tpu.pipeline_mode<synchronous>, transform_indices = @transform_4, window_bounds = array<i64: 1, 256>}, {transform_indices = @transform_5, window_bounds = array<i64: 1000, 256>}, {pipeline_mode = #tpu.pipeline_mode<synchronous>, transform_indices = @transform_6, window_bounds = array<i64: 1, 256>}]} {
    %get3A = arith.constant 0 : index
    %get3A_0 = arith.constant 0 : index
    %get3A_1 = arith.constant 0 : index
    %get3A_2 = vector.load %arg3[%get3A, %get3A_0, %get3A_1] : memref<2x1000x128xf32, #tpu.memory_space<vmem>>, vector<1x1000x128xf32>
    %get3A_3 = vector.shape_cast %get3A_2 : vector<1x1000x128xf32> to vector<1000x128xf32>
    %get3A_4 = arith.constant 1 : index
    %get3A_5 = arith.constant 0 : index
    %get3A_6 = arith.constant 0 : index
    %get3A_7 = vector.load %arg3[%get3A_4, %get3A_5, %get3A_6] : memref<2x1000x128xf32, #tpu.memory_space<vmem>>, vector<1x1000x128xf32>
    %get3A_8 = vector.shape_cast %get3A_7 : vector<1x1000x128xf32> to vector<1000x128xf32>
    %add3A = arith.addf %get3A_3, %get3A_8 : vector<1000x128xf32>
    %get3A_9 = arith.constant 0 : index
    %get3A_10 = arith.constant 0 : index
    %get3A_11 = memref.load %arg1[%get3A_9, %get3A_10] : memref<1x1xf32, #tpu.memory_space<smem>>
    %add3A_12 = arith.constant 1.000000e+00 : f32
    %add3A_13 = arith.addf %add3A_12, %get3A_11 : f32
    %get3A_14 = arith.constant 0 : index
    %get3A_15 = arith.constant 0 : index
    %get3A_16 = vector.load %arg2[%get3A_14, %get3A_15] : memref<1000x128xf32, #tpu.memory_space<vmem>>, vector<1000x128xf32>
    %mul3A = vector.broadcast %add3A_13 : f32 to vector<1000x128xf32>
    %mul3A_17 = arith.mulf %mul3A, %get3A_16 : vector<1000x128xf32>
    %add3A_18 = arith.addf %mul3A_17, %add3A : vector<1000x128xf32>
    %convert_element_type3A = arith.truncf %add3A_18 : vector<1000x128xf32> to vector<1000x128xbf16>
    %get3A_19 = arith.constant 0 : index
    %get3A_20 = arith.constant 0 : index
    %get3A_21 = vector.load %arg4[%get3A_19, %get3A_20] : memref<128x256xf32, #tpu.memory_space<vmem>>, vector<128x256xf32>
    %convert_element_type3A_22 = arith.truncf %get3A_21 : vector<128x256xf32> to vector<128x256xbf16>
    %dot_general3A = arith.constant dense<0.000000e+00> : vector<1000x256xf32>
    %dot_general3A_23 = tpu.matmul %convert_element_type3A, %convert_element_type3A_22, %dot_general3A {dimension_numbers = #tpu.dot_dimension_numbers<[1], [0], [0], [1], [0, 0, 1, 1], [], []>, transpose_lhs_hint = false} : vector<1000x128xbf16>, vector<128x256xbf16>, vector<1000x256xf32> -> vector<1000x256xf32>
    %get3A_24 = arith.constant 0 : index
    %get3A_25 = arith.constant 0 : index
    %get3A_26 = vector.load %arg5[%get3A_24, %get3A_25] : memref<1x256xf32, #tpu.memory_space<vmem>>, vector<1x256xf32>
    %add3A_27 = vector.broadcast %get3A_26 : vector<1x256xf32> to vector<1000x256xf32>
    %add3A_28 = arith.addf %dot_general3A_23, %add3A_27 : vector<1000x256xf32>
    %swap3A = arith.constant 0 : index
    %swap3A_29 = arith.constant 0 : index
    %swap3A_30 = vector.load %arg6[%swap3A, %swap3A_29] : memref<1000x256xf32, #tpu.memory_space<vmem>>, vector<1000x256xf32>
    tpu.vector_store %arg6[%swap3A, %swap3A_29], %add3A_28 {strides = array<i32>} : memref<1000x256xf32, #tpu.memory_space<vmem>>, vector<1000x256xf32>,
    %reduce_sum3A = arith.constant dense<0.000000e+00> : vector<256xf32>
    %reduce_sum3A_31 = vector.multi_reduction <add>, %add3A_28, %reduce_sum3A [0] : vector<1000x256xf32> to vector<256xf32>
    %broadcast_in_dim3A = vector.shape_cast %reduce_sum3A_31 : vector<256xf32> to vector<1x256xf32>
    %eq3A = arith.constant 0 : i32
    %eq3A_32 = arith.cmpi eq, %arg0, %eq3A : i32
    %convert_element_type3A_33 = arith.extui %eq3A_32 : i1 to i32
    %cond3A = arith.constant 0 : i32
    %cond3A_34 = arith.cmpi ne, %convert_element_type3A_33, %cond3A : i32
    scf.if %cond3A_34 {
      %swap3A_39 = arith.constant 0 : index
      %swap3A_40 = arith.constant 0 : index
      %swap3A_41 = vector.load %arg7[%swap3A_39, %swap3A_40] : memref<1x256xf32, #tpu.memory_space<vmem>>, vector<1x256xf32>
      tpu.vector_store %arg7[%swap3A_39, %swap3A_40], %broadcast_in_dim3A {strides = array<i32>} : memref<1x256xf32, #tpu.memory_space<vmem>>, vector<1x256xf32>,
    } else {
    }
    %gt3A = arith.constant 0 : i32
    %gt3A_35 = arith.cmpi sgt, %arg0, %gt3A : i32
    %convert_element_type3A_36 = arith.extui %gt3A_35 : i1 to i32
    %cond3A_37 = arith.constant 0 : i32
    %cond3A_38 = arith.cmpi ne, %convert_element_type3A_36, %cond3A_37 : i32
    scf.if %cond3A_38 {
      %get3A_39 = arith.constant 0 : index
      %get3A_40 = arith.constant 0 : index
      %get3A_41 = vector.load %arg7[%get3A_39, %get3A_40] : memref<1x256xf32, #tpu.memory_space<vmem>>, vector<1x256xf32>
      %add3A_42 = arith.addf %get3A_41, %broadcast_in_dim3A : vector<1x256xf32>
      %swap3A_43 = arith.constant 0 : index
      %swap3A_44 = arith.constant 0 : index
      %swap3A_45 = vector.load %arg7[%swap3A_43, %swap3A_44] : memref<1x256xf32, #tpu.memory_space<vmem>>, vector<1x256xf32>
      tpu.vector_store %arg7[%swap3A_43, %swap3A_44], %add3A_42 {strides = array<i32>} : memref<1x256xf32, #tpu.memory_space<vmem>>, vector<1x256xf32>,
    } else {
    }
    return
  }
  func.func @transform_0(%arg0: i32) -> (i32, i32) {
    %c0_i32 = arith.constant 0 : i32
    %c0_i32_0 = arith.constant 0 : i32
    %c0_i32_1 = arith.constant 0 : i32
    return %c0_i32, %c0_i32_0 : i32, i32
  }
  func.func @transform_1(%arg0: i32) -> (i32, i32) {
    %c0_i32 = arith.constant 0 : i32
    %c0_i32_0 = arith.constant 0 : i32
    return %arg0, %c0_i32 : i32, i32
  }
  func.func @transform_2(%arg0: i32) -> (i32, i32, i32) {
    %c0_i32 = arith.constant 0 : i32
    %c0_i32_0 = arith.constant 0 : i32
    %c0_i32_1 = arith.constant 0 : i32
    return %c0_i32, %arg0, %c0_i32_0 : i32, i32, i32
  }
  func.func @transform_3(%arg0: i32) -> (i32, i32) {
    %c0_i32 = arith.constant 0 : i32
    %c0_i32_0 = arith.constant 0 : i32
    %c0_i32_1 = arith.constant 0 : i32
    return %c0_i32, %c0_i32_0 : i32, i32
  }
  func.func @transform_4(%arg0: i32) -> (i32, i32) {
    %c0_i32 = arith.constant 0 : i32
    %c0_i32_0 = arith.constant 0 : i32
    %c0_i32_1 = arith.constant 0 : i32
    return %c0_i32, %c0_i32_0 : i32, i32
  }
  func.func @transform_5(%arg0: i32) -> (i32, i32) {
    %c0_i32 = arith.constant 0 : i32
    %c0_i32_0 = arith.constant 0 : i32
    return %arg0, %c0_i32 : i32, i32
  }
  func.func @transform_6(%arg0: i32) -> (i32, i32) {
    %c0_i32 = arith.constant 0 : i32
    %c0_i32_0 = arith.constant 0 : i32
    %c0_i32_1 = arith.constant 0 : i32
    return %c0_i32, %c0_i32_0 : i32, i32
  }
}

module attributes {stable_mosaic.version = 14 : i64} {
  func.func @_bnvar_body(%arg0: i32, %arg1: memref<1x256xf32, #tpu.memory_space<vmem>>, %arg2: memref<1000x256xf32, #tpu.memory_space<vmem>>, %arg3: memref<1x256xf32, #tpu.memory_space<vmem>>) attributes {dimension_semantics = [#tpu.dimension_semantics<arbitrary>], iteration_bounds = array<i64: 10>, scalar_prefetch = 0 : i64, scratch_operands = 0 : i64, tpu.core_type = #tpu.core_type<tc>, window_params = [{pipeline_mode = #tpu.pipeline_mode<synchronous>, transform_indices = @transform_0, window_bounds = array<i64: 1, 256>}, {transform_indices = @transform_1, window_bounds = array<i64: 1000, 256>}, {pipeline_mode = #tpu.pipeline_mode<synchronous>, transform_indices = @transform_2, window_bounds = array<i64: 1, 256>}]} {
    %get3A = arith.constant 0 : index
    %get3A_0 = arith.constant 0 : index
    %get3A_1 = vector.load %arg1[%get3A, %get3A_0] : memref<1x256xf32, #tpu.memory_space<vmem>>, vector<1x256xf32>
    %mul3A = arith.constant 9.99999974E-5 : f32
    %mul3A_2 = vector.broadcast %mul3A : f32 to vector<1x256xf32>
    %mul3A_3 = arith.mulf %get3A_1, %mul3A_2 : vector<1x256xf32>
    %get3A_4 = arith.constant 0 : index
    %get3A_5 = arith.constant 0 : index
    %get3A_6 = vector.load %arg2[%get3A_4, %get3A_5] : memref<1000x256xf32, #tpu.memory_space<vmem>>, vector<1000x256xf32>
    %sub3A = vector.broadcast %mul3A_3 : vector<1x256xf32> to vector<1000x256xf32>
    %sub3A_7 = arith.subf %get3A_6, %sub3A : vector<1000x256xf32>
    %mul3A_8 = arith.mulf %sub3A_7, %sub3A_7 : vector<1000x256xf32>
    %reduce_sum3A = arith.constant dense<0.000000e+00> : vector<256xf32>
    %reduce_sum3A_9 = vector.multi_reduction <add>, %mul3A_8, %reduce_sum3A [0] : vector<1000x256xf32> to vector<256xf32>
    %broadcast_in_dim3A = vector.shape_cast %reduce_sum3A_9 : vector<256xf32> to vector<1x256xf32>
    %eq3A = arith.constant 0 : i32
    %eq3A_10 = arith.cmpi eq, %arg0, %eq3A : i32
    %convert_element_type3A = arith.extui %eq3A_10 : i1 to i32
    %cond3A = arith.constant 0 : i32
    %cond3A_11 = arith.cmpi ne, %convert_element_type3A, %cond3A : i32
    scf.if %cond3A_11 {
      %swap3A = arith.constant 0 : index
      %swap3A_16 = arith.constant 0 : index
      %swap3A_17 = vector.load %arg3[%swap3A, %swap3A_16] : memref<1x256xf32, #tpu.memory_space<vmem>>, vector<1x256xf32>
      tpu.vector_store %arg3[%swap3A, %swap3A_16], %broadcast_in_dim3A {strides = array<i32>} : memref<1x256xf32, #tpu.memory_space<vmem>>, vector<1x256xf32>,
    } else {
    }
    %gt3A = arith.constant 0 : i32
    %gt3A_12 = arith.cmpi sgt, %arg0, %gt3A : i32
    %convert_element_type3A_13 = arith.extui %gt3A_12 : i1 to i32
    %cond3A_14 = arith.constant 0 : i32
    %cond3A_15 = arith.cmpi ne, %convert_element_type3A_13, %cond3A_14 : i32
    scf.if %cond3A_15 {
      %get3A_16 = arith.constant 0 : index
      %get3A_17 = arith.constant 0 : index
      %get3A_18 = vector.load %arg3[%get3A_16, %get3A_17] : memref<1x256xf32, #tpu.memory_space<vmem>>, vector<1x256xf32>
      %add3A = arith.addf %get3A_18, %broadcast_in_dim3A : vector<1x256xf32>
      %swap3A = arith.constant 0 : index
      %swap3A_19 = arith.constant 0 : index
      %swap3A_20 = vector.load %arg3[%swap3A, %swap3A_19] : memref<1x256xf32, #tpu.memory_space<vmem>>, vector<1x256xf32>
      tpu.vector_store %arg3[%swap3A, %swap3A_19], %add3A {strides = array<i32>} : memref<1x256xf32, #tpu.memory_space<vmem>>, vector<1x256xf32>,
    } else {
    }
    return
  }
  func.func @transform_0(%arg0: i32) -> (i32, i32) {
    %c0_i32 = arith.constant 0 : i32
    %c0_i32_0 = arith.constant 0 : i32
    %c0_i32_1 = arith.constant 0 : i32
    return %c0_i32, %c0_i32_0 : i32, i32
  }
  func.func @transform_1(%arg0: i32) -> (i32, i32) {
    %c0_i32 = arith.constant 0 : i32
    %c0_i32_0 = arith.constant 0 : i32
    return %arg0, %c0_i32 : i32, i32
  }
  func.func @transform_2(%arg0: i32) -> (i32, i32) {
    %c0_i32 = arith.constant 0 : i32
    %c0_i32_0 = arith.constant 0 : i32
    %c0_i32_1 = arith.constant 0 : i32
    return %c0_i32, %c0_i32_0 : i32, i32
  }
}

module attributes {stable_mosaic.version = 14 : i64} {
  func.func @_mlp2_body(%arg0: i32, %arg1: memref<1x256xf32, #tpu.memory_space<vmem>>, %arg2: memref<1x256xf32, #tpu.memory_space<vmem>>, %arg3: memref<1000x256xf32, #tpu.memory_space<vmem>>, %arg4: memref<1000x128xf32, #tpu.memory_space<vmem>>, %arg5: memref<1x256xf32, #tpu.memory_space<vmem>>, %arg6: memref<1x256xf32, #tpu.memory_space<vmem>>, %arg7: memref<256x128xf32, #tpu.memory_space<vmem>>, %arg8: memref<1x128xf32, #tpu.memory_space<vmem>>, %arg9: memref<1000x128xf32, #tpu.memory_space<vmem>>, %arg10: memref<1000x128xf32, #tpu.memory_space<vmem>>) attributes {dimension_semantics = [#tpu.dimension_semantics<arbitrary>], iteration_bounds = array<i64: 10>, scalar_prefetch = 0 : i64, scratch_operands = 0 : i64, tpu.core_type = #tpu.core_type<tc>, window_params = [{pipeline_mode = #tpu.pipeline_mode<synchronous>, transform_indices = @transform_0, window_bounds = array<i64: 1, 256>}, {pipeline_mode = #tpu.pipeline_mode<synchronous>, transform_indices = @transform_1, window_bounds = array<i64: 1, 256>}, {transform_indices = @transform_2, window_bounds = array<i64: 1000, 256>}, {transform_indices = @transform_3, window_bounds = array<i64: 1000, 128>}, {pipeline_mode = #tpu.pipeline_mode<synchronous>, transform_indices = @transform_4, window_bounds = array<i64: 1, 256>}, {pipeline_mode = #tpu.pipeline_mode<synchronous>, transform_indices = @transform_5, window_bounds = array<i64: 1, 256>}, {pipeline_mode = #tpu.pipeline_mode<synchronous>, transform_indices = @transform_6, window_bounds = array<i64: 256, 128>}, {pipeline_mode = #tpu.pipeline_mode<synchronous>, transform_indices = @transform_7, window_bounds = array<i64: 1, 128>}, {transform_indices = @transform_8, window_bounds = array<i64: 1000, 128>}, {transform_indices = @transform_9, window_bounds = array<i64: 1000, 128>}]} {
    %get3A = arith.constant 0 : index
    %get3A_0 = arith.constant 0 : index
    %get3A_1 = vector.load %arg1[%get3A, %get3A_0] : memref<1x256xf32, #tpu.memory_space<vmem>>, vector<1x256xf32>
    %mul3A = arith.constant 9.99999974E-5 : f32
    %mul3A_2 = vector.broadcast %mul3A : f32 to vector<1x256xf32>
    %mul3A_3 = arith.mulf %get3A_1, %mul3A_2 : vector<1x256xf32>
    %get3A_4 = arith.constant 0 : index
    %get3A_5 = arith.constant 0 : index
    %get3A_6 = vector.load %arg2[%get3A_4, %get3A_5] : memref<1x256xf32, #tpu.memory_space<vmem>>, vector<1x256xf32>
    %mul3A_7 = arith.constant 9.99999974E-5 : f32
    %mul3A_8 = vector.broadcast %mul3A_7 : f32 to vector<1x256xf32>
    %mul3A_9 = arith.mulf %get3A_6, %mul3A_8 : vector<1x256xf32>
    %get3A_10 = arith.constant 0 : index
    %get3A_11 = arith.constant 0 : index
    %get3A_12 = vector.load %arg5[%get3A_10, %get3A_11] : memref<1x256xf32, #tpu.memory_space<vmem>>, vector<1x256xf32>
    %add3A = arith.constant 9.99999974E-6 : f32
    %add3A_13 = vector.broadcast %add3A : f32 to vector<1x256xf32>
    %add3A_14 = arith.addf %mul3A_9, %add3A_13 : vector<1x256xf32>
    %rsqrt3A = math.rsqrt %add3A_14 : vector<1x256xf32>
    %mul3A_15 = arith.mulf %get3A_12, %rsqrt3A : vector<1x256xf32>
    %get3A_16 = arith.constant 0 : index
    %get3A_17 = arith.constant 0 : index
    %get3A_18 = vector.load %arg3[%get3A_16, %get3A_17] : memref<1000x256xf32, #tpu.memory_space<vmem>>, vector<1000x256xf32>
    %sub3A = vector.broadcast %mul3A_3 : vector<1x256xf32> to vector<1000x256xf32>
    %sub3A_19 = arith.subf %get3A_18, %sub3A : vector<1000x256xf32>
    %mul3A_20 = vector.broadcast %mul3A_15 : vector<1x256xf32> to vector<1000x256xf32>
    %mul3A_21 = arith.mulf %sub3A_19, %mul3A_20 : vector<1000x256xf32>
    %get3A_22 = arith.constant 0 : index
    %get3A_23 = arith.constant 0 : index
    %get3A_24 = vector.load %arg6[%get3A_22, %get3A_23] : memref<1x256xf32, #tpu.memory_space<vmem>>, vector<1x256xf32>
    %add3A_25 = vector.broadcast %get3A_24 : vector<1x256xf32> to vector<1000x256xf32>
    %add3A_26 = arith.addf %mul3A_21, %add3A_25 : vector<1000x256xf32>
    %max3A = arith.constant 0.000000e+00 : f32
    %max3A_27 = vector.broadcast %max3A : f32 to vector<1000x256xf32>
    %max3A_28 = arith.maximumf %add3A_26, %max3A_27 : vector<1000x256xf32>
    %convert_element_type3A = arith.truncf %max3A_28 : vector<1000x256xf32> to vector<1000x256xbf16>
    %get3A_29 = arith.constant 0 : index
    %get3A_30 = arith.constant 0 : index
    %get3A_31 = vector.load %arg7[%get3A_29, %get3A_30] : memref<256x128xf32, #tpu.memory_space<vmem>>, vector<256x128xf32>
    %convert_element_type3A_32 = arith.truncf %get3A_31 : vector<256x128xf32> to vector<256x128xbf16>
    %dot_general3A = arith.constant dense<0.000000e+00> : vector<1000x128xf32>
    %dot_general3A_33 = tpu.matmul %convert_element_type3A, %convert_element_type3A_32, %dot_general3A {dimension_numbers = #tpu.dot_dimension_numbers<[1], [0], [0], [1], [0, 0, 1, 1], [], []>, transpose_lhs_hint = false} : vector<1000x256xbf16>, vector<256x128xbf16>, vector<1000x128xf32> -> vector<1000x128xf32>
    %get3A_34 = arith.constant 0 : index
    %get3A_35 = arith.constant 0 : index
    %get3A_36 = vector.load %arg8[%get3A_34, %get3A_35] : memref<1x128xf32, #tpu.memory_space<vmem>>, vector<1x128xf32>
    %add3A_37 = vector.broadcast %get3A_36 : vector<1x128xf32> to vector<1000x128xf32>
    %add3A_38 = arith.addf %dot_general3A_33, %add3A_37 : vector<1000x128xf32>
    %get3A_39 = arith.constant 0 : index
    %get3A_40 = arith.constant 0 : index
    %get3A_41 = vector.load %arg4[%get3A_39, %get3A_40] : memref<1000x128xf32, #tpu.memory_space<vmem>>, vector<1000x128xf32>
    %add3A_42 = arith.addf %get3A_41, %add3A_38 : vector<1000x128xf32>
    %swap3A = arith.constant 0 : index
    %swap3A_43 = arith.constant 0 : index
    %swap3A_44 = vector.load %arg9[%swap3A, %swap3A_43] : memref<1000x128xf32, #tpu.memory_space<vmem>>, vector<1000x128xf32>
    tpu.vector_store %arg9[%swap3A, %swap3A_43], %add3A_42 {strides = array<i32>} : memref<1000x128xf32, #tpu.memory_space<vmem>>, vector<1000x128xf32>,
    %max3A_45 = arith.constant 0.000000e+00 : f32
    %max3A_46 = vector.broadcast %max3A_45 : f32 to vector<1000x128xf32>
    %max3A_47 = arith.maximumf %add3A_42, %max3A_46 : vector<1000x128xf32>
    %swap3A_48 = arith.constant 0 : index
    %swap3A_49 = arith.constant 0 : index
    %swap3A_50 = vector.load %arg10[%swap3A_48, %swap3A_49] : memref<1000x128xf32, #tpu.memory_space<vmem>>, vector<1000x128xf32>
    tpu.vector_store %arg10[%swap3A_48, %swap3A_49], %max3A_47 {strides = array<i32>} : memref<1000x128xf32, #tpu.memory_space<vmem>>, vector<1000x128xf32>,
    return
  }
  func.func @transform_0(%arg0: i32) -> (i32, i32) {
    %c0_i32 = arith.constant 0 : i32
    %c0_i32_0 = arith.constant 0 : i32
    %c0_i32_1 = arith.constant 0 : i32
    return %c0_i32, %c0_i32_0 : i32, i32
  }
  func.func @transform_1(%arg0: i32) -> (i32, i32) {
    %c0_i32 = arith.constant 0 : i32
    %c0_i32_0 = arith.constant 0 : i32
    %c0_i32_1 = arith.constant 0 : i32
    return %c0_i32, %c0_i32_0 : i32, i32
  }
  func.func @transform_2(%arg0: i32) -> (i32, i32) {
    %c0_i32 = arith.constant 0 : i32
    %c0_i32_0 = arith.constant 0 : i32
    return %arg0, %c0_i32 : i32, i32
  }
  func.func @transform_3(%arg0: i32) -> (i32, i32) {
    %c0_i32 = arith.constant 0 : i32
    %c0_i32_0 = arith.constant 0 : i32
    return %arg0, %c0_i32 : i32, i32
  }
  func.func @transform_4(%arg0: i32) -> (i32, i32) {
    %c0_i32 = arith.constant 0 : i32
    %c0_i32_0 = arith.constant 0 : i32
    %c0_i32_1 = arith.constant 0 : i32
    return %c0_i32, %c0_i32_0 : i32, i32
  }
  func.func @transform_5(%arg0: i32) -> (i32, i32) {
    %c0_i32 = arith.constant 0 : i32
    %c0_i32_0 = arith.constant 0 : i32
    %c0_i32_1 = arith.constant 0 : i32
    return %c0_i32, %c0_i32_0 : i32, i32
  }
  func.func @transform_6(%arg0: i32) -> (i32, i32) {
    %c0_i32 = arith.constant 0 : i32
    %c0_i32_0 = arith.constant 0 : i32
    %c0_i32_1 = arith.constant 0 : i32
    return %c0_i32, %c0_i32_0 : i32, i32
  }
  func.func @transform_7(%arg0: i32) -> (i32, i32) {
    %c0_i32 = arith.constant 0 : i32
    %c0_i32_0 = arith.constant 0 : i32
    %c0_i32_1 = arith.constant 0 : i32
    return %c0_i32, %c0_i32_0 : i32, i32
  }
  func.func @transform_8(%arg0: i32) -> (i32, i32) {
    %c0_i32 = arith.constant 0 : i32
    %c0_i32_0 = arith.constant 0 : i32
    return %arg0, %c0_i32 : i32, i32
  }
  func.func @transform_9(%arg0: i32) -> (i32, i32) {
    %c0_i32 = arith.constant 0 : i32
    %c0_i32_0 = arith.constant 0 : i32
    return %arg0, %c0_i32 : i32, i32
  }
}

module attributes {stable_mosaic.version = 14 : i64} {
  func.func @_mlp2_body(%arg0: i32, %arg1: memref<1x256xf32, #tpu.memory_space<vmem>>, %arg2: memref<1x256xf32, #tpu.memory_space<vmem>>, %arg3: memref<1000x256xf32, #tpu.memory_space<vmem>>, %arg4: memref<1000x128xf32, #tpu.memory_space<vmem>>, %arg5: memref<1x256xf32, #tpu.memory_space<vmem>>, %arg6: memref<1x256xf32, #tpu.memory_space<vmem>>, %arg7: memref<256x128xf32, #tpu.memory_space<vmem>>, %arg8: memref<1x128xf32, #tpu.memory_space<vmem>>, %arg9: memref<1000x128xf32, #tpu.memory_space<vmem>>, %arg10: memref<1000x128xf32, #tpu.memory_space<vmem>>) attributes {dimension_semantics = [#tpu.dimension_semantics<arbitrary>], iteration_bounds = array<i64: 10>, scalar_prefetch = 0 : i64, scratch_operands = 0 : i64, tpu.core_type = #tpu.core_type<tc>, window_params = [{pipeline_mode = #tpu.pipeline_mode<synchronous>, transform_indices = @transform_0, window_bounds = array<i64: 1, 256>}, {pipeline_mode = #tpu.pipeline_mode<synchronous>, transform_indices = @transform_1, window_bounds = array<i64: 1, 256>}, {transform_indices = @transform_2, window_bounds = array<i64: 1000, 256>}, {transform_indices = @transform_3, window_bounds = array<i64: 1000, 128>}, {pipeline_mode = #tpu.pipeline_mode<synchronous>, transform_indices = @transform_4, window_bounds = array<i64: 1, 256>}, {pipeline_mode = #tpu.pipeline_mode<synchronous>, transform_indices = @transform_5, window_bounds = array<i64: 1, 256>}, {pipeline_mode = #tpu.pipeline_mode<synchronous>, transform_indices = @transform_6, window_bounds = array<i64: 256, 128>}, {pipeline_mode = #tpu.pipeline_mode<synchronous>, transform_indices = @transform_7, window_bounds = array<i64: 1, 128>}, {transform_indices = @transform_8, window_bounds = array<i64: 1000, 128>}, {transform_indices = @transform_9, window_bounds = array<i64: 1000, 128>}]} {
    %get3A = arith.constant 0 : index
    %get3A_0 = arith.constant 0 : index
    %get3A_1 = vector.load %arg1[%get3A, %get3A_0] : memref<1x256xf32, #tpu.memory_space<vmem>>, vector<1x256xf32>
    %mul3A = arith.constant 9.99999974E-5 : f32
    %mul3A_2 = vector.broadcast %mul3A : f32 to vector<1x256xf32>
    %mul3A_3 = arith.mulf %get3A_1, %mul3A_2 : vector<1x256xf32>
    %get3A_4 = arith.constant 0 : index
    %get3A_5 = arith.constant 0 : index
    %get3A_6 = vector.load %arg2[%get3A_4, %get3A_5] : memref<1x256xf32, #tpu.memory_space<vmem>>, vector<1x256xf32>
    %mul3A_7 = arith.constant 9.99999974E-5 : f32
    %mul3A_8 = vector.broadcast %mul3A_7 : f32 to vector<1x256xf32>
    %mul3A_9 = arith.mulf %get3A_6, %mul3A_8 : vector<1x256xf32>
    %get3A_10 = arith.constant 0 : index
    %get3A_11 = arith.constant 0 : index
    %get3A_12 = vector.load %arg5[%get3A_10, %get3A_11] : memref<1x256xf32, #tpu.memory_space<vmem>>, vector<1x256xf32>
    %add3A = arith.constant 9.99999974E-6 : f32
    %add3A_13 = vector.broadcast %add3A : f32 to vector<1x256xf32>
    %add3A_14 = arith.addf %mul3A_9, %add3A_13 : vector<1x256xf32>
    %rsqrt3A = math.rsqrt %add3A_14 : vector<1x256xf32>
    %mul3A_15 = arith.mulf %get3A_12, %rsqrt3A : vector<1x256xf32>
    %get3A_16 = arith.constant 0 : index
    %get3A_17 = arith.constant 0 : index
    %get3A_18 = vector.load %arg3[%get3A_16, %get3A_17] : memref<1000x256xf32, #tpu.memory_space<vmem>>, vector<1000x256xf32>
    %sub3A = vector.broadcast %mul3A_3 : vector<1x256xf32> to vector<1000x256xf32>
    %sub3A_19 = arith.subf %get3A_18, %sub3A : vector<1000x256xf32>
    %mul3A_20 = vector.broadcast %mul3A_15 : vector<1x256xf32> to vector<1000x256xf32>
    %mul3A_21 = arith.mulf %sub3A_19, %mul3A_20 : vector<1000x256xf32>
    %get3A_22 = arith.constant 0 : index
    %get3A_23 = arith.constant 0 : index
    %get3A_24 = vector.load %arg6[%get3A_22, %get3A_23] : memref<1x256xf32, #tpu.memory_space<vmem>>, vector<1x256xf32>
    %add3A_25 = vector.broadcast %get3A_24 : vector<1x256xf32> to vector<1000x256xf32>
    %add3A_26 = arith.addf %mul3A_21, %add3A_25 : vector<1000x256xf32>
    %max3A = arith.constant 0.000000e+00 : f32
    %max3A_27 = vector.broadcast %max3A : f32 to vector<1000x256xf32>
    %max3A_28 = arith.maximumf %add3A_26, %max3A_27 : vector<1000x256xf32>
    %convert_element_type3A = arith.truncf %max3A_28 : vector<1000x256xf32> to vector<1000x256xbf16>
    %get3A_29 = arith.constant 0 : index
    %get3A_30 = arith.constant 0 : index
    %get3A_31 = vector.load %arg7[%get3A_29, %get3A_30] : memref<256x128xf32, #tpu.memory_space<vmem>>, vector<256x128xf32>
    %convert_element_type3A_32 = arith.truncf %get3A_31 : vector<256x128xf32> to vector<256x128xbf16>
    %dot_general3A = arith.constant dense<0.000000e+00> : vector<1000x128xf32>
    %dot_general3A_33 = tpu.matmul %convert_element_type3A, %convert_element_type3A_32, %dot_general3A {dimension_numbers = #tpu.dot_dimension_numbers<[1], [0], [0], [1], [0, 0, 1, 1], [], []>, transpose_lhs_hint = false} : vector<1000x256xbf16>, vector<256x128xbf16>, vector<1000x128xf32> -> vector<1000x128xf32>
    %get3A_34 = arith.constant 0 : index
    %get3A_35 = arith.constant 0 : index
    %get3A_36 = vector.load %arg8[%get3A_34, %get3A_35] : memref<1x128xf32, #tpu.memory_space<vmem>>, vector<1x128xf32>
    %add3A_37 = vector.broadcast %get3A_36 : vector<1x128xf32> to vector<1000x128xf32>
    %add3A_38 = arith.addf %dot_general3A_33, %add3A_37 : vector<1000x128xf32>
    %get3A_39 = arith.constant 0 : index
    %get3A_40 = arith.constant 0 : index
    %get3A_41 = vector.load %arg4[%get3A_39, %get3A_40] : memref<1000x128xf32, #tpu.memory_space<vmem>>, vector<1000x128xf32>
    %add3A_42 = arith.addf %get3A_41, %add3A_38 : vector<1000x128xf32>
    %swap3A = arith.constant 0 : index
    %swap3A_43 = arith.constant 0 : index
    %swap3A_44 = vector.load %arg9[%swap3A, %swap3A_43] : memref<1000x128xf32, #tpu.memory_space<vmem>>, vector<1000x128xf32>
    tpu.vector_store %arg9[%swap3A, %swap3A_43], %add3A_42 {strides = array<i32>} : memref<1000x128xf32, #tpu.memory_space<vmem>>, vector<1000x128xf32>,
    %max3A_45 = arith.constant 0.000000e+00 : f32
    %max3A_46 = vector.broadcast %max3A_45 : f32 to vector<1000x128xf32>
    %max3A_47 = arith.maximumf %add3A_42, %max3A_46 : vector<1000x128xf32>
    %swap3A_48 = arith.constant 0 : index
    %swap3A_49 = arith.constant 0 : index
    %swap3A_50 = vector.load %arg10[%swap3A_48, %swap3A_49] : memref<1000x128xf32, #tpu.memory_space<vmem>>, vector<1000x128xf32>
    tpu.vector_store %arg10[%swap3A_48, %swap3A_49], %max3A_47 {strides = array<i32>} : memref<1000x128xf32, #tpu.memory_space<vmem>>, vector<1000x128xf32>,
    return
  }
  func.func @transform_0(%arg0: i32) -> (i32, i32) {
    %c0_i32 = arith.constant 0 : i32
    %c0_i32_0 = arith.constant 0 : i32
    %c0_i32_1 = arith.constant 0 : i32
    return %c0_i32, %c0_i32_0 : i32, i32
  }
  func.func @transform_1(%arg0: i32) -> (i32, i32) {
    %c0_i32 = arith.constant 0 : i32
    %c0_i32_0 = arith.constant 0 : i32
    %c0_i32_1 = arith.constant 0 : i32
    return %c0_i32, %c0_i32_0 : i32, i32
  }
  func.func @transform_2(%arg0: i32) -> (i32, i32) {
    %c0_i32 = arith.constant 0 : i32
    %c0_i32_0 = arith.constant 0 : i32
    return %arg0, %c0_i32 : i32, i32
  }
  func.func @transform_3(%arg0: i32) -> (i32, i32) {
    %c0_i32 = arith.constant 0 : i32
    %c0_i32_0 = arith.constant 0 : i32
    return %arg0, %c0_i32 : i32, i32
  }
  func.func @transform_4(%arg0: i32) -> (i32, i32) {
    %c0_i32 = arith.constant 0 : i32
    %c0_i32_0 = arith.constant 0 : i32
    %c0_i32_1 = arith.constant 0 : i32
    return %c0_i32, %c0_i32_0 : i32, i32
  }
  func.func @transform_5(%arg0: i32) -> (i32, i32) {
    %c0_i32 = arith.constant 0 : i32
    %c0_i32_0 = arith.constant 0 : i32
    %c0_i32_1 = arith.constant 0 : i32
    return %c0_i32, %c0_i32_0 : i32, i32
  }
  func.func @transform_6(%arg0: i32) -> (i32, i32) {
    %c0_i32 = arith.constant 0 : i32
    %c0_i32_0 = arith.constant 0 : i32
    %c0_i32_1 = arith.constant 0 : i32
    return %c0_i32, %c0_i32_0 : i32, i32
  }
  func.func @transform_7(%arg0: i32) -> (i32, i32) {
    %c0_i32 = arith.constant 0 : i32
    %c0_i32_0 = arith.constant 0 : i32
    %c0_i32_1 = arith.constant 0 : i32
    return %c0_i32, %c0_i32_0 : i32, i32
  }
  func.func @transform_8(%arg0: i32) -> (i32, i32) {
    %c0_i32 = arith.constant 0 : i32
    %c0_i32_0 = arith.constant 0 : i32
    return %arg0, %c0_i32 : i32, i32
  }
  func.func @transform_9(%arg0: i32) -> (i32, i32) {
    %c0_i32 = arith.constant 0 : i32
    %c0_i32_0 = arith.constant 0 : i32
    return %arg0, %c0_i32 : i32, i32
  }
}

module attributes {stable_mosaic.version = 14 : i64} {
  func.func @_pool_body(%arg0: i32, %arg1: memref<1000x128xf32, #tpu.memory_space<vmem>>, %arg2: memref<1x128xf32, #tpu.memory_space<vmem>>, %arg3: memref<1x1xf32, #tpu.memory_space<vmem>>, %arg4: memref<1x1xf32, #tpu.memory_space<vmem>>, %arg5: memref<1x128xf32, #tpu.memory_space<vmem>>) attributes {dimension_semantics = [#tpu.dimension_semantics<arbitrary>], iteration_bounds = array<i64: 10>, scalar_prefetch = 0 : i64, scratch_operands = 1 : i64, tpu.core_type = #tpu.core_type<tc>, window_params = [{transform_indices = @transform_0, window_bounds = array<i64: 1000, 128>}, {pipeline_mode = #tpu.pipeline_mode<synchronous>, transform_indices = @transform_1, window_bounds = array<i64: 1, 128>}, {pipeline_mode = #tpu.pipeline_mode<synchronous>, transform_indices = @transform_2, window_bounds = array<i64: 1, 1>}, {pipeline_mode = #tpu.pipeline_mode<synchronous>, transform_indices = @transform_3, window_bounds = array<i64: 1, 1>}]} {
    %eq3A = arith.constant 0 : i32
    %eq3A_0 = arith.cmpi eq, %arg0, %eq3A : i32
    %convert_element_type3A = arith.extui %eq3A_0 : i1 to i32
    %cond3A = arith.constant 0 : i32
    %cond3A_1 = arith.cmpi ne, %convert_element_type3A, %cond3A : i32
    scf.if %cond3A_1 {
      %broadcast_in_dim3A_15 = arith.constant 0.000000e+00 : f32
      %broadcast_in_dim3A_16 = vector.broadcast %broadcast_in_dim3A_15 : f32 to vector<1x128xf32>
      %swap3A_17 = arith.constant 0 : index
      %swap3A_18 = arith.constant 0 : index
      %swap3A_19 = vector.load %arg5[%swap3A_17, %swap3A_18] : memref<1x128xf32, #tpu.memory_space<vmem>>, vector<1x128xf32>
      tpu.vector_store %arg5[%swap3A_17, %swap3A_18], %broadcast_in_dim3A_16 {strides = array<i32>} : memref<1x128xf32, #tpu.memory_space<vmem>>, vector<1x128xf32>,
    } else {
    }
    %get3A = arith.constant 0 : index
    %get3A_2 = arith.constant 0 : index
    %get3A_3 = vector.load %arg5[%get3A, %get3A_2] : memref<1x128xf32, #tpu.memory_space<vmem>>, vector<1x128xf32>
    %get3A_4 = arith.constant 0 : index
    %get3A_5 = arith.constant 0 : index
    %get3A_6 = vector.load %arg1[%get3A_4, %get3A_5] : memref<1000x128xf32, #tpu.memory_space<vmem>>, vector<1000x128xf32>
    %reduce_sum3A = arith.constant dense<0.000000e+00> : vector<128xf32>
    %reduce_sum3A_7 = vector.multi_reduction <add>, %get3A_6, %reduce_sum3A [0] : vector<1000x128xf32> to vector<128xf32>
    %broadcast_in_dim3A = vector.shape_cast %reduce_sum3A_7 : vector<128xf32> to vector<1x128xf32>
    %add3A = arith.addf %get3A_3, %broadcast_in_dim3A : vector<1x128xf32>
    %swap3A = arith.constant 0 : index
    %swap3A_8 = arith.constant 0 : index
    %swap3A_9 = vector.load %arg5[%swap3A, %swap3A_8] : memref<1x128xf32, #tpu.memory_space<vmem>>, vector<1x128xf32>
    tpu.vector_store %arg5[%swap3A, %swap3A_8], %add3A {strides = array<i32>} : memref<1x128xf32, #tpu.memory_space<vmem>>, vector<1x128xf32>,
    %eq3A_10 = arith.constant 9 : i32
    %eq3A_11 = arith.cmpi eq, %arg0, %eq3A_10 : i32
    %convert_element_type3A_12 = arith.extui %eq3A_11 : i1 to i32
    %cond3A_13 = arith.constant 0 : i32
    %cond3A_14 = arith.cmpi ne, %convert_element_type3A_12, %cond3A_13 : i32
    scf.if %cond3A_14 {
      %get3A_15 = arith.constant 0 : index
      %get3A_16 = arith.constant 0 : index
      %get3A_17 = vector.load %arg5[%get3A_15, %get3A_16] : memref<1x128xf32, #tpu.memory_space<vmem>>, vector<1x128xf32>
      %get3A_18 = arith.constant 0 : index
      %get3A_19 = arith.constant 0 : index
      %get3A_20 = vector.load %arg2[%get3A_18, %get3A_19] : memref<1x128xf32, #tpu.memory_space<vmem>>, vector<1x128xf32>
      %mul3A = arith.mulf %get3A_17, %get3A_20 : vector<1x128xf32>
      %reduce_sum3A_21 = arith.constant dense<0.000000e+00> : vector<1xf32>
      %reduce_sum3A_22 = vector.multi_reduction <add>, %mul3A, %reduce_sum3A_21 [1] : vector<1x128xf32> to vector<1xf32>
      %broadcast_in_dim3A_23 = vector.shape_cast %reduce_sum3A_22 : vector<1xf32> to vector<1x1xf32>
      %get3A_24 = arith.constant 0 : index
      %get3A_25 = arith.constant 0 : index
      %get3A_26 = vector.load %arg3[%get3A_24, %get3A_25] : memref<1x1xf32, #tpu.memory_space<vmem>>, vector<1x1xf32>
      %add3A_27 = arith.addf %broadcast_in_dim3A_23, %get3A_26 : vector<1x1xf32>
      %swap3A_28 = arith.constant 0 : index
      %swap3A_29 = arith.constant 0 : index
      %swap3A_30 = vector.load %arg4[%swap3A_28, %swap3A_29] : memref<1x1xf32, #tpu.memory_space<vmem>>, vector<1x1xf32>
      tpu.vector_store %arg4[%swap3A_28, %swap3A_29], %add3A_27 {strides = array<i32>} : memref<1x1xf32, #tpu.memory_space<vmem>>, vector<1x1xf32>,
    } else {
    }
    return
  }
  func.func @transform_0(%arg0: i32) -> (i32, i32) {
    %c0_i32 = arith.constant 0 : i32
    %c0_i32_0 = arith.constant 0 : i32
    return %arg0, %c0_i32 : i32, i32
  }
  func.func @transform_1(%arg0: i32) -> (i32, i32) {
    %c0_i32 = arith.constant 0 : i32
    %c0_i32_0 = arith.constant 0 : i32
    %c0_i32_1 = arith.constant 0 : i32
    return %c0_i32, %c0_i32_0 : i32, i32
  }
  func.func @transform_2(%arg0: i32) -> (i32, i32) {
    %c0_i32 = arith.constant 0 : i32
    %c0_i32_0 = arith.constant 0 : i32
    %c0_i32_1 = arith.constant 0 : i32
    return %c0_i32, %c0_i32_0 : i32, i32
  }
  func.func @transform_3(%arg0: i32) -> (i32, i32) {
    %c0_i32 = arith.constant 0 : i32
    %c0_i32_0 = arith.constant 0 : i32
    %c0_i32_1 = arith.constant 0 : i32
    return %c0_i32, %c0_i32_0 : i32, i32
  }
}

</mosaic_0001>

<sc_bundles>
// kernel: kernel.16.cloned.1.call-start
scs
__scs_entry_jumppad:
0x0: {  	(pc) =	sbr.rel $0x88, $3  }
0x1: {  	(tag) =	ssettag $0x0;
	lr =	simm.s32 $0x1  }
0x2: {  	[smem:$0x3F86] =	sst lr;
	_ =	strace $0xD0000000  }
0x3: {  	_ = 	snop  }
0x4: {  	_ = 	snop  }
0x5: {  	_ = 	snop  }
0x6: {  	_ = 	snop  }
0x7: {  	_ = 	snop  }
__scs_overlays_trampoline_lowered:
0x8: {  	[smem:$0x3F95] =	sst s0  }
0x9: {  	[smem:$0x3F96] =	sst s1  }
0xa: {  	[smem:$0x3F97] =	sst s2  }
0xb: {  	[smem:$0x3F98] =	sst s3  }
0xc: {  	[smem:$0x3F99] =	sst s4  }
0xd: {  	[smem:$0x3F9A] =	sst s5  }
0xe: {  	[smem:$0x3F9B] =	sst s6  }
0xf: {  	[smem:$0x3F9C] =	sst s7  }
0x10: {  	[smem:$0x3F9D] =	sst s8  }
0x11: {  	[smem:$0x3F9E] =	sst s9;
	s0 =	simm.s32 @!p0 $0x0  }
0x12: {  	s1 =	sld [smem:$0x3F84];
	s0 =	simm.s32 @p0 $0x1  }
0x13: {  	[smem:$0x3F9F] =	sst s0;
	s0 =	simm.s32 @!p1 $0x0  }
0x14: {  	s2 =	sld [smem:$0x3F83];
	s0 =	simm.s32 @p1 $0x1  }
0x15: {  	[smem:$0x3FA0] =	sst s0;
	s0 =	simm.s32 @!p2 $0x0  }
0x16: {  	s3 =	sld [smem:$0x3FDB];
	s0 =	simm.s32 @p2 $0x1  }
0x17: {  	s4 =	simm.s32 $0x1BF5;
	[smem:$0x3FA2] =	sst s0  }
0x18: {  	s0 =	sld [smem:$0x3F85];
	_ =	swait.ge [sflag:s4], $0x0  }
0x19: {  	s7 =	sld [smem:$0x3F86]  }
0x1a: {  	s8 =	sadd.s32 $0xFFFFE003, lr  }
0x1b: {  	s9 =	sadd.s32 $0xFFFFFEF7, lr;
	s5 =	simm.s32 $0xFFFFFFFF;
	p2 =	slt.u32 s8, $0xFFFFF086  }
0x1c: {  	p1 =	slt.u32 s9, $0xF7A;
	s5 =	simm.s32 @!p2 $0x0  }
0x1d: {  	s5 =	simm.s32 @p1 $0x1;
	p0 =	seq.s32 s7, s2  }
0x1e: {  	s7 =	smul.u32 @!p0 $0xF7A, s2;
	p2 =	seq.s32 @!p0 s5, $0x0  }
0x1f: {  	s9 =	smul.u32 $0xF7A, s1;
	s8 =	simm.s32 @!p0 $0x1BF5;
	p2 =	por !p2, p0  }
0x20: {  	[sflag:s8] =	ssyncset.s32 @!p0 $0xFFFFF086;
	s6 =	sadd.s32 @!p0 s3, s7;
	s7 =	simm.s32 @!p0 $0x108  }
0x21: {  	s3 =	sadd.s32 s3, s9;
	s6 =	sadd.s32 @!p0 $0x88, s6;
	s7 =	simm.s32 @p2 $0x1082  }
0x22: {  	[simem:s7], [sflag:s8] =	dma.local @!p0 [hbm:s6], $0xF7A  }
0x23: {  	s9 =	sor.u32 $0xD0000000, s2;
	s6 =	simm.s32 $0x108;
	_ =	swait.ge @!p0 [sflag:s8], $0x0  }
0x24: {  	s3 =	sadd.s32 $0x88, s3;
	s6 =	simm.s32 @!p1 $0x1082;
	[sflag:s4] =	ssyncset.s32 $0xFFFFF086  }
0x25: {  	[simem:s6], [sflag:s4] =	dma.local [hbm:s3], $0xF7A  }
0x26: {  	[smem:$0x3F86] =	sst s1;
	(tag) =	ssettag s2;
	_ =	strace s9  }
0x27: {  	s1 =	sld [smem:$0x3F96]  }
0x28: {  	s2 =	sld [smem:$0x3F97]  }
0x29: {  	s4 =	sld [smem:$0x3F99]  }
0x2a: {  	p0 =	seq.s32 s5, $0x0;
	s5 =	sld [smem:$0x3F9A]  }
0x2b: {  	s6 =	sld [smem:$0x3F9B]  }
0x2c: {  	s7 =	sld [smem:$0x3F9C]  }
0x2d: {  	s3 =	simm.s32 $0x108;
	s8 =	sld [smem:$0x3F9D]  }
0x2e: {  	s3 =	simm.s32 @!p0 $0x1082;
	s9 =	sld [smem:$0x3F9E]  }
0x2f: {  	lr =	sadd.s32 s0, s3;
	s0 =	sld [smem:$0x3F95]  }
0x30: {  	s3 =	sld [smem:$0x3F98]  }
0x31: {  	[smem:$0x3FA1] =	sst s10  }
0x32: {  	s10 =	sld [smem:$0x3F9F];
	_ =	sdelay $0x3  }
0x33: {  	p0 =	seq.s32 s10, $0x1;
	s10 =	sld [smem:$0x3FA1];
	_ =	sdelay $0x3  }
0x34: {  	[smem:$0x3FA1] =	sst s10  }
0x35: {  	s10 =	sld [smem:$0x3FA0];
	_ =	sdelay $0x3  }
0x36: {  	p1 =	seq.s32 s10, $0x1;
	s10 =	sld [smem:$0x3FA1];
	_ =	sdelay $0x3  }
0x37: {  	[smem:$0x3FA1] =	sst s10  }
0x38: {  	s10 =	sld [smem:$0x3FA2]  }
0x39: {  	_ = 	snop;
	(pc) =	sbr.ind lr, $3  }
0x3a: {  	_ = 	snop  }
0x3b: {  	_ = 	snop  }
0x3c: {  	p2 =	seq.s32 s10, $0x1;
	s10 =	sld [smem:$0x3FA1]  }
0x3d: {  	_ =	shalt  }
0x3e: {  	_ =	shalt  }
0x3f: {  	_ =	shalt  }
0x40: {  	_ =	shalt  }
0x41: {  	_ =	shalt  }
0x42: {  	_ =	shalt  }
0x43: {  	_ =	shalt  }
0x44: {  	_ =	shalt  }
0x45: {  	_ =	shalt  }
0x46: {  	_ =	shalt  }
0x47: {  	_ =	shalt  }
0x48: {  	_ =	shalt  }
0x49: {  	_ =	shalt  }
0x4a: {  	_ =	shalt  }
0x4b: {  	_ =	shalt  }
0x4c: {  	_ =	shalt  }
0x4d: {  	_ =	shalt  }
0x4e: {  	_ =	shalt  }
0x4f: {  	_ =	shalt  }
0x50: {  	_ =	shalt  }
0x51: {  	_ =	shalt  }
0x52: {  	_ =	shalt  }
0x53: {  	_ =	shalt  }
0x54: {  	_ =	shalt  }
0x55: {  	_ =	shalt  }
0x56: {  	_ =	shalt  }
0x57: {  	_ =	shalt  }
0x58: {  	_ =	shalt  }
0x59: {  	_ =	shalt  }
0x5a: {  	_ =	shalt  }
0x5b: {  	_ =	shalt  }
0x5c: {  	_ =	shalt  }
0x5d: {  	_ =	shalt  }
0x5e: {  	_ =	shalt  }
0x5f: {  	_ =	shalt  }
0x60: {  	_ =	shalt  }
0x61: {  	_ =	shalt  }
0x62: {  	_ =	shalt  }
0x63: {  	_ =	shalt  }
0x64: {  	_ =	shalt  }
0x65: {  	_ =	shalt  }
0x66: {  	_ =	shalt  }
0x67: {  	_ =	shalt  }
0x68: {  	_ =	shalt  }
0x69: {  	_ =	shalt  }
0x6a: {  	_ =	shalt  }
0x6b: {  	_ =	shalt  }
0x6c: {  	_ =	shalt  }
0x6d: {  	_ =	shalt  }
0x6e: {  	_ =	shalt  }
0x6f: {  	_ =	shalt  }
0x70: {  	_ =	shalt  }
0x71: {  	_ =	shalt  }
0x72: {  	_ =	shalt  }
0x73: {  	_ =	shalt  }
0x74: {  	_ =	shalt  }
0x75: {  	_ =	shalt  }
0x76: {  	_ =	shalt  }
0x77: {  	_ =	shalt  }
0x78: {  	_ =	shalt  }
0x79: {  	_ =	shalt  }
0x7a: {  	_ =	shalt  }
0x7b: {  	_ =	shalt  }
0x7c: {  	_ =	shalt  }
0x7d: {  	_ =	shalt  }
0x7e: {  	_ =	shalt  }
0x7f: {  	_ =	shalt  }
0x80: {  	_ =	shalt  }
0x81: {  	_ =	shalt  }
0x82: {  	_ =	shalt  }
0x83: {  	_ =	shalt  }
0x84: {  	_ =	shalt  }
0x85: {  	_ =	shalt  }
0x86: {  	_ =	shalt  }
0x87: {  	_ =	shalt  }
.Lfunc_end0:
.L_simem_size_0:
called_computation_lowered:
.L_overlay_start_0:
0x88: {  	s2 =	sld [smem:$0x3FD9]  }
0x89: {  	s3 =	sld [smem:$0x3FFE];
	_ =	sdelay $0x1  }
0x8a: {  	s1 =	srdreg.scid  }
0x8b: {  	s0 =	sand.u32 $0x1, s1  }
0x8c: {  	s16 =	sshll.u32 s0, $0xA;
	s2 =	sadd.s32 s3, s2  }
0x8d: {  	s2 =	sadd.s32 s2, s16  }
0x8e: {  	[smem:$0x3FAD] =	sst s2  }
0x8f: {  	_ = 	snop  }
0x90: {  	(tm) =	ssettm $0x1  }
0x91: {  	s17 =	sld [smem:$0x3FFB];
	_ =	sdelay $0x3  }
0x92: {  	_ =	strace s17  }
0x93: {  	s2 =	sld [smem:$0x3FFC];
	_ =	sdelay $0x3  }
0x94: {  	_ =	strace s2  }
0x95: {  	s2 =	sld [smem:$0x3FFD];
	_ =	sdelay $0x3  }
0x96: {  	_ =	strace s2  }
0x97: {  	_ =	strace $0x8FFFFFFF  }
0x98: {  	s18 =	sld [smem:$0x3FDB];
	_ =	sdelay $0x1  }
0x99: {  	s19 =	simm.s32 $_scs_section_size  }
0x9a: {  	s4 =	simm.s32 $_size__tile_overlayer_lowered;
	s5 =	simm.s32 $_tile_overlayer_lowered  }
0x9b: {  	s22 =	simm.s32 $0x1BFF;
	s21 =	sshll.u32 s5, $0x1;
	s2 =	sadd.s32 s19, s18  }
0x9c: {  	s6 =	simm.s32 $0x0;
	s20 =	sshll.u32 s4, $0x1;
	s4 =	sadd.s32 s21, s2  }
0x9d: {  	[timem:s6], [sflag:s22] =	dma.local [hbm:s4], s20  }
0x9e: {  	_ =	swait.ge [sflag:s22], s20  }
0x9f: {  	s3 =	ssub.s32 $0x0, s20;
	[sflag:s22] =	ssyncset.done $0x0  }
0xa0: {  	[sflag:s22] =	ssyncadd.s32 s3;
	_ =	sdelay $0x1  }
0xa1: {  	s23 =	simm.s32 $0x1B8B  }
0xa2: {  	_ =	swait.ge [sflag:s23], $0x1  }
0xa3: {  	[sflag:s23] =	ssyncset.done $0x0  }
0xa4: {  	s25 =	simm.s32 $0x1B8E;
	s24 =	sld [smem:$0x3FFE];
	[sflag:s23] =	ssyncadd.s32 $0xFFFFFFFF  }
0xa5: {  	s26 =	simm.s32 $execute0_lowered;
	[smem:$0x3FD2] =	sst s25  }
0xa6: {  	s4 =	sshll.u32 s26, $0x1;
	_ =	strace $0x80000046;
	[dreg:$0x1] =	wrdreg $0xFFFFFFFF  }
0xa7: {  	s28 =	simm.s32 $_size_execute0_lowered;
	s2 =	sadd.s32 s2, s4;
	[dreg:$0x0] =	wrdreg $0x0  }
0xa8: {  	s4 =	sshll.u32 s28, $0x1;
	[dreg:$0x2] =	wrdreg s2  }
0xa9: {  	[dreg:$0x3] =	wrdreg s4  }
0xaa: {  	[dreg:$0x4] =	wrdreg $0xC0  }
0xab: {  	_ =	task [dreg:s6], $0x5FFFF  }
0xac: {  	[dreg:$0x1] =	wrdreg $0xFFFFFFFF  }
0xad: {  	[dreg:$0x0] =	wrdreg $0x60  }
0xae: {  	[dreg:$0x2] =	wrdreg s24  }
0xaf: {  	[dreg:$0x3] =	wrdreg $0xAA000  }
0xb0: {  	[dreg:$0x4] =	wrdreg $0x9  }
0xb1: {  	_ =	task.clear_ibuf [dreg:s6], $0x5FFFF;
	_ =	strace $0x90000046  }
0xb2: {  	s29 =	simm.s32 $0x9;
	_ =	strace $0x80000048  }
0xb3: {  	_ =	swait.ge [sflag:s29], $0x1  }
0xb4: {  	[sflag:s29] =	ssyncadd.s32 $0xFFFFFFFF  }
0xb5: {  	_ =	strace $0x90000048  }
0xb6: {  	_ =	sfence  }
0xb7: {  	s30 =	sld [smem:$0x0];
	_ =	sdelay $0x2  }
0xb8: {  	s31 =	sshll.u32 s1, $0xD;
	s1 =	sshrl.u32 s1, $0x2  }
0xb9: {  	s3 =	sand.u32 $0x4000, s31;
	s1 =	sadd.s32 s1, s30  }
0xba: {  	s0 =	sor.u32 s3, s0;
	s1 =	sshll.u32 s1, $0x11  }
0xbb: {  	s0 =	sor.u32 s1, s0  }
0xbc: {  	s0 =	sadd.s32 $0x8F2B, s0  }
0xbd: {  	[sflag:s0] =	ssyncadd.remote.s32 $0x1  }
0xbe: {  	_ =	sfence.sel $0xFFFF  }
0xbf: {  	[dreg:$0x0] =	wrdreg $0xFFFFFFFF;
	(pc) =	sbr.abs _section_cstart, $3  }
0xc0: {  	[dreg:$0x1] =	wrdreg $0xFFFFFFFF  }
0xc1: {  	_ =	task.clear_ibuf [dreg:s6], $0x2FFFF;
	_ =	strace $0x9FFFFFFF  }
0xc2: {  	(tm) =	ssettm $0x7FFFFFFF  }
0xc3: {  	_ =	shalt  }
tec
execute0_lowered:
.L_overlay_start_1:
0x0: {  	(tag) =	ssettag $0x1  }
0x1: {  	s0 =	srdreg.scid;
	s6 =	rddreg [dreg:$0x0]  }
0x2: {  	s2 =	rddreg [dreg:$0x1];
	s3 =	simm.s32 $0x0;
	s14 =	simm.s32 $0x3  }
0x3: {  	s15 =	simm.s32 $0x80;
	s16 =	simm.s32 $0x2800;
	s17 =	simm.s32 $0x2900  }
0x4: {  	s18 =	simm.s32 $0x6A00;
	s19 =	simm.s32 $0x1;
	s20 =	simm.s32 $0x2880  }
0x5: {  	s21 =	simm.s32 $0x2;
	s5 =	sand.u32 $0x1, s0;
	s0 =	stileid.u32  }
0x6: {  	s22 =	simm.s32 $0x2980;
	[smem:$0x7FF] =	sst s3;
	s8 =	smul.u32 $0x2800, s0  }
0x7: {  	s4 =	sadd.s32 $0x5600, s6;
	s1 =	sshll.u32 s5, $0x4;
	s9 =	smul.u32 $0x28000, s5  }
0x8: {  	s10 =	smul.u32 $0x50000, s0;
	s29 =	ssub.s32 $0x2, s5;
	s1 =	sor.u32 s0, s1  }
0x9: {  	s31 =	sshrl.u32 s29, $0x1;
	s7 =	smul.u32 $0x500, s1;
	s1 =	rddreg [dreg:$0x2]  }
0xa: {  	_ =	strace $0x80000047;
	s28 =	sadd.s32 s8, s9;
	s30 =	sshrl.u32 s10, $0x2  }
0xb: {  	s13 =	ssub.s32 s29, s31;
	s12 =	sadd.s32 s28, s6;
	s5 =	sadd.s32 s30, s2  }
0xc: {  	s11 =	sadd.s32 s7, s6;
	s6 =	sadd.s32 $0x4000, s5;
	s7 =	sadd.s32 $0x8000, s5  }
0xd: {  	s8 =	sadd.s32 $0xC000, s5;
	s9 =	sadd.s32 $0x10000, s5;
	s10 =	sadd.s32 $0x2C800, s11  }
0xe: {  	v0 =	vimm.f32 $0.0e+00;
	s11 =	sadd.s32 $0x36800, s12;
	s12 =	smax.u32 s13, $0x1;
	s13 =	simm.s32 $0x2A00  }
.LBB2_1:
0xf: {  	s23 =	simm.s32 $0x0;
	s24 =	simm.s32 $0x200  }
.LBB2_2:
0x10: {  	p0 =	sne.s32 s24, $0xFE00;
	[tilespmem:s23+$0x2A70] =	vst v0  }
0x11: {  	[tilespmem:s23+$0x2A00] =	vst v0  }
0x12: {  	[tilespmem:s23+$0x2A10] =	vst v0  }
.Ltmp0:
0x13: {  	[tilespmem:s23+$0x2A20] =	vst v0;
	(pc) =	sbr.rel @p0 .LBB2_2-.Ltmp0, $4  }
0x14: {  	[tilespmem:s23+$0x2A30] =	vst v0  }
0x15: {  	[tilespmem:s23+$0x2A40] =	vst v0  }
0x16: {  	[tilespmem:s23+$0x2A50] =	vst v0  }
0x17: {  	[tilespmem:s23+$0x2A60] =	vst v0;
	s23 =	sshra.s32 s24, $0x2;
	s24 =	sadd.s32 $0x200, s24  }
0x18: {  	[tilespmem:s23+$0x2A70] =	vst v0  }
0x19: {  	[tilespmem:s23+$0x2A00] =	vst v0  }
0x1a: {  	[tilespmem:s23+$0x2A10] =	vst v0  }
0x1b: {  	[tilespmem:s23+$0x2A20] =	vst v0  }
0x1c: {  	[tilespmem:s23+$0x2A30] =	vst v0  }
0x1d: {  	[tilespmem:s23+$0x2A40] =	vst v0  }
0x1e: {  	[tilespmem:s23+$0x2A50] =	vst v0  }
0x1f: {  	[tilespmem:s23+$0x2A60] =	vst v0  }
0x20: {  	[spmem:s5] =	stream.linear.scatter [tilespmem:s13], [sflag:$0x3], $0x4000, $0x38;
	[tilespmem:$0x1EA00] =	vst v63  }
0x21: {  	_ =	swait.ge [sflag:s14], $0x4000  }
0x22: {  	[sflag:s14] =	ssyncset.done $0x0  }
0x23: {  	[sflag:s14] =	ssyncadd.s32 $0xFFFFC000  }
0x24: {  	[spmem:s6] =	stream.linear.scatter [tilespmem:s13], [sflag:$0x3], $0x4000, $0x38;
	[tilespmem:$0x1EA00] =	vst v63  }
0x25: {  	_ =	swait.ge [sflag:s14], $0x4000  }
0x26: {  	[sflag:s14] =	ssyncset.done $0x0  }
0x27: {  	[sflag:s14] =	ssyncadd.s32 $0xFFFFC000  }
0x28: {  	[spmem:s7] =	stream.linear.scatter [tilespmem:s13], [sflag:$0x3], $0x4000, $0x38;
	[tilespmem:$0x1EA00] =	vst v63  }
0x29: {  	_ =	swait.ge [sflag:s14], $0x4000  }
0x2a: {  	[sflag:s14] =	ssyncset.done $0x0  }
0x2b: {  	[sflag:s14] =	ssyncadd.s32 $0xFFFFC000  }
0x2c: {  	[spmem:s8] =	stream.linear.scatter [tilespmem:s13], [sflag:$0x3], $0x4000, $0x38;
	[tilespmem:$0x1EA00] =	vst v63  }
0x2d: {  	_ =	swait.ge [sflag:s14], $0x4000  }
0x2e: {  	[sflag:s14] =	ssyncset.done $0x0  }
0x2f: {  	[sflag:s14] =	ssyncadd.s32 $0xFFFFC000  }
0x30: {  	[spmem:s9] =	stream.linear.scatter [tilespmem:s13], [sflag:$0x3], $0x4000, $0x38;
	[tilespmem:$0x1EA00] =	vst v63  }
0x31: {  	_ =	swait.ge [sflag:s14], $0x4000  }
0x32: {  	[sflag:s14] =	ssyncset.done $0x0  }
0x33: {  	s30 =	simm.s32 $0x0;
	[sflag:s14] =	ssyncadd.s32 $0xFFFFC000  }
0x34: {  	[tilespmem:s30], [sflag:$0x3] =	stream.linear.gather [hbm4b:s10+s30], $0x2800, $0x38;
	[tilespmem:$0x1EA00] =	vst v63  }
0x35: {  	_ =	swait.ge [sflag:s14], $0x2800  }
0x36: {  	[sflag:s14] =	ssyncset.done $0x0  }
0x37: {  	[sflag:s14] =	ssyncadd.s32 $0xFFFFD800  }
0x38: {  	[bflag:$0x0] =	sbarrier.arrive $0xFFFF  }
0x39: {  	v1 =	vld [tilespmem:$0x0];
	_ =	sdelay $0x1  }
0x3a: {  	v2 =	vld [tilespmem:$0x10];
	_ =	sdelay $0x1  }
0x3b: {  	v3 =	vld [tilespmem:$0x20]  }
0x3c: {  	v4 =	vshra.s32 v1, $0xE  }
0x3d: {  	v62 =	vld [tilespmem:$0x30];
	v1 =	vand.u32 $0x3FFF, v1;
	[tilespmem:$0x2800] =	vst v4  }
0x3e: {  	[tilespmem:$0x2880] =	vst v1;
	v1 =	vshra.s32 v2, $0xE  }
0x3f: {  	[tilespmem:$0x2810] =	vst v1;
	v1 =	vand.u32 $0x3FFF, v2;
	v2 =	vld [tilespmem:$0x40]  }
0x40: {  	[tilespmem:$0x2890] =	vst v1;
	v1 =	vshra.s32 v3, $0xE  }
0x41: {  	[tilespmem:$0x2820] =	vst v1;
	v1 =	vand.u32 $0x3FFF, v3;
	v3 =	vld [tilespmem:$0x50]  }
0x42: {  	[tilespmem:$0x28A0] =	vst v1;
	v1 =	vshra.s32 v62, $0xE  }
0x43: {  	v63 =	vld [tilespmem:$0x60];
	[tilespmem:$0x2830] =	vst v1;
	v1 =	vand.u32 $0x3FFF, v62  }
0x44: {  	[tilespmem:$0x28B0] =	vst v1;
	v1 =	vshra.s32 v2, $0xE  }
0x45: {  	[tilespmem:$0x2840] =	vst v1;
	v1 =	vand.u32 $0x3FFF, v2;
	v2 =	vld [tilespmem:$0x70]  }
0x46: {  	[tilespmem:$0x28C0] =	vst v1;
	v1 =	vshra.s32 v3, $0xE  }
0x47: {  	[tilespmem:$0x2850] =	vst v1;
	v1 =	vand.u32 $0x3FFF, v3  }
0x48: {  	[tilespmem:$0x28D0] =	vst v1;
	v1 =	vshra.s32 v63, $0xE  }
0x49: {  	[tilespmem:$0x2860] =	vst v1;
	v1 =	vand.u32 $0x3FFF, v63  }
0x4a: {  	[tilespmem:$0x28E0] =	vst v1;
	v1 =	vshra.s32 v2, $0xE  }
0x4b: {  	[tilespmem:$0x2870] =	vst v1;
	v1 =	vand.u32 $0x3FFF, v2  }
0x4c: {  	s31 =	simm.s32 $0x0;
	[tilespmem:$0x28F0] =	vst v1  }
0x4d: {  	[tilespmem:s13], [sflag:$0x1] =	stream.indirect.gather [hbm4b:s4+s15], $0x80, s16, s15, $0xb8;
	[tilespmem:$0x1EA00] =	vst v63  }
0x4e: {  	v1 =	vld [tilespmem:s31+$0x80];
	_ =	sdelay $0x4  }
0x4f: {  	v2 =	vshra.s32 v1, $0xE  }
0x50: {  	v1 =	vand.u32 $0x3FFF, v1;
	[tilespmem:$0x2900] =	vst v2  }
0x51: {  	[tilespmem:$0x2980] =	vst v1  }
0x52: {  	v1 =	vld [tilespmem:s31+$0x90];
	_ =	sdelay $0x4  }
0x53: {  	v2 =	vshra.s32 v1, $0xE  }
0x54: {  	v1 =	vand.u32 $0x3FFF, v1;
	[tilespmem:$0x2910] =	vst v2  }
0x55: {  	[tilespmem:$0x2990] =	vst v1  }
0x56: {  	v1 =	vld [tilespmem:s31+$0xA0];
	_ =	sdelay $0x4  }
0x57: {  	v2 =	vshra.s32 v1, $0xE  }
0x58: {  	v1 =	vand.u32 $0x3FFF, v1;
	[tilespmem:$0x2920] =	vst v2  }
0x59: {  	[tilespmem:$0x29A0] =	vst v1  }
0x5a: {  	v1 =	vld [tilespmem:s31+$0xB0];
	_ =	sdelay $0x4  }
0x5b: {  	v2 =	vshra.s32 v1, $0xE  }
0x5c: {  	v1 =	vand.u32 $0x3FFF, v1;
	[tilespmem:$0x2930] =	vst v2  }
0x5d: {  	[tilespmem:$0x29B0] =	vst v1  }
0x5e: {  	v1 =	vld [tilespmem:s31+$0xC0];
	_ =	sdelay $0x4  }
0x5f: {  	v2 =	vshra.s32 v1, $0xE  }
0x60: {  	v1 =	vand.u32 $0x3FFF, v1;
	[tilespmem:$0x2940] =	vst v2  }
0x61: {  	[tilespmem:$0x29C0] =	vst v1  }
0x62: {  	v1 =	vld [tilespmem:s31+$0xD0];
	_ =	sdelay $0x4  }
0x63: {  	v2 =	vshra.s32 v1, $0xE  }
0x64: {  	v1 =	vand.u32 $0x3FFF, v1;
	[tilespmem:$0x2950] =	vst v2  }
0x65: {  	[tilespmem:$0x29D0] =	vst v1  }
0x66: {  	v1 =	vld [tilespmem:s31+$0xE0];
	_ =	sdelay $0x4  }
0x67: {  	v2 =	vshra.s32 v1, $0xE  }
0x68: {  	v1 =	vand.u32 $0x3FFF, v1;
	[tilespmem:$0x2960] =	vst v2  }
0x69: {  	[tilespmem:$0x29E0] =	vst v1  }
0x6a: {  	v1 =	vld [tilespmem:s31+$0xF0];
	_ =	sdelay $0x4  }
0x6b: {  	v2 =	vshra.s32 v1, $0xE  }
0x6c: {  	v1 =	vand.u32 $0x3FFF, v1;
	[tilespmem:$0x2970] =	vst v2  }
0x6d: {  	[tilespmem:$0x29F0] =	vst v1  }
0x6e: {  	[tilespmem:s18], [sflag:$0x2] =	stream.indirect.gather [hbm4b:s4+s15], $0x80, s17, s15, $0xb8;
	[tilespmem:$0x1EA00] =	vst v63  }
0x6f: {  	_ =	swait.ge [sflag:s19], $0x4000  }
0x70: {  	[sflag:s19] =	ssyncset.done $0x0  }
0x71: {  	[sflag:s19] =	ssyncadd.s32 $0xFFFFC000  }
0x72: {  	[spmem:s2] =	stream.indirect.scatter.add.f32 [tilespmem:s13], [sflag:$0x3], $0x80, s20, s15, $0xb8;
	[tilespmem:$0x1EA00] =	vst v63  }
0x73: {  	_ =	swait.ge [sflag:s14], $0x4000  }
0x74: {  	p1 =	por $0x0, $0x0;
	[sflag:s14] =	ssyncset.done $0x0  }
0x75: {  	s24 =	simm.s32 @!p1 $0x0;
	[sflag:s14] =	ssyncadd.s32 $0xFFFFC000  }
0x76: {  	v1 =	vld @!p1 [tilespmem:s24+$0x100];
	_ =	sdelay $0x4  }
0x77: {  	v2 =	vshra.s32 @!p1 v1, $0xE  }
0x78: {  	v1 =	vand.u32 @!p1 $0x3FFF, v1;
	[tilespmem:$0x2800] =	vst @!p1 v2  }
0x79: {  	[tilespmem:$0x2880] =	vst @!p1 v1  }
0x7a: {  	v1 =	vld @!p1 [tilespmem:s24+$0x110];
	_ =	sdelay $0x4  }
0x7b: {  	v2 =	vshra.s32 @!p1 v1, $0xE  }
0x7c: {  	v1 =	vand.u32 @!p1 $0x3FFF, v1;
	[tilespmem:$0x2810] =	vst @!p1 v2  }
0x7d: {  	[tilespmem:$0x2890] =	vst @!p1 v1  }
0x7e: {  	v1 =	vld @!p1 [tilespmem:s24+$0x120];
	_ =	sdelay $0x4  }
0x7f: {  	v2 =	vshra.s32 @!p1 v1, $0xE  }
0x80: {  	v1 =	vand.u32 @!p1 $0x3FFF, v1;
	[tilespmem:$0x2820] =	vst @!p1 v2  }
0x81: {  	[tilespmem:$0x28A0] =	vst @!p1 v1  }
0x82: {  	v1 =	vld @!p1 [tilespmem:s24+$0x130];
	_ =	sdelay $0x4  }
0x83: {  	v2 =	vshra.s32 @!p1 v1, $0xE  }
0x84: {  	v1 =	vand.u32 @!p1 $0x3FFF, v1;
	[tilespmem:$0x2830] =	vst @!p1 v2  }
0x85: {  	[tilespmem:$0x28B0] =	vst @!p1 v1  }
0x86: {  	v1 =	vld @!p1 [tilespmem:s24+$0x140];
	_ =	sdelay $0x4  }
0x87: {  	v2 =	vshra.s32 @!p1 v1, $0xE  }
0x88: {  	v1 =	vand.u32 @!p1 $0x3FFF, v1;
	[tilespmem:$0x2840] =	vst @!p1 v2  }
0x89: {  	[tilespmem:$0x28C0] =	vst @!p1 v1  }
0x8a: {  	v1 =	vld @!p1 [tilespmem:s24+$0x150];
	_ =	sdelay $0x4  }
0x8b: {  	v2 =	vshra.s32 @!p1 v1, $0xE  }
0x8c: {  	v1 =	vand.u32 @!p1 $0x3FFF, v1;
	[tilespmem:$0x2850] =	vst @!p1 v2  }
0x8d: {  	[tilespmem:$0x28D0] =	vst @!p1 v1  }
0x8e: {  	v1 =	vld @!p1 [tilespmem:s24+$0x160];
	_ =	sdelay $0x4  }
0x8f: {  	s23 =	simm.s32 $0x400;
	v2 =	vshra.s32 @!p1 v1, $0xE  }
0x90: {  	s26 =	simm.s32 @!p1 $0x80;
	s28 =	simm.s32 @!p1 $0x2800;
	s29 =	simm.s32 @!p1 $0x2A00;
	v1 =	vand.u32 @!p1 $0x3FFF, v1;
	[tilespmem:$0x2860] =	vst @!p1 v2  }
.LBB2_4:
0x91: {  	[tilespmem:$0x28E0] =	vst @!p1 v1;
	s25 =	smov.u32 s23;
	s23 =	sadd.s32 $0x400, s23  }
0x92: {  	p0 =	sne.s32 s23, $0xA000;
	v1 =	vld @!p1 [tilespmem:s24+$0x170];
	_ =	sdelay $0x4  }
0x93: {  	v2 =	vshra.s32 @!p1 v1, $0xE;
	v1 =	vand.u32 @!p1 $0x3FFF, v1  }
0x94: {  	[tilespmem:$0x2870] =	vst @!p1 v2  }
0x95: {  	[tilespmem:$0x28F0] =	vst @!p1 v1  }
0x96: {  	[tilespmem:s29], [sflag:$0x1] =	stream.indirect.gather @!p1 [hbm4b:s4+s26], $0x80, s28, s26, $0xb8;
	[tilespmem:$0x1EA00] =	vst v63  }
0x97: {  	_ =	swait.ge [sflag:s21], $0x4000  }
0x98: {  	[sflag:s21] =	ssyncset.done $0x0  }
0x99: {  	[sflag:s21] =	ssyncadd.s32 $0xFFFFC000  }
0x9a: {  	[spmem:s2] =	stream.indirect.scatter.add.f32 [tilespmem:s18], [sflag:$0x3], $0x80, s22, s15, $0xb8;
	[tilespmem:$0x1EA00] =	vst v63  }
0x9b: {  	_ =	swait.ge [sflag:s14], $0x4000  }
0x9c: {  	[sflag:s14] =	ssyncset.done $0x0  }
0x9d: {  	s24 =	sshra.s32 s25, $0x2;
	[sflag:s14] =	ssyncadd.s32 $0xFFFFC000  }
0x9e: {  	v1 =	vld [tilespmem:s24+$0x80];
	_ =	sdelay $0x4  }
0x9f: {  	v2 =	vshra.s32 v1, $0xE;
	v1 =	vand.u32 $0x3FFF, v1  }
0xa0: {  	[tilespmem:$0x2900] =	vst v2  }
0xa1: {  	[tilespmem:$0x2980] =	vst v1  }
0xa2: {  	v1 =	vld [tilespmem:s24+$0x90];
	_ =	sdelay $0x4  }
0xa3: {  	v2 =	vshra.s32 v1, $0xE;
	v1 =	vand.u32 $0x3FFF, v1  }
0xa4: {  	[tilespmem:$0x2910] =	vst v2  }
0xa5: {  	[tilespmem:$0x2990] =	vst v1  }
0xa6: {  	v1 =	vld [tilespmem:s24+$0xA0];
	_ =	sdelay $0x4  }
0xa7: {  	v2 =	vshra.s32 v1, $0xE;
	v1 =	vand.u32 $0x3FFF, v1  }
0xa8: {  	[tilespmem:$0x2920] =	vst v2  }
0xa9: {  	[tilespmem:$0x29A0] =	vst v1  }
0xaa: {  	v1 =	vld [tilespmem:s24+$0xB0];
	_ =	sdelay $0x4  }
0xab: {  	v2 =	vshra.s32 v1, $0xE;
	v1 =	vand.u32 $0x3FFF, v1  }
0xac: {  	[tilespmem:$0x2930] =	vst v2  }
0xad: {  	[tilespmem:$0x29B0] =	vst v1  }
0xae: {  	v1 =	vld [tilespmem:s24+$0xC0];
	_ =	sdelay $0x4  }
0xaf: {  	v2 =	vshra.s32 v1, $0xE;
	v1 =	vand.u32 $0x3FFF, v1  }
0xb0: {  	[tilespmem:$0x2940] =	vst v2  }
0xb1: {  	[tilespmem:$0x29C0] =	vst v1  }
0xb2: {  	v1 =	vld [tilespmem:s24+$0xD0];
	_ =	sdelay $0x4  }
0xb3: {  	v2 =	vshra.s32 v1, $0xE;
	v1 =	vand.u32 $0x3FFF, v1  }
0xb4: {  	[tilespmem:$0x2950] =	vst v2  }
0xb5: {  	[tilespmem:$0x29D0] =	vst v1  }
0xb6: {  	v1 =	vld [tilespmem:s24+$0xE0];
	_ =	sdelay $0x4  }
0xb7: {  	v2 =	vshra.s32 v1, $0xE;
	v1 =	vand.u32 $0x3FFF, v1  }
0xb8: {  	[tilespmem:$0x2960] =	vst v2  }
0xb9: {  	[tilespmem:$0x29E0] =	vst v1  }
0xba: {  	v1 =	vld [tilespmem:s24+$0xF0];
	_ =	sdelay $0x4  }
0xbb: {  	v2 =	vshra.s32 v1, $0xE;
	v1 =	vand.u32 $0x3FFF, v1  }
0xbc: {  	p1 =	seq.s32 s25, $0x9C00;
	[tilespmem:$0x2970] =	vst v2  }
0xbd: {  	s24 =	sshra.s32 @!p1 s25, $0x2;
	[tilespmem:$0x29F0] =	vst v1  }
0xbe: {  	[tilespmem:s18], [sflag:$0x2] =	stream.indirect.gather [hbm4b:s4+s15], $0x80, s17, s15, $0xb8;
	[tilespmem:$0x1EA00] =	vst v63  }
0xbf: {  	_ =	swait.ge [sflag:s19], $0x4000  }
0xc0: {  	[sflag:s19] =	ssyncset.done $0x0  }
0xc1: {  	[sflag:s19] =	ssyncadd.s32 $0xFFFFC000  }
0xc2: {  	[spmem:s2] =	stream.indirect.scatter.add.f32 [tilespmem:s13], [sflag:$0x3], $0x80, s20, s15, $0xb8;
	[tilespmem:$0x1EA00] =	vst v63  }
0xc3: {  	_ =	swait.ge [sflag:s14], $0x4000  }
0xc4: {  	[sflag:s14] =	ssyncset.done $0x0  }
0xc5: {  	[sflag:s14] =	ssyncadd.s32 $0xFFFFC000  }
0xc6: {  	v1 =	vld @!p1 [tilespmem:s24+$0x100];
	_ =	sdelay $0x4  }
0xc7: {  	v2 =	vshra.s32 @!p1 v1, $0xE;
	v1 =	vand.u32 @!p1 $0x3FFF, v1  }
0xc8: {  	[tilespmem:$0x2800] =	vst @!p1 v2  }
0xc9: {  	[tilespmem:$0x2880] =	vst @!p1 v1  }
0xca: {  	v1 =	vld @!p1 [tilespmem:s24+$0x110];
	_ =	sdelay $0x4  }
0xcb: {  	v2 =	vshra.s32 @!p1 v1, $0xE;
	v1 =	vand.u32 @!p1 $0x3FFF, v1  }
0xcc: {  	[tilespmem:$0x2810] =	vst @!p1 v2  }
0xcd: {  	[tilespmem:$0x2890] =	vst @!p1 v1  }
0xce: {  	v1 =	vld @!p1 [tilespmem:s24+$0x120];
	_ =	sdelay $0x4  }
0xcf: {  	v2 =	vshra.s32 @!p1 v1, $0xE;
	v1 =	vand.u32 @!p1 $0x3FFF, v1  }
0xd0: {  	[tilespmem:$0x2820] =	vst @!p1 v2  }
0xd1: {  	[tilespmem:$0x28A0] =	vst @!p1 v1  }
0xd2: {  	v1 =	vld @!p1 [tilespmem:s24+$0x130];
	_ =	sdelay $0x4  }
0xd3: {  	v2 =	vshra.s32 @!p1 v1, $0xE;
	v1 =	vand.u32 @!p1 $0x3FFF, v1  }
0xd4: {  	[tilespmem:$0x2830] =	vst @!p1 v2  }
0xd5: {  	[tilespmem:$0x28B0] =	vst @!p1 v1  }
0xd6: {  	v1 =	vld @!p1 [tilespmem:s24+$0x140];
	_ =	sdelay $0x4  }
0xd7: {  	v2 =	vshra.s32 @!p1 v1, $0xE;
	v1 =	vand.u32 @!p1 $0x3FFF, v1  }
0xd8: {  	[tilespmem:$0x2840] =	vst @!p1 v2  }
0xd9: {  	[tilespmem:$0x28C0] =	vst @!p1 v1  }
0xda: {  	v1 =	vld @!p1 [tilespmem:s24+$0x150];
	_ =	sdelay $0x4  }
0xdb: {  	v2 =	vshra.s32 @!p1 v1, $0xE;
	v1 =	vand.u32 @!p1 $0x3FFF, v1  }
0xdc: {  	[tilespmem:$0x2850] =	vst @!p1 v2  }
0xdd: {  	s26 =	simm.s32 @!p1 $0x80;
	s28 =	simm.s32 @!p1 $0x2800;
	s29 =	simm.s32 @!p1 $0x2A00;
	[tilespmem:$0x28D0] =	vst @!p1 v1  }
0xde: {  	v1 =	vld @!p1 [tilespmem:s24+$0x160];
	_ =	sdelay $0x1  }
.Ltmp1:
0xdf: {  	(pc) =	sbr.rel @p0 .LBB2_4-.Ltmp1, $3  }
0xe0: {  	_ =	sdelay $0x1  }
0xe1: {  	v2 =	vshra.s32 @!p1 v1, $0xE;
	v1 =	vand.u32 @!p1 $0x3FFF, v1  }
0xe2: {  	[tilespmem:$0x2860] =	vst @!p1 v2  }
0xe3: {  	[tilespmem:$0x28E0] =	vst @!p1 v1  }
0xe4: {  	v1 =	vld @!p1 [tilespmem:s24+$0x170];
	_ =	sdelay $0x4  }
0xe5: {  	v2 =	vshra.s32 @!p1 v1, $0xE  }
0xe6: {  	v1 =	vand.u32 @!p1 $0x3FFF, v1;
	[tilespmem:$0x2870] =	vst @!p1 v2  }
0xe7: {  	[tilespmem:$0x28F0] =	vst @!p1 v1  }
0xe8: {  	[tilespmem:s29], [sflag:$0x1] =	stream.indirect.gather @!p1 [hbm4b:s4+s26], $0x80, s28, s26, $0xb8;
	[tilespmem:$0x1EA00] =	vst v63  }
0xe9: {  	_ =	swait.ge [sflag:s21], $0x4000  }
0xea: {  	[sflag:s21] =	ssyncset.done $0x0  }
0xeb: {  	[sflag:s21] =	ssyncadd.s32 $0xFFFFC000  }
0xec: {  	[spmem:s2] =	stream.indirect.scatter.add.f32 [tilespmem:s18], [sflag:$0x3], $0x80, s22, s15, $0xb8;
	[tilespmem:$0x1EA00] =	vst v63  }
0xed: {  	_ =	swait.ge [sflag:s14], $0x4000  }
0xee: {  	s23 =	sshll.u32 s0, $0x6;
	s3 =	sadd.s32 $0x1, s3;
	[sflag:s14] =	ssyncset.done $0x0  }
0xef: {  	s31 =	sshrl.u32 s5, $0x3;
	p0 =	sne.s32 s3, s12;
	[sflag:s14] =	ssyncadd.s32 $0xFFFFC000  }
.Ltmp2:
0xf0: {  	s23 =	sor.u32 $0x1C03, s23;
	[bflag:$0x0] =	sbarrier.arrive $0xFFFF;
	(pc) =	sbr.rel @p0 .LBB2_1-.Ltmp2, $4  }
0xf1: {  	[hbm:s11], [sflag:s23] =	dma.local [spmem:s31], $0x2800  }
0xf2: {  	_ =	swait.ge [sflag:s14], $0x2800  }
0xf3: {  	[sflag:s14] =	ssyncset.done $0x0  }
0xf4: {  	[sflag:s14] =	ssyncadd.s32 $0xFFFFD800  }
0xf5: {  	_ =	sfence.sel $0x180000  }
0xf6: {  	[bflag:$0x0] =	sbarrier.arrive $0xFFFF  }
0xf7: {  	p0 =	sne.s32 s0, $0x0;
	_ =	strace $0x90000047  }
0xf8: {  	s0 =	sadd.s32 @!p0 $0x100000, s1;
	[bflag:$0x2] =	sbarrier.arrive $0xFFFF  }
0xf9: {  	[sflag:s0] =	ssyncadd.tile.s32 @!p0 $0x1;
	_ =	shalt  }
.Lfunc_end2:
_tile_overlayer_lowered:
.L_overlay_start_2:
0xfa: {  	(tag) =	ssettag $0x2  }
0xfb: {  	s0 =	rddreg [dreg:$0x0];
	s2 =	stileid.u32  }
0xfc: {  	s1 =	rddreg [dreg:$0x1];
	p0 =	sne.s32 s2, $0x0  }
0xfd: {  	s3 =	rddreg [dreg:$0x2];
	[bflag:$0x3] =	sbarrier.arrive $0xFFFF;
	s2 =	simm.s32 @!p0 $0x1C03  }
0xfe: {  	[timem:s3], [sflag:s2] =	dma.local @!p0 [hbm:s0], s1  }
0xff: {  	s0 =	simm.s32 @!p0 $0x3  }
0x100: {  	_ =	swait.ge @!p0 [sflag:s0], s1  }
0x101: {  	s1 =	ssub.s32 @!p0 $0x0, s1;
	[sflag:s0] =	ssyncset.done @!p0 $0x0  }
0x102: {  	[sflag:s0] =	ssyncadd.s32 @!p0 s1  }
0x103: {  	[bflag:$0x3] =	sbarrier.arrive $0xFFFF  }
0x104: {  	_ =	shalt  }

// kernel: kernel.19.cloned.1.call-start
scs
__scs_entry_jumppad:
0x0: {  	(pc) =	sbr.rel $0x88, $3  }
0x1: {  	(tag) =	ssettag $0x0;
	lr =	simm.s32 $0x1  }
0x2: {  	[smem:$0x3F86] =	sst lr;
	_ =	strace $0xD0000000  }
0x3: {  	_ = 	snop  }
0x4: {  	_ = 	snop  }
0x5: {  	_ = 	snop  }
0x6: {  	_ = 	snop  }
0x7: {  	_ = 	snop  }
__scs_overlays_trampoline_lowered:
0x8: {  	[smem:$0x3F95] =	sst s0  }
0x9: {  	[smem:$0x3F96] =	sst s1  }
0xa: {  	[smem:$0x3F97] =	sst s2  }
0xb: {  	[smem:$0x3F98] =	sst s3  }
0xc: {  	[smem:$0x3F99] =	sst s4  }
0xd: {  	[smem:$0x3F9A] =	sst s5  }
0xe: {  	[smem:$0x3F9B] =	sst s6  }
0xf: {  	[smem:$0x3F9C] =	sst s7  }
0x10: {  	[smem:$0x3F9D] =	sst s8  }
0x11: {  	[smem:$0x3F9E] =	sst s9;
	s0 =	simm.s32 @!p0 $0x0  }
0x12: {  	s1 =	sld [smem:$0x3F84];
	s0 =	simm.s32 @p0 $0x1  }
0x13: {  	[smem:$0x3F9F] =	sst s0;
	s0 =	simm.s32 @!p1 $0x0  }
0x14: {  	s2 =	sld [smem:$0x3F83];
	s0 =	simm.s32 @p1 $0x1  }
0x15: {  	[smem:$0x3FA0] =	sst s0;
	s0 =	simm.s32 @!p2 $0x0  }
0x16: {  	s3 =	sld [smem:$0x3FDB];
	s0 =	simm.s32 @p2 $0x1  }
0x17: {  	s4 =	simm.s32 $0x1BF5;
	[smem:$0x3FA2] =	sst s0  }
0x18: {  	s0 =	sld [smem:$0x3F85];
	_ =	swait.ge [sflag:s4], $0x0  }
0x19: {  	s7 =	sld [smem:$0x3F86]  }
0x1a: {  	s8 =	sadd.s32 $0xFFFFE003, lr  }
0x1b: {  	s9 =	sadd.s32 $0xFFFFFEF7, lr;
	s5 =	simm.s32 $0xFFFFFFFF;
	p2 =	slt.u32 s8, $0xFFFFF086  }
0x1c: {  	p1 =	slt.u32 s9, $0xF7A;
	s5 =	simm.s32 @!p2 $0x0  }
0x1d: {  	s5 =	simm.s32 @p1 $0x1;
	p0 =	seq.s32 s7, s2  }
0x1e: {  	s7 =	smul.u32 @!p0 $0xF7A, s2;
	p2 =	seq.s32 @!p0 s5, $0x0  }
0x1f: {  	s9 =	smul.u32 $0xF7A, s1;
	s8 =	simm.s32 @!p0 $0x1BF5;
	p2 =	por !p2, p0  }
0x20: {  	[sflag:s8] =	ssyncset.s32 @!p0 $0xFFFFF086;
	s6 =	sadd.s32 @!p0 s3, s7;
	s7 =	simm.s32 @!p0 $0x108  }
0x21: {  	s3 =	sadd.s32 s3, s9;
	s6 =	sadd.s32 @!p0 $0x88, s6;
	s7 =	simm.s32 @p2 $0x1082  }
0x22: {  	[simem:s7], [sflag:s8] =	dma.local @!p0 [hbm:s6], $0xF7A  }
0x23: {  	s9 =	sor.u32 $0xD0000000, s2;
	s6 =	simm.s32 $0x108;
	_ =	swait.ge @!p0 [sflag:s8], $0x0  }
0x24: {  	s3 =	sadd.s32 $0x88, s3;
	s6 =	simm.s32 @!p1 $0x1082;
	[sflag:s4] =	ssyncset.s32 $0xFFFFF086  }
0x25: {  	[simem:s6], [sflag:s4] =	dma.local [hbm:s3], $0xF7A  }
0x26: {  	[smem:$0x3F86] =	sst s1;
	(tag) =	ssettag s2;
	_ =	strace s9  }
0x27: {  	s1 =	sld [smem:$0x3F96]  }
0x28: {  	s2 =	sld [smem:$0x3F97]  }
0x29: {  	s4 =	sld [smem:$0x3F99]  }
0x2a: {  	p0 =	seq.s32 s5, $0x0;
	s5 =	sld [smem:$0x3F9A]  }
0x2b: {  	s6 =	sld [smem:$0x3F9B]  }
0x2c: {  	s7 =	sld [smem:$0x3F9C]  }
0x2d: {  	s3 =	simm.s32 $0x108;
	s8 =	sld [smem:$0x3F9D]  }
0x2e: {  	s3 =	simm.s32 @!p0 $0x1082;
	s9 =	sld [smem:$0x3F9E]  }
0x2f: {  	lr =	sadd.s32 s0, s3;
	s0 =	sld [smem:$0x3F95]  }
0x30: {  	s3 =	sld [smem:$0x3F98]  }
0x31: {  	[smem:$0x3FA1] =	sst s10  }
0x32: {  	s10 =	sld [smem:$0x3F9F];
	_ =	sdelay $0x3  }
0x33: {  	p0 =	seq.s32 s10, $0x1;
	s10 =	sld [smem:$0x3FA1];
	_ =	sdelay $0x3  }
0x34: {  	[smem:$0x3FA1] =	sst s10  }
0x35: {  	s10 =	sld [smem:$0x3FA0];
	_ =	sdelay $0x3  }
0x36: {  	p1 =	seq.s32 s10, $0x1;
	s10 =	sld [smem:$0x3FA1];
	_ =	sdelay $0x3  }
0x37: {  	[smem:$0x3FA1] =	sst s10  }
0x38: {  	s10 =	sld [smem:$0x3FA2]  }
0x39: {  	_ = 	snop;
	(pc) =	sbr.ind lr, $3  }
0x3a: {  	_ = 	snop  }
0x3b: {  	_ = 	snop  }
0x3c: {  	p2 =	seq.s32 s10, $0x1;
	s10 =	sld [smem:$0x3FA1]  }
0x3d: {  	_ =	shalt  }
0x3e: {  	_ =	shalt  }
0x3f: {  	_ =	shalt  }
0x40: {  	_ =	shalt  }
0x41: {  	_ =	shalt  }
0x42: {  	_ =	shalt  }
0x43: {  	_ =	shalt  }
0x44: {  	_ =	shalt  }
0x45: {  	_ =	shalt  }
0x46: {  	_ =	shalt  }
0x47: {  	_ =	shalt  }
0x48: {  	_ =	shalt  }
0x49: {  	_ =	shalt  }
0x4a: {  	_ =	shalt  }
0x4b: {  	_ =	shalt  }
0x4c: {  	_ =	shalt  }
0x4d: {  	_ =	shalt  }
0x4e: {  	_ =	shalt  }
0x4f: {  	_ =	shalt  }
0x50: {  	_ =	shalt  }
0x51: {  	_ =	shalt  }
0x52: {  	_ =	shalt  }
0x53: {  	_ =	shalt  }
0x54: {  	_ =	shalt  }
0x55: {  	_ =	shalt  }
0x56: {  	_ =	shalt  }
0x57: {  	_ =	shalt  }
0x58: {  	_ =	shalt  }
0x59: {  	_ =	shalt  }
0x5a: {  	_ =	shalt  }
0x5b: {  	_ =	shalt  }
0x5c: {  	_ =	shalt  }
0x5d: {  	_ =	shalt  }
0x5e: {  	_ =	shalt  }
0x5f: {  	_ =	shalt  }
0x60: {  	_ =	shalt  }
0x61: {  	_ =	shalt  }
0x62: {  	_ =	shalt  }
0x63: {  	_ =	shalt  }
0x64: {  	_ =	shalt  }
0x65: {  	_ =	shalt  }
0x66: {  	_ =	shalt  }
0x67: {  	_ =	shalt  }
0x68: {  	_ =	shalt  }
0x69: {  	_ =	shalt  }
0x6a: {  	_ =	shalt  }
0x6b: {  	_ =	shalt  }
0x6c: {  	_ =	shalt  }
0x6d: {  	_ =	shalt  }
0x6e: {  	_ =	shalt  }
0x6f: {  	_ =	shalt  }
0x70: {  	_ =	shalt  }
0x71: {  	_ =	shalt  }
0x72: {  	_ =	shalt  }
0x73: {  	_ =	shalt  }
0x74: {  	_ =	shalt  }
0x75: {  	_ =	shalt  }
0x76: {  	_ =	shalt  }
0x77: {  	_ =	shalt  }
0x78: {  	_ =	shalt  }
0x79: {  	_ =	shalt  }
0x7a: {  	_ =	shalt  }
0x7b: {  	_ =	shalt  }
0x7c: {  	_ =	shalt  }
0x7d: {  	_ =	shalt  }
0x7e: {  	_ =	shalt  }
0x7f: {  	_ =	shalt  }
0x80: {  	_ =	shalt  }
0x81: {  	_ =	shalt  }
0x82: {  	_ =	shalt  }
0x83: {  	_ =	shalt  }
0x84: {  	_ =	shalt  }
0x85: {  	_ =	shalt  }
0x86: {  	_ =	shalt  }
0x87: {  	_ =	shalt  }
.Lfunc_end0:
.L_simem_size_0:
called_computation.1_lowered:
.L_overlay_start_0:
0x88: {  	s2 =	sld [smem:$0x3FD9]  }
0x89: {  	s3 =	sld [smem:$0x3FFE];
	_ =	sdelay $0x1  }
0x8a: {  	s1 =	srdreg.scid  }
0x8b: {  	s0 =	sand.u32 $0x1, s1  }
0x8c: {  	s16 =	sshll.u32 s0, $0xA;
	s2 =	sadd.s32 s3, s2  }
0x8d: {  	s2 =	sadd.s32 s2, s16  }
0x8e: {  	[smem:$0x3FAD] =	sst s2  }
0x8f: {  	_ = 	snop  }
0x90: {  	(tm) =	ssettm $0x1  }
0x91: {  	s17 =	sld [smem:$0x3FFB];
	_ =	sdelay $0x3  }
0x92: {  	_ =	strace s17  }
0x93: {  	s2 =	sld [smem:$0x3FFC];
	_ =	sdelay $0x3  }
0x94: {  	_ =	strace s2  }
0x95: {  	s2 =	sld [smem:$0x3FFD];
	_ =	sdelay $0x3  }
0x96: {  	_ =	strace s2  }
0x97: {  	_ =	strace $0x8FFFFFFF  }
0x98: {  	s18 =	sld [smem:$0x3FDB];
	_ =	sdelay $0x1  }
0x99: {  	s19 =	simm.s32 $_scs_section_size  }
0x9a: {  	s4 =	simm.s32 $_size__tile_overlayer_lowered;
	s5 =	simm.s32 $_tile_overlayer_lowered  }
0x9b: {  	s22 =	simm.s32 $0x1BFF;
	s21 =	sshll.u32 s5, $0x1;
	s2 =	sadd.s32 s19, s18  }
0x9c: {  	s6 =	simm.s32 $0x0;
	s20 =	sshll.u32 s4, $0x1;
	s4 =	sadd.s32 s21, s2  }
0x9d: {  	[timem:s6], [sflag:s22] =	dma.local [hbm:s4], s20  }
0x9e: {  	_ =	swait.ge [sflag:s22], s20  }
0x9f: {  	s3 =	ssub.s32 $0x0, s20;
	[sflag:s22] =	ssyncset.done $0x0  }
0xa0: {  	[sflag:s22] =	ssyncadd.s32 s3;
	_ =	sdelay $0x1  }
0xa1: {  	s23 =	simm.s32 $0x1B8B  }
0xa2: {  	_ =	swait.ge [sflag:s23], $0x1  }
0xa3: {  	[sflag:s23] =	ssyncset.done $0x0  }
0xa4: {  	s25 =	simm.s32 $0x1B8E;
	s24 =	sld [smem:$0x3FFE];
	[sflag:s23] =	ssyncadd.s32 $0xFFFFFFFF  }
0xa5: {  	s26 =	simm.s32 $execute0_lowered;
	[smem:$0x3FD2] =	sst s25  }
0xa6: {  	s4 =	sshll.u32 s26, $0x1;
	_ =	strace $0x80000049;
	[dreg:$0x1] =	wrdreg $0xFFFFFFFF  }
0xa7: {  	s28 =	simm.s32 $_size_execute0_lowered;
	s2 =	sadd.s32 s2, s4;
	[dreg:$0x0] =	wrdreg $0x0  }
0xa8: {  	s4 =	sshll.u32 s28, $0x1;
	[dreg:$0x2] =	wrdreg s2  }
0xa9: {  	[dreg:$0x3] =	wrdreg s4  }
0xaa: {  	[dreg:$0x4] =	wrdreg $0xC0  }
0xab: {  	_ =	task [dreg:s6], $0x5FFFF  }
0xac: {  	[dreg:$0x1] =	wrdreg $0xFFFFFFFF  }
0xad: {  	[dreg:$0x0] =	wrdreg $0x60  }
0xae: {  	[dreg:$0x2] =	wrdreg s24  }
0xaf: {  	[dreg:$0x3] =	wrdreg $0xAA000  }
0xb0: {  	[dreg:$0x4] =	wrdreg $0x9  }
0xb1: {  	_ =	task.clear_ibuf [dreg:s6], $0x5FFFF;
	_ =	strace $0x90000049  }
0xb2: {  	s29 =	simm.s32 $0x9;
	_ =	strace $0x8000004B  }
0xb3: {  	_ =	swait.ge [sflag:s29], $0x1  }
0xb4: {  	[sflag:s29] =	ssyncadd.s32 $0xFFFFFFFF  }
0xb5: {  	_ =	strace $0x9000004B  }
0xb6: {  	_ =	sfence  }
0xb7: {  	s30 =	sld [smem:$0x0];
	_ =	sdelay $0x2  }
0xb8: {  	s31 =	sshll.u32 s1, $0xD;
	s1 =	sshrl.u32 s1, $0x2  }
0xb9: {  	s3 =	sand.u32 $0x4000, s31;
	s1 =	sadd.s32 s1, s30  }
0xba: {  	s0 =	sor.u32 s3, s0;
	s1 =	sshll.u32 s1, $0x11  }
0xbb: {  	s0 =	sor.u32 s1, s0  }
0xbc: {  	s0 =	sadd.s32 $0x8F2B, s0  }
0xbd: {  	[sflag:s0] =	ssyncadd.remote.s32 $0x1  }
0xbe: {  	_ =	sfence.sel $0xFFFF  }
0xbf: {  	[dreg:$0x0] =	wrdreg $0xFFFFFFFF;
	(pc) =	sbr.abs _section_cstart, $3  }
0xc0: {  	[dreg:$0x1] =	wrdreg $0xFFFFFFFF  }
0xc1: {  	_ =	task.clear_ibuf [dreg:s6], $0x2FFFF;
	_ =	strace $0x9FFFFFFF  }
0xc2: {  	(tm) =	ssettm $0x7FFFFFFF  }
0xc3: {  	_ =	shalt  }
tec
execute0_lowered:
.L_overlay_start_1:
0x0: {  	(tag) =	ssettag $0x1  }
0x1: {  	s0 =	srdreg.scid;
	s6 =	rddreg [dreg:$0x0]  }
0x2: {  	s2 =	rddreg [dreg:$0x1];
	s3 =	simm.s32 $0x0;
	s14 =	simm.s32 $0x3  }
0x3: {  	s15 =	simm.s32 $0x80;
	s16 =	simm.s32 $0x2800;
	s17 =	simm.s32 $0x2900  }
0x4: {  	s18 =	simm.s32 $0x6A00;
	s19 =	simm.s32 $0x1;
	s20 =	simm.s32 $0x2880  }
0x5: {  	s21 =	simm.s32 $0x2;
	s5 =	sand.u32 $0x1, s0;
	s0 =	stileid.u32  }
0x6: {  	s22 =	simm.s32 $0x2980;
	[smem:$0x7FF] =	sst s3;
	s8 =	smul.u32 $0x2800, s0  }
0x7: {  	s4 =	sadd.s32 $0x5600, s6;
	s1 =	sshll.u32 s5, $0x4;
	s9 =	smul.u32 $0x28000, s5  }
0x8: {  	s10 =	smul.u32 $0x50000, s0;
	s29 =	ssub.s32 $0x2, s5;
	s1 =	sor.u32 s0, s1  }
0x9: {  	s31 =	sshrl.u32 s29, $0x1;
	s7 =	smul.u32 $0x500, s1;
	s1 =	rddreg [dreg:$0x2]  }
0xa: {  	_ =	strace $0x8000004A;
	s28 =	sadd.s32 s8, s9;
	s30 =	sshrl.u32 s10, $0x2  }
0xb: {  	s13 =	ssub.s32 s29, s31;
	s12 =	sadd.s32 s28, s6;
	s5 =	sadd.s32 s30, s2  }
0xc: {  	s11 =	sadd.s32 s7, s6;
	s6 =	sadd.s32 $0x4000, s5;
	s7 =	sadd.s32 $0x8000, s5  }
0xd: {  	s8 =	sadd.s32 $0xC000, s5;
	s9 =	sadd.s32 $0x10000, s5;
	s10 =	sadd.s32 $0x2C800, s11  }
0xe: {  	v0 =	vimm.f32 $0.0e+00;
	s11 =	sadd.s32 $0x5DA00, s12;
	s12 =	smax.u32 s13, $0x1;
	s13 =	simm.s32 $0x2A00  }
.LBB2_1:
0xf: {  	s23 =	simm.s32 $0x0;
	s24 =	simm.s32 $0x200  }
.LBB2_2:
0x10: {  	p0 =	sne.s32 s24, $0xFE00;
	[tilespmem:s23+$0x2A70] =	vst v0  }
0x11: {  	[tilespmem:s23+$0x2A00] =	vst v0  }
0x12: {  	[tilespmem:s23+$0x2A10] =	vst v0  }
.Ltmp0:
0x13: {  	[tilespmem:s23+$0x2A20] =	vst v0;
	(pc) =	sbr.rel @p0 .LBB2_2-.Ltmp0, $4  }
0x14: {  	[tilespmem:s23+$0x2A30] =	vst v0  }
0x15: {  	[tilespmem:s23+$0x2A40] =	vst v0  }
0x16: {  	[tilespmem:s23+$0x2A50] =	vst v0  }
0x17: {  	[tilespmem:s23+$0x2A60] =	vst v0;
	s23 =	sshra.s32 s24, $0x2;
	s24 =	sadd.s32 $0x200, s24  }
0x18: {  	[tilespmem:s23+$0x2A70] =	vst v0  }
0x19: {  	[tilespmem:s23+$0x2A00] =	vst v0  }
0x1a: {  	[tilespmem:s23+$0x2A10] =	vst v0  }
0x1b: {  	[tilespmem:s23+$0x2A20] =	vst v0  }
0x1c: {  	[tilespmem:s23+$0x2A30] =	vst v0  }
0x1d: {  	[tilespmem:s23+$0x2A40] =	vst v0  }
0x1e: {  	[tilespmem:s23+$0x2A50] =	vst v0  }
0x1f: {  	[tilespmem:s23+$0x2A60] =	vst v0  }
0x20: {  	[spmem:s5] =	stream.linear.scatter [tilespmem:s13], [sflag:$0x3], $0x4000, $0x38;
	[tilespmem:$0x1EA00] =	vst v63  }
0x21: {  	_ =	swait.ge [sflag:s14], $0x4000  }
0x22: {  	[sflag:s14] =	ssyncset.done $0x0  }
0x23: {  	[sflag:s14] =	ssyncadd.s32 $0xFFFFC000  }
0x24: {  	[spmem:s6] =	stream.linear.scatter [tilespmem:s13], [sflag:$0x3], $0x4000, $0x38;
	[tilespmem:$0x1EA00] =	vst v63  }
0x25: {  	_ =	swait.ge [sflag:s14], $0x4000  }
0x26: {  	[sflag:s14] =	ssyncset.done $0x0  }
0x27: {  	[sflag:s14] =	ssyncadd.s32 $0xFFFFC000  }
0x28: {  	[spmem:s7] =	stream.linear.scatter [tilespmem:s13], [sflag:$0x3], $0x4000, $0x38;
	[tilespmem:$0x1EA00] =	vst v63  }
0x29: {  	_ =	swait.ge [sflag:s14], $0x4000  }
0x2a: {  	[sflag:s14] =	ssyncset.done $0x0  }
0x2b: {  	[sflag:s14] =	ssyncadd.s32 $0xFFFFC000  }
0x2c: {  	[spmem:s8] =	stream.linear.scatter [tilespmem:s13], [sflag:$0x3], $0x4000, $0x38;
	[tilespmem:$0x1EA00] =	vst v63  }
0x2d: {  	_ =	swait.ge [sflag:s14], $0x4000  }
0x2e: {  	[sflag:s14] =	ssyncset.done $0x0  }
0x2f: {  	[sflag:s14] =	ssyncadd.s32 $0xFFFFC000  }
0x30: {  	[spmem:s9] =	stream.linear.scatter [tilespmem:s13], [sflag:$0x3], $0x4000, $0x38;
	[tilespmem:$0x1EA00] =	vst v63  }
0x31: {  	_ =	swait.ge [sflag:s14], $0x4000  }
0x32: {  	[sflag:s14] =	ssyncset.done $0x0  }
0x33: {  	s30 =	simm.s32 $0x0;
	[sflag:s14] =	ssyncadd.s32 $0xFFFFC000  }
0x34: {  	[tilespmem:s30], [sflag:$0x3] =	stream.linear.gather [hbm4b:s10+s30], $0x2800, $0x38;
	[tilespmem:$0x1EA00] =	vst v63  }
0x35: {  	_ =	swait.ge [sflag:s14], $0x2800  }
0x36: {  	[sflag:s14] =	ssyncset.done $0x0  }
0x37: {  	[sflag:s14] =	ssyncadd.s32 $0xFFFFD800  }
0x38: {  	[bflag:$0x0] =	sbarrier.arrive $0xFFFF  }
0x39: {  	v1 =	vld [tilespmem:$0x0];
	_ =	sdelay $0x1  }
0x3a: {  	v2 =	vld [tilespmem:$0x10];
	_ =	sdelay $0x1  }
0x3b: {  	v3 =	vld [tilespmem:$0x20]  }
0x3c: {  	v4 =	vshra.s32 v1, $0xE  }
0x3d: {  	v62 =	vld [tilespmem:$0x30];
	v1 =	vand.u32 $0x3FFF, v1;
	[tilespmem:$0x2800] =	vst v4  }
0x3e: {  	[tilespmem:$0x2880] =	vst v1;
	v1 =	vshra.s32 v2, $0xE  }
0x3f: {  	[tilespmem:$0x2810] =	vst v1;
	v1 =	vand.u32 $0x3FFF, v2;
	v2 =	vld [tilespmem:$0x40]  }
0x40: {  	[tilespmem:$0x2890] =	vst v1;
	v1 =	vshra.s32 v3, $0xE  }
0x41: {  	[tilespmem:$0x2820] =	vst v1;
	v1 =	vand.u32 $0x3FFF, v3;
	v3 =	vld [tilespmem:$0x50]  }
0x42: {  	[tilespmem:$0x28A0] =	vst v1;
	v1 =	vshra.s32 v62, $0xE  }
0x43: {  	v63 =	vld [tilespmem:$0x60];
	[tilespmem:$0x2830] =	vst v1;
	v1 =	vand.u32 $0x3FFF, v62  }
0x44: {  	[tilespmem:$0x28B0] =	vst v1;
	v1 =	vshra.s32 v2, $0xE  }
0x45: {  	[tilespmem:$0x2840] =	vst v1;
	v1 =	vand.u32 $0x3FFF, v2;
	v2 =	vld [tilespmem:$0x70]  }
0x46: {  	[tilespmem:$0x28C0] =	vst v1;
	v1 =	vshra.s32 v3, $0xE  }
0x47: {  	[tilespmem:$0x2850] =	vst v1;
	v1 =	vand.u32 $0x3FFF, v3  }
0x48: {  	[tilespmem:$0x28D0] =	vst v1;
	v1 =	vshra.s32 v63, $0xE  }
0x49: {  	[tilespmem:$0x2860] =	vst v1;
	v1 =	vand.u32 $0x3FFF, v63  }
0x4a: {  	[tilespmem:$0x28E0] =	vst v1;
	v1 =	vshra.s32 v2, $0xE  }
0x4b: {  	[tilespmem:$0x2870] =	vst v1;
	v1 =	vand.u32 $0x3FFF, v2  }
0x4c: {  	s31 =	simm.s32 $0x0;
	[tilespmem:$0x28F0] =	vst v1  }
0x4d: {  	[tilespmem:s13], [sflag:$0x1] =	stream.indirect.gather [hbm4b:s4+s15], $0x80, s16, s15, $0xb8;
	[tilespmem:$0x1EA00] =	vst v63  }
0x4e: {  	v1 =	vld [tilespmem:s31+$0x80];
	_ =	sdelay $0x4  }
0x4f: {  	v2 =	vshra.s32 v1, $0xE  }
0x50: {  	v1 =	vand.u32 $0x3FFF, v1;
	[tilespmem:$0x2900] =	vst v2  }
0x51: {  	[tilespmem:$0x2980] =	vst v1  }
0x52: {  	v1 =	vld [tilespmem:s31+$0x90];
	_ =	sdelay $0x4  }
0x53: {  	v2 =	vshra.s32 v1, $0xE  }
0x54: {  	v1 =	vand.u32 $0x3FFF, v1;
	[tilespmem:$0x2910] =	vst v2  }
0x55: {  	[tilespmem:$0x2990] =	vst v1  }
0x56: {  	v1 =	vld [tilespmem:s31+$0xA0];
	_ =	sdelay $0x4  }
0x57: {  	v2 =	vshra.s32 v1, $0xE  }
0x58: {  	v1 =	vand.u32 $0x3FFF, v1;
	[tilespmem:$0x2920] =	vst v2  }
0x59: {  	[tilespmem:$0x29A0] =	vst v1  }
0x5a: {  	v1 =	vld [tilespmem:s31+$0xB0];
	_ =	sdelay $0x4  }
0x5b: {  	v2 =	vshra.s32 v1, $0xE  }
0x5c: {  	v1 =	vand.u32 $0x3FFF, v1;
	[tilespmem:$0x2930] =	vst v2  }
0x5d: {  	[tilespmem:$0x29B0] =	vst v1  }
0x5e: {  	v1 =	vld [tilespmem:s31+$0xC0];
	_ =	sdelay $0x4  }
0x5f: {  	v2 =	vshra.s32 v1, $0xE  }
0x60: {  	v1 =	vand.u32 $0x3FFF, v1;
	[tilespmem:$0x2940] =	vst v2  }
0x61: {  	[tilespmem:$0x29C0] =	vst v1  }
0x62: {  	v1 =	vld [tilespmem:s31+$0xD0];
	_ =	sdelay $0x4  }
0x63: {  	v2 =	vshra.s32 v1, $0xE  }
0x64: {  	v1 =	vand.u32 $0x3FFF, v1;
	[tilespmem:$0x2950] =	vst v2  }
0x65: {  	[tilespmem:$0x29D0] =	vst v1  }
0x66: {  	v1 =	vld [tilespmem:s31+$0xE0];
	_ =	sdelay $0x4  }
0x67: {  	v2 =	vshra.s32 v1, $0xE  }
0x68: {  	v1 =	vand.u32 $0x3FFF, v1;
	[tilespmem:$0x2960] =	vst v2  }
0x69: {  	[tilespmem:$0x29E0] =	vst v1  }
0x6a: {  	v1 =	vld [tilespmem:s31+$0xF0];
	_ =	sdelay $0x4  }
0x6b: {  	v2 =	vshra.s32 v1, $0xE  }
0x6c: {  	v1 =	vand.u32 $0x3FFF, v1;
	[tilespmem:$0x2970] =	vst v2  }
0x6d: {  	[tilespmem:$0x29F0] =	vst v1  }
0x6e: {  	[tilespmem:s18], [sflag:$0x2] =	stream.indirect.gather [hbm4b:s4+s15], $0x80, s17, s15, $0xb8;
	[tilespmem:$0x1EA00] =	vst v63  }
0x6f: {  	_ =	swait.ge [sflag:s19], $0x4000  }
0x70: {  	[sflag:s19] =	ssyncset.done $0x0  }
0x71: {  	[sflag:s19] =	ssyncadd.s32 $0xFFFFC000  }
0x72: {  	[spmem:s2] =	stream.indirect.scatter.add.f32 [tilespmem:s13], [sflag:$0x3], $0x80, s20, s15, $0xb8;
	[tilespmem:$0x1EA00] =	vst v63  }
0x73: {  	_ =	swait.ge [sflag:s14], $0x4000  }
0x74: {  	p1 =	por $0x0, $0x0;
	[sflag:s14] =	ssyncset.done $0x0  }
0x75: {  	s24 =	simm.s32 @!p1 $0x0;
	[sflag:s14] =	ssyncadd.s32 $0xFFFFC000  }
0x76: {  	v1 =	vld @!p1 [tilespmem:s24+$0x100];
	_ =	sdelay $0x4  }
0x77: {  	v2 =	vshra.s32 @!p1 v1, $0xE  }
0x78: {  	v1 =	vand.u32 @!p1 $0x3FFF, v1;
	[tilespmem:$0x2800] =	vst @!p1 v2  }
0x79: {  	[tilespmem:$0x2880] =	vst @!p1 v1  }
0x7a: {  	v1 =	vld @!p1 [tilespmem:s24+$0x110];
	_ =	sdelay $0x4  }
0x7b: {  	v2 =	vshra.s32 @!p1 v1, $0xE  }
0x7c: {  	v1 =	vand.u32 @!p1 $0x3FFF, v1;
	[tilespmem:$0x2810] =	vst @!p1 v2  }
0x7d: {  	[tilespmem:$0x2890] =	vst @!p1 v1  }
0x7e: {  	v1 =	vld @!p1 [tilespmem:s24+$0x120];
	_ =	sdelay $0x4  }
0x7f: {  	v2 =	vshra.s32 @!p1 v1, $0xE  }
0x80: {  	v1 =	vand.u32 @!p1 $0x3FFF, v1;
	[tilespmem:$0x2820] =	vst @!p1 v2  }
0x81: {  	[tilespmem:$0x28A0] =	vst @!p1 v1  }
0x82: {  	v1 =	vld @!p1 [tilespmem:s24+$0x130];
	_ =	sdelay $0x4  }
0x83: {  	v2 =	vshra.s32 @!p1 v1, $0xE  }
0x84: {  	v1 =	vand.u32 @!p1 $0x3FFF, v1;
	[tilespmem:$0x2830] =	vst @!p1 v2  }
0x85: {  	[tilespmem:$0x28B0] =	vst @!p1 v1  }
0x86: {  	v1 =	vld @!p1 [tilespmem:s24+$0x140];
	_ =	sdelay $0x4  }
0x87: {  	v2 =	vshra.s32 @!p1 v1, $0xE  }
0x88: {  	v1 =	vand.u32 @!p1 $0x3FFF, v1;
	[tilespmem:$0x2840] =	vst @!p1 v2  }
0x89: {  	[tilespmem:$0x28C0] =	vst @!p1 v1  }
0x8a: {  	v1 =	vld @!p1 [tilespmem:s24+$0x150];
	_ =	sdelay $0x4  }
0x8b: {  	v2 =	vshra.s32 @!p1 v1, $0xE  }
0x8c: {  	v1 =	vand.u32 @!p1 $0x3FFF, v1;
	[tilespmem:$0x2850] =	vst @!p1 v2  }
0x8d: {  	[tilespmem:$0x28D0] =	vst @!p1 v1  }
0x8e: {  	v1 =	vld @!p1 [tilespmem:s24+$0x160];
	_ =	sdelay $0x4  }
0x8f: {  	s23 =	simm.s32 $0x400;
	v2 =	vshra.s32 @!p1 v1, $0xE  }
0x90: {  	s26 =	simm.s32 @!p1 $0x80;
	s28 =	simm.s32 @!p1 $0x2800;
	s29 =	simm.s32 @!p1 $0x2A00;
	v1 =	vand.u32 @!p1 $0x3FFF, v1;
	[tilespmem:$0x2860] =	vst @!p1 v2  }
.LBB2_4:
0x91: {  	[tilespmem:$0x28E0] =	vst @!p1 v1;
	s25 =	smov.u32 s23;
	s23 =	sadd.s32 $0x400, s23  }
0x92: {  	p0 =	sne.s32 s23, $0xA000;
	v1 =	vld @!p1 [tilespmem:s24+$0x170];
	_ =	sdelay $0x4  }
0x93: {  	v2 =	vshra.s32 @!p1 v1, $0xE;
	v1 =	vand.u32 @!p1 $0x3FFF, v1  }
0x94: {  	[tilespmem:$0x2870] =	vst @!p1 v2  }
0x95: {  	[tilespmem:$0x28F0] =	vst @!p1 v1  }
0x96: {  	[tilespmem:s29], [sflag:$0x1] =	stream.indirect.gather @!p1 [hbm4b:s4+s26], $0x80, s28, s26, $0xb8;
	[tilespmem:$0x1EA00] =	vst v63  }
0x97: {  	_ =	swait.ge [sflag:s21], $0x4000  }
0x98: {  	[sflag:s21] =	ssyncset.done $0x0  }
0x99: {  	[sflag:s21] =	ssyncadd.s32 $0xFFFFC000  }
0x9a: {  	[spmem:s2] =	stream.indirect.scatter.add.f32 [tilespmem:s18], [sflag:$0x3], $0x80, s22, s15, $0xb8;
	[tilespmem:$0x1EA00] =	vst v63  }
0x9b: {  	_ =	swait.ge [sflag:s14], $0x4000  }
0x9c: {  	[sflag:s14] =	ssyncset.done $0x0  }
0x9d: {  	s24 =	sshra.s32 s25, $0x2;
	[sflag:s14] =	ssyncadd.s32 $0xFFFFC000  }
0x9e: {  	v1 =	vld [tilespmem:s24+$0x80];
	_ =	sdelay $0x4  }
0x9f: {  	v2 =	vshra.s32 v1, $0xE;
	v1 =	vand.u32 $0x3FFF, v1  }
0xa0: {  	[tilespmem:$0x2900] =	vst v2  }
0xa1: {  	[tilespmem:$0x2980] =	vst v1  }
0xa2: {  	v1 =	vld [tilespmem:s24+$0x90];
	_ =	sdelay $0x4  }
0xa3: {  	v2 =	vshra.s32 v1, $0xE;
	v1 =	vand.u32 $0x3FFF, v1  }
0xa4: {  	[tilespmem:$0x2910] =	vst v2  }
0xa5: {  	[tilespmem:$0x2990] =	vst v1  }
0xa6: {  	v1 =	vld [tilespmem:s24+$0xA0];
	_ =	sdelay $0x4  }
0xa7: {  	v2 =	vshra.s32 v1, $0xE;
	v1 =	vand.u32 $0x3FFF, v1  }
0xa8: {  	[tilespmem:$0x2920] =	vst v2  }
0xa9: {  	[tilespmem:$0x29A0] =	vst v1  }
0xaa: {  	v1 =	vld [tilespmem:s24+$0xB0];
	_ =	sdelay $0x4  }
0xab: {  	v2 =	vshra.s32 v1, $0xE;
	v1 =	vand.u32 $0x3FFF, v1  }
0xac: {  	[tilespmem:$0x2930] =	vst v2  }
0xad: {  	[tilespmem:$0x29B0] =	vst v1  }
0xae: {  	v1 =	vld [tilespmem:s24+$0xC0];
	_ =	sdelay $0x4  }
0xaf: {  	v2 =	vshra.s32 v1, $0xE;
	v1 =	vand.u32 $0x3FFF, v1  }
0xb0: {  	[tilespmem:$0x2940] =	vst v2  }
0xb1: {  	[tilespmem:$0x29C0] =	vst v1  }
0xb2: {  	v1 =	vld [tilespmem:s24+$0xD0];
	_ =	sdelay $0x4  }
0xb3: {  	v2 =	vshra.s32 v1, $0xE;
	v1 =	vand.u32 $0x3FFF, v1  }
0xb4: {  	[tilespmem:$0x2950] =	vst v2  }
0xb5: {  	[tilespmem:$0x29D0] =	vst v1  }
0xb6: {  	v1 =	vld [tilespmem:s24+$0xE0];
	_ =	sdelay $0x4  }
0xb7: {  	v2 =	vshra.s32 v1, $0xE;
	v1 =	vand.u32 $0x3FFF, v1  }
0xb8: {  	[tilespmem:$0x2960] =	vst v2  }
0xb9: {  	[tilespmem:$0x29E0] =	vst v1  }
0xba: {  	v1 =	vld [tilespmem:s24+$0xF0];
	_ =	sdelay $0x4  }
0xbb: {  	v2 =	vshra.s32 v1, $0xE;
	v1 =	vand.u32 $0x3FFF, v1  }
0xbc: {  	p1 =	seq.s32 s25, $0x9C00;
	[tilespmem:$0x2970] =	vst v2  }
0xbd: {  	s24 =	sshra.s32 @!p1 s25, $0x2;
	[tilespmem:$0x29F0] =	vst v1  }
0xbe: {  	[tilespmem:s18], [sflag:$0x2] =	stream.indirect.gather [hbm4b:s4+s15], $0x80, s17, s15, $0xb8;
	[tilespmem:$0x1EA00] =	vst v63  }
0xbf: {  	_ =	swait.ge [sflag:s19], $0x4000  }
0xc0: {  	[sflag:s19] =	ssyncset.done $0x0  }
0xc1: {  	[sflag:s19] =	ssyncadd.s32 $0xFFFFC000  }
0xc2: {  	[spmem:s2] =	stream.indirect.scatter.add.f32 [tilespmem:s13], [sflag:$0x3], $0x80, s20, s15, $0xb8;
	[tilespmem:$0x1EA00] =	vst v63  }
0xc3: {  	_ =	swait.ge [sflag:s14], $0x4000  }
0xc4: {  	[sflag:s14] =	ssyncset.done $0x0  }
0xc5: {  	[sflag:s14] =	ssyncadd.s32 $0xFFFFC000  }
0xc6: {  	v1 =	vld @!p1 [tilespmem:s24+$0x100];
	_ =	sdelay $0x4  }
0xc7: {  	v2 =	vshra.s32 @!p1 v1, $0xE;
	v1 =	vand.u32 @!p1 $0x3FFF, v1  }
0xc8: {  	[tilespmem:$0x2800] =	vst @!p1 v2  }
0xc9: {  	[tilespmem:$0x2880] =	vst @!p1 v1  }
0xca: {  	v1 =	vld @!p1 [tilespmem:s24+$0x110];
	_ =	sdelay $0x4  }
0xcb: {  	v2 =	vshra.s32 @!p1 v1, $0xE;
	v1 =	vand.u32 @!p1 $0x3FFF, v1  }
0xcc: {  	[tilespmem:$0x2810] =	vst @!p1 v2  }
0xcd: {  	[tilespmem:$0x2890] =	vst @!p1 v1  }
0xce: {  	v1 =	vld @!p1 [tilespmem:s24+$0x120];
	_ =	sdelay $0x4  }
0xcf: {  	v2 =	vshra.s32 @!p1 v1, $0xE;
	v1 =	vand.u32 @!p1 $0x3FFF, v1  }
0xd0: {  	[tilespmem:$0x2820] =	vst @!p1 v2  }
0xd1: {  	[tilespmem:$0x28A0] =	vst @!p1 v1  }
0xd2: {  	v1 =	vld @!p1 [tilespmem:s24+$0x130];
	_ =	sdelay $0x4  }
0xd3: {  	v2 =	vshra.s32 @!p1 v1, $0xE;
	v1 =	vand.u32 @!p1 $0x3FFF, v1  }
0xd4: {  	[tilespmem:$0x2830] =	vst @!p1 v2  }
0xd5: {  	[tilespmem:$0x28B0] =	vst @!p1 v1  }
0xd6: {  	v1 =	vld @!p1 [tilespmem:s24+$0x140];
	_ =	sdelay $0x4  }
0xd7: {  	v2 =	vshra.s32 @!p1 v1, $0xE;
	v1 =	vand.u32 @!p1 $0x3FFF, v1  }
0xd8: {  	[tilespmem:$0x2840] =	vst @!p1 v2  }
0xd9: {  	[tilespmem:$0x28C0] =	vst @!p1 v1  }
0xda: {  	v1 =	vld @!p1 [tilespmem:s24+$0x150];
	_ =	sdelay $0x4  }
0xdb: {  	v2 =	vshra.s32 @!p1 v1, $0xE;
	v1 =	vand.u32 @!p1 $0x3FFF, v1  }
0xdc: {  	[tilespmem:$0x2850] =	vst @!p1 v2  }
0xdd: {  	s26 =	simm.s32 @!p1 $0x80;
	s28 =	simm.s32 @!p1 $0x2800;
	s29 =	simm.s32 @!p1 $0x2A00;
	[tilespmem:$0x28D0] =	vst @!p1 v1  }
0xde: {  	v1 =	vld @!p1 [tilespmem:s24+$0x160];
	_ =	sdelay $0x1  }
.Ltmp1:
0xdf: {  	(pc) =	sbr.rel @p0 .LBB2_4-.Ltmp1, $3  }
0xe0: {  	_ =	sdelay $0x1  }
0xe1: {  	v2 =	vshra.s32 @!p1 v1, $0xE;
	v1 =	vand.u32 @!p1 $0x3FFF, v1  }
0xe2: {  	[tilespmem:$0x2860] =	vst @!p1 v2  }
0xe3: {  	[tilespmem:$0x28E0] =	vst @!p1 v1  }
0xe4: {  	v1 =	vld @!p1 [tilespmem:s24+$0x170];
	_ =	sdelay $0x4  }
0xe5: {  	v2 =	vshra.s32 @!p1 v1, $0xE  }
0xe6: {  	v1 =	vand.u32 @!p1 $0x3FFF, v1;
	[tilespmem:$0x2870] =	vst @!p1 v2  }
0xe7: {  	[tilespmem:$0x28F0] =	vst @!p1 v1  }
0xe8: {  	[tilespmem:s29], [sflag:$0x1] =	stream.indirect.gather @!p1 [hbm4b:s4+s26], $0x80, s28, s26, $0xb8;
	[tilespmem:$0x1EA00] =	vst v63  }
0xe9: {  	_ =	swait.ge [sflag:s21], $0x4000  }
0xea: {  	[sflag:s21] =	ssyncset.done $0x0  }
0xeb: {  	[sflag:s21] =	ssyncadd.s32 $0xFFFFC000  }
0xec: {  	[spmem:s2] =	stream.indirect.scatter.add.f32 [tilespmem:s18], [sflag:$0x3], $0x80, s22, s15, $0xb8;
	[tilespmem:$0x1EA00] =	vst v63  }
0xed: {  	_ =	swait.ge [sflag:s14], $0x4000  }
0xee: {  	s23 =	sshll.u32 s0, $0x6;
	s3 =	sadd.s32 $0x1, s3;
	[sflag:s14] =	ssyncset.done $0x0  }
0xef: {  	s31 =	sshrl.u32 s5, $0x3;
	p0 =	sne.s32 s3, s12;
	[sflag:s14] =	ssyncadd.s32 $0xFFFFC000  }
.Ltmp2:
0xf0: {  	s23 =	sor.u32 $0x1C03, s23;
	[bflag:$0x0] =	sbarrier.arrive $0xFFFF;
	(pc) =	sbr.rel @p0 .LBB2_1-.Ltmp2, $4  }
0xf1: {  	[hbm:s11], [sflag:s23] =	dma.local [spmem:s31], $0x2800  }
0xf2: {  	_ =	swait.ge [sflag:s14], $0x2800  }
0xf3: {  	[sflag:s14] =	ssyncset.done $0x0  }
0xf4: {  	[sflag:s14] =	ssyncadd.s32 $0xFFFFD800  }
0xf5: {  	_ =	sfence.sel $0x180000  }
0xf6: {  	[bflag:$0x0] =	sbarrier.arrive $0xFFFF  }
0xf7: {  	p0 =	sne.s32 s0, $0x0;
	_ =	strace $0x9000004A  }
0xf8: {  	s0 =	sadd.s32 @!p0 $0x100000, s1;
	[bflag:$0x2] =	sbarrier.arrive $0xFFFF  }
0xf9: {  	[sflag:s0] =	ssyncadd.tile.s32 @!p0 $0x1;
	_ =	shalt  }
.Lfunc_end2:
_tile_overlayer_lowered:
.L_overlay_start_2:
0xfa: {  	(tag) =	ssettag $0x2  }
0xfb: {  	s0 =	rddreg [dreg:$0x0];
	s2 =	stileid.u32  }
0xfc: {  	s1 =	rddreg [dreg:$0x1];
	p0 =	sne.s32 s2, $0x0  }
0xfd: {  	s3 =	rddreg [dreg:$0x2];
	[bflag:$0x3] =	sbarrier.arrive $0xFFFF;
	s2 =	simm.s32 @!p0 $0x1C03  }
0xfe: {  	[timem:s3], [sflag:s2] =	dma.local @!p0 [hbm:s0], s1  }
0xff: {  	s0 =	simm.s32 @!p0 $0x3  }
0x100: {  	_ =	swait.ge @!p0 [sflag:s0], s1  }
0x101: {  	s1 =	ssub.s32 @!p0 $0x0, s1;
	[sflag:s0] =	ssyncset.done @!p0 $0x0  }
0x102: {  	[sflag:s0] =	ssyncadd.s32 @!p0 s1  }
0x103: {  	[bflag:$0x3] =	sbarrier.arrive $0xFFFF  }
0x104: {  	_ =	shalt  }

// kernel: kernel.22.cloned.1.call-start
scs
__scs_entry_jumppad:
0x0: {  	(pc) =	sbr.rel $0x88, $3  }
0x1: {  	(tag) =	ssettag $0x0;
	lr =	simm.s32 $0x1  }
0x2: {  	[smem:$0x3F86] =	sst lr;
	_ =	strace $0xD0000000  }
0x3: {  	_ = 	snop  }
0x4: {  	_ = 	snop  }
0x5: {  	_ = 	snop  }
0x6: {  	_ = 	snop  }
0x7: {  	_ = 	snop  }
__scs_overlays_trampoline_lowered:
0x8: {  	[smem:$0x3F95] =	sst s0  }
0x9: {  	[smem:$0x3F96] =	sst s1  }
0xa: {  	[smem:$0x3F97] =	sst s2  }
0xb: {  	[smem:$0x3F98] =	sst s3  }
0xc: {  	[smem:$0x3F99] =	sst s4  }
0xd: {  	[smem:$0x3F9A] =	sst s5  }
0xe: {  	[smem:$0x3F9B] =	sst s6  }
0xf: {  	[smem:$0x3F9C] =	sst s7  }
0x10: {  	[smem:$0x3F9D] =	sst s8  }
0x11: {  	[smem:$0x3F9E] =	sst s9;
	s0 =	simm.s32 @!p0 $0x0  }
0x12: {  	s1 =	sld [smem:$0x3F84];
	s0 =	simm.s32 @p0 $0x1  }
0x13: {  	[smem:$0x3F9F] =	sst s0;
	s0 =	simm.s32 @!p1 $0x0  }
0x14: {  	s2 =	sld [smem:$0x3F83];
	s0 =	simm.s32 @p1 $0x1  }
0x15: {  	[smem:$0x3FA0] =	sst s0;
	s0 =	simm.s32 @!p2 $0x0  }
0x16: {  	s3 =	sld [smem:$0x3FDB];
	s0 =	simm.s32 @p2 $0x1  }
0x17: {  	s4 =	simm.s32 $0x1BF5;
	[smem:$0x3FA2] =	sst s0  }
0x18: {  	s0 =	sld [smem:$0x3F85];
	_ =	swait.ge [sflag:s4], $0x0  }
0x19: {  	s7 =	sld [smem:$0x3F86]  }
0x1a: {  	s8 =	sadd.s32 $0xFFFFE003, lr  }
0x1b: {  	s9 =	sadd.s32 $0xFFFFFEF7, lr;
	s5 =	simm.s32 $0xFFFFFFFF;
	p2 =	slt.u32 s8, $0xFFFFF086  }
0x1c: {  	p1 =	slt.u32 s9, $0xF7A;
	s5 =	simm.s32 @!p2 $0x0  }
0x1d: {  	s5 =	simm.s32 @p1 $0x1;
	p0 =	seq.s32 s7, s2  }
0x1e: {  	s7 =	smul.u32 @!p0 $0xF7A, s2;
	p2 =	seq.s32 @!p0 s5, $0x0  }
0x1f: {  	s9 =	smul.u32 $0xF7A, s1;
	s8 =	simm.s32 @!p0 $0x1BF5;
	p2 =	por !p2, p0  }
0x20: {  	[sflag:s8] =	ssyncset.s32 @!p0 $0xFFFFF086;
	s6 =	sadd.s32 @!p0 s3, s7;
	s7 =	simm.s32 @!p0 $0x108  }
0x21: {  	s3 =	sadd.s32 s3, s9;
	s6 =	sadd.s32 @!p0 $0x88, s6;
	s7 =	simm.s32 @p2 $0x1082  }
0x22: {  	[simem:s7], [sflag:s8] =	dma.local @!p0 [hbm:s6], $0xF7A  }
0x23: {  	s9 =	sor.u32 $0xD0000000, s2;
	s6 =	simm.s32 $0x108;
	_ =	swait.ge @!p0 [sflag:s8], $0x0  }
0x24: {  	s3 =	sadd.s32 $0x88, s3;
	s6 =	simm.s32 @!p1 $0x1082;
	[sflag:s4] =	ssyncset.s32 $0xFFFFF086  }
0x25: {  	[simem:s6], [sflag:s4] =	dma.local [hbm:s3], $0xF7A  }
0x26: {  	[smem:$0x3F86] =	sst s1;
	(tag) =	ssettag s2;
	_ =	strace s9  }
0x27: {  	s1 =	sld [smem:$0x3F96]  }
0x28: {  	s2 =	sld [smem:$0x3F97]  }
0x29: {  	s4 =	sld [smem:$0x3F99]  }
0x2a: {  	p0 =	seq.s32 s5, $0x0;
	s5 =	sld [smem:$0x3F9A]  }
0x2b: {  	s6 =	sld [smem:$0x3F9B]  }
0x2c: {  	s7 =	sld [smem:$0x3F9C]  }
0x2d: {  	s3 =	simm.s32 $0x108;
	s8 =	sld [smem:$0x3F9D]  }
0x2e: {  	s3 =	simm.s32 @!p0 $0x1082;
	s9 =	sld [smem:$0x3F9E]  }
0x2f: {  	lr =	sadd.s32 s0, s3;
	s0 =	sld [smem:$0x3F95]  }
0x30: {  	s3 =	sld [smem:$0x3F98]  }
0x31: {  	[smem:$0x3FA1] =	sst s10  }
0x32: {  	s10 =	sld [smem:$0x3F9F];
	_ =	sdelay $0x3  }
0x33: {  	p0 =	seq.s32 s10, $0x1;
	s10 =	sld [smem:$0x3FA1];
	_ =	sdelay $0x3  }
0x34: {  	[smem:$0x3FA1] =	sst s10  }
0x35: {  	s10 =	sld [smem:$0x3FA0];
	_ =	sdelay $0x3  }
0x36: {  	p1 =	seq.s32 s10, $0x1;
	s10 =	sld [smem:$0x3FA1];
	_ =	sdelay $0x3  }
0x37: {  	[smem:$0x3FA1] =	sst s10  }
0x38: {  	s10 =	sld [smem:$0x3FA2]  }
0x39: {  	_ = 	snop;
	(pc) =	sbr.ind lr, $3  }
0x3a: {  	_ = 	snop  }
0x3b: {  	_ = 	snop  }
0x3c: {  	p2 =	seq.s32 s10, $0x1;
	s10 =	sld [smem:$0x3FA1]  }
0x3d: {  	_ =	shalt  }
0x3e: {  	_ =	shalt  }
0x3f: {  	_ =	shalt  }
0x40: {  	_ =	shalt  }
0x41: {  	_ =	shalt  }
0x42: {  	_ =	shalt  }
0x43: {  	_ =	shalt  }
0x44: {  	_ =	shalt  }
0x45: {  	_ =	shalt  }
0x46: {  	_ =	shalt  }
0x47: {  	_ =	shalt  }
0x48: {  	_ =	shalt  }
0x49: {  	_ =	shalt  }
0x4a: {  	_ =	shalt  }
0x4b: {  	_ =	shalt  }
0x4c: {  	_ =	shalt  }
0x4d: {  	_ =	shalt  }
0x4e: {  	_ =	shalt  }
0x4f: {  	_ =	shalt  }
0x50: {  	_ =	shalt  }
0x51: {  	_ =	shalt  }
0x52: {  	_ =	shalt  }
0x53: {  	_ =	shalt  }
0x54: {  	_ =	shalt  }
0x55: {  	_ =	shalt  }
0x56: {  	_ =	shalt  }
0x57: {  	_ =	shalt  }
0x58: {  	_ =	shalt  }
0x59: {  	_ =	shalt  }
0x5a: {  	_ =	shalt  }
0x5b: {  	_ =	shalt  }
0x5c: {  	_ =	shalt  }
0x5d: {  	_ =	shalt  }
0x5e: {  	_ =	shalt  }
0x5f: {  	_ =	shalt  }
0x60: {  	_ =	shalt  }
0x61: {  	_ =	shalt  }
0x62: {  	_ =	shalt  }
0x63: {  	_ =	shalt  }
0x64: {  	_ =	shalt  }
0x65: {  	_ =	shalt  }
0x66: {  	_ =	shalt  }
0x67: {  	_ =	shalt  }
0x68: {  	_ =	shalt  }
0x69: {  	_ =	shalt  }
0x6a: {  	_ =	shalt  }
0x6b: {  	_ =	shalt  }
0x6c: {  	_ =	shalt  }
0x6d: {  	_ =	shalt  }
0x6e: {  	_ =	shalt  }
0x6f: {  	_ =	shalt  }
0x70: {  	_ =	shalt  }
0x71: {  	_ =	shalt  }
0x72: {  	_ =	shalt  }
0x73: {  	_ =	shalt  }
0x74: {  	_ =	shalt  }
0x75: {  	_ =	shalt  }
0x76: {  	_ =	shalt  }
0x77: {  	_ =	shalt  }
0x78: {  	_ =	shalt  }
0x79: {  	_ =	shalt  }
0x7a: {  	_ =	shalt  }
0x7b: {  	_ =	shalt  }
0x7c: {  	_ =	shalt  }
0x7d: {  	_ =	shalt  }
0x7e: {  	_ =	shalt  }
0x7f: {  	_ =	shalt  }
0x80: {  	_ =	shalt  }
0x81: {  	_ =	shalt  }
0x82: {  	_ =	shalt  }
0x83: {  	_ =	shalt  }
0x84: {  	_ =	shalt  }
0x85: {  	_ =	shalt  }
0x86: {  	_ =	shalt  }
0x87: {  	_ =	shalt  }
.Lfunc_end0:
.L_simem_size_0:
called_computation.2_lowered:
.L_overlay_start_0:
0x88: {  	s2 =	sld [smem:$0x3FD9]  }
0x89: {  	s3 =	sld [smem:$0x3FFE];
	_ =	sdelay $0x1  }
0x8a: {  	s1 =	srdreg.scid  }
0x8b: {  	s0 =	sand.u32 $0x1, s1  }
0x8c: {  	s16 =	sshll.u32 s0, $0xA;
	s2 =	sadd.s32 s3, s2  }
0x8d: {  	s2 =	sadd.s32 s2, s16  }
0x8e: {  	[smem:$0x3FAD] =	sst s2  }
0x8f: {  	_ = 	snop  }
0x90: {  	(tm) =	ssettm $0x1  }
0x91: {  	s17 =	sld [smem:$0x3FFB];
	_ =	sdelay $0x3  }
0x92: {  	_ =	strace s17  }
0x93: {  	s2 =	sld [smem:$0x3FFC];
	_ =	sdelay $0x3  }
0x94: {  	_ =	strace s2  }
0x95: {  	s2 =	sld [smem:$0x3FFD];
	_ =	sdelay $0x3  }
0x96: {  	_ =	strace s2  }
0x97: {  	_ =	strace $0x8FFFFFFF  }
0x98: {  	s18 =	sld [smem:$0x3FDB];
	_ =	sdelay $0x1  }
0x99: {  	s19 =	simm.s32 $_scs_section_size  }
0x9a: {  	s4 =	simm.s32 $_size__tile_overlayer_lowered;
	s5 =	simm.s32 $_tile_overlayer_lowered  }
0x9b: {  	s22 =	simm.s32 $0x1BFF;
	s21 =	sshll.u32 s5, $0x1;
	s2 =	sadd.s32 s19, s18  }
0x9c: {  	s6 =	simm.s32 $0x0;
	s20 =	sshll.u32 s4, $0x1;
	s4 =	sadd.s32 s21, s2  }
0x9d: {  	[timem:s6], [sflag:s22] =	dma.local [hbm:s4], s20  }
0x9e: {  	_ =	swait.ge [sflag:s22], s20  }
0x9f: {  	s3 =	ssub.s32 $0x0, s20;
	[sflag:s22] =	ssyncset.done $0x0  }
0xa0: {  	[sflag:s22] =	ssyncadd.s32 s3;
	_ =	sdelay $0x1  }
0xa1: {  	s23 =	simm.s32 $0x1B8B  }
0xa2: {  	_ =	swait.ge [sflag:s23], $0x1  }
0xa3: {  	[sflag:s23] =	ssyncset.done $0x0  }
0xa4: {  	s25 =	simm.s32 $0x1B8E;
	s24 =	sld [smem:$0x3FFE];
	[sflag:s23] =	ssyncadd.s32 $0xFFFFFFFF  }
0xa5: {  	s26 =	simm.s32 $execute0_lowered;
	[smem:$0x3FD2] =	sst s25  }
0xa6: {  	s4 =	sshll.u32 s26, $0x1;
	_ =	strace $0x8000004C;
	[dreg:$0x1] =	wrdreg $0xFFFFFFFF  }
0xa7: {  	s28 =	simm.s32 $_size_execute0_lowered;
	s2 =	sadd.s32 s2, s4;
	[dreg:$0x0] =	wrdreg $0x0  }
0xa8: {  	s4 =	sshll.u32 s28, $0x1;
	[dreg:$0x2] =	wrdreg s2  }
0xa9: {  	[dreg:$0x3] =	wrdreg s4  }
0xaa: {  	[dreg:$0x4] =	wrdreg $0xC0  }
0xab: {  	_ =	task [dreg:s6], $0x5FFFF  }
0xac: {  	[dreg:$0x1] =	wrdreg $0xFFFFFFFF  }
0xad: {  	[dreg:$0x0] =	wrdreg $0x60  }
0xae: {  	[dreg:$0x2] =	wrdreg s24  }
0xaf: {  	[dreg:$0x3] =	wrdreg $0xAA000  }
0xb0: {  	[dreg:$0x4] =	wrdreg $0x9  }
0xb1: {  	_ =	task.clear_ibuf [dreg:s6], $0x5FFFF;
	_ =	strace $0x9000004C  }
0xb2: {  	s29 =	simm.s32 $0x9;
	_ =	strace $0x8000004E  }
0xb3: {  	_ =	swait.ge [sflag:s29], $0x1  }
0xb4: {  	[sflag:s29] =	ssyncadd.s32 $0xFFFFFFFF  }
0xb5: {  	_ =	strace $0x9000004E  }
0xb6: {  	_ =	sfence  }
0xb7: {  	s30 =	sld [smem:$0x0];
	_ =	sdelay $0x2  }
0xb8: {  	s31 =	sshll.u32 s1, $0xD;
	s1 =	sshrl.u32 s1, $0x2  }
0xb9: {  	s3 =	sand.u32 $0x4000, s31;
	s1 =	sadd.s32 s1, s30  }
0xba: {  	s0 =	sor.u32 s3, s0;
	s1 =	sshll.u32 s1, $0x11  }
0xbb: {  	s0 =	sor.u32 s1, s0  }
0xbc: {  	s0 =	sadd.s32 $0x8F2B, s0  }
0xbd: {  	[sflag:s0] =	ssyncadd.remote.s32 $0x1  }
0xbe: {  	_ =	sfence.sel $0xFFFF  }
0xbf: {  	[dreg:$0x0] =	wrdreg $0xFFFFFFFF;
	(pc) =	sbr.abs _section_cstart, $3  }
0xc0: {  	[dreg:$0x1] =	wrdreg $0xFFFFFFFF  }
0xc1: {  	_ =	task.clear_ibuf [dreg:s6], $0x2FFFF;
	_ =	strace $0x9FFFFFFF  }
0xc2: {  	(tm) =	ssettm $0x7FFFFFFF  }
0xc3: {  	_ =	shalt  }
tec
execute0_lowered:
.L_overlay_start_1:
0x0: {  	(tag) =	ssettag $0x1  }
0x1: {  	s0 =	srdreg.scid;
	s6 =	rddreg [dreg:$0x0]  }
0x2: {  	s2 =	rddreg [dreg:$0x1];
	s3 =	simm.s32 $0x0;
	s14 =	simm.s32 $0x3  }
0x3: {  	s15 =	simm.s32 $0x80;
	s16 =	simm.s32 $0x2800;
	s17 =	simm.s32 $0x2900  }
0x4: {  	s18 =	simm.s32 $0x6A00;
	s19 =	simm.s32 $0x1;
	s20 =	simm.s32 $0x2880  }
0x5: {  	s21 =	simm.s32 $0x2;
	s5 =	sand.u32 $0x1, s0;
	s0 =	stileid.u32  }
0x6: {  	s22 =	simm.s32 $0x2980;
	[smem:$0x7FF] =	sst s3;
	s8 =	smul.u32 $0x2800, s0  }
0x7: {  	s4 =	sadd.s32 $0x5600, s6;
	s1 =	sshll.u32 s5, $0x4;
	s9 =	smul.u32 $0x28000, s5  }
0x8: {  	s10 =	smul.u32 $0x50000, s0;
	s29 =	ssub.s32 $0x2, s5;
	s1 =	sor.u32 s0, s1  }
0x9: {  	s31 =	sshrl.u32 s29, $0x1;
	s7 =	smul.u32 $0x500, s1;
	s1 =	rddreg [dreg:$0x2]  }
0xa: {  	_ =	strace $0x8000004D;
	s28 =	sadd.s32 s8, s9;
	s30 =	sshrl.u32 s10, $0x2  }
0xb: {  	s13 =	ssub.s32 s29, s31;
	s12 =	sadd.s32 s28, s6;
	s5 =	sadd.s32 s30, s2  }
0xc: {  	s11 =	sadd.s32 s7, s6;
	s6 =	sadd.s32 $0x4000, s5;
	s7 =	sadd.s32 $0x8000, s5  }
0xd: {  	s8 =	sadd.s32 $0xC000, s5;
	s9 =	sadd.s32 $0x10000, s5;
	s10 =	sadd.s32 $0x2C800, s11  }
0xe: {  	v0 =	vimm.f32 $0.0e+00;
	s11 =	sadd.s32 $0x36800, s12;
	s12 =	smax.u32 s13, $0x1;
	s13 =	simm.s32 $0x2A00  }
.LBB2_1:
0xf: {  	s23 =	simm.s32 $0x0;
	s24 =	simm.s32 $0x200  }
.LBB2_2:
0x10: {  	p0 =	sne.s32 s24, $0xFE00;
	[tilespmem:s23+$0x2A70] =	vst v0  }
0x11: {  	[tilespmem:s23+$0x2A00] =	vst v0  }
0x12: {  	[tilespmem:s23+$0x2A10] =	vst v0  }
.Ltmp0:
0x13: {  	[tilespmem:s23+$0x2A20] =	vst v0;
	(pc) =	sbr.rel @p0 .LBB2_2-.Ltmp0, $4  }
0x14: {  	[tilespmem:s23+$0x2A30] =	vst v0  }
0x15: {  	[tilespmem:s23+$0x2A40] =	vst v0  }
0x16: {  	[tilespmem:s23+$0x2A50] =	vst v0  }
0x17: {  	[tilespmem:s23+$0x2A60] =	vst v0;
	s23 =	sshra.s32 s24, $0x2;
	s24 =	sadd.s32 $0x200, s24  }
0x18: {  	[tilespmem:s23+$0x2A70] =	vst v0  }
0x19: {  	[tilespmem:s23+$0x2A00] =	vst v0  }
0x1a: {  	[tilespmem:s23+$0x2A10] =	vst v0  }
0x1b: {  	[tilespmem:s23+$0x2A20] =	vst v0  }
0x1c: {  	[tilespmem:s23+$0x2A30] =	vst v0  }
0x1d: {  	[tilespmem:s23+$0x2A40] =	vst v0  }
0x1e: {  	[tilespmem:s23+$0x2A50] =	vst v0  }
0x1f: {  	[tilespmem:s23+$0x2A60] =	vst v0  }
0x20: {  	[spmem:s5] =	stream.linear.scatter [tilespmem:s13], [sflag:$0x3], $0x4000, $0x38;
	[tilespmem:$0x1EA00] =	vst v63  }
0x21: {  	_ =	swait.ge [sflag:s14], $0x4000  }
0x22: {  	[sflag:s14] =	ssyncset.done $0x0  }
0x23: {  	[sflag:s14] =	ssyncadd.s32 $0xFFFFC000  }
0x24: {  	[spmem:s6] =	stream.linear.scatter [tilespmem:s13], [sflag:$0x3], $0x4000, $0x38;
	[tilespmem:$0x1EA00] =	vst v63  }
0x25: {  	_ =	swait.ge [sflag:s14], $0x4000  }
0x26: {  	[sflag:s14] =	ssyncset.done $0x0  }
0x27: {  	[sflag:s14] =	ssyncadd.s32 $0xFFFFC000  }
0x28: {  	[spmem:s7] =	stream.linear.scatter [tilespmem:s13], [sflag:$0x3], $0x4000, $0x38;
	[tilespmem:$0x1EA00] =	vst v63  }
0x29: {  	_ =	swait.ge [sflag:s14], $0x4000  }
0x2a: {  	[sflag:s14] =	ssyncset.done $0x0  }
0x2b: {  	[sflag:s14] =	ssyncadd.s32 $0xFFFFC000  }
0x2c: {  	[spmem:s8] =	stream.linear.scatter [tilespmem:s13], [sflag:$0x3], $0x4000, $0x38;
	[tilespmem:$0x1EA00] =	vst v63  }
0x2d: {  	_ =	swait.ge [sflag:s14], $0x4000  }
0x2e: {  	[sflag:s14] =	ssyncset.done $0x0  }
0x2f: {  	[sflag:s14] =	ssyncadd.s32 $0xFFFFC000  }
0x30: {  	[spmem:s9] =	stream.linear.scatter [tilespmem:s13], [sflag:$0x3], $0x4000, $0x38;
	[tilespmem:$0x1EA00] =	vst v63  }
0x31: {  	_ =	swait.ge [sflag:s14], $0x4000  }
0x32: {  	[sflag:s14] =	ssyncset.done $0x0  }
0x33: {  	s30 =	simm.s32 $0x0;
	[sflag:s14] =	ssyncadd.s32 $0xFFFFC000  }
0x34: {  	[tilespmem:s30], [sflag:$0x3] =	stream.linear.gather [hbm4b:s10+s30], $0x2800, $0x38;
	[tilespmem:$0x1EA00] =	vst v63  }
0x35: {  	_ =	swait.ge [sflag:s14], $0x2800  }
0x36: {  	[sflag:s14] =	ssyncset.done $0x0  }
0x37: {  	[sflag:s14] =	ssyncadd.s32 $0xFFFFD800  }
0x38: {  	[bflag:$0x0] =	sbarrier.arrive $0xFFFF  }
0x39: {  	v1 =	vld [tilespmem:$0x0];
	_ =	sdelay $0x1  }
0x3a: {  	v2 =	vld [tilespmem:$0x10];
	_ =	sdelay $0x1  }
0x3b: {  	v3 =	vld [tilespmem:$0x20]  }
0x3c: {  	v4 =	vshra.s32 v1, $0xE  }
0x3d: {  	v62 =	vld [tilespmem:$0x30];
	v1 =	vand.u32 $0x3FFF, v1;
	[tilespmem:$0x2800] =	vst v4  }
0x3e: {  	[tilespmem:$0x2880] =	vst v1;
	v1 =	vshra.s32 v2, $0xE  }
0x3f: {  	[tilespmem:$0x2810] =	vst v1;
	v1 =	vand.u32 $0x3FFF, v2;
	v2 =	vld [tilespmem:$0x40]  }
0x40: {  	[tilespmem:$0x2890] =	vst v1;
	v1 =	vshra.s32 v3, $0xE  }
0x41: {  	[tilespmem:$0x2820] =	vst v1;
	v1 =	vand.u32 $0x3FFF, v3;
	v3 =	vld [tilespmem:$0x50]  }
0x42: {  	[tilespmem:$0x28A0] =	vst v1;
	v1 =	vshra.s32 v62, $0xE  }
0x43: {  	v63 =	vld [tilespmem:$0x60];
	[tilespmem:$0x2830] =	vst v1;
	v1 =	vand.u32 $0x3FFF, v62  }
0x44: {  	[tilespmem:$0x28B0] =	vst v1;
	v1 =	vshra.s32 v2, $0xE  }
0x45: {  	[tilespmem:$0x2840] =	vst v1;
	v1 =	vand.u32 $0x3FFF, v2;
	v2 =	vld [tilespmem:$0x70]  }
0x46: {  	[tilespmem:$0x28C0] =	vst v1;
	v1 =	vshra.s32 v3, $0xE  }
0x47: {  	[tilespmem:$0x2850] =	vst v1;
	v1 =	vand.u32 $0x3FFF, v3  }
0x48: {  	[tilespmem:$0x28D0] =	vst v1;
	v1 =	vshra.s32 v63, $0xE  }
0x49: {  	[tilespmem:$0x2860] =	vst v1;
	v1 =	vand.u32 $0x3FFF, v63  }
0x4a: {  	[tilespmem:$0x28E0] =	vst v1;
	v1 =	vshra.s32 v2, $0xE  }
0x4b: {  	[tilespmem:$0x2870] =	vst v1;
	v1 =	vand.u32 $0x3FFF, v2  }
0x4c: {  	s31 =	simm.s32 $0x0;
	[tilespmem:$0x28F0] =	vst v1  }
0x4d: {  	[tilespmem:s13], [sflag:$0x1] =	stream.indirect.gather [hbm4b:s4+s15], $0x80, s16, s15, $0xb8;
	[tilespmem:$0x1EA00] =	vst v63  }
0x4e: {  	v1 =	vld [tilespmem:s31+$0x80];
	_ =	sdelay $0x4  }
0x4f: {  	v2 =	vshra.s32 v1, $0xE  }
0x50: {  	v1 =	vand.u32 $0x3FFF, v1;
	[tilespmem:$0x2900] =	vst v2  }
0x51: {  	[tilespmem:$0x2980] =	vst v1  }
0x52: {  	v1 =	vld [tilespmem:s31+$0x90];
	_ =	sdelay $0x4  }
0x53: {  	v2 =	vshra.s32 v1, $0xE  }
0x54: {  	v1 =	vand.u32 $0x3FFF, v1;
	[tilespmem:$0x2910] =	vst v2  }
0x55: {  	[tilespmem:$0x2990] =	vst v1  }
0x56: {  	v1 =	vld [tilespmem:s31+$0xA0];
	_ =	sdelay $0x4  }
0x57: {  	v2 =	vshra.s32 v1, $0xE  }
0x58: {  	v1 =	vand.u32 $0x3FFF, v1;
	[tilespmem:$0x2920] =	vst v2  }
0x59: {  	[tilespmem:$0x29A0] =	vst v1  }
0x5a: {  	v1 =	vld [tilespmem:s31+$0xB0];
	_ =	sdelay $0x4  }
0x5b: {  	v2 =	vshra.s32 v1, $0xE  }
0x5c: {  	v1 =	vand.u32 $0x3FFF, v1;
	[tilespmem:$0x2930] =	vst v2  }
0x5d: {  	[tilespmem:$0x29B0] =	vst v1  }
0x5e: {  	v1 =	vld [tilespmem:s31+$0xC0];
	_ =	sdelay $0x4  }
0x5f: {  	v2 =	vshra.s32 v1, $0xE  }
0x60: {  	v1 =	vand.u32 $0x3FFF, v1;
	[tilespmem:$0x2940] =	vst v2  }
0x61: {  	[tilespmem:$0x29C0] =	vst v1  }
0x62: {  	v1 =	vld [tilespmem:s31+$0xD0];
	_ =	sdelay $0x4  }
0x63: {  	v2 =	vshra.s32 v1, $0xE  }
0x64: {  	v1 =	vand.u32 $0x3FFF, v1;
	[tilespmem:$0x2950] =	vst v2  }
0x65: {  	[tilespmem:$0x29D0] =	vst v1  }
0x66: {  	v1 =	vld [tilespmem:s31+$0xE0];
	_ =	sdelay $0x4  }
0x67: {  	v2 =	vshra.s32 v1, $0xE  }
0x68: {  	v1 =	vand.u32 $0x3FFF, v1;
	[tilespmem:$0x2960] =	vst v2  }
0x69: {  	[tilespmem:$0x29E0] =	vst v1  }
0x6a: {  	v1 =	vld [tilespmem:s31+$0xF0];
	_ =	sdelay $0x4  }
0x6b: {  	v2 =	vshra.s32 v1, $0xE  }
0x6c: {  	v1 =	vand.u32 $0x3FFF, v1;
	[tilespmem:$0x2970] =	vst v2  }
0x6d: {  	[tilespmem:$0x29F0] =	vst v1  }
0x6e: {  	[tilespmem:s18], [sflag:$0x2] =	stream.indirect.gather [hbm4b:s4+s15], $0x80, s17, s15, $0xb8;
	[tilespmem:$0x1EA00] =	vst v63  }
0x6f: {  	_ =	swait.ge [sflag:s19], $0x4000  }
0x70: {  	[sflag:s19] =	ssyncset.done $0x0  }
0x71: {  	[sflag:s19] =	ssyncadd.s32 $0xFFFFC000  }
0x72: {  	[spmem:s2] =	stream.indirect.scatter.add.f32 [tilespmem:s13], [sflag:$0x3], $0x80, s20, s15, $0xb8;
	[tilespmem:$0x1EA00] =	vst v63  }
0x73: {  	_ =	swait.ge [sflag:s14], $0x4000  }
0x74: {  	p1 =	por $0x0, $0x0;
	[sflag:s14] =	ssyncset.done $0x0  }
0x75: {  	s24 =	simm.s32 @!p1 $0x0;
	[sflag:s14] =	ssyncadd.s32 $0xFFFFC000  }
0x76: {  	v1 =	vld @!p1 [tilespmem:s24+$0x100];
	_ =	sdelay $0x4  }
0x77: {  	v2 =	vshra.s32 @!p1 v1, $0xE  }
0x78: {  	v1 =	vand.u32 @!p1 $0x3FFF, v1;
	[tilespmem:$0x2800] =	vst @!p1 v2  }
0x79: {  	[tilespmem:$0x2880] =	vst @!p1 v1  }
0x7a: {  	v1 =	vld @!p1 [tilespmem:s24+$0x110];
	_ =	sdelay $0x4  }
0x7b: {  	v2 =	vshra.s32 @!p1 v1, $0xE  }
0x7c: {  	v1 =	vand.u32 @!p1 $0x3FFF, v1;
	[tilespmem:$0x2810] =	vst @!p1 v2  }
0x7d: {  	[tilespmem:$0x2890] =	vst @!p1 v1  }
0x7e: {  	v1 =	vld @!p1 [tilespmem:s24+$0x120];
	_ =	sdelay $0x4  }
0x7f: {  	v2 =	vshra.s32 @!p1 v1, $0xE  }
0x80: {  	v1 =	vand.u32 @!p1 $0x3FFF, v1;
	[tilespmem:$0x2820] =	vst @!p1 v2  }
0x81: {  	[tilespmem:$0x28A0] =	vst @!p1 v1  }
0x82: {  	v1 =	vld @!p1 [tilespmem:s24+$0x130];
	_ =	sdelay $0x4  }
0x83: {  	v2 =	vshra.s32 @!p1 v1, $0xE  }
0x84: {  	v1 =	vand.u32 @!p1 $0x3FFF, v1;
	[tilespmem:$0x2830] =	vst @!p1 v2  }
0x85: {  	[tilespmem:$0x28B0] =	vst @!p1 v1  }
0x86: {  	v1 =	vld @!p1 [tilespmem:s24+$0x140];
	_ =	sdelay $0x4  }
0x87: {  	v2 =	vshra.s32 @!p1 v1, $0xE  }
0x88: {  	v1 =	vand.u32 @!p1 $0x3FFF, v1;
	[tilespmem:$0x2840] =	vst @!p1 v2  }
0x89: {  	[tilespmem:$0x28C0] =	vst @!p1 v1  }
0x8a: {  	v1 =	vld @!p1 [tilespmem:s24+$0x150];
	_ =	sdelay $0x4  }
0x8b: {  	v2 =	vshra.s32 @!p1 v1, $0xE  }
0x8c: {  	v1 =	vand.u32 @!p1 $0x3FFF, v1;
	[tilespmem:$0x2850] =	vst @!p1 v2  }
0x8d: {  	[tilespmem:$0x28D0] =	vst @!p1 v1  }
0x8e: {  	v1 =	vld @!p1 [tilespmem:s24+$0x160];
	_ =	sdelay $0x4  }
0x8f: {  	s23 =	simm.s32 $0x400;
	v2 =	vshra.s32 @!p1 v1, $0xE  }
0x90: {  	s26 =	simm.s32 @!p1 $0x80;
	s28 =	simm.s32 @!p1 $0x2800;
	s29 =	simm.s32 @!p1 $0x2A00;
	v1 =	vand.u32 @!p1 $0x3FFF, v1;
	[tilespmem:$0x2860] =	vst @!p1 v2  }
.LBB2_4:
0x91: {  	[tilespmem:$0x28E0] =	vst @!p1 v1;
	s25 =	smov.u32 s23;
	s23 =	sadd.s32 $0x400, s23  }
0x92: {  	p0 =	sne.s32 s23, $0xA000;
	v1 =	vld @!p1 [tilespmem:s24+$0x170];
	_ =	sdelay $0x4  }
0x93: {  	v2 =	vshra.s32 @!p1 v1, $0xE;
	v1 =	vand.u32 @!p1 $0x3FFF, v1  }
0x94: {  	[tilespmem:$0x2870] =	vst @!p1 v2  }
0x95: {  	[tilespmem:$0x28F0] =	vst @!p1 v1  }
0x96: {  	[tilespmem:s29], [sflag:$0x1] =	stream.indirect.gather @!p1 [hbm4b:s4+s26], $0x80, s28, s26, $0xb8;
	[tilespmem:$0x1EA00] =	vst v63  }
0x97: {  	_ =	swait.ge [sflag:s21], $0x4000  }
0x98: {  	[sflag:s21] =	ssyncset.done $0x0  }
0x99: {  	[sflag:s21] =	ssyncadd.s32 $0xFFFFC000  }
0x9a: {  	[spmem:s2] =	stream.indirect.scatter.add.f32 [tilespmem:s18], [sflag:$0x3], $0x80, s22, s15, $0xb8;
	[tilespmem:$0x1EA00] =	vst v63  }
0x9b: {  	_ =	swait.ge [sflag:s14], $0x4000  }
0x9c: {  	[sflag:s14] =	ssyncset.done $0x0  }
0x9d: {  	s24 =	sshra.s32 s25, $0x2;
	[sflag:s14] =	ssyncadd.s32 $0xFFFFC000  }
0x9e: {  	v1 =	vld [tilespmem:s24+$0x80];
	_ =	sdelay $0x4  }
0x9f: {  	v2 =	vshra.s32 v1, $0xE;
	v1 =	vand.u32 $0x3FFF, v1  }
0xa0: {  	[tilespmem:$0x2900] =	vst v2  }
0xa1: {  	[tilespmem:$0x2980] =	vst v1  }
0xa2: {  	v1 =	vld [tilespmem:s24+$0x90];
	_ =	sdelay $0x4  }
0xa3: {  	v2 =	vshra.s32 v1, $0xE;
	v1 =	vand.u32 $0x3FFF, v1  }
0xa4: {  	[tilespmem:$0x2910] =	vst v2  }
0xa5: {  	[tilespmem:$0x2990] =	vst v1  }
0xa6: {  	v1 =	vld [tilespmem:s24+$0xA0];
	_ =	sdelay $0x4  }
0xa7: {  	v2 =	vshra.s32 v1, $0xE;
	v1 =	vand.u32 $0x3FFF, v1  }
0xa8: {  	[tilespmem:$0x2920] =	vst v2  }
0xa9: {  	[tilespmem:$0x29A0] =	vst v1  }
0xaa: {  	v1 =	vld [tilespmem:s24+$0xB0];
	_ =	sdelay $0x4  }
0xab: {  	v2 =	vshra.s32 v1, $0xE;
	v1 =	vand.u32 $0x3FFF, v1  }
0xac: {  	[tilespmem:$0x2930] =	vst v2  }
0xad: {  	[tilespmem:$0x29B0] =	vst v1  }
0xae: {  	v1 =	vld [tilespmem:s24+$0xC0];
	_ =	sdelay $0x4  }
0xaf: {  	v2 =	vshra.s32 v1, $0xE;
	v1 =	vand.u32 $0x3FFF, v1  }
0xb0: {  	[tilespmem:$0x2940] =	vst v2  }
0xb1: {  	[tilespmem:$0x29C0] =	vst v1  }
0xb2: {  	v1 =	vld [tilespmem:s24+$0xD0];
	_ =	sdelay $0x4  }
0xb3: {  	v2 =	vshra.s32 v1, $0xE;
	v1 =	vand.u32 $0x3FFF, v1  }
0xb4: {  	[tilespmem:$0x2950] =	vst v2  }
0xb5: {  	[tilespmem:$0x29D0] =	vst v1  }
0xb6: {  	v1 =	vld [tilespmem:s24+$0xE0];
	_ =	sdelay $0x4  }
0xb7: {  	v2 =	vshra.s32 v1, $0xE;
	v1 =	vand.u32 $0x3FFF, v1  }
0xb8: {  	[tilespmem:$0x2960] =	vst v2  }
0xb9: {  	[tilespmem:$0x29E0] =	vst v1  }
0xba: {  	v1 =	vld [tilespmem:s24+$0xF0];
	_ =	sdelay $0x4  }
0xbb: {  	v2 =	vshra.s32 v1, $0xE;
	v1 =	vand.u32 $0x3FFF, v1  }
0xbc: {  	p1 =	seq.s32 s25, $0x9C00;
	[tilespmem:$0x2970] =	vst v2  }
0xbd: {  	s24 =	sshra.s32 @!p1 s25, $0x2;
	[tilespmem:$0x29F0] =	vst v1  }
0xbe: {  	[tilespmem:s18], [sflag:$0x2] =	stream.indirect.gather [hbm4b:s4+s15], $0x80, s17, s15, $0xb8;
	[tilespmem:$0x1EA00] =	vst v63  }
0xbf: {  	_ =	swait.ge [sflag:s19], $0x4000  }
0xc0: {  	[sflag:s19] =	ssyncset.done $0x0  }
0xc1: {  	[sflag:s19] =	ssyncadd.s32 $0xFFFFC000  }
0xc2: {  	[spmem:s2] =	stream.indirect.scatter.add.f32 [tilespmem:s13], [sflag:$0x3], $0x80, s20, s15, $0xb8;
	[tilespmem:$0x1EA00] =	vst v63  }
0xc3: {  	_ =	swait.ge [sflag:s14], $0x4000  }
0xc4: {  	[sflag:s14] =	ssyncset.done $0x0  }
0xc5: {  	[sflag:s14] =	ssyncadd.s32 $0xFFFFC000  }
0xc6: {  	v1 =	vld @!p1 [tilespmem:s24+$0x100];
	_ =	sdelay $0x4  }
0xc7: {  	v2 =	vshra.s32 @!p1 v1, $0xE;
	v1 =	vand.u32 @!p1 $0x3FFF, v1  }
0xc8: {  	[tilespmem:$0x2800] =	vst @!p1 v2  }
0xc9: {  	[tilespmem:$0x2880] =	vst @!p1 v1  }
0xca: {  	v1 =	vld @!p1 [tilespmem:s24+$0x110];
	_ =	sdelay $0x4  }
0xcb: {  	v2 =	vshra.s32 @!p1 v1, $0xE;
	v1 =	vand.u32 @!p1 $0x3FFF, v1  }
0xcc: {  	[tilespmem:$0x2810] =	vst @!p1 v2  }
0xcd: {  	[tilespmem:$0x2890] =	vst @!p1 v1  }
0xce: {  	v1 =	vld @!p1 [tilespmem:s24+$0x120];
	_ =	sdelay $0x4  }
0xcf: {  	v2 =	vshra.s32 @!p1 v1, $0xE;
	v1 =	vand.u32 @!p1 $0x3FFF, v1  }
0xd0: {  	[tilespmem:$0x2820] =	vst @!p1 v2  }
0xd1: {  	[tilespmem:$0x28A0] =	vst @!p1 v1  }
0xd2: {  	v1 =	vld @!p1 [tilespmem:s24+$0x130];
	_ =	sdelay $0x4  }
0xd3: {  	v2 =	vshra.s32 @!p1 v1, $0xE;
	v1 =	vand.u32 @!p1 $0x3FFF, v1  }
0xd4: {  	[tilespmem:$0x2830] =	vst @!p1 v2  }
0xd5: {  	[tilespmem:$0x28B0] =	vst @!p1 v1  }
0xd6: {  	v1 =	vld @!p1 [tilespmem:s24+$0x140];
	_ =	sdelay $0x4  }
0xd7: {  	v2 =	vshra.s32 @!p1 v1, $0xE;
	v1 =	vand.u32 @!p1 $0x3FFF, v1  }
0xd8: {  	[tilespmem:$0x2840] =	vst @!p1 v2  }
0xd9: {  	[tilespmem:$0x28C0] =	vst @!p1 v1  }
0xda: {  	v1 =	vld @!p1 [tilespmem:s24+$0x150];
	_ =	sdelay $0x4  }
0xdb: {  	v2 =	vshra.s32 @!p1 v1, $0xE;
	v1 =	vand.u32 @!p1 $0x3FFF, v1  }
0xdc: {  	[tilespmem:$0x2850] =	vst @!p1 v2  }
0xdd: {  	s26 =	simm.s32 @!p1 $0x80;
	s28 =	simm.s32 @!p1 $0x2800;
	s29 =	simm.s32 @!p1 $0x2A00;
	[tilespmem:$0x28D0] =	vst @!p1 v1  }
0xde: {  	v1 =	vld @!p1 [tilespmem:s24+$0x160];
	_ =	sdelay $0x1  }
.Ltmp1:
0xdf: {  	(pc) =	sbr.rel @p0 .LBB2_4-.Ltmp1, $3  }
0xe0: {  	_ =	sdelay $0x1  }
0xe1: {  	v2 =	vshra.s32 @!p1 v1, $0xE;
	v1 =	vand.u32 @!p1 $0x3FFF, v1  }
0xe2: {  	[tilespmem:$0x2860] =	vst @!p1 v2  }
0xe3: {  	[tilespmem:$0x28E0] =	vst @!p1 v1  }
0xe4: {  	v1 =	vld @!p1 [tilespmem:s24+$0x170];
	_ =	sdelay $0x4  }
0xe5: {  	v2 =	vshra.s32 @!p1 v1, $0xE  }
0xe6: {  	v1 =	vand.u32 @!p1 $0x3FFF, v1;
	[tilespmem:$0x2870] =	vst @!p1 v2  }
0xe7: {  	[tilespmem:$0x28F0] =	vst @!p1 v1  }
0xe8: {  	[tilespmem:s29], [sflag:$0x1] =	stream.indirect.gather @!p1 [hbm4b:s4+s26], $0x80, s28, s26, $0xb8;
	[tilespmem:$0x1EA00] =	vst v63  }
0xe9: {  	_ =	swait.ge [sflag:s21], $0x4000  }
0xea: {  	[sflag:s21] =	ssyncset.done $0x0  }
0xeb: {  	[sflag:s21] =	ssyncadd.s32 $0xFFFFC000  }
0xec: {  	[spmem:s2] =	stream.indirect.scatter.add.f32 [tilespmem:s18], [sflag:$0x3], $0x80, s22, s15, $0xb8;
	[tilespmem:$0x1EA00] =	vst v63  }
0xed: {  	_ =	swait.ge [sflag:s14], $0x4000  }
0xee: {  	s23 =	sshll.u32 s0, $0x6;
	s3 =	sadd.s32 $0x1, s3;
	[sflag:s14] =	ssyncset.done $0x0  }
0xef: {  	s31 =	sshrl.u32 s5, $0x3;
	p0 =	sne.s32 s3, s12;
	[sflag:s14] =	ssyncadd.s32 $0xFFFFC000  }
.Ltmp2:
0xf0: {  	s23 =	sor.u32 $0x1C03, s23;
	[bflag:$0x0] =	sbarrier.arrive $0xFFFF;
	(pc) =	sbr.rel @p0 .LBB2_1-.Ltmp2, $4  }
0xf1: {  	[hbm:s11], [sflag:s23] =	dma.local [spmem:s31], $0x2800  }
0xf2: {  	_ =	swait.ge [sflag:s14], $0x2800  }
0xf3: {  	[sflag:s14] =	ssyncset.done $0x0  }
0xf4: {  	[sflag:s14] =	ssyncadd.s32 $0xFFFFD800  }
0xf5: {  	_ =	sfence.sel $0x180000  }
0xf6: {  	[bflag:$0x0] =	sbarrier.arrive $0xFFFF  }
0xf7: {  	p0 =	sne.s32 s0, $0x0;
	_ =	strace $0x9000004D  }
0xf8: {  	s0 =	sadd.s32 @!p0 $0x100000, s1;
	[bflag:$0x2] =	sbarrier.arrive $0xFFFF  }
0xf9: {  	[sflag:s0] =	ssyncadd.tile.s32 @!p0 $0x1;
	_ =	shalt  }
.Lfunc_end2:
_tile_overlayer_lowered:
.L_overlay_start_2:
0xfa: {  	(tag) =	ssettag $0x2  }
0xfb: {  	s0 =	rddreg [dreg:$0x0];
	s2 =	stileid.u32  }
0xfc: {  	s1 =	rddreg [dreg:$0x1];
	p0 =	sne.s32 s2, $0x0  }
0xfd: {  	s3 =	rddreg [dreg:$0x2];
	[bflag:$0x3] =	sbarrier.arrive $0xFFFF;
	s2 =	simm.s32 @!p0 $0x1C03  }
0xfe: {  	[timem:s3], [sflag:s2] =	dma.local @!p0 [hbm:s0], s1  }
0xff: {  	s0 =	simm.s32 @!p0 $0x3  }
0x100: {  	_ =	swait.ge @!p0 [sflag:s0], s1  }
0x101: {  	s1 =	ssub.s32 @!p0 $0x0, s1;
	[sflag:s0] =	ssyncset.done @!p0 $0x0  }
0x102: {  	[sflag:s0] =	ssyncadd.s32 @!p0 s1  }
0x103: {  	[bflag:$0x3] =	sbarrier.arrive $0xFFFF  }
0x104: {  	_ =	shalt  }

</sc_bundles>
